<compile_context>
chip_gen: v7x
topology: tpu7x:2x2x1
jax: 0.10.2.dev20260603
libtpu: 0.0.44.dev20260713+nightly
codegen_flags: <defaults>
</compile_context>

<pallas_src>
import jax
import jax.numpy as jnp
from jax import lax
from jax.experimental import pallas as pl
from jax.experimental.pallas import tpu as pltpu
from jax.experimental.pallas import tpu_sc as plsc

N = 10000
E = 160000
D = 256
NC = 2
NS = 16
LANES = 16
HW = 128
CW = 64
EPW = E // NS
EB = 40
STG = 2000
NPPS = STG // (2 * EB)
NPAIR = EPW // (2 * EB)
NPW = N // NS
_TAIL = (0, 16, 24)

_NODE_BLK = 2000
_EDGE_BLK = 8000


def _node_proj_body(x_ref, wsg_ref, bsg_ref, wdg_ref, bdg_ref, wdu_ref,
                    bdu_ref, wsu_ref, bsu_ref, t_ref, xsu_ref):
    x = x_ref[...]
    for q, (w, b) in enumerate(((wsg_ref, bsg_ref), (wdg_ref, bdg_ref),
                                (wdu_ref, bdu_ref))):
        g = jnp.dot(x, w[...], preferred_element_type=jnp.float32) + b[...]
        for h in range(NC):
            t_ref[q * NC + h] = g[:, h * HW:(h + 1) * HW]
    xsu_ref[...] = (
        jnp.dot(x, wsu_ref[...], preferred_element_type=jnp.float32) + bsu_ref[...]
    )


def _edge_proj_body(x_ref, w_ref, b_ref, out_ref):
    g = jnp.dot(x_ref[...], w_ref[...], preferred_element_type=jnp.float32) + b_ref[...]
    for h in range(NC):
        out_ref[h] = g[:, h * HW:(h + 1) * HW]


def _combine_body(xsu_ref, s2a_ref, s2b_ref, x_ref):
    for c in range(D // CW):
        h, ph = c // 2, c % 2
        sref = s2a_ref if ph == 0 else s2b_ref
        x_ref[:, c * CW:(c + 1) * CW] = (
            xsu_ref[:, c * CW:(c + 1) * CW]
            + sref[h][:, 0:CW] / (sref[h][:, CW:HW] + 1e-6)
        )


def _sc_edge_body(tab, egt, src, dst, m_hbm, s2a_hbm, s2b_hbm, spill_hbm,
                  src_b, dst_b, eidxA, eidxB, bsi, dsc,
                  esedA, esedB, bs_b, eg_b, m_b, csgA, csgB,
                  acc, sem0, sem1, sem2, sem3, semw):
    cid = lax.axis_index("c")
    sid = lax.axis_index("s")
    ebase = sid * EPW

    es_off = (0 * NC + cid) * N
    ed_off = (1 * NC + cid) * N
    bs_off = (2 * NC + cid) * N

    def zero_acc():
        @pl.loop(0, EB)
        def _(r):
            for g in range(HW // LANES):
                csgA[r, pl.ds(g * LANES, LANES)] = jnp.zeros((LANES,), jnp.float32)

        @pl.loop(0, 15)
        def _(z):
            pltpu.sync_copy(csgA, acc.at[pl.ds(sid * NPW + z * EB, EB)])

        pltpu.sync_copy(csgA.at[pl.ds(0, 25)],
                        acc.at[pl.ds(sid * NPW + 600, 25)])
        plsc.subcore_barrier()

    def writeout_acc(dst_hbm):
        plsc.subcore_barrier()
        @pl.when(sid < NS - 1)
        def _():
            pltpu.sync_copy(acc.at[pl.ds(sid * 640, 640)],
                            dst_hbm.at[cid, pl.ds(sid * 640, 640)])

        @pl.when(sid == NS - 1)
        def _():
            pltpu.sync_copy(acc.at[pl.ds(9600, 400)],
                            dst_hbm.at[cid, pl.ds(9600, 400)])

        plsc.subcore_barrier()

    def build_idx(ebuf, lt):
        el = lt * EB
        for j in _TAIL:
            ebuf[pl.ds(j, LANES)] = src_b[pl.ds(el + j, LANES)] + es_off
            ebuf[pl.ds(EB + j, LANES)] = dst_b[pl.ds(el + j, LANES)] + ed_off

    def build_bsi(lt):
        el = lt * EB
        for j in _TAIL:
            bsi[pl.ds(j, LANES)] = src_b[pl.ds(el + j, LANES)] + bs_off

    def build_dsc(lt):
        el = lt * EB
        for j in _TAIL:
            dsc[pl.ds(j, LANES)] = dst_b[pl.ds(el + j, LANES)]

    def compute(esed):
        @pl.loop(0, EB)
        def _(r):
            for g in range(HW // LANES):
                sl = pl.ds(g * LANES, LANES)
                mv = eg_b[r, sl] + esed[r, sl] + esed[EB + r, sl]
                m_b[r, sl] = mv
                sg = 1.0 / (1.0 + jnp.exp(-mv))
                half = csgA if g < CW // LANES else csgB
                co = (g % (CW // LANES)) * LANES
                half[r, pl.ds(co, LANES)] = sg * bs_b[r, sl]
                half[r, pl.ds(CW + co, LANES)] = sg

    def fire_eg(eoff):
        pltpu.async_copy(egt.at[cid, pl.ds(ebase + eoff, EB)], eg_b, sem3)

    def fire_m(eoff):
        return pltpu.async_copy(
            m_b, m_hbm.at[pl.ds(ebase + eoff, EB), pl.ds(cid * HW, HW)], semw)

    def drain(descr_src, descr_dst, sem):
        pltpu.make_async_copy(descr_src, descr_dst, sem).wait()

    zero_acc()

    @pl.loop(0, NPAIR)
    def _(pr):
        lt = 2 * (pr % NPPS)
        sb = (pr // NPPS) * STG
        ea = sb + lt * EB
        eb2 = ea + EB

        @pl.when(pr % NPPS == 0)
        def _():
            pltpu.sync_copy(src.at[pl.ds(ebase + sb, STG)], src_b)
            pltpu.sync_copy(dst.at[pl.ds(ebase + sb, STG)], dst_b)
            build_idx(eidxA, 0)
            pltpu.async_copy(tab.at[eidxA], esedA, sem0)
            build_bsi(0)
            pltpu.async_copy(tab.at[bsi], bs_b, sem2)
            fire_eg(ea)

        build_idx(eidxB, lt + 1)
        pltpu.async_copy(tab.at[eidxB], esedB, sem1)
        drain(tab.at[eidxA], esedA, sem0)
        drain(tab.at[bsi], bs_b, sem2)
        drain(egt.at[cid, pl.ds(ebase + ea, EB)], eg_b, sem3)
        compute(esedA)
        wm = fire_m(ea)
        ws = pltpu.async_copy(csgB, spill_hbm.at[cid, pl.ds(ebase + ea, EB)],
                              semw)
        build_bsi(lt + 1)
        pltpu.async_copy(tab.at[bsi], bs_b, sem2)
        fire_eg(eb2)
        build_dsc(lt)
        pltpu.sync_copy(csgA, acc.at[dsc], add=True)
        wm.wait()
        ws.wait()

        @pl.when(pr % NPPS < NPPS - 1)
        def _():
            build_idx(eidxA, lt + 2)
            pltpu.async_copy(tab.at[eidxA], esedA, sem0)

        drain(tab.at[eidxB], esedB, sem1)
        drain(tab.at[bsi], bs_b, sem2)
        drain(egt.at[cid, pl.ds(ebase + eb2, EB)], eg_b, sem3)
        compute(esedB)
        wm2 = fire_m(eb2)
        ws2 = pltpu.async_copy(csgB, spill_hbm.at[cid, pl.ds(ebase + eb2, EB)],
                               semw)

        @pl.when(pr % NPPS < NPPS - 1)
        def _():
            build_bsi(lt + 2)
            pltpu.async_copy(tab.at[bsi], bs_b, sem2)
            fire_eg(ea + 2 * EB)

        build_dsc(lt + 1)
        pltpu.sync_copy(csgA, acc.at[dsc], add=True)
        wm2.wait()
        ws2.wait()

    writeout_acc(s2a_hbm)

    B2 = 2 * EB
    NB2 = EPW // B2
    BPS = STG // B2

    def build_dsc80(buf, t):
        el = (t % BPS) * B2
        for j in range(0, B2, LANES):
            buf[pl.ds(j, LANES)] = dst_b[pl.ds(el + j, LANES)]

    def reload_if_stage_top(t):
        @pl.when(t % BPS == 0)
        def _():
            pltpu.sync_copy(
                dst.at[pl.ds(ebase + (t // BPS) * STG, STG)], dst_b)

    zero_acc()

    pltpu.async_copy(spill_hbm.at[cid, pl.ds(ebase, B2)], esedA, sem0)

    @pl.loop(0, NB2 // 2)
    def _(pr):
        t0 = 2 * pr
        e0 = t0 * B2

        reload_if_stage_top(t0)
        drain(spill_hbm.at[cid, pl.ds(ebase + e0, B2)], esedA, sem0)
        pltpu.async_copy(spill_hbm.at[cid, pl.ds(ebase + e0 + B2, B2)],
                         esedB, sem1)
        build_dsc80(eidxA, t0)
        pltpu.sync_copy(esedA, acc.at[eidxA], add=True)

        reload_if_stage_top(t0 + 1)
        drain(spill_hbm.at[cid, pl.ds(ebase + e0 + B2, B2)], esedB, sem1)
        pltpu.async_copy(spill_hbm.at[cid, pl.ds(ebase + e0 + 2 * B2, B2)],
                         esedA, sem0)
        build_dsc80(eidxB, t0 + 1)
        pltpu.sync_copy(esedB, acc.at[eidxB], add=True)

    drain(spill_hbm.at[cid, pl.ds(ebase + (NB2 - 1) * B2, B2)], esedA, sem0)
    build_dsc80(eidxA, NB2 - 1)
    pltpu.sync_copy(esedA, acc.at[eidxA], add=True)

    writeout_acc(s2b_hbm)


def _node_proj(node_feats, W_sg, b_sg, W_dg, b_dg, W_du, b_du, W_su, b_su):
    wspec = pl.BlockSpec((D, D), lambda i: (0, 0))
    bspec = pl.BlockSpec((1, D), lambda i: (0, 0))
    return pl.pallas_call(
        _node_proj_body,
        grid=(N // _NODE_BLK,),
        in_specs=[
            pl.BlockSpec((_NODE_BLK, D), lambda i: (i, 0)),
            wspec, bspec, wspec, bspec, wspec, bspec, wspec, bspec,
        ],
        out_specs=[
            pl.BlockSpec((3 * NC, _NODE_BLK, HW), lambda i: (0, i, 0)),
            pl.BlockSpec((_NODE_BLK, D), lambda i: (i, 0)),
        ],
        out_shape=[
            jax.ShapeDtypeStruct((3 * NC, N, HW), jnp.float32),
            jax.ShapeDtypeStruct((N, D), jnp.float32),
        ],
    )(node_feats, W_sg, b_sg, W_dg, b_dg, W_du, b_du, W_su, b_su)


def _edge_proj(edge_feats, W_eg, b_eg):
    return pl.pallas_call(
        _edge_proj_body,
        grid=(E // _EDGE_BLK,),
        in_specs=[
            pl.BlockSpec((_EDGE_BLK, D), lambda i: (i, 0)),
            pl.BlockSpec((D, D), lambda i: (0, 0)),
            pl.BlockSpec((1, D), lambda i: (0, 0)),
        ],
        out_specs=pl.BlockSpec((NC, _EDGE_BLK, HW), lambda i: (0, i, 0)),
        out_shape=jax.ShapeDtypeStruct((NC, E, HW), jnp.float32),
    )(edge_feats, W_eg, b_eg)


def _combine(xsu, s2a, s2b):
    return pl.pallas_call(
        _combine_body,
        grid=(N // _NODE_BLK,),
        in_specs=[
            pl.BlockSpec((_NODE_BLK, D), lambda i: (i, 0)),
            pl.BlockSpec((NC, _NODE_BLK, HW), lambda i: (0, i, 0)),
            pl.BlockSpec((NC, _NODE_BLK, HW), lambda i: (0, i, 0)),
        ],
        out_specs=pl.BlockSpec((_NODE_BLK, D), lambda i: (i, 0)),
        out_shape=jax.ShapeDtypeStruct((N, D), jnp.float32),
    )(xsu, s2a, s2b)


def _sc_edge(tab, egt, src, dst):
    mesh = plsc.VectorSubcoreMesh(core_axis_name="c", subcore_axis_name="s")
    f = pl.kernel(
        _sc_edge_body,
        mesh=mesh,
        out_type=[
            jax.ShapeDtypeStruct((E, D), jnp.float32),
            jax.ShapeDtypeStruct((NC, N, HW), jnp.float32),
            jax.ShapeDtypeStruct((NC, N, HW), jnp.float32),
            jax.ShapeDtypeStruct((NC, E, HW), jnp.float32),
        ],
        scratch_types=[
            pltpu.VMEM((STG,), jnp.int32),
            pltpu.VMEM((STG,), jnp.int32),
            pltpu.VMEM((2 * EB,), jnp.int32),
            pltpu.VMEM((2 * EB,), jnp.int32),
            pltpu.VMEM((EB,), jnp.int32),
            pltpu.VMEM((EB,), jnp.int32),
            pltpu.VMEM((2 * EB, HW), jnp.float32),
            pltpu.VMEM((2 * EB, HW), jnp.float32),
            pltpu.VMEM((EB, HW), jnp.float32),
            pltpu.VMEM((EB, HW), jnp.float32),
            pltpu.VMEM((EB, HW), jnp.float32),
            pltpu.VMEM((EB, HW), jnp.float32),
            pltpu.VMEM((EB, HW), jnp.float32),
            pltpu.VMEM_SHARED((N, HW), jnp.float32),
            pltpu.SemaphoreType.DMA,
            pltpu.SemaphoreType.DMA,
            pltpu.SemaphoreType.DMA,
            pltpu.SemaphoreType.DMA,
            pltpu.SemaphoreType.DMA,
        ],
    )
    return f(tab, egt, src, dst)


@jax.jit
def kernel(node_feats, edge_feats, edge_index, W_sg, b_sg, W_dg, b_dg,
           W_eg, b_eg, W_su, b_su, W_du, b_du):
    src = edge_index[0].astype(jnp.int32)
    dst = edge_index[1].astype(jnp.int32)

    tab, xsu = _node_proj(node_feats, W_sg, b_sg.reshape(1, D),
                          W_dg, b_dg.reshape(1, D), W_du, b_du.reshape(1, D),
                          W_su, b_su.reshape(1, D))
    egt = _edge_proj(edge_feats, W_eg, b_eg.reshape(1, D))

    m, s2a, s2b, _spill = _sc_edge(
        tab.reshape(3 * NC * N, HW), egt, src, dst)
    x = _combine(xsu, s2a, s2b)
    return (x, m)

# --- scband reference (transcript-rebuilt; emitter-appended) ---
"""Pipeline reference for scband-eggconv-13950053777841 (READ-ONLY COPY).

The authoritative reference and input builder live on the scoring server;
editing this copy changes nothing except your own understanding.
"""

import jax, jax.numpy as jnp
import numpy as np

N_NODES = 10000
N_EDGES = 160000
D_IN = 256
D_OUT = 256


def setup_inputs(seed: int = 0) -> dict:
    key = jax.random.key(seed)
    ks = jax.random.split(key, 14)
    node_feats = jax.random.normal(ks[0], (N_NODES, D_IN), dtype=jnp.float32)
    edge_feats = jax.random.normal(ks[1], (N_EDGES, D_IN), dtype=jnp.float32)
    edge_index = jax.random.randint(ks[2], (2, N_EDGES), 0, N_NODES, dtype=jnp.int64)
    s = 1.0 / np.sqrt(D_IN)
    def lin(kw, kb):
        W = jax.random.uniform(kw, (D_IN, D_OUT), minval=-s, maxval=s, dtype=jnp.float32)
        b = jax.random.uniform(kb, (D_OUT,), minval=-s, maxval=s, dtype=jnp.float32)
        return W, b
    W_sg, b_sg = lin(ks[3], ks[4])
    W_dg, b_dg = lin(ks[5], ks[6])
    W_eg, b_eg = lin(ks[7], ks[8])
    W_su, b_su = lin(ks[9], ks[10])
    W_du, b_du = lin(ks[11], ks[12])
    return {
        "node_feats": node_feats,
        "edge_feats": edge_feats,
        "edge_index": edge_index,
        "W_sg": W_sg, "b_sg": b_sg,
        "W_dg": W_dg, "b_dg": b_dg,
        "W_eg": W_eg, "b_eg": b_eg,
        "W_su": W_su, "b_su": b_su,
        "W_du": W_du, "b_du": b_du,
    }


def reference(node_feats, edge_feats, edge_index, W_sg, b_sg, W_dg, b_dg, W_eg, b_eg, W_su, b_su, W_du, b_du):
    src = edge_index[0]
    dst = edge_index[1]
    # gate linear projections
    e_src = node_feats @ W_sg + b_sg            # src_gate
    e_dst = node_feats @ W_dg + b_dg            # dst_gate
    # u_add_v: per-edge e_src[u] + e_dst[v], then add edge_gate(edge_feats)
    m = e_src[src] + e_dst[dst] + (edge_feats @ W_eg + b_eg)
    sigma = jax.nn.sigmoid(m)
    # dst_update applied to node feats, gathered at src of each edge
    Bh = node_feats @ W_du + b_du
    # u_mul_e + sum -> scatter-add to destination nodes
    sum_sigma_h = jax.ops.segment_sum(Bh[src] * sigma, dst, num_segments=N_NODES)
    sum_sigma = jax.ops.segment_sum(sigma, dst, num_segments=N_NODES)
    h = sum_sigma_h / (sum_sigma + 1e-06)
    x = node_feats @ W_su + b_su + h
    return (x, m)

if __name__ == "__main__":
    import jax
    _d = setup_inputs()
    print(jax.jit(kernel)(*tuple(_d.values())))

</pallas_src>

<mosaic_0001>
#map = affine_map<(d0, d1) -> (0, 0)>
#map1 = affine_map<(d0, d1) -> (0, 0, 0)>
#map2 = affine_map<(d0, d1) -> (0)>
module attributes {stable_mosaic.version = 14 : i64} {
  func.func @_sc_edge_body(%arg0: i32, %arg1: i32, %arg2: memref<60000x128xf32, #tpu.memory_space<hbm>>, %arg3: memref<2x160000x128xf32, #tpu.memory_space<hbm>>, %arg4: memref<160000xi32, #tpu.memory_space<hbm>>, %arg5: memref<160000xi32, #tpu.memory_space<hbm>>, %arg6: memref<160000x256xf32, #tpu.memory_space<hbm>>, %arg7: memref<2x10000x128xf32, #tpu.memory_space<hbm>>, %arg8: memref<2x10000x128xf32, #tpu.memory_space<hbm>>, %arg9: memref<2x160000x128xf32, #tpu.memory_space<hbm>>, %arg10: memref<2000xi32, #tpu.memory_space<vmem>>, %arg11: memref<2000xi32, #tpu.memory_space<vmem>>, %arg12: memref<80xi32, #tpu.memory_space<vmem>>, %arg13: memref<80xi32, #tpu.memory_space<vmem>>, %arg14: memref<40xi32, #tpu.memory_space<vmem>>, %arg15: memref<40xi32, #tpu.memory_space<vmem>>, %arg16: memref<80x128xf32, #tpu.memory_space<vmem>>, %arg17: memref<80x128xf32, #tpu.memory_space<vmem>>, %arg18: memref<40x128xf32, #tpu.memory_space<vmem>>, %arg19: memref<40x128xf32, #tpu.memory_space<vmem>>, %arg20: memref<40x128xf32, #tpu.memory_space<vmem>>, %arg21: memref<40x128xf32, #tpu.memory_space<vmem>>, %arg22: memref<40x128xf32, #tpu.memory_space<vmem>>, %arg23: memref<10000x128xf32, #tpu.memory_space<vmem_shared>>, %arg24: memref<!tpu.dma_semaphore, #tpu.memory_space<semaphore_mem>>, %arg25: memref<!tpu.dma_semaphore, #tpu.memory_space<semaphore_mem>>, %arg26: memref<!tpu.dma_semaphore, #tpu.memory_space<semaphore_mem>>, %arg27: memref<!tpu.dma_semaphore, #tpu.memory_space<semaphore_mem>>, %arg28: memref<!tpu.dma_semaphore, #tpu.memory_space<semaphore_mem>>) attributes {dimension_semantics = [#tpu.dimension_semantics<core_parallel>, #tpu.dimension_semantics<subcore_parallel>], iteration_bounds = array<i64: 2, 16>, scalar_prefetch = 0 : i64, scratch_operands = 19 : i64, tpu.core_type = #tpu.core_type<sc_vector_subcore>, window_params = [{transform_indices = #map}, {transform_indices = #map1}, {transform_indices = #map2}, {transform_indices = #map2}, {transform_indices = #map}, {transform_indices = #map1}, {transform_indices = #map1}, {transform_indices = #map1}]} {
    %mul3A = arith.constant 10000 : i32
    %mul3A_0 = arith.muli %arg1, %mul3A : i32
    %add3A = arith.constant 0 : i32
    %add3A_1 = arith.addi %add3A, %arg0 : i32
    %mul3A_2 = arith.constant 10000 : i32
    %mul3A_3 = arith.muli %add3A_1, %mul3A_2 : i32
    %add3A_4 = arith.constant 2 : i32
    %add3A_5 = arith.addi %add3A_4, %arg0 : i32
    %mul3A_6 = arith.constant 10000 : i32
    %mul3A_7 = arith.muli %add3A_5, %mul3A_6 : i32
    %add3A_8 = arith.constant 4 : i32
    %add3A_9 = arith.addi %add3A_8, %arg0 : i32
    %mul3A_10 = arith.constant 10000 : i32
    %mul3A_11 = arith.muli %add3A_9, %mul3A_10 : i32
    %scan3A = arith.constant 0 : i32
    %scan3A_12 = arith.constant 40 : i32
    %scan3A_13 = arith.addi %scan3A, %scan3A_12 : i32
    %scan3A_14 = arith.constant 1 : i32
    scf.for %scan3A_115 = %scan3A to %scan3A_13 step %scan3A_14  : i32 {
      %mul3A_116 = arith.constant 1 : i32
      %mul3A_117 = arith.muli %scan3A_115, %mul3A_116 : i32
      %add3A_118 = arith.constant 0 : i32
      %add3A_119 = arith.addi %add3A_118, %mul3A_117 : i32
      %broadcast_in_dim3A = arith.constant 0.000000e+00 : f32
      %broadcast_in_dim3A_120 = vector.broadcast %broadcast_in_dim3A : f32 to vector<16xf32>
      %swap3A_121 = arith.index_cast %add3A_119 : i32 to index
      %swap3A_122 = arith.constant 0 : index
      %swap3A_123 = tpu.vector_load %arg21[%swap3A_121, %swap3A_122] {strides = array<i32>} : memref<40x128xf32, #tpu.memory_space<vmem>>, vector<1x16xf32>,
      %swap3A_124 = vector.shape_cast %swap3A_123 : vector<1x16xf32> to vector<16xf32>
      %swap3A_125 = vector.shape_cast %broadcast_in_dim3A_120 : vector<16xf32> to vector<1x16xf32>
      tpu.vector_store %arg21[%swap3A_121, %swap3A_122], %swap3A_125 {strides = array<i32>} : memref<40x128xf32, #tpu.memory_space<vmem>>, vector<1x16xf32>,
      %broadcast_in_dim3A_126 = arith.constant 0.000000e+00 : f32
      %broadcast_in_dim3A_127 = vector.broadcast %broadcast_in_dim3A_126 : f32 to vector<16xf32>
      %swap3A_128 = arith.index_cast %add3A_119 : i32 to index
      %swap3A_129 = arith.constant 16 : index
      %swap3A_130 = tpu.vector_load %arg21[%swap3A_128, %swap3A_129] {strides = array<i32>} : memref<40x128xf32, #tpu.memory_space<vmem>>, vector<1x16xf32>,
      %swap3A_131 = vector.shape_cast %swap3A_130 : vector<1x16xf32> to vector<16xf32>
      %swap3A_132 = vector.shape_cast %broadcast_in_dim3A_127 : vector<16xf32> to vector<1x16xf32>
      tpu.vector_store %arg21[%swap3A_128, %swap3A_129], %swap3A_132 {strides = array<i32>} : memref<40x128xf32, #tpu.memory_space<vmem>>, vector<1x16xf32>,
      %broadcast_in_dim3A_133 = arith.constant 0.000000e+00 : f32
      %broadcast_in_dim3A_134 = vector.broadcast %broadcast_in_dim3A_133 : f32 to vector<16xf32>
      %swap3A_135 = arith.index_cast %add3A_119 : i32 to index
      %swap3A_136 = arith.constant 32 : index
      %swap3A_137 = tpu.vector_load %arg21[%swap3A_135, %swap3A_136] {strides = array<i32>} : memref<40x128xf32, #tpu.memory_space<vmem>>, vector<1x16xf32>,
      %swap3A_138 = vector.shape_cast %swap3A_137 : vector<1x16xf32> to vector<16xf32>
      %swap3A_139 = vector.shape_cast %broadcast_in_dim3A_134 : vector<16xf32> to vector<1x16xf32>
      tpu.vector_store %arg21[%swap3A_135, %swap3A_136], %swap3A_139 {strides = array<i32>} : memref<40x128xf32, #tpu.memory_space<vmem>>, vector<1x16xf32>,
      %broadcast_in_dim3A_140 = arith.constant 0.000000e+00 : f32
      %broadcast_in_dim3A_141 = vector.broadcast %broadcast_in_dim3A_140 : f32 to vector<16xf32>
      %swap3A_142 = arith.index_cast %add3A_119 : i32 to index
      %swap3A_143 = arith.constant 48 : index
      %swap3A_144 = tpu.vector_load %arg21[%swap3A_142, %swap3A_143] {strides = array<i32>} : memref<40x128xf32, #tpu.memory_space<vmem>>, vector<1x16xf32>,
      %swap3A_145 = vector.shape_cast %swap3A_144 : vector<1x16xf32> to vector<16xf32>
      %swap3A_146 = vector.shape_cast %broadcast_in_dim3A_141 : vector<16xf32> to vector<1x16xf32>
      tpu.vector_store %arg21[%swap3A_142, %swap3A_143], %swap3A_146 {strides = array<i32>} : memref<40x128xf32, #tpu.memory_space<vmem>>, vector<1x16xf32>,
      %broadcast_in_dim3A_147 = arith.constant 0.000000e+00 : f32
      %broadcast_in_dim3A_148 = vector.broadcast %broadcast_in_dim3A_147 : f32 to vector<16xf32>
      %swap3A_149 = arith.index_cast %add3A_119 : i32 to index
      %swap3A_150 = arith.constant 64 : index
      %swap3A_151 = tpu.vector_load %arg21[%swap3A_149, %swap3A_150] {strides = array<i32>} : memref<40x128xf32, #tpu.memory_space<vmem>>, vector<1x16xf32>,
      %swap3A_152 = vector.shape_cast %swap3A_151 : vector<1x16xf32> to vector<16xf32>
      %swap3A_153 = vector.shape_cast %broadcast_in_dim3A_148 : vector<16xf32> to vector<1x16xf32>
      tpu.vector_store %arg21[%swap3A_149, %swap3A_150], %swap3A_153 {strides = array<i32>} : memref<40x128xf32, #tpu.memory_space<vmem>>, vector<1x16xf32>,
      %broadcast_in_dim3A_154 = arith.constant 0.000000e+00 : f32
      %broadcast_in_dim3A_155 = vector.broadcast %broadcast_in_dim3A_154 : f32 to vector<16xf32>
      %swap3A_156 = arith.index_cast %add3A_119 : i32 to index
      %swap3A_157 = arith.constant 80 : index
      %swap3A_158 = tpu.vector_load %arg21[%swap3A_156, %swap3A_157] {strides = array<i32>} : memref<40x128xf32, #tpu.memory_space<vmem>>, vector<1x16xf32>,
      %swap3A_159 = vector.shape_cast %swap3A_158 : vector<1x16xf32> to vector<16xf32>
      %swap3A_160 = vector.shape_cast %broadcast_in_dim3A_155 : vector<16xf32> to vector<1x16xf32>
      tpu.vector_store %arg21[%swap3A_156, %swap3A_157], %swap3A_160 {strides = array<i32>} : memref<40x128xf32, #tpu.memory_space<vmem>>, vector<1x16xf32>,
      %broadcast_in_dim3A_161 = arith.constant 0.000000e+00 : f32
      %broadcast_in_dim3A_162 = vector.broadcast %broadcast_in_dim3A_161 : f32 to vector<16xf32>
      %swap3A_163 = arith.index_cast %add3A_119 : i32 to index
      %swap3A_164 = arith.constant 96 : index
      %swap3A_165 = tpu.vector_load %arg21[%swap3A_163, %swap3A_164] {strides = array<i32>} : memref<40x128xf32, #tpu.memory_space<vmem>>, vector<1x16xf32>,
      %swap3A_166 = vector.shape_cast %swap3A_165 : vector<1x16xf32> to vector<16xf32>
      %swap3A_167 = vector.shape_cast %broadcast_in_dim3A_162 : vector<16xf32> to vector<1x16xf32>
      tpu.vector_store %arg21[%swap3A_163, %swap3A_164], %swap3A_167 {strides = array<i32>} : memref<40x128xf32, #tpu.memory_space<vmem>>, vector<1x16xf32>,
      %broadcast_in_dim3A_168 = arith.constant 0.000000e+00 : f32
      %broadcast_in_dim3A_169 = vector.broadcast %broadcast_in_dim3A_168 : f32 to vector<16xf32>
      %swap3A_170 = arith.index_cast %add3A_119 : i32 to index
      %swap3A_171 = arith.constant 112 : index
      %swap3A_172 = tpu.vector_load %arg21[%swap3A_170, %swap3A_171] {strides = array<i32>} : memref<40x128xf32, #tpu.memory_space<vmem>>, vector<1x16xf32>,
      %swap3A_173 = vector.shape_cast %swap3A_172 : vector<1x16xf32> to vector<16xf32>
      %swap3A_174 = vector.shape_cast %broadcast_in_dim3A_169 : vector<16xf32> to vector<1x16xf32>
      tpu.vector_store %arg21[%swap3A_170, %swap3A_171], %swap3A_174 {strides = array<i32>} : memref<40x128xf32, #tpu.memory_space<vmem>>, vector<1x16xf32>,
    }
    %scan3A_15 = arith.constant 40 : i32
    %scan3A_16 = arith.constant 0 : i32
    %scan3A_17 = arith.constant 15 : i32
    %scan3A_18 = arith.addi %scan3A_16, %scan3A_17 : i32
    %scan3A_19 = arith.constant 1 : i32
    scf.for %scan3A_115 = %scan3A_16 to %scan3A_18 step %scan3A_19  : i32 {
      %mul3A_116 = arith.constant 1 : i32
      %mul3A_117 = arith.muli %scan3A_115, %mul3A_116 : i32
      %add3A_118 = arith.constant 0 : i32
      %add3A_119 = arith.addi %add3A_118, %mul3A_117 : i32
      %mul3A_120 = arith.constant 625 : i32
      %mul3A_121 = arith.muli %arg1, %mul3A_120 : i32
      %mul3A_122 = arith.constant 40 : i32
      %mul3A_123 = arith.muli %add3A_119, %mul3A_122 : i32
      %add3A_124 = arith.addi %mul3A_121, %mul3A_123 : i32
      "tpu.region"() ({
        %run_scoped3A = tpu.sem_alloc : memref<!tpu.dma_semaphore, #tpu.memory_space<semaphore_mem>>
        %dma_start3A_125 = arith.constant 0 : i32
        %dma_start3A_126 = tpu.memref_slice %arg23[%add3A_124, %dma_start3A_125] : memref<10000x128xf32, #tpu.memory_space<vmem_shared>> -> memref<40x128xf32, #tpu.memory_space<vmem_shared>>
        %dma_start3A_127 = arith.constant 0 : i32
        %dma_start3A_128 = tpu.memref_slice %arg23[%add3A_124, %dma_start3A_127] : memref<10000x128xf32, #tpu.memory_space<vmem_shared>> -> memref<40x128xf32, #tpu.memory_space<vmem_shared>>
        tpu.enqueue_dma source(%arg21 : memref<40x128xf32, #tpu.memory_space<vmem>>) target(%dma_start3A_128 : memref<40x128xf32, #tpu.memory_space<vmem_shared>>) target_semaphore(%run_scoped3A : memref<!tpu.dma_semaphore, #tpu.memory_space<semaphore_mem>>)
        %dma_wait3A_129 = arith.constant 0 : i32
        %dma_wait3A_130 = tpu.memref_slice %arg23[%add3A_124, %dma_wait3A_129] : memref<10000x128xf32, #tpu.memory_space<vmem_shared>> -> memref<40x128xf32, #tpu.memory_space<vmem_shared>>
        %dma_wait3A_131 = arith.constant 0 : i32
        %dma_wait3A_132 = tpu.memref_slice %arg23[%add3A_124, %dma_wait3A_131] : memref<10000x128xf32, #tpu.memory_space<vmem_shared>> -> memref<40x128xf32, #tpu.memory_space<vmem_shared>>
        tpu.wait_dma2 semaphore(%run_scoped3A : memref<!tpu.dma_semaphore, #tpu.memory_space<semaphore_mem>>) src(%arg21 : memref<40x128xf32, #tpu.memory_space<vmem>>) dst(%dma_wait3A_132 : memref<40x128xf32, #tpu.memory_space<vmem_shared>>)
        tpu.yield
      }) : () -> ()
    }
    %scan3A_20 = arith.constant 15 : i32
    %mul3A_21 = arith.constant 625 : i32
    %mul3A_22 = arith.muli %arg1, %mul3A_21 : i32
    %add3A_23 = arith.constant 600 : i32
    %add3A_24 = arith.addi %mul3A_22, %add3A_23 : i32
    "tpu.region"() ({
      %run_scoped3A = tpu.sem_alloc : memref<!tpu.dma_semaphore, #tpu.memory_space<semaphore_mem>>
      %dma_start3A_115 = arith.constant 0 : i32
      %dma_start3A_116 = arith.constant 0 : i32
      %dma_start3A_117 = tpu.memref_slice %arg21[%dma_start3A_115, %dma_start3A_116] : memref<40x128xf32, #tpu.memory_space<vmem>> -> memref<25x128xf32, #tpu.memory_space<vmem>>
      %dma_start3A_118 = arith.constant 0 : i32
      %dma_start3A_119 = tpu.memref_slice %arg23[%add3A_24, %dma_start3A_118] : memref<10000x128xf32, #tpu.memory_space<vmem_shared>> -> memref<25x128xf32, #tpu.memory_space<vmem_shared>>
      %dma_start3A_120 = arith.constant 0 : i32
      %dma_start3A_121 = tpu.memref_slice %arg23[%add3A_24, %dma_start3A_120] : memref<10000x128xf32, #tpu.memory_space<vmem_shared>> -> memref<25x128xf32, #tpu.memory_space<vmem_shared>>
      %dma_start3A_122 = arith.constant 0 : i32
      %dma_start3A_123 = arith.constant 0 : i32
      %dma_start3A_124 = tpu.memref_slice %arg21[%dma_start3A_122, %dma_start3A_123] : memref<40x128xf32, #tpu.memory_space<vmem>> -> memref<25x128xf32, #tpu.memory_space<vmem>>
      tpu.enqueue_dma source(%dma_start3A_124 : memref<25x128xf32, #tpu.memory_space<vmem>>) target(%dma_start3A_121 : memref<25x128xf32, #tpu.memory_space<vmem_shared>>) target_semaphore(%run_scoped3A : memref<!tpu.dma_semaphore, #tpu.memory_space<semaphore_mem>>)
      %dma_wait3A_125 = arith.constant 0 : i32
      %dma_wait3A_126 = arith.constant 0 : i32
      %dma_wait3A_127 = tpu.memref_slice %arg21[%dma_wait3A_125, %dma_wait3A_126] : memref<40x128xf32, #tpu.memory_space<vmem>> -> memref<25x128xf32, #tpu.memory_space<vmem>>
      %dma_wait3A_128 = arith.constant 0 : i32
      %dma_wait3A_129 = tpu.memref_slice %arg23[%add3A_24, %dma_wait3A_128] : memref<10000x128xf32, #tpu.memory_space<vmem_shared>> -> memref<25x128xf32, #tpu.memory_space<vmem_shared>>
      %dma_wait3A_130 = arith.constant 0 : i32
      %dma_wait3A_131 = tpu.memref_slice %arg23[%add3A_24, %dma_wait3A_130] : memref<10000x128xf32, #tpu.memory_space<vmem_shared>> -> memref<25x128xf32, #tpu.memory_space<vmem_shared>>
      %dma_wait3A_132 = arith.constant 0 : i32
      %dma_wait3A_133 = arith.constant 0 : i32
      %dma_wait3A_134 = tpu.memref_slice %arg21[%dma_wait3A_132, %dma_wait3A_133] : memref<40x128xf32, #tpu.memory_space<vmem>> -> memref<25x128xf32, #tpu.memory_space<vmem>>
      tpu.wait_dma2 semaphore(%run_scoped3A : memref<!tpu.dma_semaphore, #tpu.memory_space<semaphore_mem>>) src(%dma_wait3A_134 : memref<25x128xf32, #tpu.memory_space<vmem>>) dst(%dma_wait3A_131 : memref<25x128xf32, #tpu.memory_space<vmem_shared>>)
      tpu.yield
    }) : () -> ()
    %barrier3A = arith.constant 0 : index
    tpu.barrier barrier_id(%barrier3A)
    %scan3A_25 = arith.constant 0 : i32
    %scan3A_26 = arith.constant 125 : i32
    %scan3A_27 = arith.addi %scan3A_25, %scan3A_26 : i32
    %scan3A_28 = arith.constant 1 : i32
    scf.for %scan3A_115 = %scan3A_25 to %scan3A_27 step %scan3A_28  : i32 {
      %mul3A_116 = arith.constant 1 : i32
      %mul3A_117 = arith.muli %scan3A_115, %mul3A_116 : i32
      %add3A_118 = arith.constant 0 : i32
      %add3A_119 = arith.addi %add3A_118, %mul3A_117 : i32
      %jit3A = arith.constant 25 : i32
      %eq3A_120 = arith.constant 0 : i32
      %eq3A_121 = arith.cmpi eq, %jit3A, %eq3A_120 : i32
      %jit3A_122 = arith.constant 1 : i32
      %select_n3A = arith.select %eq3A_121, %jit3A_122, %jit3A : i32
      %rem3A = arith.remsi %add3A_119, %select_n3A : i32
      %ne3A = arith.constant 0 : i32
      %ne3A_123 = arith.cmpi ne, %rem3A, %ne3A : i32
      %lt3A_124 = arith.constant 0 : i32
      %lt3A_125 = arith.cmpi slt, %rem3A, %lt3A_124 : i32
      %lt3A_126 = arith.constant 0 : i32
      %lt3A_127 = arith.cmpi slt, %select_n3A, %lt3A_126 : i32
      %ne3A_128 = arith.xori %lt3A_125, %lt3A_127 : i1
      %and3A = arith.andi %ne3A_128, %ne3A_123 : i1
      %add3A_129 = arith.addi %rem3A, %select_n3A : i32
      %select_n3A_130 = arith.select %and3A, %add3A_129, %rem3A : i32
      %mul3A_131 = arith.constant 2 : i32
      %mul3A_132 = arith.muli %mul3A_131, %select_n3A_130 : i32
      %jit3A_133 = arith.constant 25 : i32
      %div3A = arith.divsi %add3A_119, %jit3A_133 : i32
      %sign3A = arith.constant 0 : i32
      %sign3A_134 = arith.cmpi sgt, %add3A_119, %sign3A : i32
      %sign3A_135 = arith.extui %sign3A_134 : i1 to i32
      %sign3A_136 = arith.constant 0 : i32
      %sign3A_137 = arith.cmpi slt, %add3A_119, %sign3A_136 : i32
      %sign3A_138 = arith.extui %sign3A_137 : i1 to i32
      %sign3A_139 = arith.subi %sign3A_135, %sign3A_138 : i32
      %sign3A_140 = arith.constant 0 : i32
      %sign3A_141 = arith.cmpi sgt, %jit3A_133, %sign3A_140 : i32
      %sign3A_142 = arith.extui %sign3A_141 : i1 to i32
      %sign3A_143 = arith.constant 0 : i32
      %sign3A_144 = arith.cmpi slt, %jit3A_133, %sign3A_143 : i32
      %sign3A_145 = arith.extui %sign3A_144 : i1 to i32
      %sign3A_146 = arith.subi %sign3A_142, %sign3A_145 : i32
      %ne3A_147 = arith.cmpi ne, %sign3A_139, %sign3A_146 : i32
      %rem3A_148 = arith.remsi %add3A_119, %jit3A_133 : i32
      %ne3A_149 = arith.constant 0 : i32
      %ne3A_150 = arith.cmpi ne, %rem3A_148, %ne3A_149 : i32
      %and3A_151 = arith.andi %ne3A_147, %ne3A_150 : i1
      %sub3A = arith.constant 1 : i32
      %sub3A_152 = arith.subi %div3A, %sub3A : i32
      %select_n3A_153 = arith.select %and3A_151, %sub3A_152, %div3A : i32
      %mul3A_154 = arith.constant 2000 : i32
      %mul3A_155 = arith.muli %select_n3A_153, %mul3A_154 : i32
      %mul3A_156 = arith.constant 40 : i32
      %mul3A_157 = arith.muli %mul3A_132, %mul3A_156 : i32
      %add3A_158 = arith.addi %mul3A_155, %mul3A_157 : i32
      %add3A_159 = arith.constant 40 : i32
      %add3A_160 = arith.addi %add3A_158, %add3A_159 : i32
      %jit3A_161 = arith.constant 25 : i32
      %eq3A_162 = arith.constant 0 : i32
      %eq3A_163 = arith.cmpi eq, %jit3A_161, %eq3A_162 : i32
      %jit3A_164 = arith.constant 1 : i32
      %select_n3A_165 = arith.select %eq3A_163, %jit3A_164, %jit3A_161 : i32
      %rem3A_166 = arith.remsi %add3A_119, %select_n3A_165 : i32
      %ne3A_167 = arith.constant 0 : i32
      %ne3A_168 = arith.cmpi ne, %rem3A_166, %ne3A_167 : i32
      %lt3A_169 = arith.constant 0 : i32
      %lt3A_170 = arith.cmpi slt, %rem3A_166, %lt3A_169 : i32
      %lt3A_171 = arith.constant 0 : i32
      %lt3A_172 = arith.cmpi slt, %select_n3A_165, %lt3A_171 : i32
      %ne3A_173 = arith.xori %lt3A_170, %lt3A_172 : i1
      %and3A_174 = arith.andi %ne3A_173, %ne3A_168 : i1
      %add3A_175 = arith.addi %rem3A_166, %select_n3A_165 : i32
      %select_n3A_176 = arith.select %and3A_174, %add3A_175, %rem3A_166 : i32
      %eq3A_177 = arith.constant 0 : i32
      %eq3A_178 = arith.cmpi eq, %select_n3A_176, %eq3A_177 : i32
      %convert_element_type3A_179 = arith.extui %eq3A_178 : i1 to i32
      %cond3A_180 = arith.constant 0 : i32
      %cond3A_181 = arith.cmpi ne, %convert_element_type3A_179, %cond3A_180 : i32
      scf.if %cond3A_181 {
        %add3A_480 = arith.addi %mul3A_0, %mul3A_155 : i32
        "tpu.region"() ({
          %run_scoped3A = tpu.sem_alloc : memref<!tpu.dma_semaphore, #tpu.memory_space<semaphore_mem>>
          %dma_start3A_576 = tpu.memref_slice %arg4[%add3A_480] : memref<160000xi32, #tpu.memory_space<hbm>> -> memref<2000xi32, #tpu.memory_space<hbm>>
          %dma_start3A_577 = tpu.memref_slice %arg4[%add3A_480] : memref<160000xi32, #tpu.memory_space<hbm>> -> memref<2000xi32, #tpu.memory_space<hbm>>
          tpu.enqueue_dma source(%dma_start3A_577 : memref<2000xi32, #tpu.memory_space<hbm>>) target(%arg10 : memref<2000xi32, #tpu.memory_space<vmem>>) target_semaphore(%run_scoped3A : memref<!tpu.dma_semaphore, #tpu.memory_space<semaphore_mem>>)
          %dma_wait3A_578 = tpu.memref_slice %arg4[%add3A_480] : memref<160000xi32, #tpu.memory_space<hbm>> -> memref<2000xi32, #tpu.memory_space<hbm>>
          %dma_wait3A_579 = tpu.memref_slice %arg4[%add3A_480] : memref<160000xi32, #tpu.memory_space<hbm>> -> memref<2000xi32, #tpu.memory_space<hbm>>
          tpu.wait_dma2 semaphore(%run_scoped3A : memref<!tpu.dma_semaphore, #tpu.memory_space<semaphore_mem>>) src(%dma_wait3A_579 : memref<2000xi32, #tpu.memory_space<hbm>>) dst(%arg10 : memref<2000xi32, #tpu.memory_space<vmem>>)
          tpu.yield
        }) : () -> ()
        %add3A_481 = arith.addi %mul3A_0, %mul3A_155 : i32
        "tpu.region"() ({
          %run_scoped3A = tpu.sem_alloc : memref<!tpu.dma_semaphore, #tpu.memory_space<semaphore_mem>>
          %dma_start3A_576 = tpu.memref_slice %arg5[%add3A_481] : memref<160000xi32, #tpu.memory_space<hbm>> -> memref<2000xi32, #tpu.memory_space<hbm>>
          %dma_start3A_577 = tpu.memref_slice %arg5[%add3A_481] : memref<160000xi32, #tpu.memory_space<hbm>> -> memref<2000xi32, #tpu.memory_space<hbm>>
          tpu.enqueue_dma source(%dma_start3A_577 : memref<2000xi32, #tpu.memory_space<hbm>>) target(%arg11 : memref<2000xi32, #tpu.memory_space<vmem>>) target_semaphore(%run_scoped3A : memref<!tpu.dma_semaphore, #tpu.memory_space<semaphore_mem>>)
          %dma_wait3A_578 = tpu.memref_slice %arg5[%add3A_481] : memref<160000xi32, #tpu.memory_space<hbm>> -> memref<2000xi32, #tpu.memory_space<hbm>>
          %dma_wait3A_579 = tpu.memref_slice %arg5[%add3A_481] : memref<160000xi32, #tpu.memory_space<hbm>> -> memref<2000xi32, #tpu.memory_space<hbm>>
          tpu.wait_dma2 semaphore(%run_scoped3A : memref<!tpu.dma_semaphore, #tpu.memory_space<semaphore_mem>>) src(%dma_wait3A_579 : memref<2000xi32, #tpu.memory_space<hbm>>) dst(%arg11 : memref<2000xi32, #tpu.memory_space<vmem>>)
          tpu.yield
        }) : () -> ()
        %get3A_482 = arith.constant 0 : index
        %get3A_483 = tpu.vector_load %arg10[%get3A_482] {strides = array<i32>} : memref<2000xi32, #tpu.memory_space<vmem>>, vector<16xi32>,
        %get3A_484 = vector.shape_cast %get3A_483 : vector<16xi32> to vector<16xi32>
        %add3A_485 = vector.broadcast %mul3A_3 : i32 to vector<16xi32>
        %add3A_486 = arith.addi %get3A_484, %add3A_485 : vector<16xi32>
        %swap3A_487 = arith.constant 0 : index
        %swap3A_488 = tpu.vector_load %arg12[%swap3A_487] {strides = array<i32>} : memref<80xi32, #tpu.memory_space<vmem>>, vector<16xi32>,
        %swap3A_489 = vector.shape_cast %swap3A_488 : vector<16xi32> to vector<16xi32>
        %swap3A_490 = vector.shape_cast %add3A_486 : vector<16xi32> to vector<16xi32>
        tpu.vector_store %arg12[%swap3A_487], %swap3A_490 {strides = array<i32>} : memref<80xi32, #tpu.memory_space<vmem>>, vector<16xi32>,
        %get3A_491 = arith.constant 0 : index
        %get3A_492 = tpu.vector_load %arg11[%get3A_491] {strides = array<i32>} : memref<2000xi32, #tpu.memory_space<vmem>>, vector<16xi32>,
        %get3A_493 = vector.shape_cast %get3A_492 : vector<16xi32> to vector<16xi32>
        %add3A_494 = vector.broadcast %mul3A_7 : i32 to vector<16xi32>
        %add3A_495 = arith.addi %get3A_493, %add3A_494 : vector<16xi32>
        %swap3A_496 = arith.constant 40 : index
        %swap3A_497 = tpu.vector_load %arg12[%swap3A_496] {strides = array<i32>} : memref<80xi32, #tpu.memory_space<vmem>>, vector<16xi32>,
        %swap3A_498 = vector.shape_cast %swap3A_497 : vector<16xi32> to vector<16xi32>
        %swap3A_499 = vector.shape_cast %add3A_495 : vector<16xi32> to vector<16xi32>
        tpu.vector_store %arg12[%swap3A_496], %swap3A_499 {strides = array<i32>} : memref<80xi32, #tpu.memory_space<vmem>>, vector<16xi32>,
        %get3A_500 = arith.constant 16 : index
        %get3A_501 = tpu.vector_load %arg10[%get3A_500] {strides = array<i32>} : memref<2000xi32, #tpu.memory_space<vmem>>, vector<16xi32>,
        %get3A_502 = vector.shape_cast %get3A_501 : vector<16xi32> to vector<16xi32>
        %add3A_503 = vector.broadcast %mul3A_3 : i32 to vector<16xi32>
        %add3A_504 = arith.addi %get3A_502, %add3A_503 : vector<16xi32>
        %swap3A_505 = arith.constant 16 : index
        %swap3A_506 = tpu.vector_load %arg12[%swap3A_505] {strides = array<i32>} : memref<80xi32, #tpu.memory_space<vmem>>, vector<16xi32>,
        %swap3A_507 = vector.shape_cast %swap3A_506 : vector<16xi32> to vector<16xi32>
        %swap3A_508 = vector.shape_cast %add3A_504 : vector<16xi32> to vector<16xi32>
        tpu.vector_store %arg12[%swap3A_505], %swap3A_508 {strides = array<i32>} : memref<80xi32, #tpu.memory_space<vmem>>, vector<16xi32>,
        %get3A_509 = arith.constant 16 : index
        %get3A_510 = tpu.vector_load %arg11[%get3A_509] {strides = array<i32>} : memref<2000xi32, #tpu.memory_space<vmem>>, vector<16xi32>,
        %get3A_511 = vector.shape_cast %get3A_510 : vector<16xi32> to vector<16xi32>
        %add3A_512 = vector.broadcast %mul3A_7 : i32 to vector<16xi32>
        %add3A_513 = arith.addi %get3A_511, %add3A_512 : vector<16xi32>
        %swap3A_514 = arith.constant 56 : index
        %swap3A_515 = tpu.vector_load %arg12[%swap3A_514] {strides = array<i32>} : memref<80xi32, #tpu.memory_space<vmem>>, vector<16xi32>,
        %swap3A_516 = vector.shape_cast %swap3A_515 : vector<16xi32> to vector<16xi32>
        %swap3A_517 = vector.shape_cast %add3A_513 : vector<16xi32> to vector<16xi32>
        tpu.vector_store %arg12[%swap3A_514], %swap3A_517 {strides = array<i32>} : memref<80xi32, #tpu.memory_space<vmem>>, vector<16xi32>,
        %get3A_518 = arith.constant 24 : index
        %get3A_519 = tpu.vector_load %arg10[%get3A_518] {strides = array<i32>} : memref<2000xi32, #tpu.memory_space<vmem>>, vector<16xi32>,
        %get3A_520 = vector.shape_cast %get3A_519 : vector<16xi32> to vector<16xi32>
        %add3A_521 = vector.broadcast %mul3A_3 : i32 to vector<16xi32>
        %add3A_522 = arith.addi %get3A_520, %add3A_521 : vector<16xi32>
        %swap3A_523 = arith.constant 24 : index
        %swap3A_524 = tpu.vector_load %arg12[%swap3A_523] {strides = array<i32>} : memref<80xi32, #tpu.memory_space<vmem>>, vector<16xi32>,
        %swap3A_525 = vector.shape_cast %swap3A_524 : vector<16xi32> to vector<16xi32>
        %swap3A_526 = vector.shape_cast %add3A_522 : vector<16xi32> to vector<16xi32>
        tpu.vector_store %arg12[%swap3A_523], %swap3A_526 {strides = array<i32>} : memref<80xi32, #tpu.memory_space<vmem>>, vector<16xi32>,
        %get3A_527 = arith.constant 24 : index
        %get3A_528 = tpu.vector_load %arg11[%get3A_527] {strides = array<i32>} : memref<2000xi32, #tpu.memory_space<vmem>>, vector<16xi32>,
        %get3A_529 = vector.shape_cast %get3A_528 : vector<16xi32> to vector<16xi32>
        %add3A_530 = vector.broadcast %mul3A_7 : i32 to vector<16xi32>
        %add3A_531 = arith.addi %get3A_529, %add3A_530 : vector<16xi32>
        %swap3A_532 = arith.constant 64 : index
        %swap3A_533 = tpu.vector_load %arg12[%swap3A_532] {strides = array<i32>} : memref<80xi32, #tpu.memory_space<vmem>>, vector<16xi32>,
        %swap3A_534 = vector.shape_cast %swap3A_533 : vector<16xi32> to vector<16xi32>
        %swap3A_535 = vector.shape_cast %add3A_531 : vector<16xi32> to vector<16xi32>
        tpu.vector_store %arg12[%swap3A_532], %swap3A_535 {strides = array<i32>} : memref<80xi32, #tpu.memory_space<vmem>>, vector<16xi32>,
        %dma_start3A_536 = arith.constant 0 : i32
        %dma_start3A_537 = arith.constant 0 : i32
        %dma_start3A_538 = tpu.memref_slice %arg2[%dma_start3A_536, %dma_start3A_537] : memref<60000x128xf32, #tpu.memory_space<hbm>> -> memref<60000x128xf32, #tpu.memory_space<hbm>>
        tpu.enqueue_indirect_dma source(%dma_start3A_538 : memref<60000x128xf32, #tpu.memory_space<hbm>>) target(%arg16 : memref<80x128xf32, #tpu.memory_space<vmem>>) offsets(%arg12 : memref<80xi32, #tpu.memory_space<vmem>>) semaphore(%arg24 : memref<!tpu.dma_semaphore, #tpu.memory_space<semaphore_mem>>)
        %get3A_539 = arith.constant 0 : index
        %get3A_540 = tpu.vector_load %arg10[%get3A_539] {strides = array<i32>} : memref<2000xi32, #tpu.memory_space<vmem>>, vector<16xi32>,
        %get3A_541 = vector.shape_cast %get3A_540 : vector<16xi32> to vector<16xi32>
        %add3A_542 = vector.broadcast %mul3A_11 : i32 to vector<16xi32>
        %add3A_543 = arith.addi %get3A_541, %add3A_542 : vector<16xi32>
        %swap3A_544 = arith.constant 0 : index
        %swap3A_545 = tpu.vector_load %arg14[%swap3A_544] {strides = array<i32>} : memref<40xi32, #tpu.memory_space<vmem>>, vector<16xi32>,
        %swap3A_546 = vector.shape_cast %swap3A_545 : vector<16xi32> to vector<16xi32>
        %swap3A_547 = vector.shape_cast %add3A_543 : vector<16xi32> to vector<16xi32>
        tpu.vector_store %arg14[%swap3A_544], %swap3A_547 {strides = array<i32>} : memref<40xi32, #tpu.memory_space<vmem>>, vector<16xi32>,
        %get3A_548 = arith.constant 16 : index
        %get3A_549 = tpu.vector_load %arg10[%get3A_548] {strides = array<i32>} : memref<2000xi32, #tpu.memory_space<vmem>>, vector<16xi32>,
        %get3A_550 = vector.shape_cast %get3A_549 : vector<16xi32> to vector<16xi32>
        %add3A_551 = vector.broadcast %mul3A_11 : i32 to vector<16xi32>
        %add3A_552 = arith.addi %get3A_550, %add3A_551 : vector<16xi32>
        %swap3A_553 = arith.constant 16 : index
        %swap3A_554 = tpu.vector_load %arg14[%swap3A_553] {strides = array<i32>} : memref<40xi32, #tpu.memory_space<vmem>>, vector<16xi32>,
        %swap3A_555 = vector.shape_cast %swap3A_554 : vector<16xi32> to vector<16xi32>
        %swap3A_556 = vector.shape_cast %add3A_552 : vector<16xi32> to vector<16xi32>
        tpu.vector_store %arg14[%swap3A_553], %swap3A_556 {strides = array<i32>} : memref<40xi32, #tpu.memory_space<vmem>>, vector<16xi32>,
        %get3A_557 = arith.constant 24 : index
        %get3A_558 = tpu.vector_load %arg10[%get3A_557] {strides = array<i32>} : memref<2000xi32, #tpu.memory_space<vmem>>, vector<16xi32>,
        %get3A_559 = vector.shape_cast %get3A_558 : vector<16xi32> to vector<16xi32>
        %add3A_560 = vector.broadcast %mul3A_11 : i32 to vector<16xi32>
        %add3A_561 = arith.addi %get3A_559, %add3A_560 : vector<16xi32>
        %swap3A_562 = arith.constant 24 : index
        %swap3A_563 = tpu.vector_load %arg14[%swap3A_562] {strides = array<i32>} : memref<40xi32, #tpu.memory_space<vmem>>, vector<16xi32>,
        %swap3A_564 = vector.shape_cast %swap3A_563 : vector<16xi32> to vector<16xi32>
        %swap3A_565 = vector.shape_cast %add3A_561 : vector<16xi32> to vector<16xi32>
        tpu.vector_store %arg14[%swap3A_562], %swap3A_565 {strides = array<i32>} : memref<40xi32, #tpu.memory_space<vmem>>, vector<16xi32>,
        %dma_start3A_566 = arith.constant 0 : i32
        %dma_start3A_567 = arith.constant 0 : i32
        %dma_start3A_568 = tpu.memref_slice %arg2[%dma_start3A_566, %dma_start3A_567] : memref<60000x128xf32, #tpu.memory_space<hbm>> -> memref<60000x128xf32, #tpu.memory_space<hbm>>
        tpu.enqueue_indirect_dma source(%dma_start3A_568 : memref<60000x128xf32, #tpu.memory_space<hbm>>) target(%arg18 : memref<40x128xf32, #tpu.memory_space<vmem>>) offsets(%arg14 : memref<40xi32, #tpu.memory_space<vmem>>) semaphore(%arg26 : memref<!tpu.dma_semaphore, #tpu.memory_space<semaphore_mem>>)
        %add3A_569 = arith.addi %mul3A_0, %add3A_158 : i32
        %dma_start3A_570 = arith.constant 0 : i32
        %dma_start3A_571 = tpu.memref_slice %arg3[%arg0, %add3A_569, %dma_start3A_570] : memref<2x160000x128xf32, #tpu.memory_space<hbm>> -> memref<1x40x128xf32, #tpu.memory_space<hbm>>
        %dma_start3A_572 = tpu.memref_squeeze %dma_start3A_571 : memref<1x40x128xf32, #tpu.memory_space<hbm>> -> memref<40x128xf32, #tpu.memory_space<hbm>>
        %dma_start3A_573 = arith.constant 0 : i32
        %dma_start3A_574 = tpu.memref_slice %arg3[%arg0, %add3A_569, %dma_start3A_573] : memref<2x160000x128xf32, #tpu.memory_space<hbm>> -> memref<1x40x128xf32, #tpu.memory_space<hbm>>
        %dma_start3A_575 = tpu.memref_squeeze %dma_start3A_574 : memref<1x40x128xf32, #tpu.memory_space<hbm>> -> memref<40x128xf32, #tpu.memory_space<hbm>>
        tpu.enqueue_dma source(%dma_start3A_575 : memref<40x128xf32, #tpu.memory_space<hbm>>) target(%arg19 : memref<40x128xf32, #tpu.memory_space<vmem>>) target_semaphore(%arg27 : memref<!tpu.dma_semaphore, #tpu.memory_space<semaphore_mem>>)
      } else {
      }
      %add3A_182 = arith.constant 1 : i32
      %add3A_183 = arith.addi %mul3A_132, %add3A_182 : i32
      %mul3A_184 = arith.constant 40 : i32
      %mul3A_185 = arith.muli %add3A_183, %mul3A_184 : i32
      %add3A_186 = arith.constant 0 : i32
      %add3A_187 = arith.addi %mul3A_185, %add3A_186 : i32
      %get3A_188 = arith.index_cast %add3A_187 : i32 to index
      %get3A_189 = tpu.vector_load %arg10[%get3A_188] {strides = array<i32>} : memref<2000xi32, #tpu.memory_space<vmem>>, vector<16xi32>,
      %get3A_190 = vector.shape_cast %get3A_189 : vector<16xi32> to vector<16xi32>
      %add3A_191 = vector.broadcast %mul3A_3 : i32 to vector<16xi32>
      %add3A_192 = arith.addi %get3A_190, %add3A_191 : vector<16xi32>
      %swap3A_193 = arith.constant 0 : index
      %swap3A_194 = tpu.vector_load %arg13[%swap3A_193] {strides = array<i32>} : memref<80xi32, #tpu.memory_space<vmem>>, vector<16xi32>,
      %swap3A_195 = vector.shape_cast %swap3A_194 : vector<16xi32> to vector<16xi32>
      %swap3A_196 = vector.shape_cast %add3A_192 : vector<16xi32> to vector<16xi32>
      tpu.vector_store %arg13[%swap3A_193], %swap3A_196 {strides = array<i32>} : memref<80xi32, #tpu.memory_space<vmem>>, vector<16xi32>,
      %add3A_197 = arith.constant 0 : i32
      %add3A_198 = arith.addi %mul3A_185, %add3A_197 : i32
      %get3A_199 = arith.index_cast %add3A_198 : i32 to index
      %get3A_200 = tpu.vector_load %arg11[%get3A_199] {strides = array<i32>} : memref<2000xi32, #tpu.memory_space<vmem>>, vector<16xi32>,
      %get3A_201 = vector.shape_cast %get3A_200 : vector<16xi32> to vector<16xi32>
      %add3A_202 = vector.broadcast %mul3A_7 : i32 to vector<16xi32>
      %add3A_203 = arith.addi %get3A_201, %add3A_202 : vector<16xi32>
      %swap3A_204 = arith.constant 40 : index
      %swap3A_205 = tpu.vector_load %arg13[%swap3A_204] {strides = array<i32>} : memref<80xi32, #tpu.memory_space<vmem>>, vector<16xi32>,
      %swap3A_206 = vector.shape_cast %swap3A_205 : vector<16xi32> to vector<16xi32>
      %swap3A_207 = vector.shape_cast %add3A_203 : vector<16xi32> to vector<16xi32>
      tpu.vector_store %arg13[%swap3A_204], %swap3A_207 {strides = array<i32>} : memref<80xi32, #tpu.memory_space<vmem>>, vector<16xi32>,
      %add3A_208 = arith.constant 16 : i32
      %add3A_209 = arith.addi %mul3A_185, %add3A_208 : i32
      %get3A_210 = arith.index_cast %add3A_209 : i32 to index
      %get3A_211 = tpu.vector_load %arg10[%get3A_210] {strides = array<i32>} : memref<2000xi32, #tpu.memory_space<vmem>>, vector<16xi32>,
      %get3A_212 = vector.shape_cast %get3A_211 : vector<16xi32> to vector<16xi32>
      %add3A_213 = vector.broadcast %mul3A_3 : i32 to vector<16xi32>
      %add3A_214 = arith.addi %get3A_212, %add3A_213 : vector<16xi32>
      %swap3A_215 = arith.constant 16 : index
      %swap3A_216 = tpu.vector_load %arg13[%swap3A_215] {strides = array<i32>} : memref<80xi32, #tpu.memory_space<vmem>>, vector<16xi32>,
      %swap3A_217 = vector.shape_cast %swap3A_216 : vector<16xi32> to vector<16xi32>
      %swap3A_218 = vector.shape_cast %add3A_214 : vector<16xi32> to vector<16xi32>
      tpu.vector_store %arg13[%swap3A_215], %swap3A_218 {strides = array<i32>} : memref<80xi32, #tpu.memory_space<vmem>>, vector<16xi32>,
      %add3A_219 = arith.constant 16 : i32
      %add3A_220 = arith.addi %mul3A_185, %add3A_219 : i32
      %get3A_221 = arith.index_cast %add3A_220 : i32 to index
      %get3A_222 = tpu.vector_load %arg11[%get3A_221] {strides = array<i32>} : memref<2000xi32, #tpu.memory_space<vmem>>, vector<16xi32>,
      %get3A_223 = vector.shape_cast %get3A_222 : vector<16xi32> to vector<16xi32>
      %add3A_224 = vector.broadcast %mul3A_7 : i32 to vector<16xi32>
      %add3A_225 = arith.addi %get3A_223, %add3A_224 : vector<16xi32>
      %swap3A_226 = arith.constant 56 : index
      %swap3A_227 = tpu.vector_load %arg13[%swap3A_226] {strides = array<i32>} : memref<80xi32, #tpu.memory_space<vmem>>, vector<16xi32>,
      %swap3A_228 = vector.shape_cast %swap3A_227 : vector<16xi32> to vector<16xi32>
      %swap3A_229 = vector.shape_cast %add3A_225 : vector<16xi32> to vector<16xi32>
      tpu.vector_store %arg13[%swap3A_226], %swap3A_229 {strides = array<i32>} : memref<80xi32, #tpu.memory_space<vmem>>, vector<16xi32>,
      %add3A_230 = arith.constant 24 : i32
      %add3A_231 = arith.addi %mul3A_185, %add3A_230 : i32
      %get3A_232 = arith.index_cast %add3A_231 : i32 to index
      %get3A_233 = tpu.vector_load %arg10[%get3A_232] {strides = array<i32>} : memref<2000xi32, #tpu.memory_space<vmem>>, vector<16xi32>,
      %get3A_234 = vector.shape_cast %get3A_233 : vector<16xi32> to vector<16xi32>
      %add3A_235 = vector.broadcast %mul3A_3 : i32 to vector<16xi32>
      %add3A_236 = arith.addi %get3A_234, %add3A_235 : vector<16xi32>
      %swap3A_237 = arith.constant 24 : index
      %swap3A_238 = tpu.vector_load %arg13[%swap3A_237] {strides = array<i32>} : memref<80xi32, #tpu.memory_space<vmem>>, vector<16xi32>,
      %swap3A_239 = vector.shape_cast %swap3A_238 : vector<16xi32> to vector<16xi32>
      %swap3A_240 = vector.shape_cast %add3A_236 : vector<16xi32> to vector<16xi32>
      tpu.vector_store %arg13[%swap3A_237], %swap3A_240 {strides = array<i32>} : memref<80xi32, #tpu.memory_space<vmem>>, vector<16xi32>,
      %add3A_241 = arith.constant 24 : i32
      %add3A_242 = arith.addi %mul3A_185, %add3A_241 : i32
      %get3A_243 = arith.index_cast %add3A_242 : i32 to index
      %get3A_244 = tpu.vector_load %arg11[%get3A_243] {strides = array<i32>} : memref<2000xi32, #tpu.memory_space<vmem>>, vector<16xi32>,
      %get3A_245 = vector.shape_cast %get3A_244 : vector<16xi32> to vector<16xi32>
      %add3A_246 = vector.broadcast %mul3A_7 : i32 to vector<16xi32>
      %add3A_247 = arith.addi %get3A_245, %add3A_246 : vector<16xi32>
      %swap3A_248 = arith.constant 64 : index
      %swap3A_249 = tpu.vector_load %arg13[%swap3A_248] {strides = array<i32>} : memref<80xi32, #tpu.memory_space<vmem>>, vector<16xi32>,
      %swap3A_250 = vector.shape_cast %swap3A_249 : vector<16xi32> to vector<16xi32>
      %swap3A_251 = vector.shape_cast %add3A_247 : vector<16xi32> to vector<16xi32>
      tpu.vector_store %arg13[%swap3A_248], %swap3A_251 {strides = array<i32>} : memref<80xi32, #tpu.memory_space<vmem>>, vector<16xi32>,
      %dma_start3A_252 = arith.constant 0 : i32
      %dma_start3A_253 = arith.constant 0 : i32
      %dma_start3A_254 = tpu.memref_slice %arg2[%dma_start3A_252, %dma_start3A_253] : memref<60000x128xf32, #tpu.memory_space<hbm>> -> memref<60000x128xf32, #tpu.memory_space<hbm>>
      tpu.enqueue_indirect_dma source(%dma_start3A_254 : memref<60000x128xf32, #tpu.memory_space<hbm>>) target(%arg17 : memref<80x128xf32, #tpu.memory_space<vmem>>) offsets(%arg13 : memref<80xi32, #tpu.memory_space<vmem>>) semaphore(%arg25 : memref<!tpu.dma_semaphore, #tpu.memory_space<semaphore_mem>>)
      %dma_wait3A_255 = arith.constant 0 : i32
      %dma_wait3A_256 = arith.constant 0 : i32
      %dma_wait3A_257 = tpu.memref_slice %arg2[%dma_wait3A_255, %dma_wait3A_256] : memref<60000x128xf32, #tpu.memory_space<hbm>> -> memref<60000x128xf32, #tpu.memory_space<hbm>>
      tpu.wait_indirect_dma semaphore(%arg24 : memref<!tpu.dma_semaphore, #tpu.memory_space<semaphore_mem>>) src(%dma_wait3A_257 : memref<60000x128xf32, #tpu.memory_space<hbm>>) dst(%arg16 : memref<80x128xf32, #tpu.memory_space<vmem>>)
      %dma_wait3A_258 = arith.constant 0 : i32
      %dma_wait3A_259 = arith.constant 0 : i32
      %dma_wait3A_260 = tpu.memref_slice %arg2[%dma_wait3A_258, %dma_wait3A_259] : memref<60000x128xf32, #tpu.memory_space<hbm>> -> memref<60000x128xf32, #tpu.memory_space<hbm>>
      tpu.wait_indirect_dma semaphore(%arg26 : memref<!tpu.dma_semaphore, #tpu.memory_space<semaphore_mem>>) src(%dma_wait3A_260 : memref<60000x128xf32, #tpu.memory_space<hbm>>) dst(%arg18 : memref<40x128xf32, #tpu.memory_space<vmem>>)
      %add3A_261 = arith.addi %mul3A_0, %add3A_158 : i32
      %dma_wait3A_262 = arith.constant 0 : i32
      %dma_wait3A_263 = tpu.memref_slice %arg3[%arg0, %add3A_261, %dma_wait3A_262] : memref<2x160000x128xf32, #tpu.memory_space<hbm>> -> memref<1x40x128xf32, #tpu.memory_space<hbm>>
      %dma_wait3A_264 = tpu.memref_squeeze %dma_wait3A_263 : memref<1x40x128xf32, #tpu.memory_space<hbm>> -> memref<40x128xf32, #tpu.memory_space<hbm>>
      %dma_wait3A_265 = arith.constant 0 : i32
      %dma_wait3A_266 = tpu.memref_slice %arg3[%arg0, %add3A_261, %dma_wait3A_265] : memref<2x160000x128xf32, #tpu.memory_space<hbm>> -> memref<1x40x128xf32, #tpu.memory_space<hbm>>
      %dma_wait3A_267 = tpu.memref_squeeze %dma_wait3A_266 : memref<1x40x128xf32, #tpu.memory_space<hbm>> -> memref<40x128xf32, #tpu.memory_space<hbm>>
      tpu.wait_dma2 semaphore(%arg27 : memref<!tpu.dma_semaphore, #tpu.memory_space<semaphore_mem>>) src(%dma_wait3A_267 : memref<40x128xf32, #tpu.memory_space<hbm>>) dst(%arg19 : memref<40x128xf32, #tpu.memory_space<vmem>>)
      %scan3A_268 = arith.constant 0 : i32
      %scan3A_269 = arith.constant 40 : i32
      %scan3A_270 = arith.addi %scan3A_268, %scan3A_269 : i32
      %scan3A_271 = arith.constant 1 : i32
      scf.for %scan3A_480 = %scan3A_268 to %scan3A_270 step %scan3A_271  : i32 {
        %mul3A_481 = arith.constant 1 : i32
        %mul3A_482 = arith.muli %scan3A_480, %mul3A_481 : i32
        %add3A_483 = arith.constant 0 : i32
        %add3A_484 = arith.addi %add3A_483, %mul3A_482 : i32
        %get3A_485 = arith.index_cast %add3A_484 : i32 to index
        %get3A_486 = arith.constant 0 : index
        %get3A_487 = tpu.vector_load %arg19[%get3A_485, %get3A_486] {strides = array<i32>} : memref<40x128xf32, #tpu.memory_space<vmem>>, vector<1x16xf32>,
        %get3A_488 = vector.shape_cast %get3A_487 : vector<1x16xf32> to vector<16xf32>
        %get3A_489 = arith.index_cast %add3A_484 : i32 to index
        %get3A_490 = arith.constant 0 : index
        %get3A_491 = tpu.vector_load %arg16[%get3A_489, %get3A_490] {strides = array<i32>} : memref<80x128xf32, #tpu.memory_space<vmem>>, vector<1x16xf32>,
        %get3A_492 = vector.shape_cast %get3A_491 : vector<1x16xf32> to vector<16xf32>
        %add3A_493 = arith.addf %get3A_488, %get3A_492 : vector<16xf32>
        %add3A_494 = arith.constant 40 : i32
        %add3A_495 = arith.addi %add3A_494, %add3A_484 : i32
        %get3A_496 = arith.index_cast %add3A_495 : i32 to index
        %get3A_497 = arith.constant 0 : index
        %get3A_498 = tpu.vector_load %arg16[%get3A_496, %get3A_497] {strides = array<i32>} : memref<80x128xf32, #tpu.memory_space<vmem>>, vector<1x16xf32>,
        %get3A_499 = vector.shape_cast %get3A_498 : vector<1x16xf32> to vector<16xf32>
        %add3A_500 = arith.addf %add3A_493, %get3A_499 : vector<16xf32>
        %swap3A_501 = arith.index_cast %add3A_484 : i32 to index
        %swap3A_502 = arith.constant 0 : index
        %swap3A_503 = tpu.vector_load %arg20[%swap3A_501, %swap3A_502] {strides = array<i32>} : memref<40x128xf32, #tpu.memory_space<vmem>>, vector<1x16xf32>,
        %swap3A_504 = vector.shape_cast %swap3A_503 : vector<1x16xf32> to vector<16xf32>
        %swap3A_505 = vector.shape_cast %add3A_500 : vector<16xf32> to vector<1x16xf32>
        tpu.vector_store %arg20[%swap3A_501, %swap3A_502], %swap3A_505 {strides = array<i32>} : memref<40x128xf32, #tpu.memory_space<vmem>>, vector<1x16xf32>,
        %neg3A = arith.constant 0.000000e+00 : f32
        %neg3A_506 = vector.broadcast %neg3A : f32 to vector<16xf32>
        %neg3A_507 = arith.subf %neg3A_506, %add3A_500 : vector<16xf32>
        %exp3A = math.exp %neg3A_507 : vector<16xf32>
        %add3A_508 = arith.constant 1.000000e+00 : f32
        %add3A_509 = vector.broadcast %add3A_508 : f32 to vector<16xf32>
        %add3A_510 = arith.addf %add3A_509, %exp3A : vector<16xf32>
        %div3A_511 = arith.constant 1.000000e+00 : f32
        %div3A_512 = vector.broadcast %div3A_511 : f32 to vector<16xf32>
        %div3A_513 = arith.divf %div3A_512, %add3A_510 : vector<16xf32>
        %get3A_514 = arith.index_cast %add3A_484 : i32 to index
        %get3A_515 = arith.constant 0 : index
        %get3A_516 = tpu.vector_load %arg18[%get3A_514, %get3A_515] {strides = array<i32>} : memref<40x128xf32, #tpu.memory_space<vmem>>, vector<1x16xf32>,
        %get3A_517 = vector.shape_cast %get3A_516 : vector<1x16xf32> to vector<16xf32>
        %mul3A_518 = arith.mulf %div3A_513, %get3A_517 : vector<16xf32>
        %swap3A_519 = arith.index_cast %add3A_484 : i32 to index
        %swap3A_520 = arith.constant 0 : index
        %swap3A_521 = tpu.vector_load %arg21[%swap3A_519, %swap3A_520] {strides = array<i32>} : memref<40x128xf32, #tpu.memory_space<vmem>>, vector<1x16xf32>,
        %swap3A_522 = vector.shape_cast %swap3A_521 : vector<1x16xf32> to vector<16xf32>
        %swap3A_523 = vector.shape_cast %mul3A_518 : vector<16xf32> to vector<1x16xf32>
        tpu.vector_store %arg21[%swap3A_519, %swap3A_520], %swap3A_523 {strides = array<i32>} : memref<40x128xf32, #tpu.memory_space<vmem>>, vector<1x16xf32>,
        %swap3A_524 = arith.index_cast %add3A_484 : i32 to index
        %swap3A_525 = arith.constant 64 : index
        %swap3A_526 = tpu.vector_load %arg21[%swap3A_524, %swap3A_525] {strides = array<i32>} : memref<40x128xf32, #tpu.memory_space<vmem>>, vector<1x16xf32>,
        %swap3A_527 = vector.shape_cast %swap3A_526 : vector<1x16xf32> to vector<16xf32>
        %swap3A_528 = vector.shape_cast %div3A_513 : vector<16xf32> to vector<1x16xf32>
        tpu.vector_store %arg21[%swap3A_524, %swap3A_525], %swap3A_528 {strides = array<i32>} : memref<40x128xf32, #tpu.memory_space<vmem>>, vector<1x16xf32>,
        %get3A_529 = arith.index_cast %add3A_484 : i32 to index
        %get3A_530 = arith.constant 16 : index
        %get3A_531 = tpu.vector_load %arg19[%get3A_529, %get3A_530] {strides = array<i32>} : memref<40x128xf32, #tpu.memory_space<vmem>>, vector<1x16xf32>,
        %get3A_532 = vector.shape_cast %get3A_531 : vector<1x16xf32> to vector<16xf32>
        %get3A_533 = arith.index_cast %add3A_484 : i32 to index
        %get3A_534 = arith.constant 16 : index
        %get3A_535 = tpu.vector_load %arg16[%get3A_533, %get3A_534] {strides = array<i32>} : memref<80x128xf32, #tpu.memory_space<vmem>>, vector<1x16xf32>,
        %get3A_536 = vector.shape_cast %get3A_535 : vector<1x16xf32> to vector<16xf32>
        %add3A_537 = arith.addf %get3A_532, %get3A_536 : vector<16xf32>
        %add3A_538 = arith.constant 40 : i32
        %add3A_539 = arith.addi %add3A_538, %add3A_484 : i32
        %get3A_540 = arith.index_cast %add3A_539 : i32 to index
        %get3A_541 = arith.constant 16 : index
        %get3A_542 = tpu.vector_load %arg16[%get3A_540, %get3A_541] {strides = array<i32>} : memref<80x128xf32, #tpu.memory_space<vmem>>, vector<1x16xf32>,
        %get3A_543 = vector.shape_cast %get3A_542 : vector<1x16xf32> to vector<16xf32>
        %add3A_544 = arith.addf %add3A_537, %get3A_543 : vector<16xf32>
        %swap3A_545 = arith.index_cast %add3A_484 : i32 to index
        %swap3A_546 = arith.constant 16 : index
        %swap3A_547 = tpu.vector_load %arg20[%swap3A_545, %swap3A_546] {strides = array<i32>} : memref<40x128xf32, #tpu.memory_space<vmem>>, vector<1x16xf32>,
        %swap3A_548 = vector.shape_cast %swap3A_547 : vector<1x16xf32> to vector<16xf32>
        %swap3A_549 = vector.shape_cast %add3A_544 : vector<16xf32> to vector<1x16xf32>
        tpu.vector_store %arg20[%swap3A_545, %swap3A_546], %swap3A_549 {strides = array<i32>} : memref<40x128xf32, #tpu.memory_space<vmem>>, vector<1x16xf32>,
        %neg3A_550 = arith.constant 0.000000e+00 : f32
        %neg3A_551 = vector.broadcast %neg3A_550 : f32 to vector<16xf32>
        %neg3A_552 = arith.subf %neg3A_551, %add3A_544 : vector<16xf32>
        %exp3A_553 = math.exp %neg3A_552 : vector<16xf32>
        %add3A_554 = arith.constant 1.000000e+00 : f32
        %add3A_555 = vector.broadcast %add3A_554 : f32 to vector<16xf32>
        %add3A_556 = arith.addf %add3A_555, %exp3A_553 : vector<16xf32>
        %div3A_557 = arith.constant 1.000000e+00 : f32
        %div3A_558 = vector.broadcast %div3A_557 : f32 to vector<16xf32>
        %div3A_559 = arith.divf %div3A_558, %add3A_556 : vector<16xf32>
        %get3A_560 = arith.index_cast %add3A_484 : i32 to index
        %get3A_561 = arith.constant 16 : index
        %get3A_562 = tpu.vector_load %arg18[%get3A_560, %get3A_561] {strides = array<i32>} : memref<40x128xf32, #tpu.memory_space<vmem>>, vector<1x16xf32>,
        %get3A_563 = vector.shape_cast %get3A_562 : vector<1x16xf32> to vector<16xf32>
        %mul3A_564 = arith.mulf %div3A_559, %get3A_563 : vector<16xf32>
        %swap3A_565 = arith.index_cast %add3A_484 : i32 to index
        %swap3A_566 = arith.constant 16 : index
        %swap3A_567 = tpu.vector_load %arg21[%swap3A_565, %swap3A_566] {strides = array<i32>} : memref<40x128xf32, #tpu.memory_space<vmem>>, vector<1x16xf32>,
        %swap3A_568 = vector.shape_cast %swap3A_567 : vector<1x16xf32> to vector<16xf32>
        %swap3A_569 = vector.shape_cast %mul3A_564 : vector<16xf32> to vector<1x16xf32>
        tpu.vector_store %arg21[%swap3A_565, %swap3A_566], %swap3A_569 {strides = array<i32>} : memref<40x128xf32, #tpu.memory_space<vmem>>, vector<1x16xf32>,
        %swap3A_570 = arith.index_cast %add3A_484 : i32 to index
        %swap3A_571 = arith.constant 80 : index
        %swap3A_572 = tpu.vector_load %arg21[%swap3A_570, %swap3A_571] {strides = array<i32>} : memref<40x128xf32, #tpu.memory_space<vmem>>, vector<1x16xf32>,
        %swap3A_573 = vector.shape_cast %swap3A_572 : vector<1x16xf32> to vector<16xf32>
        %swap3A_574 = vector.shape_cast %div3A_559 : vector<16xf32> to vector<1x16xf32>
        tpu.vector_store %arg21[%swap3A_570, %swap3A_571], %swap3A_574 {strides = array<i32>} : memref<40x128xf32, #tpu.memory_space<vmem>>, vector<1x16xf32>,
        %get3A_575 = arith.index_cast %add3A_484 : i32 to index
        %get3A_576 = arith.constant 32 : index
        %get3A_577 = tpu.vector_load %arg19[%get3A_575, %get3A_576] {strides = array<i32>} : memref<40x128xf32, #tpu.memory_space<vmem>>, vector<1x16xf32>,
        %get3A_578 = vector.shape_cast %get3A_577 : vector<1x16xf32> to vector<16xf32>
        %get3A_579 = arith.index_cast %add3A_484 : i32 to index
        %get3A_580 = arith.constant 32 : index
        %get3A_581 = tpu.vector_load %arg16[%get3A_579, %get3A_580] {strides = array<i32>} : memref<80x128xf32, #tpu.memory_space<vmem>>, vector<1x16xf32>,
        %get3A_582 = vector.shape_cast %get3A_581 : vector<1x16xf32> to vector<16xf32>
        %add3A_583 = arith.addf %get3A_578, %get3A_582 : vector<16xf32>
        %add3A_584 = arith.constant 40 : i32
        %add3A_585 = arith.addi %add3A_584, %add3A_484 : i32
        %get3A_586 = arith.index_cast %add3A_585 : i32 to index
        %get3A_587 = arith.constant 32 : index
        %get3A_588 = tpu.vector_load %arg16[%get3A_586, %get3A_587] {strides = array<i32>} : memref<80x128xf32, #tpu.memory_space<vmem>>, vector<1x16xf32>,
        %get3A_589 = vector.shape_cast %get3A_588 : vector<1x16xf32> to vector<16xf32>
        %add3A_590 = arith.addf %add3A_583, %get3A_589 : vector<16xf32>
        %swap3A_591 = arith.index_cast %add3A_484 : i32 to index
        %swap3A_592 = arith.constant 32 : index
        %swap3A_593 = tpu.vector_load %arg20[%swap3A_591, %swap3A_592] {strides = array<i32>} : memref<40x128xf32, #tpu.memory_space<vmem>>, vector<1x16xf32>,
        %swap3A_594 = vector.shape_cast %swap3A_593 : vector<1x16xf32> to vector<16xf32>
        %swap3A_595 = vector.shape_cast %add3A_590 : vector<16xf32> to vector<1x16xf32>
        tpu.vector_store %arg20[%swap3A_591, %swap3A_592], %swap3A_595 {strides = array<i32>} : memref<40x128xf32, #tpu.memory_space<vmem>>, vector<1x16xf32>,
        %neg3A_596 = arith.constant 0.000000e+00 : f32
        %neg3A_597 = vector.broadcast %neg3A_596 : f32 to vector<16xf32>
        %neg3A_598 = arith.subf %neg3A_597, %add3A_590 : vector<16xf32>
        %exp3A_599 = math.exp %neg3A_598 : vector<16xf32>
        %add3A_600 = arith.constant 1.000000e+00 : f32
        %add3A_601 = vector.broadcast %add3A_600 : f32 to vector<16xf32>
        %add3A_602 = arith.addf %add3A_601, %exp3A_599 : vector<16xf32>
        %div3A_603 = arith.constant 1.000000e+00 : f32
        %div3A_604 = vector.broadcast %div3A_603 : f32 to vector<16xf32>
        %div3A_605 = arith.divf %div3A_604, %add3A_602 : vector<16xf32>
        %get3A_606 = arith.index_cast %add3A_484 : i32 to index
        %get3A_607 = arith.constant 32 : index
        %get3A_608 = tpu.vector_load %arg18[%get3A_606, %get3A_607] {strides = array<i32>} : memref<40x128xf32, #tpu.memory_space<vmem>>, vector<1x16xf32>,
        %get3A_609 = vector.shape_cast %get3A_608 : vector<1x16xf32> to vector<16xf32>
        %mul3A_610 = arith.mulf %div3A_605, %get3A_609 : vector<16xf32>
        %swap3A_611 = arith.index_cast %add3A_484 : i32 to index
        %swap3A_612 = arith.constant 32 : index
        %swap3A_613 = tpu.vector_load %arg21[%swap3A_611, %swap3A_612] {strides = array<i32>} : memref<40x128xf32, #tpu.memory_space<vmem>>, vector<1x16xf32>,
        %swap3A_614 = vector.shape_cast %swap3A_613 : vector<1x16xf32> to vector<16xf32>
        %swap3A_615 = vector.shape_cast %mul3A_610 : vector<16xf32> to vector<1x16xf32>
        tpu.vector_store %arg21[%swap3A_611, %swap3A_612], %swap3A_615 {strides = array<i32>} : memref<40x128xf32, #tpu.memory_space<vmem>>, vector<1x16xf32>,
        %swap3A_616 = arith.index_cast %add3A_484 : i32 to index
        %swap3A_617 = arith.constant 96 : index
        %swap3A_618 = tpu.vector_load %arg21[%swap3A_616, %swap3A_617] {strides = array<i32>} : memref<40x128xf32, #tpu.memory_space<vmem>>, vector<1x16xf32>,
        %swap3A_619 = vector.shape_cast %swap3A_618 : vector<1x16xf32> to vector<16xf32>
        %swap3A_620 = vector.shape_cast %div3A_605 : vector<16xf32> to vector<1x16xf32>
        tpu.vector_store %arg21[%swap3A_616, %swap3A_617], %swap3A_620 {strides = array<i32>} : memref<40x128xf32, #tpu.memory_space<vmem>>, vector<1x16xf32>,
        %get3A_621 = arith.index_cast %add3A_484 : i32 to index
        %get3A_622 = arith.constant 48 : index
        %get3A_623 = tpu.vector_load %arg19[%get3A_621, %get3A_622] {strides = array<i32>} : memref<40x128xf32, #tpu.memory_space<vmem>>, vector<1x16xf32>,
        %get3A_624 = vector.shape_cast %get3A_623 : vector<1x16xf32> to vector<16xf32>
        %get3A_625 = arith.index_cast %add3A_484 : i32 to index
        %get3A_626 = arith.constant 48 : index
        %get3A_627 = tpu.vector_load %arg16[%get3A_625, %get3A_626] {strides = array<i32>} : memref<80x128xf32, #tpu.memory_space<vmem>>, vector<1x16xf32>,
        %get3A_628 = vector.shape_cast %get3A_627 : vector<1x16xf32> to vector<16xf32>
        %add3A_629 = arith.addf %get3A_624, %get3A_628 : vector<16xf32>
        %add3A_630 = arith.constant 40 : i32
        %add3A_631 = arith.addi %add3A_630, %add3A_484 : i32
        %get3A_632 = arith.index_cast %add3A_631 : i32 to index
        %get3A_633 = arith.constant 48 : index
        %get3A_634 = tpu.vector_load %arg16[%get3A_632, %get3A_633] {strides = array<i32>} : memref<80x128xf32, #tpu.memory_space<vmem>>, vector<1x16xf32>,
        %get3A_635 = vector.shape_cast %get3A_634 : vector<1x16xf32> to vector<16xf32>
        %add3A_636 = arith.addf %add3A_629, %get3A_635 : vector<16xf32>
        %swap3A_637 = arith.index_cast %add3A_484 : i32 to index
        %swap3A_638 = arith.constant 48 : index
        %swap3A_639 = tpu.vector_load %arg20[%swap3A_637, %swap3A_638] {strides = array<i32>} : memref<40x128xf32, #tpu.memory_space<vmem>>, vector<1x16xf32>,
        %swap3A_640 = vector.shape_cast %swap3A_639 : vector<1x16xf32> to vector<16xf32>
        %swap3A_641 = vector.shape_cast %add3A_636 : vector<16xf32> to vector<1x16xf32>
        tpu.vector_store %arg20[%swap3A_637, %swap3A_638], %swap3A_641 {strides = array<i32>} : memref<40x128xf32, #tpu.memory_space<vmem>>, vector<1x16xf32>,
        %neg3A_642 = arith.constant 0.000000e+00 : f32
        %neg3A_643 = vector.broadcast %neg3A_642 : f32 to vector<16xf32>
        %neg3A_644 = arith.subf %neg3A_643, %add3A_636 : vector<16xf32>
        %exp3A_645 = math.exp %neg3A_644 : vector<16xf32>
        %add3A_646 = arith.constant 1.000000e+00 : f32
        %add3A_647 = vector.broadcast %add3A_646 : f32 to vector<16xf32>
        %add3A_648 = arith.addf %add3A_647, %exp3A_645 : vector<16xf32>
        %div3A_649 = arith.constant 1.000000e+00 : f32
        %div3A_650 = vector.broadcast %div3A_649 : f32 to vector<16xf32>
        %div3A_651 = arith.divf %div3A_650, %add3A_648 : vector<16xf32>
        %get3A_652 = arith.index_cast %add3A_484 : i32 to index
        %get3A_653 = arith.constant 48 : index
        %get3A_654 = tpu.vector_load %arg18[%get3A_652, %get3A_653] {strides = array<i32>} : memref<40x128xf32, #tpu.memory_space<vmem>>, vector<1x16xf32>,
        %get3A_655 = vector.shape_cast %get3A_654 : vector<1x16xf32> to vector<16xf32>
        %mul3A_656 = arith.mulf %div3A_651, %get3A_655 : vector<16xf32>
        %swap3A_657 = arith.index_cast %add3A_484 : i32 to index
        %swap3A_658 = arith.constant 48 : index
        %swap3A_659 = tpu.vector_load %arg21[%swap3A_657, %swap3A_658] {strides = array<i32>} : memref<40x128xf32, #tpu.memory_space<vmem>>, vector<1x16xf32>,
        %swap3A_660 = vector.shape_cast %swap3A_659 : vector<1x16xf32> to vector<16xf32>
        %swap3A_661 = vector.shape_cast %mul3A_656 : vector<16xf32> to vector<1x16xf32>
        tpu.vector_store %arg21[%swap3A_657, %swap3A_658], %swap3A_661 {strides = array<i32>} : memref<40x128xf32, #tpu.memory_space<vmem>>, vector<1x16xf32>,
        %swap3A_662 = arith.index_cast %add3A_484 : i32 to index
        %swap3A_663 = arith.constant 112 : index
        %swap3A_664 = tpu.vector_load %arg21[%swap3A_662, %swap3A_663] {strides = array<i32>} : memref<40x128xf32, #tpu.memory_space<vmem>>, vector<1x16xf32>,
        %swap3A_665 = vector.shape_cast %swap3A_664 : vector<1x16xf32> to vector<16xf32>
        %swap3A_666 = vector.shape_cast %div3A_651 : vector<16xf32> to vector<1x16xf32>
        tpu.vector_store %arg21[%swap3A_662, %swap3A_663], %swap3A_666 {strides = array<i32>} : memref<40x128xf32, #tpu.memory_space<vmem>>, vector<1x16xf32>,
        %get3A_667 = arith.index_cast %add3A_484 : i32 to index
        %get3A_668 = arith.constant 64 : index
        %get3A_669 = tpu.vector_load %arg19[%get3A_667, %get3A_668] {strides = array<i32>} : memref<40x128xf32, #tpu.memory_space<vmem>>, vector<1x16xf32>,
        %get3A_670 = vector.shape_cast %get3A_669 : vector<1x16xf32> to vector<16xf32>
        %get3A_671 = arith.index_cast %add3A_484 : i32 to index
        %get3A_672 = arith.constant 64 : index
        %get3A_673 = tpu.vector_load %arg16[%get3A_671, %get3A_672] {strides = array<i32>} : memref<80x128xf32, #tpu.memory_space<vmem>>, vector<1x16xf32>,
        %get3A_674 = vector.shape_cast %get3A_673 : vector<1x16xf32> to vector<16xf32>
        %add3A_675 = arith.addf %get3A_670, %get3A_674 : vector<16xf32>
        %add3A_676 = arith.constant 40 : i32
        %add3A_677 = arith.addi %add3A_676, %add3A_484 : i32
        %get3A_678 = arith.index_cast %add3A_677 : i32 to index
        %get3A_679 = arith.constant 64 : index
        %get3A_680 = tpu.vector_load %arg16[%get3A_678, %get3A_679] {strides = array<i32>} : memref<80x128xf32, #tpu.memory_space<vmem>>, vector<1x16xf32>,
        %get3A_681 = vector.shape_cast %get3A_680 : vector<1x16xf32> to vector<16xf32>
        %add3A_682 = arith.addf %add3A_675, %get3A_681 : vector<16xf32>
        %swap3A_683 = arith.index_cast %add3A_484 : i32 to index
        %swap3A_684 = arith.constant 64 : index
        %swap3A_685 = tpu.vector_load %arg20[%swap3A_683, %swap3A_684] {strides = array<i32>} : memref<40x128xf32, #tpu.memory_space<vmem>>, vector<1x16xf32>,
        %swap3A_686 = vector.shape_cast %swap3A_685 : vector<1x16xf32> to vector<16xf32>
        %swap3A_687 = vector.shape_cast %add3A_682 : vector<16xf32> to vector<1x16xf32>
        tpu.vector_store %arg20[%swap3A_683, %swap3A_684], %swap3A_687 {strides = array<i32>} : memref<40x128xf32, #tpu.memory_space<vmem>>, vector<1x16xf32>,
        %neg3A_688 = arith.constant 0.000000e+00 : f32
        %neg3A_689 = vector.broadcast %neg3A_688 : f32 to vector<16xf32>
        %neg3A_690 = arith.subf %neg3A_689, %add3A_682 : vector<16xf32>
        %exp3A_691 = math.exp %neg3A_690 : vector<16xf32>
        %add3A_692 = arith.constant 1.000000e+00 : f32
        %add3A_693 = vector.broadcast %add3A_692 : f32 to vector<16xf32>
        %add3A_694 = arith.addf %add3A_693, %exp3A_691 : vector<16xf32>
        %div3A_695 = arith.constant 1.000000e+00 : f32
        %div3A_696 = vector.broadcast %div3A_695 : f32 to vector<16xf32>
        %div3A_697 = arith.divf %div3A_696, %add3A_694 : vector<16xf32>
        %get3A_698 = arith.index_cast %add3A_484 : i32 to index
        %get3A_699 = arith.constant 64 : index
        %get3A_700 = tpu.vector_load %arg18[%get3A_698, %get3A_699] {strides = array<i32>} : memref<40x128xf32, #tpu.memory_space<vmem>>, vector<1x16xf32>,
        %get3A_701 = vector.shape_cast %get3A_700 : vector<1x16xf32> to vector<16xf32>
        %mul3A_702 = arith.mulf %div3A_697, %get3A_701 : vector<16xf32>
        %swap3A_703 = arith.index_cast %add3A_484 : i32 to index
        %swap3A_704 = arith.constant 0 : index
        %swap3A_705 = tpu.vector_load %arg22[%swap3A_703, %swap3A_704] {strides = array<i32>} : memref<40x128xf32, #tpu.memory_space<vmem>>, vector<1x16xf32>,
        %swap3A_706 = vector.shape_cast %swap3A_705 : vector<1x16xf32> to vector<16xf32>
        %swap3A_707 = vector.shape_cast %mul3A_702 : vector<16xf32> to vector<1x16xf32>
        tpu.vector_store %arg22[%swap3A_703, %swap3A_704], %swap3A_707 {strides = array<i32>} : memref<40x128xf32, #tpu.memory_space<vmem>>, vector<1x16xf32>,
        %swap3A_708 = arith.index_cast %add3A_484 : i32 to index
        %swap3A_709 = arith.constant 64 : index
        %swap3A_710 = tpu.vector_load %arg22[%swap3A_708, %swap3A_709] {strides = array<i32>} : memref<40x128xf32, #tpu.memory_space<vmem>>, vector<1x16xf32>,
        %swap3A_711 = vector.shape_cast %swap3A_710 : vector<1x16xf32> to vector<16xf32>
        %swap3A_712 = vector.shape_cast %div3A_697 : vector<16xf32> to vector<1x16xf32>
        tpu.vector_store %arg22[%swap3A_708, %swap3A_709], %swap3A_712 {strides = array<i32>} : memref<40x128xf32, #tpu.memory_space<vmem>>, vector<1x16xf32>,
        %get3A_713 = arith.index_cast %add3A_484 : i32 to index
        %get3A_714 = arith.constant 80 : index
        %get3A_715 = tpu.vector_load %arg19[%get3A_713, %get3A_714] {strides = array<i32>} : memref<40x128xf32, #tpu.memory_space<vmem>>, vector<1x16xf32>,
        %get3A_716 = vector.shape_cast %get3A_715 : vector<1x16xf32> to vector<16xf32>
        %get3A_717 = arith.index_cast %add3A_484 : i32 to index
        %get3A_718 = arith.constant 80 : index
        %get3A_719 = tpu.vector_load %arg16[%get3A_717, %get3A_718] {strides = array<i32>} : memref<80x128xf32, #tpu.memory_space<vmem>>, vector<1x16xf32>,
        %get3A_720 = vector.shape_cast %get3A_719 : vector<1x16xf32> to vector<16xf32>
        %add3A_721 = arith.addf %get3A_716, %get3A_720 : vector<16xf32>
        %add3A_722 = arith.constant 40 : i32
        %add3A_723 = arith.addi %add3A_722, %add3A_484 : i32
        %get3A_724 = arith.index_cast %add3A_723 : i32 to index
        %get3A_725 = arith.constant 80 : index
        %get3A_726 = tpu.vector_load %arg16[%get3A_724, %get3A_725] {strides = array<i32>} : memref<80x128xf32, #tpu.memory_space<vmem>>, vector<1x16xf32>,
        %get3A_727 = vector.shape_cast %get3A_726 : vector<1x16xf32> to vector<16xf32>
        %add3A_728 = arith.addf %add3A_721, %get3A_727 : vector<16xf32>
        %swap3A_729 = arith.index_cast %add3A_484 : i32 to index
        %swap3A_730 = arith.constant 80 : index
        %swap3A_731 = tpu.vector_load %arg20[%swap3A_729, %swap3A_730] {strides = array<i32>} : memref<40x128xf32, #tpu.memory_space<vmem>>, vector<1x16xf32>,
        %swap3A_732 = vector.shape_cast %swap3A_731 : vector<1x16xf32> to vector<16xf32>
        %swap3A_733 = vector.shape_cast %add3A_728 : vector<16xf32> to vector<1x16xf32>
        tpu.vector_store %arg20[%swap3A_729, %swap3A_730], %swap3A_733 {strides = array<i32>} : memref<40x128xf32, #tpu.memory_space<vmem>>, vector<1x16xf32>,
        %neg3A_734 = arith.constant 0.000000e+00 : f32
        %neg3A_735 = vector.broadcast %neg3A_734 : f32 to vector<16xf32>
        %neg3A_736 = arith.subf %neg3A_735, %add3A_728 : vector<16xf32>
        %exp3A_737 = math.exp %neg3A_736 : vector<16xf32>
        %add3A_738 = arith.constant 1.000000e+00 : f32
        %add3A_739 = vector.broadcast %add3A_738 : f32 to vector<16xf32>
        %add3A_740 = arith.addf %add3A_739, %exp3A_737 : vector<16xf32>
        %div3A_741 = arith.constant 1.000000e+00 : f32
        %div3A_742 = vector.broadcast %div3A_741 : f32 to vector<16xf32>
        %div3A_743 = arith.divf %div3A_742, %add3A_740 : vector<16xf32>
        %get3A_744 = arith.index_cast %add3A_484 : i32 to index
        %get3A_745 = arith.constant 80 : index
        %get3A_746 = tpu.vector_load %arg18[%get3A_744, %get3A_745] {strides = array<i32>} : memref<40x128xf32, #tpu.memory_space<vmem>>, vector<1x16xf32>,
        %get3A_747 = vector.shape_cast %get3A_746 : vector<1x16xf32> to vector<16xf32>
        %mul3A_748 = arith.mulf %div3A_743, %get3A_747 : vector<16xf32>
        %swap3A_749 = arith.index_cast %add3A_484 : i32 to index
        %swap3A_750 = arith.constant 16 : index
        %swap3A_751 = tpu.vector_load %arg22[%swap3A_749, %swap3A_750] {strides = array<i32>} : memref<40x128xf32, #tpu.memory_space<vmem>>, vector<1x16xf32>,
        %swap3A_752 = vector.shape_cast %swap3A_751 : vector<1x16xf32> to vector<16xf32>
        %swap3A_753 = vector.shape_cast %mul3A_748 : vector<16xf32> to vector<1x16xf32>
        tpu.vector_store %arg22[%swap3A_749, %swap3A_750], %swap3A_753 {strides = array<i32>} : memref<40x128xf32, #tpu.memory_space<vmem>>, vector<1x16xf32>,
        %swap3A_754 = arith.index_cast %add3A_484 : i32 to index
        %swap3A_755 = arith.constant 80 : index
        %swap3A_756 = tpu.vector_load %arg22[%swap3A_754, %swap3A_755] {strides = array<i32>} : memref<40x128xf32, #tpu.memory_space<vmem>>, vector<1x16xf32>,
        %swap3A_757 = vector.shape_cast %swap3A_756 : vector<1x16xf32> to vector<16xf32>
        %swap3A_758 = vector.shape_cast %div3A_743 : vector<16xf32> to vector<1x16xf32>
        tpu.vector_store %arg22[%swap3A_754, %swap3A_755], %swap3A_758 {strides = array<i32>} : memref<40x128xf32, #tpu.memory_space<vmem>>, vector<1x16xf32>,
        %get3A_759 = arith.index_cast %add3A_484 : i32 to index
        %get3A_760 = arith.constant 96 : index
        %get3A_761 = tpu.vector_load %arg19[%get3A_759, %get3A_760] {strides = array<i32>} : memref<40x128xf32, #tpu.memory_space<vmem>>, vector<1x16xf32>,
        %get3A_762 = vector.shape_cast %get3A_761 : vector<1x16xf32> to vector<16xf32>
        %get3A_763 = arith.index_cast %add3A_484 : i32 to index
        %get3A_764 = arith.constant 96 : index
        %get3A_765 = tpu.vector_load %arg16[%get3A_763, %get3A_764] {strides = array<i32>} : memref<80x128xf32, #tpu.memory_space<vmem>>, vector<1x16xf32>,
        %get3A_766 = vector.shape_cast %get3A_765 : vector<1x16xf32> to vector<16xf32>
        %add3A_767 = arith.addf %get3A_762, %get3A_766 : vector<16xf32>
        %add3A_768 = arith.constant 40 : i32
        %add3A_769 = arith.addi %add3A_768, %add3A_484 : i32
        %get3A_770 = arith.index_cast %add3A_769 : i32 to index
        %get3A_771 = arith.constant 96 : index
        %get3A_772 = tpu.vector_load %arg16[%get3A_770, %get3A_771] {strides = array<i32>} : memref<80x128xf32, #tpu.memory_space<vmem>>, vector<1x16xf32>,
        %get3A_773 = vector.shape_cast %get3A_772 : vector<1x16xf32> to vector<16xf32>
        %add3A_774 = arith.addf %add3A_767, %get3A_773 : vector<16xf32>
        %swap3A_775 = arith.index_cast %add3A_484 : i32 to index
        %swap3A_776 = arith.constant 96 : index
        %swap3A_777 = tpu.vector_load %arg20[%swap3A_775, %swap3A_776] {strides = array<i32>} : memref<40x128xf32, #tpu.memory_space<vmem>>, vector<1x16xf32>,
        %swap3A_778 = vector.shape_cast %swap3A_777 : vector<1x16xf32> to vector<16xf32>
        %swap3A_779 = vector.shape_cast %add3A_774 : vector<16xf32> to vector<1x16xf32>
        tpu.vector_store %arg20[%swap3A_775, %swap3A_776], %swap3A_779 {strides = array<i32>} : memref<40x128xf32, #tpu.memory_space<vmem>>, vector<1x16xf32>,
        %neg3A_780 = arith.constant 0.000000e+00 : f32
        %neg3A_781 = vector.broadcast %neg3A_780 : f32 to vector<16xf32>
        %neg3A_782 = arith.subf %neg3A_781, %add3A_774 : vector<16xf32>
        %exp3A_783 = math.exp %neg3A_782 : vector<16xf32>
        %add3A_784 = arith.constant 1.000000e+00 : f32
        %add3A_785 = vector.broadcast %add3A_784 : f32 to vector<16xf32>
        %add3A_786 = arith.addf %add3A_785, %exp3A_783 : vector<16xf32>
        %div3A_787 = arith.constant 1.000000e+00 : f32
        %div3A_788 = vector.broadcast %div3A_787 : f32 to vector<16xf32>
        %div3A_789 = arith.divf %div3A_788, %add3A_786 : vector<16xf32>
        %get3A_790 = arith.index_cast %add3A_484 : i32 to index
        %get3A_791 = arith.constant 96 : index
        %get3A_792 = tpu.vector_load %arg18[%get3A_790, %get3A_791] {strides = array<i32>} : memref<40x128xf32, #tpu.memory_space<vmem>>, vector<1x16xf32>,
        %get3A_793 = vector.shape_cast %get3A_792 : vector<1x16xf32> to vector<16xf32>
        %mul3A_794 = arith.mulf %div3A_789, %get3A_793 : vector<16xf32>
        %swap3A_795 = arith.index_cast %add3A_484 : i32 to index
        %swap3A_796 = arith.constant 32 : index
        %swap3A_797 = tpu.vector_load %arg22[%swap3A_795, %swap3A_796] {strides = array<i32>} : memref<40x128xf32, #tpu.memory_space<vmem>>, vector<1x16xf32>,
        %swap3A_798 = vector.shape_cast %swap3A_797 : vector<1x16xf32> to vector<16xf32>
        %swap3A_799 = vector.shape_cast %mul3A_794 : vector<16xf32> to vector<1x16xf32>
        tpu.vector_store %arg22[%swap3A_795, %swap3A_796], %swap3A_799 {strides = array<i32>} : memref<40x128xf32, #tpu.memory_space<vmem>>, vector<1x16xf32>,
        %swap3A_800 = arith.index_cast %add3A_484 : i32 to index
        %swap3A_801 = arith.constant 96 : index
        %swap3A_802 = tpu.vector_load %arg22[%swap3A_800, %swap3A_801] {strides = array<i32>} : memref<40x128xf32, #tpu.memory_space<vmem>>, vector<1x16xf32>,
        %swap3A_803 = vector.shape_cast %swap3A_802 : vector<1x16xf32> to vector<16xf32>
        %swap3A_804 = vector.shape_cast %div3A_789 : vector<16xf32> to vector<1x16xf32>
        tpu.vector_store %arg22[%swap3A_800, %swap3A_801], %swap3A_804 {strides = array<i32>} : memref<40x128xf32, #tpu.memory_space<vmem>>, vector<1x16xf32>,
        %get3A_805 = arith.index_cast %add3A_484 : i32 to index
        %get3A_806 = arith.constant 112 : index
        %get3A_807 = tpu.vector_load %arg19[%get3A_805, %get3A_806] {strides = array<i32>} : memref<40x128xf32, #tpu.memory_space<vmem>>, vector<1x16xf32>,
        %get3A_808 = vector.shape_cast %get3A_807 : vector<1x16xf32> to vector<16xf32>
        %get3A_809 = arith.index_cast %add3A_484 : i32 to index
        %get3A_810 = arith.constant 112 : index
        %get3A_811 = tpu.vector_load %arg16[%get3A_809, %get3A_810] {strides = array<i32>} : memref<80x128xf32, #tpu.memory_space<vmem>>, vector<1x16xf32>,
        %get3A_812 = vector.shape_cast %get3A_811 : vector<1x16xf32> to vector<16xf32>
        %add3A_813 = arith.addf %get3A_808, %get3A_812 : vector<16xf32>
        %add3A_814 = arith.constant 40 : i32
        %add3A_815 = arith.addi %add3A_814, %add3A_484 : i32
        %get3A_816 = arith.index_cast %add3A_815 : i32 to index
        %get3A_817 = arith.constant 112 : index
        %get3A_818 = tpu.vector_load %arg16[%get3A_816, %get3A_817] {strides = array<i32>} : memref<80x128xf32, #tpu.memory_space<vmem>>, vector<1x16xf32>,
        %get3A_819 = vector.shape_cast %get3A_818 : vector<1x16xf32> to vector<16xf32>
        %add3A_820 = arith.addf %add3A_813, %get3A_819 : vector<16xf32>
        %swap3A_821 = arith.index_cast %add3A_484 : i32 to index
        %swap3A_822 = arith.constant 112 : index
        %swap3A_823 = tpu.vector_load %arg20[%swap3A_821, %swap3A_822] {strides = array<i32>} : memref<40x128xf32, #tpu.memory_space<vmem>>, vector<1x16xf32>,
        %swap3A_824 = vector.shape_cast %swap3A_823 : vector<1x16xf32> to vector<16xf32>
        %swap3A_825 = vector.shape_cast %add3A_820 : vector<16xf32> to vector<1x16xf32>
        tpu.vector_store %arg20[%swap3A_821, %swap3A_822], %swap3A_825 {strides = array<i32>} : memref<40x128xf32, #tpu.memory_space<vmem>>, vector<1x16xf32>,
        %neg3A_826 = arith.constant 0.000000e+00 : f32
        %neg3A_827 = vector.broadcast %neg3A_826 : f32 to vector<16xf32>
        %neg3A_828 = arith.subf %neg3A_827, %add3A_820 : vector<16xf32>
        %exp3A_829 = math.exp %neg3A_828 : vector<16xf32>
        %add3A_830 = arith.constant 1.000000e+00 : f32
        %add3A_831 = vector.broadcast %add3A_830 : f32 to vector<16xf32>
        %add3A_832 = arith.addf %add3A_831, %exp3A_829 : vector<16xf32>
        %div3A_833 = arith.constant 1.000000e+00 : f32
        %div3A_834 = vector.broadcast %div3A_833 : f32 to vector<16xf32>
        %div3A_835 = arith.divf %div3A_834, %add3A_832 : vector<16xf32>
        %get3A_836 = arith.index_cast %add3A_484 : i32 to index
        %get3A_837 = arith.constant 112 : index
        %get3A_838 = tpu.vector_load %arg18[%get3A_836, %get3A_837] {strides = array<i32>} : memref<40x128xf32, #tpu.memory_space<vmem>>, vector<1x16xf32>,
        %get3A_839 = vector.shape_cast %get3A_838 : vector<1x16xf32> to vector<16xf32>
        %mul3A_840 = arith.mulf %div3A_835, %get3A_839 : vector<16xf32>
        %swap3A_841 = arith.index_cast %add3A_484 : i32 to index
        %swap3A_842 = arith.constant 48 : index
        %swap3A_843 = tpu.vector_load %arg22[%swap3A_841, %swap3A_842] {strides = array<i32>} : memref<40x128xf32, #tpu.memory_space<vmem>>, vector<1x16xf32>,
        %swap3A_844 = vector.shape_cast %swap3A_843 : vector<1x16xf32> to vector<16xf32>
        %swap3A_845 = vector.shape_cast %mul3A_840 : vector<16xf32> to vector<1x16xf32>
        tpu.vector_store %arg22[%swap3A_841, %swap3A_842], %swap3A_845 {strides = array<i32>} : memref<40x128xf32, #tpu.memory_space<vmem>>, vector<1x16xf32>,
        %swap3A_846 = arith.index_cast %add3A_484 : i32 to index
        %swap3A_847 = arith.constant 112 : index
        %swap3A_848 = tpu.vector_load %arg22[%swap3A_846, %swap3A_847] {strides = array<i32>} : memref<40x128xf32, #tpu.memory_space<vmem>>, vector<1x16xf32>,
        %swap3A_849 = vector.shape_cast %swap3A_848 : vector<1x16xf32> to vector<16xf32>
        %swap3A_850 = vector.shape_cast %div3A_835 : vector<16xf32> to vector<1x16xf32>
        tpu.vector_store %arg22[%swap3A_846, %swap3A_847], %swap3A_850 {strides = array<i32>} : memref<40x128xf32, #tpu.memory_space<vmem>>, vector<1x16xf32>,
      }
      %scan3A_272 = arith.constant 40 : i32
      %add3A_273 = arith.addi %mul3A_0, %add3A_158 : i32
      %mul3A_274 = arith.constant 128 : i32
      %mul3A_275 = arith.muli %arg0, %mul3A_274 : i32
      %dma_start3A_276 = tpu.memref_slice %arg6[%add3A_273, %mul3A_275] : memref<160000x256xf32, #tpu.memory_space<hbm>> -> memref<40x128xf32, #tpu.memory_space<hbm>>
      %dma_start3A_277 = tpu.memref_slice %arg6[%add3A_273, %mul3A_275] : memref<160000x256xf32, #tpu.memory_space<hbm>> -> memref<40x128xf32, #tpu.memory_space<hbm>>
      tpu.enqueue_dma source(%arg20 : memref<40x128xf32, #tpu.memory_space<vmem>>) target(%dma_start3A_277 : memref<40x128xf32, #tpu.memory_space<hbm>>) target_semaphore(%arg28 : memref<!tpu.dma_semaphore, #tpu.memory_space<semaphore_mem>>)
      %add3A_278 = arith.addi %mul3A_0, %add3A_158 : i32
      %dma_start3A_279 = arith.constant 0 : i32
      %dma_start3A_280 = tpu.memref_slice %arg9[%arg0, %add3A_278, %dma_start3A_279] : memref<2x160000x128xf32, #tpu.memory_space<hbm>> -> memref<1x40x128xf32, #tpu.memory_space<hbm>>
      %dma_start3A_281 = tpu.memref_squeeze %dma_start3A_280 : memref<1x40x128xf32, #tpu.memory_space<hbm>> -> memref<40x128xf32, #tpu.memory_space<hbm>>
      %dma_start3A_282 = arith.constant 0 : i32
      %dma_start3A_283 = tpu.memref_slice %arg9[%arg0, %add3A_278, %dma_start3A_282] : memref<2x160000x128xf32, #tpu.memory_space<hbm>> -> memref<1x40x128xf32, #tpu.memory_space<hbm>>
      %dma_start3A_284 = tpu.memref_squeeze %dma_start3A_283 : memref<1x40x128xf32, #tpu.memory_space<hbm>> -> memref<40x128xf32, #tpu.memory_space<hbm>>
      tpu.enqueue_dma source(%arg22 : memref<40x128xf32, #tpu.memory_space<vmem>>) target(%dma_start3A_284 : memref<40x128xf32, #tpu.memory_space<hbm>>) target_semaphore(%arg28 : memref<!tpu.dma_semaphore, #tpu.memory_space<semaphore_mem>>)
      %add3A_285 = arith.constant 1 : i32
      %add3A_286 = arith.addi %mul3A_132, %add3A_285 : i32
      %mul3A_287 = arith.constant 40 : i32
      %mul3A_288 = arith.muli %add3A_286, %mul3A_287 : i32
      %add3A_289 = arith.constant 0 : i32
      %add3A_290 = arith.addi %mul3A_288, %add3A_289 : i32
      %get3A_291 = arith.index_cast %add3A_290 : i32 to index
      %get3A_292 = tpu.vector_load %arg10[%get3A_291] {strides = array<i32>} : memref<2000xi32, #tpu.memory_space<vmem>>, vector<16xi32>,
      %get3A_293 = vector.shape_cast %get3A_292 : vector<16xi32> to vector<16xi32>
      %add3A_294 = vector.broadcast %mul3A_11 : i32 to vector<16xi32>
      %add3A_295 = arith.addi %get3A_293, %add3A_294 : vector<16xi32>
      %swap3A_296 = arith.constant 0 : index
      %swap3A_297 = tpu.vector_load %arg14[%swap3A_296] {strides = array<i32>} : memref<40xi32, #tpu.memory_space<vmem>>, vector<16xi32>,
      %swap3A_298 = vector.shape_cast %swap3A_297 : vector<16xi32> to vector<16xi32>
      %swap3A_299 = vector.shape_cast %add3A_295 : vector<16xi32> to vector<16xi32>
      tpu.vector_store %arg14[%swap3A_296], %swap3A_299 {strides = array<i32>} : memref<40xi32, #tpu.memory_space<vmem>>, vector<16xi32>,
      %add3A_300 = arith.constant 16 : i32
      %add3A_301 = arith.addi %mul3A_288, %add3A_300 : i32
      %get3A_302 = arith.index_cast %add3A_301 : i32 to index
      %get3A_303 = tpu.vector_load %arg10[%get3A_302] {strides = array<i32>} : memref<2000xi32, #tpu.memory_space<vmem>>, vector<16xi32>,
      %get3A_304 = vector.shape_cast %get3A_303 : vector<16xi32> to vector<16xi32>
      %add3A_305 = vector.broadcast %mul3A_11 : i32 to vector<16xi32>
      %add3A_306 = arith.addi %get3A_304, %add3A_305 : vector<16xi32>
      %swap3A_307 = arith.constant 16 : index
      %swap3A_308 = tpu.vector_load %arg14[%swap3A_307] {strides = array<i32>} : memref<40xi32, #tpu.memory_space<vmem>>, vector<16xi32>,
      %swap3A_309 = vector.shape_cast %swap3A_308 : vector<16xi32> to vector<16xi32>
      %swap3A_310 = vector.shape_cast %add3A_306 : vector<16xi32> to vector<16xi32>
      tpu.vector_store %arg14[%swap3A_307], %swap3A_310 {strides = array<i32>} : memref<40xi32, #tpu.memory_space<vmem>>, vector<16xi32>,
      %add3A_311 = arith.constant 24 : i32
      %add3A_312 = arith.addi %mul3A_288, %add3A_311 : i32
      %get3A_313 = arith.index_cast %add3A_312 : i32 to index
      %get3A_314 = tpu.vector_load %arg10[%get3A_313] {strides = array<i32>} : memref<2000xi32, #tpu.memory_space<vmem>>, vector<16xi32>,
      %get3A_315 = vector.shape_cast %get3A_314 : vector<16xi32> to vector<16xi32>
      %add3A_316 = vector.broadcast %mul3A_11 : i32 to vector<16xi32>
      %add3A_317 = arith.addi %get3A_315, %add3A_316 : vector<16xi32>
      %swap3A_318 = arith.constant 24 : index
      %swap3A_319 = tpu.vector_load %arg14[%swap3A_318] {strides = array<i32>} : memref<40xi32, #tpu.memory_space<vmem>>, vector<16xi32>,
      %swap3A_320 = vector.shape_cast %swap3A_319 : vector<16xi32> to vector<16xi32>
      %swap3A_321 = vector.shape_cast %add3A_317 : vector<16xi32> to vector<16xi32>
      tpu.vector_store %arg14[%swap3A_318], %swap3A_321 {strides = array<i32>} : memref<40xi32, #tpu.memory_space<vmem>>, vector<16xi32>,
      %dma_start3A_322 = arith.constant 0 : i32
      %dma_start3A_323 = arith.constant 0 : i32
      %dma_start3A_324 = tpu.memref_slice %arg2[%dma_start3A_322, %dma_start3A_323] : memref<60000x128xf32, #tpu.memory_space<hbm>> -> memref<60000x128xf32, #tpu.memory_space<hbm>>
      tpu.enqueue_indirect_dma source(%dma_start3A_324 : memref<60000x128xf32, #tpu.memory_space<hbm>>) target(%arg18 : memref<40x128xf32, #tpu.memory_space<vmem>>) offsets(%arg14 : memref<40xi32, #tpu.memory_space<vmem>>) semaphore(%arg26 : memref<!tpu.dma_semaphore, #tpu.memory_space<semaphore_mem>>)
      %add3A_325 = arith.addi %mul3A_0, %add3A_160 : i32
      %dma_start3A_326 = arith.constant 0 : i32
      %dma_start3A_327 = tpu.memref_slice %arg3[%arg0, %add3A_325, %dma_start3A_326] : memref<2x160000x128xf32, #tpu.memory_space<hbm>> -> memref<1x40x128xf32, #tpu.memory_space<hbm>>
      %dma_start3A_328 = tpu.memref_squeeze %dma_start3A_327 : memref<1x40x128xf32, #tpu.memory_space<hbm>> -> memref<40x128xf32, #tpu.memory_space<hbm>>
      %dma_start3A_329 = arith.constant 0 : i32
      %dma_start3A_330 = tpu.memref_slice %arg3[%arg0, %add3A_325, %dma_start3A_329] : memref<2x160000x128xf32, #tpu.memory_space<hbm>> -> memref<1x40x128xf32, #tpu.memory_space<hbm>>
      %dma_start3A_331 = tpu.memref_squeeze %dma_start3A_330 : memref<1x40x128xf32, #tpu.memory_space<hbm>> -> memref<40x128xf32, #tpu.memory_space<hbm>>
      tpu.enqueue_dma source(%dma_start3A_331 : memref<40x128xf32, #tpu.memory_space<hbm>>) target(%arg19 : memref<40x128xf32, #tpu.memory_space<vmem>>) target_semaphore(%arg27 : memref<!tpu.dma_semaphore, #tpu.memory_space<semaphore_mem>>)
      %mul3A_332 = arith.constant 40 : i32
      %mul3A_333 = arith.muli %mul3A_132, %mul3A_332 : i32
      %add3A_334 = arith.constant 0 : i32
      %add3A_335 = arith.addi %mul3A_333, %add3A_334 : i32
      %get3A_336 = arith.index_cast %add3A_335 : i32 to index
      %get3A_337 = tpu.vector_load %arg11[%get3A_336] {strides = array<i32>} : memref<2000xi32, #tpu.memory_space<vmem>>, vector<16xi32>,
      %get3A_338 = vector.shape_cast %get3A_337 : vector<16xi32> to vector<16xi32>
      %swap3A_339 = arith.constant 0 : index
      %swap3A_340 = tpu.vector_load %arg15[%swap3A_339] {strides = array<i32>} : memref<40xi32, #tpu.memory_space<vmem>>, vector<16xi32>,
      %swap3A_341 = vector.shape_cast %swap3A_340 : vector<16xi32> to vector<16xi32>
      %swap3A_342 = vector.shape_cast %get3A_338 : vector<16xi32> to vector<16xi32>
      tpu.vector_store %arg15[%swap3A_339], %swap3A_342 {strides = array<i32>} : memref<40xi32, #tpu.memory_space<vmem>>, vector<16xi32>,
      %add3A_343 = arith.constant 16 : i32
      %add3A_344 = arith.addi %mul3A_333, %add3A_343 : i32
      %get3A_345 = arith.index_cast %add3A_344 : i32 to index
      %get3A_346 = tpu.vector_load %arg11[%get3A_345] {strides = array<i32>} : memref<2000xi32, #tpu.memory_space<vmem>>, vector<16xi32>,
      %get3A_347 = vector.shape_cast %get3A_346 : vector<16xi32> to vector<16xi32>
      %swap3A_348 = arith.constant 16 : index
      %swap3A_349 = tpu.vector_load %arg15[%swap3A_348] {strides = array<i32>} : memref<40xi32, #tpu.memory_space<vmem>>, vector<16xi32>,
      %swap3A_350 = vector.shape_cast %swap3A_349 : vector<16xi32> to vector<16xi32>
      %swap3A_351 = vector.shape_cast %get3A_347 : vector<16xi32> to vector<16xi32>
      tpu.vector_store %arg15[%swap3A_348], %swap3A_351 {strides = array<i32>} : memref<40xi32, #tpu.memory_space<vmem>>, vector<16xi32>,
      %add3A_352 = arith.constant 24 : i32
      %add3A_353 = arith.addi %mul3A_333, %add3A_352 : i32
      %get3A_354 = arith.index_cast %add3A_353 : i32 to index
      %get3A_355 = tpu.vector_load %arg11[%get3A_354] {strides = array<i32>} : memref<2000xi32, #tpu.memory_space<vmem>>, vector<16xi32>,
      %get3A_356 = vector.shape_cast %get3A_355 : vector<16xi32> to vector<16xi32>
      %swap3A_357 = arith.constant 24 : index
      %swap3A_358 = tpu.vector_load %arg15[%swap3A_357] {strides = array<i32>} : memref<40xi32, #tpu.memory_space<vmem>>, vector<16xi32>,
      %swap3A_359 = vector.shape_cast %swap3A_358 : vector<16xi32> to vector<16xi32>
      %swap3A_360 = vector.shape_cast %get3A_356 : vector<16xi32> to vector<16xi32>
      tpu.vector_store %arg15[%swap3A_357], %swap3A_360 {strides = array<i32>} : memref<40xi32, #tpu.memory_space<vmem>>, vector<16xi32>,
      "tpu.region"() ({
        %run_scoped3A = tpu.sem_alloc : memref<!tpu.dma_semaphore, #tpu.memory_space<semaphore_mem>>
        %dma_start3A_480 = arith.constant 0 : i32
        %dma_start3A_481 = arith.constant 0 : i32
        %dma_start3A_482 = tpu.memref_slice %arg23[%dma_start3A_480, %dma_start3A_481] : memref<10000x128xf32, #tpu.memory_space<vmem_shared>> -> memref<10000x128xf32, #tpu.memory_space<vmem_shared>>
        tpu.enqueue_indirect_dma source(%arg21 : memref<40x128xf32, #tpu.memory_space<vmem>>) target(%dma_start3A_482 : memref<10000x128xf32, #tpu.memory_space<vmem_shared>>) offsets(%arg15 : memref<40xi32, #tpu.memory_space<vmem>>) semaphore(%run_scoped3A : memref<!tpu.dma_semaphore, #tpu.memory_space<semaphore_mem>>) {add = true}
        %dma_wait3A_483 = arith.constant 0 : i32
        %dma_wait3A_484 = arith.constant 0 : i32
        %dma_wait3A_485 = tpu.memref_slice %arg23[%dma_wait3A_483, %dma_wait3A_484] : memref<10000x128xf32, #tpu.memory_space<vmem_shared>> -> memref<10000x128xf32, #tpu.memory_space<vmem_shared>>
        tpu.wait_indirect_dma semaphore(%run_scoped3A : memref<!tpu.dma_semaphore, #tpu.memory_space<semaphore_mem>>) src(%arg21 : memref<40x128xf32, #tpu.memory_space<vmem>>) dst(%dma_wait3A_485 : memref<10000x128xf32, #tpu.memory_space<vmem_shared>>)
        tpu.yield
      }) : () -> ()
      %dma_wait3A_361 = tpu.memref_slice %arg6[%add3A_273, %mul3A_275] : memref<160000x256xf32, #tpu.memory_space<hbm>> -> memref<40x128xf32, #tpu.memory_space<hbm>>
      %dma_wait3A_362 = tpu.memref_slice %arg6[%add3A_273, %mul3A_275] : memref<160000x256xf32, #tpu.memory_space<hbm>> -> memref<40x128xf32, #tpu.memory_space<hbm>>
      tpu.wait_dma2 semaphore(%arg28 : memref<!tpu.dma_semaphore, #tpu.memory_space<semaphore_mem>>) src(%arg20 : memref<40x128xf32, #tpu.memory_space<vmem>>) dst(%dma_wait3A_362 : memref<40x128xf32, #tpu.memory_space<hbm>>)
      %dma_wait3A_363 = arith.constant 0 : i32
      %dma_wait3A_364 = tpu.memref_slice %arg9[%arg0, %add3A_278, %dma_wait3A_363] : memref<2x160000x128xf32, #tpu.memory_space<hbm>> -> memref<1x40x128xf32, #tpu.memory_space<hbm>>
      %dma_wait3A_365 = tpu.memref_squeeze %dma_wait3A_364 : memref<1x40x128xf32, #tpu.memory_space<hbm>> -> memref<40x128xf32, #tpu.memory_space<hbm>>
      %dma_wait3A_366 = arith.constant 0 : i32
      %dma_wait3A_367 = tpu.memref_slice %arg9[%arg0, %add3A_278, %dma_wait3A_366] : memref<2x160000x128xf32, #tpu.memory_space<hbm>> -> memref<1x40x128xf32, #tpu.memory_space<hbm>>
      %dma_wait3A_368 = tpu.memref_squeeze %dma_wait3A_367 : memref<1x40x128xf32, #tpu.memory_space<hbm>> -> memref<40x128xf32, #tpu.memory_space<hbm>>
      tpu.wait_dma2 semaphore(%arg28 : memref<!tpu.dma_semaphore, #tpu.memory_space<semaphore_mem>>) src(%arg22 : memref<40x128xf32, #tpu.memory_space<vmem>>) dst(%dma_wait3A_368 : memref<40x128xf32, #tpu.memory_space<hbm>>)
      %jit3A_369 = arith.constant 25 : i32
      %eq3A_370 = arith.constant 0 : i32
      %eq3A_371 = arith.cmpi eq, %jit3A_369, %eq3A_370 : i32
      %jit3A_372 = arith.constant 1 : i32
      %select_n3A_373 = arith.select %eq3A_371, %jit3A_372, %jit3A_369 : i32
      %rem3A_374 = arith.remsi %add3A_119, %select_n3A_373 : i32
      %ne3A_375 = arith.constant 0 : i32
      %ne3A_376 = arith.cmpi ne, %rem3A_374, %ne3A_375 : i32
      %lt3A_377 = arith.constant 0 : i32
      %lt3A_378 = arith.cmpi slt, %rem3A_374, %lt3A_377 : i32
      %lt3A_379 = arith.constant 0 : i32
      %lt3A_380 = arith.cmpi slt, %select_n3A_373, %lt3A_379 : i32
      %ne3A_381 = arith.xori %lt3A_378, %lt3A_380 : i1
      %and3A_382 = arith.andi %ne3A_381, %ne3A_376 : i1
      %add3A_383 = arith.addi %rem3A_374, %select_n3A_373 : i32
      %select_n3A_384 = arith.select %and3A_382, %add3A_383, %rem3A_374 : i32
      %lt3A_385 = arith.constant 24 : i32
      %lt3A_386 = arith.cmpi slt, %select_n3A_384, %lt3A_385 : i32
      %convert_element_type3A_387 = arith.extui %lt3A_386 : i1 to i32
      %cond3A_388 = arith.constant 0 : i32
      %cond3A_389 = arith.cmpi ne, %convert_element_type3A_387, %cond3A_388 : i32
      scf.if %cond3A_389 {
        %add3A_480 = arith.constant 2 : i32
        %add3A_481 = arith.addi %mul3A_132, %add3A_480 : i32
        %mul3A_482 = arith.constant 40 : i32
        %mul3A_483 = arith.muli %add3A_481, %mul3A_482 : i32
        %add3A_484 = arith.constant 0 : i32
        %add3A_485 = arith.addi %mul3A_483, %add3A_484 : i32
        %get3A_486 = arith.index_cast %add3A_485 : i32 to index
        %get3A_487 = tpu.vector_load %arg10[%get3A_486] {strides = array<i32>} : memref<2000xi32, #tpu.memory_space<vmem>>, vector<16xi32>,
        %get3A_488 = vector.shape_cast %get3A_487 : vector<16xi32> to vector<16xi32>
        %add3A_489 = vector.broadcast %mul3A_3 : i32 to vector<16xi32>
        %add3A_490 = arith.addi %get3A_488, %add3A_489 : vector<16xi32>
        %swap3A_491 = arith.constant 0 : index
        %swap3A_492 = tpu.vector_load %arg12[%swap3A_491] {strides = array<i32>} : memref<80xi32, #tpu.memory_space<vmem>>, vector<16xi32>,
        %swap3A_493 = vector.shape_cast %swap3A_492 : vector<16xi32> to vector<16xi32>
        %swap3A_494 = vector.shape_cast %add3A_490 : vector<16xi32> to vector<16xi32>
        tpu.vector_store %arg12[%swap3A_491], %swap3A_494 {strides = array<i32>} : memref<80xi32, #tpu.memory_space<vmem>>, vector<16xi32>,
        %add3A_495 = arith.constant 0 : i32
        %add3A_496 = arith.addi %mul3A_483, %add3A_495 : i32
        %get3A_497 = arith.index_cast %add3A_496 : i32 to index
        %get3A_498 = tpu.vector_load %arg11[%get3A_497] {strides = array<i32>} : memref<2000xi32, #tpu.memory_space<vmem>>, vector<16xi32>,
        %get3A_499 = vector.shape_cast %get3A_498 : vector<16xi32> to vector<16xi32>
        %add3A_500 = vector.broadcast %mul3A_7 : i32 to vector<16xi32>
        %add3A_501 = arith.addi %get3A_499, %add3A_500 : vector<16xi32>
        %swap3A_502 = arith.constant 40 : index
        %swap3A_503 = tpu.vector_load %arg12[%swap3A_502] {strides = array<i32>} : memref<80xi32, #tpu.memory_space<vmem>>, vector<16xi32>,
        %swap3A_504 = vector.shape_cast %swap3A_503 : vector<16xi32> to vector<16xi32>
        %swap3A_505 = vector.shape_cast %add3A_501 : vector<16xi32> to vector<16xi32>
        tpu.vector_store %arg12[%swap3A_502], %swap3A_505 {strides = array<i32>} : memref<80xi32, #tpu.memory_space<vmem>>, vector<16xi32>,
        %add3A_506 = arith.constant 16 : i32
        %add3A_507 = arith.addi %mul3A_483, %add3A_506 : i32
        %get3A_508 = arith.index_cast %add3A_507 : i32 to index
        %get3A_509 = tpu.vector_load %arg10[%get3A_508] {strides = array<i32>} : memref<2000xi32, #tpu.memory_space<vmem>>, vector<16xi32>,
        %get3A_510 = vector.shape_cast %get3A_509 : vector<16xi32> to vector<16xi32>
        %add3A_511 = vector.broadcast %mul3A_3 : i32 to vector<16xi32>
        %add3A_512 = arith.addi %get3A_510, %add3A_511 : vector<16xi32>
        %swap3A_513 = arith.constant 16 : index
        %swap3A_514 = tpu.vector_load %arg12[%swap3A_513] {strides = array<i32>} : memref<80xi32, #tpu.memory_space<vmem>>, vector<16xi32>,
        %swap3A_515 = vector.shape_cast %swap3A_514 : vector<16xi32> to vector<16xi32>
        %swap3A_516 = vector.shape_cast %add3A_512 : vector<16xi32> to vector<16xi32>
        tpu.vector_store %arg12[%swap3A_513], %swap3A_516 {strides = array<i32>} : memref<80xi32, #tpu.memory_space<vmem>>, vector<16xi32>,
        %add3A_517 = arith.constant 16 : i32
        %add3A_518 = arith.addi %mul3A_483, %add3A_517 : i32
        %get3A_519 = arith.index_cast %add3A_518 : i32 to index
        %get3A_520 = tpu.vector_load %arg11[%get3A_519] {strides = array<i32>} : memref<2000xi32, #tpu.memory_space<vmem>>, vector<16xi32>,
        %get3A_521 = vector.shape_cast %get3A_520 : vector<16xi32> to vector<16xi32>
        %add3A_522 = vector.broadcast %mul3A_7 : i32 to vector<16xi32>
        %add3A_523 = arith.addi %get3A_521, %add3A_522 : vector<16xi32>
        %swap3A_524 = arith.constant 56 : index
        %swap3A_525 = tpu.vector_load %arg12[%swap3A_524] {strides = array<i32>} : memref<80xi32, #tpu.memory_space<vmem>>, vector<16xi32>,
        %swap3A_526 = vector.shape_cast %swap3A_525 : vector<16xi32> to vector<16xi32>
        %swap3A_527 = vector.shape_cast %add3A_523 : vector<16xi32> to vector<16xi32>
        tpu.vector_store %arg12[%swap3A_524], %swap3A_527 {strides = array<i32>} : memref<80xi32, #tpu.memory_space<vmem>>, vector<16xi32>,
        %add3A_528 = arith.constant 24 : i32
        %add3A_529 = arith.addi %mul3A_483, %add3A_528 : i32
        %get3A_530 = arith.index_cast %add3A_529 : i32 to index
        %get3A_531 = tpu.vector_load %arg10[%get3A_530] {strides = array<i32>} : memref<2000xi32, #tpu.memory_space<vmem>>, vector<16xi32>,
        %get3A_532 = vector.shape_cast %get3A_531 : vector<16xi32> to vector<16xi32>
        %add3A_533 = vector.broadcast %mul3A_3 : i32 to vector<16xi32>
        %add3A_534 = arith.addi %get3A_532, %add3A_533 : vector<16xi32>
        %swap3A_535 = arith.constant 24 : index
        %swap3A_536 = tpu.vector_load %arg12[%swap3A_535] {strides = array<i32>} : memref<80xi32, #tpu.memory_space<vmem>>, vector<16xi32>,
        %swap3A_537 = vector.shape_cast %swap3A_536 : vector<16xi32> to vector<16xi32>
        %swap3A_538 = vector.shape_cast %add3A_534 : vector<16xi32> to vector<16xi32>
        tpu.vector_store %arg12[%swap3A_535], %swap3A_538 {strides = array<i32>} : memref<80xi32, #tpu.memory_space<vmem>>, vector<16xi32>,
        %add3A_539 = arith.constant 24 : i32
        %add3A_540 = arith.addi %mul3A_483, %add3A_539 : i32
        %get3A_541 = arith.index_cast %add3A_540 : i32 to index
        %get3A_542 = tpu.vector_load %arg11[%get3A_541] {strides = array<i32>} : memref<2000xi32, #tpu.memory_space<vmem>>, vector<16xi32>,
        %get3A_543 = vector.shape_cast %get3A_542 : vector<16xi32> to vector<16xi32>
        %add3A_544 = vector.broadcast %mul3A_7 : i32 to vector<16xi32>
        %add3A_545 = arith.addi %get3A_543, %add3A_544 : vector<16xi32>
        %swap3A_546 = arith.constant 64 : index
        %swap3A_547 = tpu.vector_load %arg12[%swap3A_546] {strides = array<i32>} : memref<80xi32, #tpu.memory_space<vmem>>, vector<16xi32>,
        %swap3A_548 = vector.shape_cast %swap3A_547 : vector<16xi32> to vector<16xi32>
        %swap3A_549 = vector.shape_cast %add3A_545 : vector<16xi32> to vector<16xi32>
        tpu.vector_store %arg12[%swap3A_546], %swap3A_549 {strides = array<i32>} : memref<80xi32, #tpu.memory_space<vmem>>, vector<16xi32>,
        %dma_start3A_550 = arith.constant 0 : i32
        %dma_start3A_551 = arith.constant 0 : i32
        %dma_start3A_552 = tpu.memref_slice %arg2[%dma_start3A_550, %dma_start3A_551] : memref<60000x128xf32, #tpu.memory_space<hbm>> -> memref<60000x128xf32, #tpu.memory_space<hbm>>
        tpu.enqueue_indirect_dma source(%dma_start3A_552 : memref<60000x128xf32, #tpu.memory_space<hbm>>) target(%arg16 : memref<80x128xf32, #tpu.memory_space<vmem>>) offsets(%arg12 : memref<80xi32, #tpu.memory_space<vmem>>) semaphore(%arg24 : memref<!tpu.dma_semaphore, #tpu.memory_space<semaphore_mem>>)
      } else {
      }
      %dma_wait3A_390 = arith.constant 0 : i32
      %dma_wait3A_391 = arith.constant 0 : i32
      %dma_wait3A_392 = tpu.memref_slice %arg2[%dma_wait3A_390, %dma_wait3A_391] : memref<60000x128xf32, #tpu.memory_space<hbm>> -> memref<60000x128xf32, #tpu.memory_space<hbm>>
      tpu.wait_indirect_dma semaphore(%arg25 : memref<!tpu.dma_semaphore, #tpu.memory_space<semaphore_mem>>) src(%dma_wait3A_392 : memref<60000x128xf32, #tpu.memory_space<hbm>>) dst(%arg17 : memref<80x128xf32, #tpu.memory_space<vmem>>)
      %dma_wait3A_393 = arith.constant 0 : i32
      %dma_wait3A_394 = arith.constant 0 : i32
      %dma_wait3A_395 = tpu.memref_slice %arg2[%dma_wait3A_393, %dma_wait3A_394] : memref<60000x128xf32, #tpu.memory_space<hbm>> -> memref<60000x128xf32, #tpu.memory_space<hbm>>
      tpu.wait_indirect_dma semaphore(%arg26 : memref<!tpu.dma_semaphore, #tpu.memory_space<semaphore_mem>>) src(%dma_wait3A_395 : memref<60000x128xf32, #tpu.memory_space<hbm>>) dst(%arg18 : memref<40x128xf32, #tpu.memory_space<vmem>>)
      %add3A_396 = arith.addi %mul3A_0, %add3A_160 : i32
      %dma_wait3A_397 = arith.constant 0 : i32
      %dma_wait3A_398 = tpu.memref_slice %arg3[%arg0, %add3A_396, %dma_wait3A_397] : memref<2x160000x128xf32, #tpu.memory_space<hbm>> -> memref<1x40x128xf32, #tpu.memory_space<hbm>>
      %dma_wait3A_399 = tpu.memref_squeeze %dma_wait3A_398 : memref<1x40x128xf32, #tpu.memory_space<hbm>> -> memref<40x128xf32, #tpu.memory_space<hbm>>
      %dma_wait3A_400 = arith.constant 0 : i32
      %dma_wait3A_401 = tpu.memref_slice %arg3[%arg0, %add3A_396, %dma_wait3A_400] : memref<2x160000x128xf32, #tpu.memory_space<hbm>> -> memref<1x40x128xf32, #tpu.memory_space<hbm>>
      %dma_wait3A_402 = tpu.memref_squeeze %dma_wait3A_401 : memref<1x40x128xf32, #tpu.memory_space<hbm>> -> memref<40x128xf32, #tpu.memory_space<hbm>>
      tpu.wait_dma2 semaphore(%arg27 : memref<!tpu.dma_semaphore, #tpu.memory_space<semaphore_mem>>) src(%dma_wait3A_402 : memref<40x128xf32, #tpu.memory_space<hbm>>) dst(%arg19 : memref<40x128xf32, #tpu.memory_space<vmem>>)
      %scan3A_403 = arith.constant 0 : i32
      %scan3A_404 = arith.constant 40 : i32
      %scan3A_405 = arith.addi %scan3A_403, %scan3A_404 : i32
      %scan3A_406 = arith.constant 1 : i32
      scf.for %scan3A_480 = %scan3A_403 to %scan3A_405 step %scan3A_406  : i32 {
        %mul3A_481 = arith.constant 1 : i32
        %mul3A_482 = arith.muli %scan3A_480, %mul3A_481 : i32
        %add3A_483 = arith.constant 0 : i32
        %add3A_484 = arith.addi %add3A_483, %mul3A_482 : i32
        %get3A_485 = arith.index_cast %add3A_484 : i32 to index
        %get3A_486 = arith.constant 0 : index
        %get3A_487 = tpu.vector_load %arg19[%get3A_485, %get3A_486] {strides = array<i32>} : memref<40x128xf32, #tpu.memory_space<vmem>>, vector<1x16xf32>,
        %get3A_488 = vector.shape_cast %get3A_487 : vector<1x16xf32> to vector<16xf32>
        %get3A_489 = arith.index_cast %add3A_484 : i32 to index
        %get3A_490 = arith.constant 0 : index
        %get3A_491 = tpu.vector_load %arg17[%get3A_489, %get3A_490] {strides = array<i32>} : memref<80x128xf32, #tpu.memory_space<vmem>>, vector<1x16xf32>,
        %get3A_492 = vector.shape_cast %get3A_491 : vector<1x16xf32> to vector<16xf32>
        %add3A_493 = arith.addf %get3A_488, %get3A_492 : vector<16xf32>
        %add3A_494 = arith.constant 40 : i32
        %add3A_495 = arith.addi %add3A_494, %add3A_484 : i32
        %get3A_496 = arith.index_cast %add3A_495 : i32 to index
        %get3A_497 = arith.constant 0 : index
        %get3A_498 = tpu.vector_load %arg17[%get3A_496, %get3A_497] {strides = array<i32>} : memref<80x128xf32, #tpu.memory_space<vmem>>, vector<1x16xf32>,
        %get3A_499 = vector.shape_cast %get3A_498 : vector<1x16xf32> to vector<16xf32>
        %add3A_500 = arith.addf %add3A_493, %get3A_499 : vector<16xf32>
        %swap3A_501 = arith.index_cast %add3A_484 : i32 to index
        %swap3A_502 = arith.constant 0 : index
        %swap3A_503 = tpu.vector_load %arg20[%swap3A_501, %swap3A_502] {strides = array<i32>} : memref<40x128xf32, #tpu.memory_space<vmem>>, vector<1x16xf32>,
        %swap3A_504 = vector.shape_cast %swap3A_503 : vector<1x16xf32> to vector<16xf32>
        %swap3A_505 = vector.shape_cast %add3A_500 : vector<16xf32> to vector<1x16xf32>
        tpu.vector_store %arg20[%swap3A_501, %swap3A_502], %swap3A_505 {strides = array<i32>} : memref<40x128xf32, #tpu.memory_space<vmem>>, vector<1x16xf32>,
        %neg3A = arith.constant 0.000000e+00 : f32
        %neg3A_506 = vector.broadcast %neg3A : f32 to vector<16xf32>
        %neg3A_507 = arith.subf %neg3A_506, %add3A_500 : vector<16xf32>
        %exp3A = math.exp %neg3A_507 : vector<16xf32>
        %add3A_508 = arith.constant 1.000000e+00 : f32
        %add3A_509 = vector.broadcast %add3A_508 : f32 to vector<16xf32>
        %add3A_510 = arith.addf %add3A_509, %exp3A : vector<16xf32>
        %div3A_511 = arith.constant 1.000000e+00 : f32
        %div3A_512 = vector.broadcast %div3A_511 : f32 to vector<16xf32>
        %div3A_513 = arith.divf %div3A_512, %add3A_510 : vector<16xf32>
        %get3A_514 = arith.index_cast %add3A_484 : i32 to index
        %get3A_515 = arith.constant 0 : index
        %get3A_516 = tpu.vector_load %arg18[%get3A_514, %get3A_515] {strides = array<i32>} : memref<40x128xf32, #tpu.memory_space<vmem>>, vector<1x16xf32>,
        %get3A_517 = vector.shape_cast %get3A_516 : vector<1x16xf32> to vector<16xf32>
        %mul3A_518 = arith.mulf %div3A_513, %get3A_517 : vector<16xf32>
        %swap3A_519 = arith.index_cast %add3A_484 : i32 to index
        %swap3A_520 = arith.constant 0 : index
        %swap3A_521 = tpu.vector_load %arg21[%swap3A_519, %swap3A_520] {strides = array<i32>} : memref<40x128xf32, #tpu.memory_space<vmem>>, vector<1x16xf32>,
        %swap3A_522 = vector.shape_cast %swap3A_521 : vector<1x16xf32> to vector<16xf32>
        %swap3A_523 = vector.shape_cast %mul3A_518 : vector<16xf32> to vector<1x16xf32>
        tpu.vector_store %arg21[%swap3A_519, %swap3A_520], %swap3A_523 {strides = array<i32>} : memref<40x128xf32, #tpu.memory_space<vmem>>, vector<1x16xf32>,
        %swap3A_524 = arith.index_cast %add3A_484 : i32 to index
        %swap3A_525 = arith.constant 64 : index
        %swap3A_526 = tpu.vector_load %arg21[%swap3A_524, %swap3A_525] {strides = array<i32>} : memref<40x128xf32, #tpu.memory_space<vmem>>, vector<1x16xf32>,
        %swap3A_527 = vector.shape_cast %swap3A_526 : vector<1x16xf32> to vector<16xf32>
        %swap3A_528 = vector.shape_cast %div3A_513 : vector<16xf32> to vector<1x16xf32>
        tpu.vector_store %arg21[%swap3A_524, %swap3A_525], %swap3A_528 {strides = array<i32>} : memref<40x128xf32, #tpu.memory_space<vmem>>, vector<1x16xf32>,
        %get3A_529 = arith.index_cast %add3A_484 : i32 to index
        %get3A_530 = arith.constant 16 : index
        %get3A_531 = tpu.vector_load %arg19[%get3A_529, %get3A_530] {strides = array<i32>} : memref<40x128xf32, #tpu.memory_space<vmem>>, vector<1x16xf32>,
        %get3A_532 = vector.shape_cast %get3A_531 : vector<1x16xf32> to vector<16xf32>
        %get3A_533 = arith.index_cast %add3A_484 : i32 to index
        %get3A_534 = arith.constant 16 : index
        %get3A_535 = tpu.vector_load %arg17[%get3A_533, %get3A_534] {strides = array<i32>} : memref<80x128xf32, #tpu.memory_space<vmem>>, vector<1x16xf32>,
        %get3A_536 = vector.shape_cast %get3A_535 : vector<1x16xf32> to vector<16xf32>
        %add3A_537 = arith.addf %get3A_532, %get3A_536 : vector<16xf32>
        %add3A_538 = arith.constant 40 : i32
        %add3A_539 = arith.addi %add3A_538, %add3A_484 : i32
        %get3A_540 = arith.index_cast %add3A_539 : i32 to index
        %get3A_541 = arith.constant 16 : index
        %get3A_542 = tpu.vector_load %arg17[%get3A_540, %get3A_541] {strides = array<i32>} : memref<80x128xf32, #tpu.memory_space<vmem>>, vector<1x16xf32>,
        %get3A_543 = vector.shape_cast %get3A_542 : vector<1x16xf32> to vector<16xf32>
        %add3A_544 = arith.addf %add3A_537, %get3A_543 : vector<16xf32>
        %swap3A_545 = arith.index_cast %add3A_484 : i32 to index
        %swap3A_546 = arith.constant 16 : index
        %swap3A_547 = tpu.vector_load %arg20[%swap3A_545, %swap3A_546] {strides = array<i32>} : memref<40x128xf32, #tpu.memory_space<vmem>>, vector<1x16xf32>,
        %swap3A_548 = vector.shape_cast %swap3A_547 : vector<1x16xf32> to vector<16xf32>
        %swap3A_549 = vector.shape_cast %add3A_544 : vector<16xf32> to vector<1x16xf32>
        tpu.vector_store %arg20[%swap3A_545, %swap3A_546], %swap3A_549 {strides = array<i32>} : memref<40x128xf32, #tpu.memory_space<vmem>>, vector<1x16xf32>,
        %neg3A_550 = arith.constant 0.000000e+00 : f32
        %neg3A_551 = vector.broadcast %neg3A_550 : f32 to vector<16xf32>
        %neg3A_552 = arith.subf %neg3A_551, %add3A_544 : vector<16xf32>
        %exp3A_553 = math.exp %neg3A_552 : vector<16xf32>
        %add3A_554 = arith.constant 1.000000e+00 : f32
        %add3A_555 = vector.broadcast %add3A_554 : f32 to vector<16xf32>
        %add3A_556 = arith.addf %add3A_555, %exp3A_553 : vector<16xf32>
        %div3A_557 = arith.constant 1.000000e+00 : f32
        %div3A_558 = vector.broadcast %div3A_557 : f32 to vector<16xf32>
        %div3A_559 = arith.divf %div3A_558, %add3A_556 : vector<16xf32>
        %get3A_560 = arith.index_cast %add3A_484 : i32 to index
        %get3A_561 = arith.constant 16 : index
        %get3A_562 = tpu.vector_load %arg18[%get3A_560, %get3A_561] {strides = array<i32>} : memref<40x128xf32, #tpu.memory_space<vmem>>, vector<1x16xf32>,
        %get3A_563 = vector.shape_cast %get3A_562 : vector<1x16xf32> to vector<16xf32>
        %mul3A_564 = arith.mulf %div3A_559, %get3A_563 : vector<16xf32>
        %swap3A_565 = arith.index_cast %add3A_484 : i32 to index
        %swap3A_566 = arith.constant 16 : index
        %swap3A_567 = tpu.vector_load %arg21[%swap3A_565, %swap3A_566] {strides = array<i32>} : memref<40x128xf32, #tpu.memory_space<vmem>>, vector<1x16xf32>,
        %swap3A_568 = vector.shape_cast %swap3A_567 : vector<1x16xf32> to vector<16xf32>
        %swap3A_569 = vector.shape_cast %mul3A_564 : vector<16xf32> to vector<1x16xf32>
        tpu.vector_store %arg21[%swap3A_565, %swap3A_566], %swap3A_569 {strides = array<i32>} : memref<40x128xf32, #tpu.memory_space<vmem>>, vector<1x16xf32>,
        %swap3A_570 = arith.index_cast %add3A_484 : i32 to index
        %swap3A_571 = arith.constant 80 : index
        %swap3A_572 = tpu.vector_load %arg21[%swap3A_570, %swap3A_571] {strides = array<i32>} : memref<40x128xf32, #tpu.memory_space<vmem>>, vector<1x16xf32>,
        %swap3A_573 = vector.shape_cast %swap3A_572 : vector<1x16xf32> to vector<16xf32>
        %swap3A_574 = vector.shape_cast %div3A_559 : vector<16xf32> to vector<1x16xf32>
        tpu.vector_store %arg21[%swap3A_570, %swap3A_571], %swap3A_574 {strides = array<i32>} : memref<40x128xf32, #tpu.memory_space<vmem>>, vector<1x16xf32>,
        %get3A_575 = arith.index_cast %add3A_484 : i32 to index
        %get3A_576 = arith.constant 32 : index
        %get3A_577 = tpu.vector_load %arg19[%get3A_575, %get3A_576] {strides = array<i32>} : memref<40x128xf32, #tpu.memory_space<vmem>>, vector<1x16xf32>,
        %get3A_578 = vector.shape_cast %get3A_577 : vector<1x16xf32> to vector<16xf32>
        %get3A_579 = arith.index_cast %add3A_484 : i32 to index
        %get3A_580 = arith.constant 32 : index
        %get3A_581 = tpu.vector_load %arg17[%get3A_579, %get3A_580] {strides = array<i32>} : memref<80x128xf32, #tpu.memory_space<vmem>>, vector<1x16xf32>,
        %get3A_582 = vector.shape_cast %get3A_581 : vector<1x16xf32> to vector<16xf32>
        %add3A_583 = arith.addf %get3A_578, %get3A_582 : vector<16xf32>
        %add3A_584 = arith.constant 40 : i32
        %add3A_585 = arith.addi %add3A_584, %add3A_484 : i32
        %get3A_586 = arith.index_cast %add3A_585 : i32 to index
        %get3A_587 = arith.constant 32 : index
        %get3A_588 = tpu.vector_load %arg17[%get3A_586, %get3A_587] {strides = array<i32>} : memref<80x128xf32, #tpu.memory_space<vmem>>, vector<1x16xf32>,
        %get3A_589 = vector.shape_cast %get3A_588 : vector<1x16xf32> to vector<16xf32>
        %add3A_590 = arith.addf %add3A_583, %get3A_589 : vector<16xf32>
        %swap3A_591 = arith.index_cast %add3A_484 : i32 to index
        %swap3A_592 = arith.constant 32 : index
        %swap3A_593 = tpu.vector_load %arg20[%swap3A_591, %swap3A_592] {strides = array<i32>} : memref<40x128xf32, #tpu.memory_space<vmem>>, vector<1x16xf32>,
        %swap3A_594 = vector.shape_cast %swap3A_593 : vector<1x16xf32> to vector<16xf32>
        %swap3A_595 = vector.shape_cast %add3A_590 : vector<16xf32> to vector<1x16xf32>
        tpu.vector_store %arg20[%swap3A_591, %swap3A_592], %swap3A_595 {strides = array<i32>} : memref<40x128xf32, #tpu.memory_space<vmem>>, vector<1x16xf32>,
        %neg3A_596 = arith.constant 0.000000e+00 : f32
        %neg3A_597 = vector.broadcast %neg3A_596 : f32 to vector<16xf32>
        %neg3A_598 = arith.subf %neg3A_597, %add3A_590 : vector<16xf32>
        %exp3A_599 = math.exp %neg3A_598 : vector<16xf32>
        %add3A_600 = arith.constant 1.000000e+00 : f32
        %add3A_601 = vector.broadcast %add3A_600 : f32 to vector<16xf32>
        %add3A_602 = arith.addf %add3A_601, %exp3A_599 : vector<16xf32>
        %div3A_603 = arith.constant 1.000000e+00 : f32
        %div3A_604 = vector.broadcast %div3A_603 : f32 to vector<16xf32>
        %div3A_605 = arith.divf %div3A_604, %add3A_602 : vector<16xf32>
        %get3A_606 = arith.index_cast %add3A_484 : i32 to index
        %get3A_607 = arith.constant 32 : index
        %get3A_608 = tpu.vector_load %arg18[%get3A_606, %get3A_607] {strides = array<i32>} : memref<40x128xf32, #tpu.memory_space<vmem>>, vector<1x16xf32>,
        %get3A_609 = vector.shape_cast %get3A_608 : vector<1x16xf32> to vector<16xf32>
        %mul3A_610 = arith.mulf %div3A_605, %get3A_609 : vector<16xf32>
        %swap3A_611 = arith.index_cast %add3A_484 : i32 to index
        %swap3A_612 = arith.constant 32 : index
        %swap3A_613 = tpu.vector_load %arg21[%swap3A_611, %swap3A_612] {strides = array<i32>} : memref<40x128xf32, #tpu.memory_space<vmem>>, vector<1x16xf32>,
        %swap3A_614 = vector.shape_cast %swap3A_613 : vector<1x16xf32> to vector<16xf32>
        %swap3A_615 = vector.shape_cast %mul3A_610 : vector<16xf32> to vector<1x16xf32>
        tpu.vector_store %arg21[%swap3A_611, %swap3A_612], %swap3A_615 {strides = array<i32>} : memref<40x128xf32, #tpu.memory_space<vmem>>, vector<1x16xf32>,
        %swap3A_616 = arith.index_cast %add3A_484 : i32 to index
        %swap3A_617 = arith.constant 96 : index
        %swap3A_618 = tpu.vector_load %arg21[%swap3A_616, %swap3A_617] {strides = array<i32>} : memref<40x128xf32, #tpu.memory_space<vmem>>, vector<1x16xf32>,
        %swap3A_619 = vector.shape_cast %swap3A_618 : vector<1x16xf32> to vector<16xf32>
        %swap3A_620 = vector.shape_cast %div3A_605 : vector<16xf32> to vector<1x16xf32>
        tpu.vector_store %arg21[%swap3A_616, %swap3A_617], %swap3A_620 {strides = array<i32>} : memref<40x128xf32, #tpu.memory_space<vmem>>, vector<1x16xf32>,
        %get3A_621 = arith.index_cast %add3A_484 : i32 to index
        %get3A_622 = arith.constant 48 : index
        %get3A_623 = tpu.vector_load %arg19[%get3A_621, %get3A_622] {strides = array<i32>} : memref<40x128xf32, #tpu.memory_space<vmem>>, vector<1x16xf32>,
        %get3A_624 = vector.shape_cast %get3A_623 : vector<1x16xf32> to vector<16xf32>
        %get3A_625 = arith.index_cast %add3A_484 : i32 to index
        %get3A_626 = arith.constant 48 : index
        %get3A_627 = tpu.vector_load %arg17[%get3A_625, %get3A_626] {strides = array<i32>} : memref<80x128xf32, #tpu.memory_space<vmem>>, vector<1x16xf32>,
        %get3A_628 = vector.shape_cast %get3A_627 : vector<1x16xf32> to vector<16xf32>
        %add3A_629 = arith.addf %get3A_624, %get3A_628 : vector<16xf32>
        %add3A_630 = arith.constant 40 : i32
        %add3A_631 = arith.addi %add3A_630, %add3A_484 : i32
        %get3A_632 = arith.index_cast %add3A_631 : i32 to index
        %get3A_633 = arith.constant 48 : index
        %get3A_634 = tpu.vector_load %arg17[%get3A_632, %get3A_633] {strides = array<i32>} : memref<80x128xf32, #tpu.memory_space<vmem>>, vector<1x16xf32>,
        %get3A_635 = vector.shape_cast %get3A_634 : vector<1x16xf32> to vector<16xf32>
        %add3A_636 = arith.addf %add3A_629, %get3A_635 : vector<16xf32>
        %swap3A_637 = arith.index_cast %add3A_484 : i32 to index
        %swap3A_638 = arith.constant 48 : index
        %swap3A_639 = tpu.vector_load %arg20[%swap3A_637, %swap3A_638] {strides = array<i32>} : memref<40x128xf32, #tpu.memory_space<vmem>>, vector<1x16xf32>,
        %swap3A_640 = vector.shape_cast %swap3A_639 : vector<1x16xf32> to vector<16xf32>
        %swap3A_641 = vector.shape_cast %add3A_636 : vector<16xf32> to vector<1x16xf32>
        tpu.vector_store %arg20[%swap3A_637, %swap3A_638], %swap3A_641 {strides = array<i32>} : memref<40x128xf32, #tpu.memory_space<vmem>>, vector<1x16xf32>,
        %neg3A_642 = arith.constant 0.000000e+00 : f32
        %neg3A_643 = vector.broadcast %neg3A_642 : f32 to vector<16xf32>
        %neg3A_644 = arith.subf %neg3A_643, %add3A_636 : vector<16xf32>
        %exp3A_645 = math.exp %neg3A_644 : vector<16xf32>
        %add3A_646 = arith.constant 1.000000e+00 : f32
        %add3A_647 = vector.broadcast %add3A_646 : f32 to vector<16xf32>
        %add3A_648 = arith.addf %add3A_647, %exp3A_645 : vector<16xf32>
        %div3A_649 = arith.constant 1.000000e+00 : f32
        %div3A_650 = vector.broadcast %div3A_649 : f32 to vector<16xf32>
        %div3A_651 = arith.divf %div3A_650, %add3A_648 : vector<16xf32>
        %get3A_652 = arith.index_cast %add3A_484 : i32 to index
        %get3A_653 = arith.constant 48 : index
        %get3A_654 = tpu.vector_load %arg18[%get3A_652, %get3A_653] {strides = array<i32>} : memref<40x128xf32, #tpu.memory_space<vmem>>, vector<1x16xf32>,
        %get3A_655 = vector.shape_cast %get3A_654 : vector<1x16xf32> to vector<16xf32>
        %mul3A_656 = arith.mulf %div3A_651, %get3A_655 : vector<16xf32>
        %swap3A_657 = arith.index_cast %add3A_484 : i32 to index
        %swap3A_658 = arith.constant 48 : index
        %swap3A_659 = tpu.vector_load %arg21[%swap3A_657, %swap3A_658] {strides = array<i32>} : memref<40x128xf32, #tpu.memory_space<vmem>>, vector<1x16xf32>,
        %swap3A_660 = vector.shape_cast %swap3A_659 : vector<1x16xf32> to vector<16xf32>
        %swap3A_661 = vector.shape_cast %mul3A_656 : vector<16xf32> to vector<1x16xf32>
        tpu.vector_store %arg21[%swap3A_657, %swap3A_658], %swap3A_661 {strides = array<i32>} : memref<40x128xf32, #tpu.memory_space<vmem>>, vector<1x16xf32>,
        %swap3A_662 = arith.index_cast %add3A_484 : i32 to index
        %swap3A_663 = arith.constant 112 : index
        %swap3A_664 = tpu.vector_load %arg21[%swap3A_662, %swap3A_663] {strides = array<i32>} : memref<40x128xf32, #tpu.memory_space<vmem>>, vector<1x16xf32>,
        %swap3A_665 = vector.shape_cast %swap3A_664 : vector<1x16xf32> to vector<16xf32>
        %swap3A_666 = vector.shape_cast %div3A_651 : vector<16xf32> to vector<1x16xf32>
        tpu.vector_store %arg21[%swap3A_662, %swap3A_663], %swap3A_666 {strides = array<i32>} : memref<40x128xf32, #tpu.memory_space<vmem>>, vector<1x16xf32>,
        %get3A_667 = arith.index_cast %add3A_484 : i32 to index
        %get3A_668 = arith.constant 64 : index
        %get3A_669 = tpu.vector_load %arg19[%get3A_667, %get3A_668] {strides = array<i32>} : memref<40x128xf32, #tpu.memory_space<vmem>>, vector<1x16xf32>,
        %get3A_670 = vector.shape_cast %get3A_669 : vector<1x16xf32> to vector<16xf32>
        %get3A_671 = arith.index_cast %add3A_484 : i32 to index
        %get3A_672 = arith.constant 64 : index
        %get3A_673 = tpu.vector_load %arg17[%get3A_671, %get3A_672] {strides = array<i32>} : memref<80x128xf32, #tpu.memory_space<vmem>>, vector<1x16xf32>,
        %get3A_674 = vector.shape_cast %get3A_673 : vector<1x16xf32> to vector<16xf32>
        %add3A_675 = arith.addf %get3A_670, %get3A_674 : vector<16xf32>
        %add3A_676 = arith.constant 40 : i32
        %add3A_677 = arith.addi %add3A_676, %add3A_484 : i32
        %get3A_678 = arith.index_cast %add3A_677 : i32 to index
        %get3A_679 = arith.constant 64 : index
        %get3A_680 = tpu.vector_load %arg17[%get3A_678, %get3A_679] {strides = array<i32>} : memref<80x128xf32, #tpu.memory_space<vmem>>, vector<1x16xf32>,
        %get3A_681 = vector.shape_cast %get3A_680 : vector<1x16xf32> to vector<16xf32>
        %add3A_682 = arith.addf %add3A_675, %get3A_681 : vector<16xf32>
        %swap3A_683 = arith.index_cast %add3A_484 : i32 to index
        %swap3A_684 = arith.constant 64 : index
        %swap3A_685 = tpu.vector_load %arg20[%swap3A_683, %swap3A_684] {strides = array<i32>} : memref<40x128xf32, #tpu.memory_space<vmem>>, vector<1x16xf32>,
        %swap3A_686 = vector.shape_cast %swap3A_685 : vector<1x16xf32> to vector<16xf32>
        %swap3A_687 = vector.shape_cast %add3A_682 : vector<16xf32> to vector<1x16xf32>
        tpu.vector_store %arg20[%swap3A_683, %swap3A_684], %swap3A_687 {strides = array<i32>} : memref<40x128xf32, #tpu.memory_space<vmem>>, vector<1x16xf32>,
        %neg3A_688 = arith.constant 0.000000e+00 : f32
        %neg3A_689 = vector.broadcast %neg3A_688 : f32 to vector<16xf32>
        %neg3A_690 = arith.subf %neg3A_689, %add3A_682 : vector<16xf32>
        %exp3A_691 = math.exp %neg3A_690 : vector<16xf32>
        %add3A_692 = arith.constant 1.000000e+00 : f32
        %add3A_693 = vector.broadcast %add3A_692 : f32 to vector<16xf32>
        %add3A_694 = arith.addf %add3A_693, %exp3A_691 : vector<16xf32>
        %div3A_695 = arith.constant 1.000000e+00 : f32
        %div3A_696 = vector.broadcast %div3A_695 : f32 to vector<16xf32>
        %div3A_697 = arith.divf %div3A_696, %add3A_694 : vector<16xf32>
        %get3A_698 = arith.index_cast %add3A_484 : i32 to index
        %get3A_699 = arith.constant 64 : index
        %get3A_700 = tpu.vector_load %arg18[%get3A_698, %get3A_699] {strides = array<i32>} : memref<40x128xf32, #tpu.memory_space<vmem>>, vector<1x16xf32>,
        %get3A_701 = vector.shape_cast %get3A_700 : vector<1x16xf32> to vector<16xf32>
        %mul3A_702 = arith.mulf %div3A_697, %get3A_701 : vector<16xf32>
        %swap3A_703 = arith.index_cast %add3A_484 : i32 to index
        %swap3A_704 = arith.constant 0 : index
        %swap3A_705 = tpu.vector_load %arg22[%swap3A_703, %swap3A_704] {strides = array<i32>} : memref<40x128xf32, #tpu.memory_space<vmem>>, vector<1x16xf32>,
        %swap3A_706 = vector.shape_cast %swap3A_705 : vector<1x16xf32> to vector<16xf32>
        %swap3A_707 = vector.shape_cast %mul3A_702 : vector<16xf32> to vector<1x16xf32>
        tpu.vector_store %arg22[%swap3A_703, %swap3A_704], %swap3A_707 {strides = array<i32>} : memref<40x128xf32, #tpu.memory_space<vmem>>, vector<1x16xf32>,
        %swap3A_708 = arith.index_cast %add3A_484 : i32 to index
        %swap3A_709 = arith.constant 64 : index
        %swap3A_710 = tpu.vector_load %arg22[%swap3A_708, %swap3A_709] {strides = array<i32>} : memref<40x128xf32, #tpu.memory_space<vmem>>, vector<1x16xf32>,
        %swap3A_711 = vector.shape_cast %swap3A_710 : vector<1x16xf32> to vector<16xf32>
        %swap3A_712 = vector.shape_cast %div3A_697 : vector<16xf32> to vector<1x16xf32>
        tpu.vector_store %arg22[%swap3A_708, %swap3A_709], %swap3A_712 {strides = array<i32>} : memref<40x128xf32, #tpu.memory_space<vmem>>, vector<1x16xf32>,
        %get3A_713 = arith.index_cast %add3A_484 : i32 to index
        %get3A_714 = arith.constant 80 : index
        %get3A_715 = tpu.vector_load %arg19[%get3A_713, %get3A_714] {strides = array<i32>} : memref<40x128xf32, #tpu.memory_space<vmem>>, vector<1x16xf32>,
        %get3A_716 = vector.shape_cast %get3A_715 : vector<1x16xf32> to vector<16xf32>
        %get3A_717 = arith.index_cast %add3A_484 : i32 to index
        %get3A_718 = arith.constant 80 : index
        %get3A_719 = tpu.vector_load %arg17[%get3A_717, %get3A_718] {strides = array<i32>} : memref<80x128xf32, #tpu.memory_space<vmem>>, vector<1x16xf32>,
        %get3A_720 = vector.shape_cast %get3A_719 : vector<1x16xf32> to vector<16xf32>
        %add3A_721 = arith.addf %get3A_716, %get3A_720 : vector<16xf32>
        %add3A_722 = arith.constant 40 : i32
        %add3A_723 = arith.addi %add3A_722, %add3A_484 : i32
        %get3A_724 = arith.index_cast %add3A_723 : i32 to index
        %get3A_725 = arith.constant 80 : index
        %get3A_726 = tpu.vector_load %arg17[%get3A_724, %get3A_725] {strides = array<i32>} : memref<80x128xf32, #tpu.memory_space<vmem>>, vector<1x16xf32>,
        %get3A_727 = vector.shape_cast %get3A_726 : vector<1x16xf32> to vector<16xf32>
        %add3A_728 = arith.addf %add3A_721, %get3A_727 : vector<16xf32>
        %swap3A_729 = arith.index_cast %add3A_484 : i32 to index
        %swap3A_730 = arith.constant 80 : index
        %swap3A_731 = tpu.vector_load %arg20[%swap3A_729, %swap3A_730] {strides = array<i32>} : memref<40x128xf32, #tpu.memory_space<vmem>>, vector<1x16xf32>,
        %swap3A_732 = vector.shape_cast %swap3A_731 : vector<1x16xf32> to vector<16xf32>
        %swap3A_733 = vector.shape_cast %add3A_728 : vector<16xf32> to vector<1x16xf32>
        tpu.vector_store %arg20[%swap3A_729, %swap3A_730], %swap3A_733 {strides = array<i32>} : memref<40x128xf32, #tpu.memory_space<vmem>>, vector<1x16xf32>,
        %neg3A_734 = arith.constant 0.000000e+00 : f32
        %neg3A_735 = vector.broadcast %neg3A_734 : f32 to vector<16xf32>
        %neg3A_736 = arith.subf %neg3A_735, %add3A_728 : vector<16xf32>
        %exp3A_737 = math.exp %neg3A_736 : vector<16xf32>
        %add3A_738 = arith.constant 1.000000e+00 : f32
        %add3A_739 = vector.broadcast %add3A_738 : f32 to vector<16xf32>
        %add3A_740 = arith.addf %add3A_739, %exp3A_737 : vector<16xf32>
        %div3A_741 = arith.constant 1.000000e+00 : f32
        %div3A_742 = vector.broadcast %div3A_741 : f32 to vector<16xf32>
        %div3A_743 = arith.divf %div3A_742, %add3A_740 : vector<16xf32>
        %get3A_744 = arith.index_cast %add3A_484 : i32 to index
        %get3A_745 = arith.constant 80 : index
        %get3A_746 = tpu.vector_load %arg18[%get3A_744, %get3A_745] {strides = array<i32>} : memref<40x128xf32, #tpu.memory_space<vmem>>, vector<1x16xf32>,
        %get3A_747 = vector.shape_cast %get3A_746 : vector<1x16xf32> to vector<16xf32>
        %mul3A_748 = arith.mulf %div3A_743, %get3A_747 : vector<16xf32>
        %swap3A_749 = arith.index_cast %add3A_484 : i32 to index
        %swap3A_750 = arith.constant 16 : index
        %swap3A_751 = tpu.vector_load %arg22[%swap3A_749, %swap3A_750] {strides = array<i32>} : memref<40x128xf32, #tpu.memory_space<vmem>>, vector<1x16xf32>,
        %swap3A_752 = vector.shape_cast %swap3A_751 : vector<1x16xf32> to vector<16xf32>
        %swap3A_753 = vector.shape_cast %mul3A_748 : vector<16xf32> to vector<1x16xf32>
        tpu.vector_store %arg22[%swap3A_749, %swap3A_750], %swap3A_753 {strides = array<i32>} : memref<40x128xf32, #tpu.memory_space<vmem>>, vector<1x16xf32>,
        %swap3A_754 = arith.index_cast %add3A_484 : i32 to index
        %swap3A_755 = arith.constant 80 : index
        %swap3A_756 = tpu.vector_load %arg22[%swap3A_754, %swap3A_755] {strides = array<i32>} : memref<40x128xf32, #tpu.memory_space<vmem>>, vector<1x16xf32>,
        %swap3A_757 = vector.shape_cast %swap3A_756 : vector<1x16xf32> to vector<16xf32>
        %swap3A_758 = vector.shape_cast %div3A_743 : vector<16xf32> to vector<1x16xf32>
        tpu.vector_store %arg22[%swap3A_754, %swap3A_755], %swap3A_758 {strides = array<i32>} : memref<40x128xf32, #tpu.memory_space<vmem>>, vector<1x16xf32>,
        %get3A_759 = arith.index_cast %add3A_484 : i32 to index
        %get3A_760 = arith.constant 96 : index
        %get3A_761 = tpu.vector_load %arg19[%get3A_759, %get3A_760] {strides = array<i32>} : memref<40x128xf32, #tpu.memory_space<vmem>>, vector<1x16xf32>,
        %get3A_762 = vector.shape_cast %get3A_761 : vector<1x16xf32> to vector<16xf32>
        %get3A_763 = arith.index_cast %add3A_484 : i32 to index
        %get3A_764 = arith.constant 96 : index
        %get3A_765 = tpu.vector_load %arg17[%get3A_763, %get3A_764] {strides = array<i32>} : memref<80x128xf32, #tpu.memory_space<vmem>>, vector<1x16xf32>,
        %get3A_766 = vector.shape_cast %get3A_765 : vector<1x16xf32> to vector<16xf32>
        %add3A_767 = arith.addf %get3A_762, %get3A_766 : vector<16xf32>
        %add3A_768 = arith.constant 40 : i32
        %add3A_769 = arith.addi %add3A_768, %add3A_484 : i32
        %get3A_770 = arith.index_cast %add3A_769 : i32 to index
        %get3A_771 = arith.constant 96 : index
        %get3A_772 = tpu.vector_load %arg17[%get3A_770, %get3A_771] {strides = array<i32>} : memref<80x128xf32, #tpu.memory_space<vmem>>, vector<1x16xf32>,
        %get3A_773 = vector.shape_cast %get3A_772 : vector<1x16xf32> to vector<16xf32>
        %add3A_774 = arith.addf %add3A_767, %get3A_773 : vector<16xf32>
        %swap3A_775 = arith.index_cast %add3A_484 : i32 to index
        %swap3A_776 = arith.constant 96 : index
        %swap3A_777 = tpu.vector_load %arg20[%swap3A_775, %swap3A_776] {strides = array<i32>} : memref<40x128xf32, #tpu.memory_space<vmem>>, vector<1x16xf32>,
        %swap3A_778 = vector.shape_cast %swap3A_777 : vector<1x16xf32> to vector<16xf32>
        %swap3A_779 = vector.shape_cast %add3A_774 : vector<16xf32> to vector<1x16xf32>
        tpu.vector_store %arg20[%swap3A_775, %swap3A_776], %swap3A_779 {strides = array<i32>} : memref<40x128xf32, #tpu.memory_space<vmem>>, vector<1x16xf32>,
        %neg3A_780 = arith.constant 0.000000e+00 : f32
        %neg3A_781 = vector.broadcast %neg3A_780 : f32 to vector<16xf32>
        %neg3A_782 = arith.subf %neg3A_781, %add3A_774 : vector<16xf32>
        %exp3A_783 = math.exp %neg3A_782 : vector<16xf32>
        %add3A_784 = arith.constant 1.000000e+00 : f32
        %add3A_785 = vector.broadcast %add3A_784 : f32 to vector<16xf32>
        %add3A_786 = arith.addf %add3A_785, %exp3A_783 : vector<16xf32>
        %div3A_787 = arith.constant 1.000000e+00 : f32
        %div3A_788 = vector.broadcast %div3A_787 : f32 to vector<16xf32>
        %div3A_789 = arith.divf %div3A_788, %add3A_786 : vector<16xf32>
        %get3A_790 = arith.index_cast %add3A_484 : i32 to index
        %get3A_791 = arith.constant 96 : index
        %get3A_792 = tpu.vector_load %arg18[%get3A_790, %get3A_791] {strides = array<i32>} : memref<40x128xf32, #tpu.memory_space<vmem>>, vector<1x16xf32>,
        %get3A_793 = vector.shape_cast %get3A_792 : vector<1x16xf32> to vector<16xf32>
        %mul3A_794 = arith.mulf %div3A_789, %get3A_793 : vector<16xf32>
        %swap3A_795 = arith.index_cast %add3A_484 : i32 to index
        %swap3A_796 = arith.constant 32 : index
        %swap3A_797 = tpu.vector_load %arg22[%swap3A_795, %swap3A_796] {strides = array<i32>} : memref<40x128xf32, #tpu.memory_space<vmem>>, vector<1x16xf32>,
        %swap3A_798 = vector.shape_cast %swap3A_797 : vector<1x16xf32> to vector<16xf32>
        %swap3A_799 = vector.shape_cast %mul3A_794 : vector<16xf32> to vector<1x16xf32>
        tpu.vector_store %arg22[%swap3A_795, %swap3A_796], %swap3A_799 {strides = array<i32>} : memref<40x128xf32, #tpu.memory_space<vmem>>, vector<1x16xf32>,
        %swap3A_800 = arith.index_cast %add3A_484 : i32 to index
        %swap3A_801 = arith.constant 96 : index
        %swap3A_802 = tpu.vector_load %arg22[%swap3A_800, %swap3A_801] {strides = array<i32>} : memref<40x128xf32, #tpu.memory_space<vmem>>, vector<1x16xf32>,
        %swap3A_803 = vector.shape_cast %swap3A_802 : vector<1x16xf32> to vector<16xf32>
        %swap3A_804 = vector.shape_cast %div3A_789 : vector<16xf32> to vector<1x16xf32>
        tpu.vector_store %arg22[%swap3A_800, %swap3A_801], %swap3A_804 {strides = array<i32>} : memref<40x128xf32, #tpu.memory_space<vmem>>, vector<1x16xf32>,
        %get3A_805 = arith.index_cast %add3A_484 : i32 to index
        %get3A_806 = arith.constant 112 : index
        %get3A_807 = tpu.vector_load %arg19[%get3A_805, %get3A_806] {strides = array<i32>} : memref<40x128xf32, #tpu.memory_space<vmem>>, vector<1x16xf32>,
        %get3A_808 = vector.shape_cast %get3A_807 : vector<1x16xf32> to vector<16xf32>
        %get3A_809 = arith.index_cast %add3A_484 : i32 to index
        %get3A_810 = arith.constant 112 : index
        %get3A_811 = tpu.vector_load %arg17[%get3A_809, %get3A_810] {strides = array<i32>} : memref<80x128xf32, #tpu.memory_space<vmem>>, vector<1x16xf32>,
        %get3A_812 = vector.shape_cast %get3A_811 : vector<1x16xf32> to vector<16xf32>
        %add3A_813 = arith.addf %get3A_808, %get3A_812 : vector<16xf32>
        %add3A_814 = arith.constant 40 : i32
        %add3A_815 = arith.addi %add3A_814, %add3A_484 : i32
        %get3A_816 = arith.index_cast %add3A_815 : i32 to index
        %get3A_817 = arith.constant 112 : index
        %get3A_818 = tpu.vector_load %arg17[%get3A_816, %get3A_817] {strides = array<i32>} : memref<80x128xf32, #tpu.memory_space<vmem>>, vector<1x16xf32>,
        %get3A_819 = vector.shape_cast %get3A_818 : vector<1x16xf32> to vector<16xf32>
        %add3A_820 = arith.addf %add3A_813, %get3A_819 : vector<16xf32>
        %swap3A_821 = arith.index_cast %add3A_484 : i32 to index
        %swap3A_822 = arith.constant 112 : index
        %swap3A_823 = tpu.vector_load %arg20[%swap3A_821, %swap3A_822] {strides = array<i32>} : memref<40x128xf32, #tpu.memory_space<vmem>>, vector<1x16xf32>,
        %swap3A_824 = vector.shape_cast %swap3A_823 : vector<1x16xf32> to vector<16xf32>
        %swap3A_825 = vector.shape_cast %add3A_820 : vector<16xf32> to vector<1x16xf32>
        tpu.vector_store %arg20[%swap3A_821, %swap3A_822], %swap3A_825 {strides = array<i32>} : memref<40x128xf32, #tpu.memory_space<vmem>>, vector<1x16xf32>,
        %neg3A_826 = arith.constant 0.000000e+00 : f32
        %neg3A_827 = vector.broadcast %neg3A_826 : f32 to vector<16xf32>
        %neg3A_828 = arith.subf %neg3A_827, %add3A_820 : vector<16xf32>
        %exp3A_829 = math.exp %neg3A_828 : vector<16xf32>
        %add3A_830 = arith.constant 1.000000e+00 : f32
        %add3A_831 = vector.broadcast %add3A_830 : f32 to vector<16xf32>
        %add3A_832 = arith.addf %add3A_831, %exp3A_829 : vector<16xf32>
        %div3A_833 = arith.constant 1.000000e+00 : f32
        %div3A_834 = vector.broadcast %div3A_833 : f32 to vector<16xf32>
        %div3A_835 = arith.divf %div3A_834, %add3A_832 : vector<16xf32>
        %get3A_836 = arith.index_cast %add3A_484 : i32 to index
        %get3A_837 = arith.constant 112 : index
        %get3A_838 = tpu.vector_load %arg18[%get3A_836, %get3A_837] {strides = array<i32>} : memref<40x128xf32, #tpu.memory_space<vmem>>, vector<1x16xf32>,
        %get3A_839 = vector.shape_cast %get3A_838 : vector<1x16xf32> to vector<16xf32>
        %mul3A_840 = arith.mulf %div3A_835, %get3A_839 : vector<16xf32>
        %swap3A_841 = arith.index_cast %add3A_484 : i32 to index
        %swap3A_842 = arith.constant 48 : index
        %swap3A_843 = tpu.vector_load %arg22[%swap3A_841, %swap3A_842] {strides = array<i32>} : memref<40x128xf32, #tpu.memory_space<vmem>>, vector<1x16xf32>,
        %swap3A_844 = vector.shape_cast %swap3A_843 : vector<1x16xf32> to vector<16xf32>
        %swap3A_845 = vector.shape_cast %mul3A_840 : vector<16xf32> to vector<1x16xf32>
        tpu.vector_store %arg22[%swap3A_841, %swap3A_842], %swap3A_845 {strides = array<i32>} : memref<40x128xf32, #tpu.memory_space<vmem>>, vector<1x16xf32>,
        %swap3A_846 = arith.index_cast %add3A_484 : i32 to index
        %swap3A_847 = arith.constant 112 : index
        %swap3A_848 = tpu.vector_load %arg22[%swap3A_846, %swap3A_847] {strides = array<i32>} : memref<40x128xf32, #tpu.memory_space<vmem>>, vector<1x16xf32>,
        %swap3A_849 = vector.shape_cast %swap3A_848 : vector<1x16xf32> to vector<16xf32>
        %swap3A_850 = vector.shape_cast %div3A_835 : vector<16xf32> to vector<1x16xf32>
        tpu.vector_store %arg22[%swap3A_846, %swap3A_847], %swap3A_850 {strides = array<i32>} : memref<40x128xf32, #tpu.memory_space<vmem>>, vector<1x16xf32>,
      }
      %scan3A_407 = arith.constant 40 : i32
      %add3A_408 = arith.addi %mul3A_0, %add3A_160 : i32
      %mul3A_409 = arith.constant 128 : i32
      %mul3A_410 = arith.muli %arg0, %mul3A_409 : i32
      %dma_start3A_411 = tpu.memref_slice %arg6[%add3A_408, %mul3A_410] : memref<160000x256xf32, #tpu.memory_space<hbm>> -> memref<40x128xf32, #tpu.memory_space<hbm>>
      %dma_start3A_412 = tpu.memref_slice %arg6[%add3A_408, %mul3A_410] : memref<160000x256xf32, #tpu.memory_space<hbm>> -> memref<40x128xf32, #tpu.memory_space<hbm>>
      tpu.enqueue_dma source(%arg20 : memref<40x128xf32, #tpu.memory_space<vmem>>) target(%dma_start3A_412 : memref<40x128xf32, #tpu.memory_space<hbm>>) target_semaphore(%arg28 : memref<!tpu.dma_semaphore, #tpu.memory_space<semaphore_mem>>)
      %add3A_413 = arith.addi %mul3A_0, %add3A_160 : i32
      %dma_start3A_414 = arith.constant 0 : i32
      %dma_start3A_415 = tpu.memref_slice %arg9[%arg0, %add3A_413, %dma_start3A_414] : memref<2x160000x128xf32, #tpu.memory_space<hbm>> -> memref<1x40x128xf32, #tpu.memory_space<hbm>>
      %dma_start3A_416 = tpu.memref_squeeze %dma_start3A_415 : memref<1x40x128xf32, #tpu.memory_space<hbm>> -> memref<40x128xf32, #tpu.memory_space<hbm>>
      %dma_start3A_417 = arith.constant 0 : i32
      %dma_start3A_418 = tpu.memref_slice %arg9[%arg0, %add3A_413, %dma_start3A_417] : memref<2x160000x128xf32, #tpu.memory_space<hbm>> -> memref<1x40x128xf32, #tpu.memory_space<hbm>>
      %dma_start3A_419 = tpu.memref_squeeze %dma_start3A_418 : memref<1x40x128xf32, #tpu.memory_space<hbm>> -> memref<40x128xf32, #tpu.memory_space<hbm>>
      tpu.enqueue_dma source(%arg22 : memref<40x128xf32, #tpu.memory_space<vmem>>) target(%dma_start3A_419 : memref<40x128xf32, #tpu.memory_space<hbm>>) target_semaphore(%arg28 : memref<!tpu.dma_semaphore, #tpu.memory_space<semaphore_mem>>)
      %jit3A_420 = arith.constant 25 : i32
      %eq3A_421 = arith.constant 0 : i32
      %eq3A_422 = arith.cmpi eq, %jit3A_420, %eq3A_421 : i32
      %jit3A_423 = arith.constant 1 : i32
      %select_n3A_424 = arith.select %eq3A_422, %jit3A_423, %jit3A_420 : i32
      %rem3A_425 = arith.remsi %add3A_119, %select_n3A_424 : i32
      %ne3A_426 = arith.constant 0 : i32
      %ne3A_427 = arith.cmpi ne, %rem3A_425, %ne3A_426 : i32
      %lt3A_428 = arith.constant 0 : i32
      %lt3A_429 = arith.cmpi slt, %rem3A_425, %lt3A_428 : i32
      %lt3A_430 = arith.constant 0 : i32
      %lt3A_431 = arith.cmpi slt, %select_n3A_424, %lt3A_430 : i32
      %ne3A_432 = arith.xori %lt3A_429, %lt3A_431 : i1
      %and3A_433 = arith.andi %ne3A_432, %ne3A_427 : i1
      %add3A_434 = arith.addi %rem3A_425, %select_n3A_424 : i32
      %select_n3A_435 = arith.select %and3A_433, %add3A_434, %rem3A_425 : i32
      %lt3A_436 = arith.constant 24 : i32
      %lt3A_437 = arith.cmpi slt, %select_n3A_435, %lt3A_436 : i32
      %convert_element_type3A_438 = arith.extui %lt3A_437 : i1 to i32
      %cond3A_439 = arith.constant 0 : i32
      %cond3A_440 = arith.cmpi ne, %convert_element_type3A_438, %cond3A_439 : i32
      scf.if %cond3A_440 {
        %add3A_480 = arith.constant 2 : i32
        %add3A_481 = arith.addi %mul3A_132, %add3A_480 : i32
        %mul3A_482 = arith.constant 40 : i32
        %mul3A_483 = arith.muli %add3A_481, %mul3A_482 : i32
        %add3A_484 = arith.constant 0 : i32
        %add3A_485 = arith.addi %mul3A_483, %add3A_484 : i32
        %get3A_486 = arith.index_cast %add3A_485 : i32 to index
        %get3A_487 = tpu.vector_load %arg10[%get3A_486] {strides = array<i32>} : memref<2000xi32, #tpu.memory_space<vmem>>, vector<16xi32>,
        %get3A_488 = vector.shape_cast %get3A_487 : vector<16xi32> to vector<16xi32>
        %add3A_489 = vector.broadcast %mul3A_11 : i32 to vector<16xi32>
        %add3A_490 = arith.addi %get3A_488, %add3A_489 : vector<16xi32>
        %swap3A_491 = arith.constant 0 : index
        %swap3A_492 = tpu.vector_load %arg14[%swap3A_491] {strides = array<i32>} : memref<40xi32, #tpu.memory_space<vmem>>, vector<16xi32>,
        %swap3A_493 = vector.shape_cast %swap3A_492 : vector<16xi32> to vector<16xi32>
        %swap3A_494 = vector.shape_cast %add3A_490 : vector<16xi32> to vector<16xi32>
        tpu.vector_store %arg14[%swap3A_491], %swap3A_494 {strides = array<i32>} : memref<40xi32, #tpu.memory_space<vmem>>, vector<16xi32>,
        %add3A_495 = arith.constant 16 : i32
        %add3A_496 = arith.addi %mul3A_483, %add3A_495 : i32
        %get3A_497 = arith.index_cast %add3A_496 : i32 to index
        %get3A_498 = tpu.vector_load %arg10[%get3A_497] {strides = array<i32>} : memref<2000xi32, #tpu.memory_space<vmem>>, vector<16xi32>,
        %get3A_499 = vector.shape_cast %get3A_498 : vector<16xi32> to vector<16xi32>
        %add3A_500 = vector.broadcast %mul3A_11 : i32 to vector<16xi32>
        %add3A_501 = arith.addi %get3A_499, %add3A_500 : vector<16xi32>
        %swap3A_502 = arith.constant 16 : index
        %swap3A_503 = tpu.vector_load %arg14[%swap3A_502] {strides = array<i32>} : memref<40xi32, #tpu.memory_space<vmem>>, vector<16xi32>,
        %swap3A_504 = vector.shape_cast %swap3A_503 : vector<16xi32> to vector<16xi32>
        %swap3A_505 = vector.shape_cast %add3A_501 : vector<16xi32> to vector<16xi32>
        tpu.vector_store %arg14[%swap3A_502], %swap3A_505 {strides = array<i32>} : memref<40xi32, #tpu.memory_space<vmem>>, vector<16xi32>,
        %add3A_506 = arith.constant 24 : i32
        %add3A_507 = arith.addi %mul3A_483, %add3A_506 : i32
        %get3A_508 = arith.index_cast %add3A_507 : i32 to index
        %get3A_509 = tpu.vector_load %arg10[%get3A_508] {strides = array<i32>} : memref<2000xi32, #tpu.memory_space<vmem>>, vector<16xi32>,
        %get3A_510 = vector.shape_cast %get3A_509 : vector<16xi32> to vector<16xi32>
        %add3A_511 = vector.broadcast %mul3A_11 : i32 to vector<16xi32>
        %add3A_512 = arith.addi %get3A_510, %add3A_511 : vector<16xi32>
        %swap3A_513 = arith.constant 24 : index
        %swap3A_514 = tpu.vector_load %arg14[%swap3A_513] {strides = array<i32>} : memref<40xi32, #tpu.memory_space<vmem>>, vector<16xi32>,
        %swap3A_515 = vector.shape_cast %swap3A_514 : vector<16xi32> to vector<16xi32>
        %swap3A_516 = vector.shape_cast %add3A_512 : vector<16xi32> to vector<16xi32>
        tpu.vector_store %arg14[%swap3A_513], %swap3A_516 {strides = array<i32>} : memref<40xi32, #tpu.memory_space<vmem>>, vector<16xi32>,
        %dma_start3A_517 = arith.constant 0 : i32
        %dma_start3A_518 = arith.constant 0 : i32
        %dma_start3A_519 = tpu.memref_slice %arg2[%dma_start3A_517, %dma_start3A_518] : memref<60000x128xf32, #tpu.memory_space<hbm>> -> memref<60000x128xf32, #tpu.memory_space<hbm>>
        tpu.enqueue_indirect_dma source(%dma_start3A_519 : memref<60000x128xf32, #tpu.memory_space<hbm>>) target(%arg18 : memref<40x128xf32, #tpu.memory_space<vmem>>) offsets(%arg14 : memref<40xi32, #tpu.memory_space<vmem>>) semaphore(%arg26 : memref<!tpu.dma_semaphore, #tpu.memory_space<semaphore_mem>>)
        %add3A_520 = arith.constant 80 : i32
        %add3A_521 = arith.addi %add3A_158, %add3A_520 : i32
        %add3A_522 = arith.addi %mul3A_0, %add3A_521 : i32
        %dma_start3A_523 = arith.constant 0 : i32
        %dma_start3A_524 = tpu.memref_slice %arg3[%arg0, %add3A_522, %dma_start3A_523] : memref<2x160000x128xf32, #tpu.memory_space<hbm>> -> memref<1x40x128xf32, #tpu.memory_space<hbm>>
        %dma_start3A_525 = tpu.memref_squeeze %dma_start3A_524 : memref<1x40x128xf32, #tpu.memory_space<hbm>> -> memref<40x128xf32, #tpu.memory_space<hbm>>
        %dma_start3A_526 = arith.constant 0 : i32
        %dma_start3A_527 = tpu.memref_slice %arg3[%arg0, %add3A_522, %dma_start3A_526] : memref<2x160000x128xf32, #tpu.memory_space<hbm>> -> memref<1x40x128xf32, #tpu.memory_space<hbm>>
        %dma_start3A_528 = tpu.memref_squeeze %dma_start3A_527 : memref<1x40x128xf32, #tpu.memory_space<hbm>> -> memref<40x128xf32, #tpu.memory_space<hbm>>
        tpu.enqueue_dma source(%dma_start3A_528 : memref<40x128xf32, #tpu.memory_space<hbm>>) target(%arg19 : memref<40x128xf32, #tpu.memory_space<vmem>>) target_semaphore(%arg27 : memref<!tpu.dma_semaphore, #tpu.memory_space<semaphore_mem>>)
      } else {
      }
      %add3A_441 = arith.constant 1 : i32
      %add3A_442 = arith.addi %mul3A_132, %add3A_441 : i32
      %mul3A_443 = arith.constant 40 : i32
      %mul3A_444 = arith.muli %add3A_442, %mul3A_443 : i32
      %add3A_445 = arith.constant 0 : i32
      %add3A_446 = arith.addi %mul3A_444, %add3A_445 : i32
      %get3A_447 = arith.index_cast %add3A_446 : i32 to index
      %get3A_448 = tpu.vector_load %arg11[%get3A_447] {strides = array<i32>} : memref<2000xi32, #tpu.memory_space<vmem>>, vector<16xi32>,
      %get3A_449 = vector.shape_cast %get3A_448 : vector<16xi32> to vector<16xi32>
      %swap3A_450 = arith.constant 0 : index
      %swap3A_451 = tpu.vector_load %arg15[%swap3A_450] {strides = array<i32>} : memref<40xi32, #tpu.memory_space<vmem>>, vector<16xi32>,
      %swap3A_452 = vector.shape_cast %swap3A_451 : vector<16xi32> to vector<16xi32>
      %swap3A_453 = vector.shape_cast %get3A_449 : vector<16xi32> to vector<16xi32>
      tpu.vector_store %arg15[%swap3A_450], %swap3A_453 {strides = array<i32>} : memref<40xi32, #tpu.memory_space<vmem>>, vector<16xi32>,
      %add3A_454 = arith.constant 16 : i32
      %add3A_455 = arith.addi %mul3A_444, %add3A_454 : i32
      %get3A_456 = arith.index_cast %add3A_455 : i32 to index
      %get3A_457 = tpu.vector_load %arg11[%get3A_456] {strides = array<i32>} : memref<2000xi32, #tpu.memory_space<vmem>>, vector<16xi32>,
      %get3A_458 = vector.shape_cast %get3A_457 : vector<16xi32> to vector<16xi32>
      %swap3A_459 = arith.constant 16 : index
      %swap3A_460 = tpu.vector_load %arg15[%swap3A_459] {strides = array<i32>} : memref<40xi32, #tpu.memory_space<vmem>>, vector<16xi32>,
      %swap3A_461 = vector.shape_cast %swap3A_460 : vector<16xi32> to vector<16xi32>
      %swap3A_462 = vector.shape_cast %get3A_458 : vector<16xi32> to vector<16xi32>
      tpu.vector_store %arg15[%swap3A_459], %swap3A_462 {strides = array<i32>} : memref<40xi32, #tpu.memory_space<vmem>>, vector<16xi32>,
      %add3A_463 = arith.constant 24 : i32
      %add3A_464 = arith.addi %mul3A_444, %add3A_463 : i32
      %get3A_465 = arith.index_cast %add3A_464 : i32 to index
      %get3A_466 = tpu.vector_load %arg11[%get3A_465] {strides = array<i32>} : memref<2000xi32, #tpu.memory_space<vmem>>, vector<16xi32>,
      %get3A_467 = vector.shape_cast %get3A_466 : vector<16xi32> to vector<16xi32>
      %swap3A_468 = arith.constant 24 : index
      %swap3A_469 = tpu.vector_load %arg15[%swap3A_468] {strides = array<i32>} : memref<40xi32, #tpu.memory_space<vmem>>, vector<16xi32>,
      %swap3A_470 = vector.shape_cast %swap3A_469 : vector<16xi32> to vector<16xi32>
      %swap3A_471 = vector.shape_cast %get3A_467 : vector<16xi32> to vector<16xi32>
      tpu.vector_store %arg15[%swap3A_468], %swap3A_471 {strides = array<i32>} : memref<40xi32, #tpu.memory_space<vmem>>, vector<16xi32>,
      "tpu.region"() ({
        %run_scoped3A = tpu.sem_alloc : memref<!tpu.dma_semaphore, #tpu.memory_space<semaphore_mem>>
        %dma_start3A_480 = arith.constant 0 : i32
        %dma_start3A_481 = arith.constant 0 : i32
        %dma_start3A_482 = tpu.memref_slice %arg23[%dma_start3A_480, %dma_start3A_481] : memref<10000x128xf32, #tpu.memory_space<vmem_shared>> -> memref<10000x128xf32, #tpu.memory_space<vmem_shared>>
        tpu.enqueue_indirect_dma source(%arg21 : memref<40x128xf32, #tpu.memory_space<vmem>>) target(%dma_start3A_482 : memref<10000x128xf32, #tpu.memory_space<vmem_shared>>) offsets(%arg15 : memref<40xi32, #tpu.memory_space<vmem>>) semaphore(%run_scoped3A : memref<!tpu.dma_semaphore, #tpu.memory_space<semaphore_mem>>) {add = true}
        %dma_wait3A_483 = arith.constant 0 : i32
        %dma_wait3A_484 = arith.constant 0 : i32
        %dma_wait3A_485 = tpu.memref_slice %arg23[%dma_wait3A_483, %dma_wait3A_484] : memref<10000x128xf32, #tpu.memory_space<vmem_shared>> -> memref<10000x128xf32, #tpu.memory_space<vmem_shared>>
        tpu.wait_indirect_dma semaphore(%run_scoped3A : memref<!tpu.dma_semaphore, #tpu.memory_space<semaphore_mem>>) src(%arg21 : memref<40x128xf32, #tpu.memory_space<vmem>>) dst(%dma_wait3A_485 : memref<10000x128xf32, #tpu.memory_space<vmem_shared>>)
        tpu.yield
      }) : () -> ()
      %dma_wait3A_472 = tpu.memref_slice %arg6[%add3A_408, %mul3A_410] : memref<160000x256xf32, #tpu.memory_space<hbm>> -> memref<40x128xf32, #tpu.memory_space<hbm>>
      %dma_wait3A_473 = tpu.memref_slice %arg6[%add3A_408, %mul3A_410] : memref<160000x256xf32, #tpu.memory_space<hbm>> -> memref<40x128xf32, #tpu.memory_space<hbm>>
      tpu.wait_dma2 semaphore(%arg28 : memref<!tpu.dma_semaphore, #tpu.memory_space<semaphore_mem>>) src(%arg20 : memref<40x128xf32, #tpu.memory_space<vmem>>) dst(%dma_wait3A_473 : memref<40x128xf32, #tpu.memory_space<hbm>>)
      %dma_wait3A_474 = arith.constant 0 : i32
      %dma_wait3A_475 = tpu.memref_slice %arg9[%arg0, %add3A_413, %dma_wait3A_474] : memref<2x160000x128xf32, #tpu.memory_space<hbm>> -> memref<1x40x128xf32, #tpu.memory_space<hbm>>
      %dma_wait3A_476 = tpu.memref_squeeze %dma_wait3A_475 : memref<1x40x128xf32, #tpu.memory_space<hbm>> -> memref<40x128xf32, #tpu.memory_space<hbm>>
      %dma_wait3A_477 = arith.constant 0 : i32
      %dma_wait3A_478 = tpu.memref_slice %arg9[%arg0, %add3A_413, %dma_wait3A_477] : memref<2x160000x128xf32, #tpu.memory_space<hbm>> -> memref<1x40x128xf32, #tpu.memory_space<hbm>>
      %dma_wait3A_479 = tpu.memref_squeeze %dma_wait3A_478 : memref<1x40x128xf32, #tpu.memory_space<hbm>> -> memref<40x128xf32, #tpu.memory_space<hbm>>
      tpu.wait_dma2 semaphore(%arg28 : memref<!tpu.dma_semaphore, #tpu.memory_space<semaphore_mem>>) src(%arg22 : memref<40x128xf32, #tpu.memory_space<vmem>>) dst(%dma_wait3A_479 : memref<40x128xf32, #tpu.memory_space<hbm>>)
    }
    %scan3A_29 = arith.constant 125 : i32
    %barrier3A_30 = arith.constant 0 : index
    tpu.barrier barrier_id(%barrier3A_30)
    %lt3A = arith.constant 15 : i32
    %lt3A_31 = arith.cmpi slt, %arg1, %lt3A : i32
    %convert_element_type3A = arith.extui %lt3A_31 : i1 to i32
    %cond3A = arith.constant 0 : i32
    %cond3A_32 = arith.cmpi ne, %convert_element_type3A, %cond3A : i32
    scf.if %cond3A_32 {
      %mul3A_115 = arith.constant 640 : i32
      %mul3A_116 = arith.muli %arg1, %mul3A_115 : i32
      %mul3A_117 = arith.constant 640 : i32
      %mul3A_118 = arith.muli %arg1, %mul3A_117 : i32
      "tpu.region"() ({
        %run_scoped3A = tpu.sem_alloc : memref<!tpu.dma_semaphore, #tpu.memory_space<semaphore_mem>>
        %dma_start3A_119 = arith.constant 0 : i32
        %dma_start3A_120 = tpu.memref_slice %arg7[%arg0, %mul3A_118, %dma_start3A_119] : memref<2x10000x128xf32, #tpu.memory_space<hbm>> -> memref<1x640x128xf32, #tpu.memory_space<hbm>>
        %dma_start3A_121 = tpu.memref_squeeze %dma_start3A_120 : memref<1x640x128xf32, #tpu.memory_space<hbm>> -> memref<640x128xf32, #tpu.memory_space<hbm>>
        %dma_start3A_122 = arith.constant 0 : i32
        %dma_start3A_123 = tpu.memref_slice %arg23[%mul3A_116, %dma_start3A_122] : memref<10000x128xf32, #tpu.memory_space<vmem_shared>> -> memref<640x128xf32, #tpu.memory_space<vmem_shared>>
        tpu.enqueue_dma source(%dma_start3A_123 : memref<640x128xf32, #tpu.memory_space<vmem_shared>>) target(%dma_start3A_121 : memref<640x128xf32, #tpu.memory_space<hbm>>) target_semaphore(%run_scoped3A : memref<!tpu.dma_semaphore, #tpu.memory_space<semaphore_mem>>)
        %dma_wait3A_124 = arith.constant 0 : i32
        %dma_wait3A_125 = tpu.memref_slice %arg7[%arg0, %mul3A_118, %dma_wait3A_124] : memref<2x10000x128xf32, #tpu.memory_space<hbm>> -> memref<1x640x128xf32, #tpu.memory_space<hbm>>
        %dma_wait3A_126 = tpu.memref_squeeze %dma_wait3A_125 : memref<1x640x128xf32, #tpu.memory_space<hbm>> -> memref<640x128xf32, #tpu.memory_space<hbm>>
        %dma_wait3A_127 = arith.constant 0 : i32
        %dma_wait3A_128 = tpu.memref_slice %arg23[%mul3A_116, %dma_wait3A_127] : memref<10000x128xf32, #tpu.memory_space<vmem_shared>> -> memref<640x128xf32, #tpu.memory_space<vmem_shared>>
        tpu.wait_dma2 semaphore(%run_scoped3A : memref<!tpu.dma_semaphore, #tpu.memory_space<semaphore_mem>>) src(%dma_wait3A_128 : memref<640x128xf32, #tpu.memory_space<vmem_shared>>) dst(%dma_wait3A_126 : memref<640x128xf32, #tpu.memory_space<hbm>>)
        tpu.yield
      }) : () -> ()
    } else {
    }
    %eq3A = arith.constant 15 : i32
    %eq3A_33 = arith.cmpi eq, %arg1, %eq3A : i32
    %convert_element_type3A_34 = arith.extui %eq3A_33 : i1 to i32
    %cond3A_35 = arith.constant 0 : i32
    %cond3A_36 = arith.cmpi ne, %convert_element_type3A_34, %cond3A_35 : i32
    scf.if %cond3A_36 {
      "tpu.region"() ({
        %run_scoped3A = tpu.sem_alloc : memref<!tpu.dma_semaphore, #tpu.memory_space<semaphore_mem>>
        %dma_start3A_115 = arith.constant 9600 : i32
        %dma_start3A_116 = arith.constant 0 : i32
        %dma_start3A_117 = tpu.memref_slice %arg7[%arg0, %dma_start3A_115, %dma_start3A_116] : memref<2x10000x128xf32, #tpu.memory_space<hbm>> -> memref<1x400x128xf32, #tpu.memory_space<hbm>>
        %dma_start3A_118 = tpu.memref_squeeze %dma_start3A_117 : memref<1x400x128xf32, #tpu.memory_space<hbm>> -> memref<400x128xf32, #tpu.memory_space<hbm>>
        %dma_start3A_119 = arith.constant 9600 : i32
        %dma_start3A_120 = arith.constant 0 : i32
        %dma_start3A_121 = tpu.memref_slice %arg23[%dma_start3A_119, %dma_start3A_120] : memref<10000x128xf32, #tpu.memory_space<vmem_shared>> -> memref<400x128xf32, #tpu.memory_space<vmem_shared>>
        tpu.enqueue_dma source(%dma_start3A_121 : memref<400x128xf32, #tpu.memory_space<vmem_shared>>) target(%dma_start3A_118 : memref<400x128xf32, #tpu.memory_space<hbm>>) target_semaphore(%run_scoped3A : memref<!tpu.dma_semaphore, #tpu.memory_space<semaphore_mem>>)
        %dma_wait3A_122 = arith.constant 9600 : i32
        %dma_wait3A_123 = arith.constant 0 : i32
        %dma_wait3A_124 = tpu.memref_slice %arg7[%arg0, %dma_wait3A_122, %dma_wait3A_123] : memref<2x10000x128xf32, #tpu.memory_space<hbm>> -> memref<1x400x128xf32, #tpu.memory_space<hbm>>
        %dma_wait3A_125 = tpu.memref_squeeze %dma_wait3A_124 : memref<1x400x128xf32, #tpu.memory_space<hbm>> -> memref<400x128xf32, #tpu.memory_space<hbm>>
        %dma_wait3A_126 = arith.constant 9600 : i32
        %dma_wait3A_127 = arith.constant 0 : i32
        %dma_wait3A_128 = tpu.memref_slice %arg23[%dma_wait3A_126, %dma_wait3A_127] : memref<10000x128xf32, #tpu.memory_space<vmem_shared>> -> memref<400x128xf32, #tpu.memory_space<vmem_shared>>
        tpu.wait_dma2 semaphore(%run_scoped3A : memref<!tpu.dma_semaphore, #tpu.memory_space<semaphore_mem>>) src(%dma_wait3A_128 : memref<400x128xf32, #tpu.memory_space<vmem_shared>>) dst(%dma_wait3A_125 : memref<400x128xf32, #tpu.memory_space<hbm>>)
        tpu.yield
      }) : () -> ()
    } else {
    }
    %barrier3A_37 = arith.constant 0 : index
    tpu.barrier barrier_id(%barrier3A_37)
    %scan3A_38 = arith.constant 0 : i32
    %scan3A_39 = arith.constant 40 : i32
    %scan3A_40 = arith.addi %scan3A_38, %scan3A_39 : i32
    %scan3A_41 = arith.constant 1 : i32
    scf.for %scan3A_115 = %scan3A_38 to %scan3A_40 step %scan3A_41  : i32 {
      %mul3A_116 = arith.constant 1 : i32
      %mul3A_117 = arith.muli %scan3A_115, %mul3A_116 : i32
      %add3A_118 = arith.constant 0 : i32
      %add3A_119 = arith.addi %add3A_118, %mul3A_117 : i32
      %broadcast_in_dim3A = arith.constant 0.000000e+00 : f32
      %broadcast_in_dim3A_120 = vector.broadcast %broadcast_in_dim3A : f32 to vector<16xf32>
      %swap3A_121 = arith.index_cast %add3A_119 : i32 to index
      %swap3A_122 = arith.constant 0 : index
      %swap3A_123 = tpu.vector_load %arg21[%swap3A_121, %swap3A_122] {strides = array<i32>} : memref<40x128xf32, #tpu.memory_space<vmem>>, vector<1x16xf32>,
      %swap3A_124 = vector.shape_cast %swap3A_123 : vector<1x16xf32> to vector<16xf32>
      %swap3A_125 = vector.shape_cast %broadcast_in_dim3A_120 : vector<16xf32> to vector<1x16xf32>
      tpu.vector_store %arg21[%swap3A_121, %swap3A_122], %swap3A_125 {strides = array<i32>} : memref<40x128xf32, #tpu.memory_space<vmem>>, vector<1x16xf32>,
      %broadcast_in_dim3A_126 = arith.constant 0.000000e+00 : f32
      %broadcast_in_dim3A_127 = vector.broadcast %broadcast_in_dim3A_126 : f32 to vector<16xf32>
      %swap3A_128 = arith.index_cast %add3A_119 : i32 to index
      %swap3A_129 = arith.constant 16 : index
      %swap3A_130 = tpu.vector_load %arg21[%swap3A_128, %swap3A_129] {strides = array<i32>} : memref<40x128xf32, #tpu.memory_space<vmem>>, vector<1x16xf32>,
      %swap3A_131 = vector.shape_cast %swap3A_130 : vector<1x16xf32> to vector<16xf32>
      %swap3A_132 = vector.shape_cast %broadcast_in_dim3A_127 : vector<16xf32> to vector<1x16xf32>
      tpu.vector_store %arg21[%swap3A_128, %swap3A_129], %swap3A_132 {strides = array<i32>} : memref<40x128xf32, #tpu.memory_space<vmem>>, vector<1x16xf32>,
      %broadcast_in_dim3A_133 = arith.constant 0.000000e+00 : f32
      %broadcast_in_dim3A_134 = vector.broadcast %broadcast_in_dim3A_133 : f32 to vector<16xf32>
      %swap3A_135 = arith.index_cast %add3A_119 : i32 to index
      %swap3A_136 = arith.constant 32 : index
      %swap3A_137 = tpu.vector_load %arg21[%swap3A_135, %swap3A_136] {strides = array<i32>} : memref<40x128xf32, #tpu.memory_space<vmem>>, vector<1x16xf32>,
      %swap3A_138 = vector.shape_cast %swap3A_137 : vector<1x16xf32> to vector<16xf32>
      %swap3A_139 = vector.shape_cast %broadcast_in_dim3A_134 : vector<16xf32> to vector<1x16xf32>
      tpu.vector_store %arg21[%swap3A_135, %swap3A_136], %swap3A_139 {strides = array<i32>} : memref<40x128xf32, #tpu.memory_space<vmem>>, vector<1x16xf32>,
      %broadcast_in_dim3A_140 = arith.constant 0.000000e+00 : f32
      %broadcast_in_dim3A_141 = vector.broadcast %broadcast_in_dim3A_140 : f32 to vector<16xf32>
      %swap3A_142 = arith.index_cast %add3A_119 : i32 to index
      %swap3A_143 = arith.constant 48 : index
      %swap3A_144 = tpu.vector_load %arg21[%swap3A_142, %swap3A_143] {strides = array<i32>} : memref<40x128xf32, #tpu.memory_space<vmem>>, vector<1x16xf32>,
      %swap3A_145 = vector.shape_cast %swap3A_144 : vector<1x16xf32> to vector<16xf32>
      %swap3A_146 = vector.shape_cast %broadcast_in_dim3A_141 : vector<16xf32> to vector<1x16xf32>
      tpu.vector_store %arg21[%swap3A_142, %swap3A_143], %swap3A_146 {strides = array<i32>} : memref<40x128xf32, #tpu.memory_space<vmem>>, vector<1x16xf32>,
      %broadcast_in_dim3A_147 = arith.constant 0.000000e+00 : f32
      %broadcast_in_dim3A_148 = vector.broadcast %broadcast_in_dim3A_147 : f32 to vector<16xf32>
      %swap3A_149 = arith.index_cast %add3A_119 : i32 to index
      %swap3A_150 = arith.constant 64 : index
      %swap3A_151 = tpu.vector_load %arg21[%swap3A_149, %swap3A_150] {strides = array<i32>} : memref<40x128xf32, #tpu.memory_space<vmem>>, vector<1x16xf32>,
      %swap3A_152 = vector.shape_cast %swap3A_151 : vector<1x16xf32> to vector<16xf32>
      %swap3A_153 = vector.shape_cast %broadcast_in_dim3A_148 : vector<16xf32> to vector<1x16xf32>
      tpu.vector_store %arg21[%swap3A_149, %swap3A_150], %swap3A_153 {strides = array<i32>} : memref<40x128xf32, #tpu.memory_space<vmem>>, vector<1x16xf32>,
      %broadcast_in_dim3A_154 = arith.constant 0.000000e+00 : f32
      %broadcast_in_dim3A_155 = vector.broadcast %broadcast_in_dim3A_154 : f32 to vector<16xf32>
      %swap3A_156 = arith.index_cast %add3A_119 : i32 to index
      %swap3A_157 = arith.constant 80 : index
      %swap3A_158 = tpu.vector_load %arg21[%swap3A_156, %swap3A_157] {strides = array<i32>} : memref<40x128xf32, #tpu.memory_space<vmem>>, vector<1x16xf32>,
      %swap3A_159 = vector.shape_cast %swap3A_158 : vector<1x16xf32> to vector<16xf32>
      %swap3A_160 = vector.shape_cast %broadcast_in_dim3A_155 : vector<16xf32> to vector<1x16xf32>
      tpu.vector_store %arg21[%swap3A_156, %swap3A_157], %swap3A_160 {strides = array<i32>} : memref<40x128xf32, #tpu.memory_space<vmem>>, vector<1x16xf32>,
      %broadcast_in_dim3A_161 = arith.constant 0.000000e+00 : f32
      %broadcast_in_dim3A_162 = vector.broadcast %broadcast_in_dim3A_161 : f32 to vector<16xf32>
      %swap3A_163 = arith.index_cast %add3A_119 : i32 to index
      %swap3A_164 = arith.constant 96 : index
      %swap3A_165 = tpu.vector_load %arg21[%swap3A_163, %swap3A_164] {strides = array<i32>} : memref<40x128xf32, #tpu.memory_space<vmem>>, vector<1x16xf32>,
      %swap3A_166 = vector.shape_cast %swap3A_165 : vector<1x16xf32> to vector<16xf32>
      %swap3A_167 = vector.shape_cast %broadcast_in_dim3A_162 : vector<16xf32> to vector<1x16xf32>
      tpu.vector_store %arg21[%swap3A_163, %swap3A_164], %swap3A_167 {strides = array<i32>} : memref<40x128xf32, #tpu.memory_space<vmem>>, vector<1x16xf32>,
      %broadcast_in_dim3A_168 = arith.constant 0.000000e+00 : f32
      %broadcast_in_dim3A_169 = vector.broadcast %broadcast_in_dim3A_168 : f32 to vector<16xf32>
      %swap3A_170 = arith.index_cast %add3A_119 : i32 to index
      %swap3A_171 = arith.constant 112 : index
      %swap3A_172 = tpu.vector_load %arg21[%swap3A_170, %swap3A_171] {strides = array<i32>} : memref<40x128xf32, #tpu.memory_space<vmem>>, vector<1x16xf32>,
      %swap3A_173 = vector.shape_cast %swap3A_172 : vector<1x16xf32> to vector<16xf32>
      %swap3A_174 = vector.shape_cast %broadcast_in_dim3A_169 : vector<16xf32> to vector<1x16xf32>
      tpu.vector_store %arg21[%swap3A_170, %swap3A_171], %swap3A_174 {strides = array<i32>} : memref<40x128xf32, #tpu.memory_space<vmem>>, vector<1x16xf32>,
    }
    %scan3A_42 = arith.constant 40 : i32
    %scan3A_43 = arith.constant 0 : i32
    %scan3A_44 = arith.constant 15 : i32
    %scan3A_45 = arith.addi %scan3A_43, %scan3A_44 : i32
    %scan3A_46 = arith.constant 1 : i32
    scf.for %scan3A_115 = %scan3A_43 to %scan3A_45 step %scan3A_46  : i32 {
      %mul3A_116 = arith.constant 1 : i32
      %mul3A_117 = arith.muli %scan3A_115, %mul3A_116 : i32
      %add3A_118 = arith.constant 0 : i32
      %add3A_119 = arith.addi %add3A_118, %mul3A_117 : i32
      %mul3A_120 = arith.constant 625 : i32
      %mul3A_121 = arith.muli %arg1, %mul3A_120 : i32
      %mul3A_122 = arith.constant 40 : i32
      %mul3A_123 = arith.muli %add3A_119, %mul3A_122 : i32
      %add3A_124 = arith.addi %mul3A_121, %mul3A_123 : i32
      "tpu.region"() ({
        %run_scoped3A = tpu.sem_alloc : memref<!tpu.dma_semaphore, #tpu.memory_space<semaphore_mem>>
        %dma_start3A_125 = arith.constant 0 : i32
        %dma_start3A_126 = tpu.memref_slice %arg23[%add3A_124, %dma_start3A_125] : memref<10000x128xf32, #tpu.memory_space<vmem_shared>> -> memref<40x128xf32, #tpu.memory_space<vmem_shared>>
        %dma_start3A_127 = arith.constant 0 : i32
        %dma_start3A_128 = tpu.memref_slice %arg23[%add3A_124, %dma_start3A_127] : memref<10000x128xf32, #tpu.memory_space<vmem_shared>> -> memref<40x128xf32, #tpu.memory_space<vmem_shared>>
        tpu.enqueue_dma source(%arg21 : memref<40x128xf32, #tpu.memory_space<vmem>>) target(%dma_start3A_128 : memref<40x128xf32, #tpu.memory_space<vmem_shared>>) target_semaphore(%run_scoped3A : memref<!tpu.dma_semaphore, #tpu.memory_space<semaphore_mem>>)
        %dma_wait3A_129 = arith.constant 0 : i32
        %dma_wait3A_130 = tpu.memref_slice %arg23[%add3A_124, %dma_wait3A_129] : memref<10000x128xf32, #tpu.memory_space<vmem_shared>> -> memref<40x128xf32, #tpu.memory_space<vmem_shared>>
        %dma_wait3A_131 = arith.constant 0 : i32
        %dma_wait3A_132 = tpu.memref_slice %arg23[%add3A_124, %dma_wait3A_131] : memref<10000x128xf32, #tpu.memory_space<vmem_shared>> -> memref<40x128xf32, #tpu.memory_space<vmem_shared>>
        tpu.wait_dma2 semaphore(%run_scoped3A : memref<!tpu.dma_semaphore, #tpu.memory_space<semaphore_mem>>) src(%arg21 : memref<40x128xf32, #tpu.memory_space<vmem>>) dst(%dma_wait3A_132 : memref<40x128xf32, #tpu.memory_space<vmem_shared>>)
        tpu.yield
      }) : () -> ()
    }
    %scan3A_47 = arith.constant 15 : i32
    %mul3A_48 = arith.constant 625 : i32
    %mul3A_49 = arith.muli %arg1, %mul3A_48 : i32
    %add3A_50 = arith.constant 600 : i32
    %add3A_51 = arith.addi %mul3A_49, %add3A_50 : i32
    "tpu.region"() ({
      %run_scoped3A = tpu.sem_alloc : memref<!tpu.dma_semaphore, #tpu.memory_space<semaphore_mem>>
      %dma_start3A_115 = arith.constant 0 : i32
      %dma_start3A_116 = arith.constant 0 : i32
      %dma_start3A_117 = tpu.memref_slice %arg21[%dma_start3A_115, %dma_start3A_116] : memref<40x128xf32, #tpu.memory_space<vmem>> -> memref<25x128xf32, #tpu.memory_space<vmem>>
      %dma_start3A_118 = arith.constant 0 : i32
      %dma_start3A_119 = tpu.memref_slice %arg23[%add3A_51, %dma_start3A_118] : memref<10000x128xf32, #tpu.memory_space<vmem_shared>> -> memref<25x128xf32, #tpu.memory_space<vmem_shared>>
      %dma_start3A_120 = arith.constant 0 : i32
      %dma_start3A_121 = tpu.memref_slice %arg23[%add3A_51, %dma_start3A_120] : memref<10000x128xf32, #tpu.memory_space<vmem_shared>> -> memref<25x128xf32, #tpu.memory_space<vmem_shared>>
      %dma_start3A_122 = arith.constant 0 : i32
      %dma_start3A_123 = arith.constant 0 : i32
      %dma_start3A_124 = tpu.memref_slice %arg21[%dma_start3A_122, %dma_start3A_123] : memref<40x128xf32, #tpu.memory_space<vmem>> -> memref<25x128xf32, #tpu.memory_space<vmem>>
      tpu.enqueue_dma source(%dma_start3A_124 : memref<25x128xf32, #tpu.memory_space<vmem>>) target(%dma_start3A_121 : memref<25x128xf32, #tpu.memory_space<vmem_shared>>) target_semaphore(%run_scoped3A : memref<!tpu.dma_semaphore, #tpu.memory_space<semaphore_mem>>)
      %dma_wait3A_125 = arith.constant 0 : i32
      %dma_wait3A_126 = arith.constant 0 : i32
      %dma_wait3A_127 = tpu.memref_slice %arg21[%dma_wait3A_125, %dma_wait3A_126] : memref<40x128xf32, #tpu.memory_space<vmem>> -> memref<25x128xf32, #tpu.memory_space<vmem>>
      %dma_wait3A_128 = arith.constant 0 : i32
      %dma_wait3A_129 = tpu.memref_slice %arg23[%add3A_51, %dma_wait3A_128] : memref<10000x128xf32, #tpu.memory_space<vmem_shared>> -> memref<25x128xf32, #tpu.memory_space<vmem_shared>>
      %dma_wait3A_130 = arith.constant 0 : i32
      %dma_wait3A_131 = tpu.memref_slice %arg23[%add3A_51, %dma_wait3A_130] : memref<10000x128xf32, #tpu.memory_space<vmem_shared>> -> memref<25x128xf32, #tpu.memory_space<vmem_shared>>
      %dma_wait3A_132 = arith.constant 0 : i32
      %dma_wait3A_133 = arith.constant 0 : i32
      %dma_wait3A_134 = tpu.memref_slice %arg21[%dma_wait3A_132, %dma_wait3A_133] : memref<40x128xf32, #tpu.memory_space<vmem>> -> memref<25x128xf32, #tpu.memory_space<vmem>>
      tpu.wait_dma2 semaphore(%run_scoped3A : memref<!tpu.dma_semaphore, #tpu.memory_space<semaphore_mem>>) src(%dma_wait3A_134 : memref<25x128xf32, #tpu.memory_space<vmem>>) dst(%dma_wait3A_131 : memref<25x128xf32, #tpu.memory_space<vmem_shared>>)
      tpu.yield
    }) : () -> ()
    %barrier3A_52 = arith.constant 0 : index
    tpu.barrier barrier_id(%barrier3A_52)
    %dma_start3A = arith.constant 0 : i32
    %dma_start3A_53 = tpu.memref_slice %arg9[%arg0, %mul3A_0, %dma_start3A] : memref<2x160000x128xf32, #tpu.memory_space<hbm>> -> memref<1x80x128xf32, #tpu.memory_space<hbm>>
    %dma_start3A_54 = tpu.memref_squeeze %dma_start3A_53 : memref<1x80x128xf32, #tpu.memory_space<hbm>> -> memref<80x128xf32, #tpu.memory_space<hbm>>
    %dma_start3A_55 = arith.constant 0 : i32
    %dma_start3A_56 = tpu.memref_slice %arg9[%arg0, %mul3A_0, %dma_start3A_55] : memref<2x160000x128xf32, #tpu.memory_space<hbm>> -> memref<1x80x128xf32, #tpu.memory_space<hbm>>
    %dma_start3A_57 = tpu.memref_squeeze %dma_start3A_56 : memref<1x80x128xf32, #tpu.memory_space<hbm>> -> memref<80x128xf32, #tpu.memory_space<hbm>>
    tpu.enqueue_dma source(%dma_start3A_57 : memref<80x128xf32, #tpu.memory_space<hbm>>) target(%arg16 : memref<80x128xf32, #tpu.memory_space<vmem>>) target_semaphore(%arg24 : memref<!tpu.dma_semaphore, #tpu.memory_space<semaphore_mem>>)
    %scan3A_58 = arith.constant 0 : i32
    %scan3A_59 = arith.constant 62 : i32
    %scan3A_60 = arith.addi %scan3A_58, %scan3A_59 : i32
    %scan3A_61 = arith.constant 1 : i32
    scf.for %scan3A_115 = %scan3A_58 to %scan3A_60 step %scan3A_61  : i32 {
      %mul3A_116 = arith.constant 1 : i32
      %mul3A_117 = arith.muli %scan3A_115, %mul3A_116 : i32
      %add3A_118 = arith.constant 0 : i32
      %add3A_119 = arith.addi %add3A_118, %mul3A_117 : i32
      %mul3A_120 = arith.constant 2 : i32
      %mul3A_121 = arith.muli %mul3A_120, %add3A_119 : i32
      %mul3A_122 = arith.constant 80 : i32
      %mul3A_123 = arith.muli %mul3A_121, %mul3A_122 : i32
      %jit3A = arith.constant 25 : i32
      %eq3A_124 = arith.constant 0 : i32
      %eq3A_125 = arith.cmpi eq, %jit3A, %eq3A_124 : i32
      %jit3A_126 = arith.constant 1 : i32
      %select_n3A = arith.select %eq3A_125, %jit3A_126, %jit3A : i32
      %rem3A = arith.remsi %mul3A_121, %select_n3A : i32
      %ne3A = arith.constant 0 : i32
      %ne3A_127 = arith.cmpi ne, %rem3A, %ne3A : i32
      %lt3A_128 = arith.constant 0 : i32
      %lt3A_129 = arith.cmpi slt, %rem3A, %lt3A_128 : i32
      %lt3A_130 = arith.constant 0 : i32
      %lt3A_131 = arith.cmpi slt, %select_n3A, %lt3A_130 : i32
      %ne3A_132 = arith.xori %lt3A_129, %lt3A_131 : i1
      %and3A = arith.andi %ne3A_132, %ne3A_127 : i1
      %add3A_133 = arith.addi %rem3A, %select_n3A : i32
      %select_n3A_134 = arith.select %and3A, %add3A_133, %rem3A : i32
      %eq3A_135 = arith.constant 0 : i32
      %eq3A_136 = arith.cmpi eq, %select_n3A_134, %eq3A_135 : i32
      %convert_element_type3A_137 = arith.extui %eq3A_136 : i1 to i32
      %cond3A_138 = arith.constant 0 : i32
      %cond3A_139 = arith.cmpi ne, %convert_element_type3A_137, %cond3A_138 : i32
      scf.if %cond3A_139 {
        %jit3A_325 = arith.constant 25 : i32
        %div3A = arith.divsi %mul3A_121, %jit3A_325 : i32
        %sign3A = arith.constant 0 : i32
        %sign3A_326 = arith.cmpi sgt, %mul3A_121, %sign3A : i32
        %sign3A_327 = arith.extui %sign3A_326 : i1 to i32
        %sign3A_328 = arith.constant 0 : i32
        %sign3A_329 = arith.cmpi slt, %mul3A_121, %sign3A_328 : i32
        %sign3A_330 = arith.extui %sign3A_329 : i1 to i32
        %sign3A_331 = arith.subi %sign3A_327, %sign3A_330 : i32
        %sign3A_332 = arith.constant 0 : i32
        %sign3A_333 = arith.cmpi sgt, %jit3A_325, %sign3A_332 : i32
        %sign3A_334 = arith.extui %sign3A_333 : i1 to i32
        %sign3A_335 = arith.constant 0 : i32
        %sign3A_336 = arith.cmpi slt, %jit3A_325, %sign3A_335 : i32
        %sign3A_337 = arith.extui %sign3A_336 : i1 to i32
        %sign3A_338 = arith.subi %sign3A_334, %sign3A_337 : i32
        %ne3A_339 = arith.cmpi ne, %sign3A_331, %sign3A_338 : i32
        %rem3A_340 = arith.remsi %mul3A_121, %jit3A_325 : i32
        %ne3A_341 = arith.constant 0 : i32
        %ne3A_342 = arith.cmpi ne, %rem3A_340, %ne3A_341 : i32
        %and3A_343 = arith.andi %ne3A_339, %ne3A_342 : i1
        %sub3A = arith.constant 1 : i32
        %sub3A_344 = arith.subi %div3A, %sub3A : i32
        %select_n3A_345 = arith.select %and3A_343, %sub3A_344, %div3A : i32
        %mul3A_346 = arith.constant 2000 : i32
        %mul3A_347 = arith.muli %select_n3A_345, %mul3A_346 : i32
        %add3A_348 = arith.addi %mul3A_0, %mul3A_347 : i32
        "tpu.region"() ({
          %run_scoped3A = tpu.sem_alloc : memref<!tpu.dma_semaphore, #tpu.memory_space<semaphore_mem>>
          %dma_start3A_349 = tpu.memref_slice %arg5[%add3A_348] : memref<160000xi32, #tpu.memory_space<hbm>> -> memref<2000xi32, #tpu.memory_space<hbm>>
          %dma_start3A_350 = tpu.memref_slice %arg5[%add3A_348] : memref<160000xi32, #tpu.memory_space<hbm>> -> memref<2000xi32, #tpu.memory_space<hbm>>
          tpu.enqueue_dma source(%dma_start3A_350 : memref<2000xi32, #tpu.memory_space<hbm>>) target(%arg11 : memref<2000xi32, #tpu.memory_space<vmem>>) target_semaphore(%run_scoped3A : memref<!tpu.dma_semaphore, #tpu.memory_space<semaphore_mem>>)
          %dma_wait3A_351 = tpu.memref_slice %arg5[%add3A_348] : memref<160000xi32, #tpu.memory_space<hbm>> -> memref<2000xi32, #tpu.memory_space<hbm>>
          %dma_wait3A_352 = tpu.memref_slice %arg5[%add3A_348] : memref<160000xi32, #tpu.memory_space<hbm>> -> memref<2000xi32, #tpu.memory_space<hbm>>
          tpu.wait_dma2 semaphore(%run_scoped3A : memref<!tpu.dma_semaphore, #tpu.memory_space<semaphore_mem>>) src(%dma_wait3A_352 : memref<2000xi32, #tpu.memory_space<hbm>>) dst(%arg11 : memref<2000xi32, #tpu.memory_space<vmem>>)
          tpu.yield
        }) : () -> ()
      } else {
      }
      %add3A_140 = arith.addi %mul3A_0, %mul3A_123 : i32
      %dma_wait3A_141 = arith.constant 0 : i32
      %dma_wait3A_142 = tpu.memref_slice %arg9[%arg0, %add3A_140, %dma_wait3A_141] : memref<2x160000x128xf32, #tpu.memory_space<hbm>> -> memref<1x80x128xf32, #tpu.memory_space<hbm>>
      %dma_wait3A_143 = tpu.memref_squeeze %dma_wait3A_142 : memref<1x80x128xf32, #tpu.memory_space<hbm>> -> memref<80x128xf32, #tpu.memory_space<hbm>>
      %dma_wait3A_144 = arith.constant 0 : i32
      %dma_wait3A_145 = tpu.memref_slice %arg9[%arg0, %add3A_140, %dma_wait3A_144] : memref<2x160000x128xf32, #tpu.memory_space<hbm>> -> memref<1x80x128xf32, #tpu.memory_space<hbm>>
      %dma_wait3A_146 = tpu.memref_squeeze %dma_wait3A_145 : memref<1x80x128xf32, #tpu.memory_space<hbm>> -> memref<80x128xf32, #tpu.memory_space<hbm>>
      tpu.wait_dma2 semaphore(%arg24 : memref<!tpu.dma_semaphore, #tpu.memory_space<semaphore_mem>>) src(%dma_wait3A_146 : memref<80x128xf32, #tpu.memory_space<hbm>>) dst(%arg16 : memref<80x128xf32, #tpu.memory_space<vmem>>)
      %add3A_147 = arith.addi %mul3A_0, %mul3A_123 : i32
      %add3A_148 = arith.constant 80 : i32
      %add3A_149 = arith.addi %add3A_147, %add3A_148 : i32
      %dma_start3A_150 = arith.constant 0 : i32
      %dma_start3A_151 = tpu.memref_slice %arg9[%arg0, %add3A_149, %dma_start3A_150] : memref<2x160000x128xf32, #tpu.memory_space<hbm>> -> memref<1x80x128xf32, #tpu.memory_space<hbm>>
      %dma_start3A_152 = tpu.memref_squeeze %dma_start3A_151 : memref<1x80x128xf32, #tpu.memory_space<hbm>> -> memref<80x128xf32, #tpu.memory_space<hbm>>
      %dma_start3A_153 = arith.constant 0 : i32
      %dma_start3A_154 = tpu.memref_slice %arg9[%arg0, %add3A_149, %dma_start3A_153] : memref<2x160000x128xf32, #tpu.memory_space<hbm>> -> memref<1x80x128xf32, #tpu.memory_space<hbm>>
      %dma_start3A_155 = tpu.memref_squeeze %dma_start3A_154 : memref<1x80x128xf32, #tpu.memory_space<hbm>> -> memref<80x128xf32, #tpu.memory_space<hbm>>
      tpu.enqueue_dma source(%dma_start3A_155 : memref<80x128xf32, #tpu.memory_space<hbm>>) target(%arg17 : memref<80x128xf32, #tpu.memory_space<vmem>>) target_semaphore(%arg25 : memref<!tpu.dma_semaphore, #tpu.memory_space<semaphore_mem>>)
      %jit3A_156 = arith.constant 25 : i32
      %eq3A_157 = arith.constant 0 : i32
      %eq3A_158 = arith.cmpi eq, %jit3A_156, %eq3A_157 : i32
      %jit3A_159 = arith.constant 1 : i32
      %select_n3A_160 = arith.select %eq3A_158, %jit3A_159, %jit3A_156 : i32
      %rem3A_161 = arith.remsi %mul3A_121, %select_n3A_160 : i32
      %ne3A_162 = arith.constant 0 : i32
      %ne3A_163 = arith.cmpi ne, %rem3A_161, %ne3A_162 : i32
      %lt3A_164 = arith.constant 0 : i32
      %lt3A_165 = arith.cmpi slt, %rem3A_161, %lt3A_164 : i32
      %lt3A_166 = arith.constant 0 : i32
      %lt3A_167 = arith.cmpi slt, %select_n3A_160, %lt3A_166 : i32
      %ne3A_168 = arith.xori %lt3A_165, %lt3A_167 : i1
      %and3A_169 = arith.andi %ne3A_168, %ne3A_163 : i1
      %add3A_170 = arith.addi %rem3A_161, %select_n3A_160 : i32
      %select_n3A_171 = arith.select %and3A_169, %add3A_170, %rem3A_161 : i32
      %mul3A_172 = arith.constant 80 : i32
      %mul3A_173 = arith.muli %select_n3A_171, %mul3A_172 : i32
      %add3A_174 = arith.constant 0 : i32
      %add3A_175 = arith.addi %mul3A_173, %add3A_174 : i32
      %get3A_176 = arith.index_cast %add3A_175 : i32 to index
      %get3A_177 = tpu.vector_load %arg11[%get3A_176] {strides = array<i32>} : memref<2000xi32, #tpu.memory_space<vmem>>, vector<16xi32>,
      %get3A_178 = vector.shape_cast %get3A_177 : vector<16xi32> to vector<16xi32>
      %swap3A_179 = arith.constant 0 : index
      %swap3A_180 = tpu.vector_load %arg12[%swap3A_179] {strides = array<i32>} : memref<80xi32, #tpu.memory_space<vmem>>, vector<16xi32>,
      %swap3A_181 = vector.shape_cast %swap3A_180 : vector<16xi32> to vector<16xi32>
      %swap3A_182 = vector.shape_cast %get3A_178 : vector<16xi32> to vector<16xi32>
      tpu.vector_store %arg12[%swap3A_179], %swap3A_182 {strides = array<i32>} : memref<80xi32, #tpu.memory_space<vmem>>, vector<16xi32>,
      %add3A_183 = arith.constant 16 : i32
      %add3A_184 = arith.addi %mul3A_173, %add3A_183 : i32
      %get3A_185 = arith.index_cast %add3A_184 : i32 to index
      %get3A_186 = tpu.vector_load %arg11[%get3A_185] {strides = array<i32>} : memref<2000xi32, #tpu.memory_space<vmem>>, vector<16xi32>,
      %get3A_187 = vector.shape_cast %get3A_186 : vector<16xi32> to vector<16xi32>
      %swap3A_188 = arith.constant 16 : index
      %swap3A_189 = tpu.vector_load %arg12[%swap3A_188] {strides = array<i32>} : memref<80xi32, #tpu.memory_space<vmem>>, vector<16xi32>,
      %swap3A_190 = vector.shape_cast %swap3A_189 : vector<16xi32> to vector<16xi32>
      %swap3A_191 = vector.shape_cast %get3A_187 : vector<16xi32> to vector<16xi32>
      tpu.vector_store %arg12[%swap3A_188], %swap3A_191 {strides = array<i32>} : memref<80xi32, #tpu.memory_space<vmem>>, vector<16xi32>,
      %add3A_192 = arith.constant 32 : i32
      %add3A_193 = arith.addi %mul3A_173, %add3A_192 : i32
      %get3A_194 = arith.index_cast %add3A_193 : i32 to index
      %get3A_195 = tpu.vector_load %arg11[%get3A_194] {strides = array<i32>} : memref<2000xi32, #tpu.memory_space<vmem>>, vector<16xi32>,
      %get3A_196 = vector.shape_cast %get3A_195 : vector<16xi32> to vector<16xi32>
      %swap3A_197 = arith.constant 32 : index
      %swap3A_198 = tpu.vector_load %arg12[%swap3A_197] {strides = array<i32>} : memref<80xi32, #tpu.memory_space<vmem>>, vector<16xi32>,
      %swap3A_199 = vector.shape_cast %swap3A_198 : vector<16xi32> to vector<16xi32>
      %swap3A_200 = vector.shape_cast %get3A_196 : vector<16xi32> to vector<16xi32>
      tpu.vector_store %arg12[%swap3A_197], %swap3A_200 {strides = array<i32>} : memref<80xi32, #tpu.memory_space<vmem>>, vector<16xi32>,
      %add3A_201 = arith.constant 48 : i32
      %add3A_202 = arith.addi %mul3A_173, %add3A_201 : i32
      %get3A_203 = arith.index_cast %add3A_202 : i32 to index
      %get3A_204 = tpu.vector_load %arg11[%get3A_203] {strides = array<i32>} : memref<2000xi32, #tpu.memory_space<vmem>>, vector<16xi32>,
      %get3A_205 = vector.shape_cast %get3A_204 : vector<16xi32> to vector<16xi32>
      %swap3A_206 = arith.constant 48 : index
      %swap3A_207 = tpu.vector_load %arg12[%swap3A_206] {strides = array<i32>} : memref<80xi32, #tpu.memory_space<vmem>>, vector<16xi32>,
      %swap3A_208 = vector.shape_cast %swap3A_207 : vector<16xi32> to vector<16xi32>
      %swap3A_209 = vector.shape_cast %get3A_205 : vector<16xi32> to vector<16xi32>
      tpu.vector_store %arg12[%swap3A_206], %swap3A_209 {strides = array<i32>} : memref<80xi32, #tpu.memory_space<vmem>>, vector<16xi32>,
      %add3A_210 = arith.constant 64 : i32
      %add3A_211 = arith.addi %mul3A_173, %add3A_210 : i32
      %get3A_212 = arith.index_cast %add3A_211 : i32 to index
      %get3A_213 = tpu.vector_load %arg11[%get3A_212] {strides = array<i32>} : memref<2000xi32, #tpu.memory_space<vmem>>, vector<16xi32>,
      %get3A_214 = vector.shape_cast %get3A_213 : vector<16xi32> to vector<16xi32>
      %swap3A_215 = arith.constant 64 : index
      %swap3A_216 = tpu.vector_load %arg12[%swap3A_215] {strides = array<i32>} : memref<80xi32, #tpu.memory_space<vmem>>, vector<16xi32>,
      %swap3A_217 = vector.shape_cast %swap3A_216 : vector<16xi32> to vector<16xi32>
      %swap3A_218 = vector.shape_cast %get3A_214 : vector<16xi32> to vector<16xi32>
      tpu.vector_store %arg12[%swap3A_215], %swap3A_218 {strides = array<i32>} : memref<80xi32, #tpu.memory_space<vmem>>, vector<16xi32>,
      "tpu.region"() ({
        %run_scoped3A = tpu.sem_alloc : memref<!tpu.dma_semaphore, #tpu.memory_space<semaphore_mem>>
        %dma_start3A_325 = arith.constant 0 : i32
        %dma_start3A_326 = arith.constant 0 : i32
        %dma_start3A_327 = tpu.memref_slice %arg23[%dma_start3A_325, %dma_start3A_326] : memref<10000x128xf32, #tpu.memory_space<vmem_shared>> -> memref<10000x128xf32, #tpu.memory_space<vmem_shared>>
        tpu.enqueue_indirect_dma source(%arg16 : memref<80x128xf32, #tpu.memory_space<vmem>>) target(%dma_start3A_327 : memref<10000x128xf32, #tpu.memory_space<vmem_shared>>) offsets(%arg12 : memref<80xi32, #tpu.memory_space<vmem>>) semaphore(%run_scoped3A : memref<!tpu.dma_semaphore, #tpu.memory_space<semaphore_mem>>) {add = true}
        %dma_wait3A_328 = arith.constant 0 : i32
        %dma_wait3A_329 = arith.constant 0 : i32
        %dma_wait3A_330 = tpu.memref_slice %arg23[%dma_wait3A_328, %dma_wait3A_329] : memref<10000x128xf32, #tpu.memory_space<vmem_shared>> -> memref<10000x128xf32, #tpu.memory_space<vmem_shared>>
        tpu.wait_indirect_dma semaphore(%run_scoped3A : memref<!tpu.dma_semaphore, #tpu.memory_space<semaphore_mem>>) src(%arg16 : memref<80x128xf32, #tpu.memory_space<vmem>>) dst(%dma_wait3A_330 : memref<10000x128xf32, #tpu.memory_space<vmem_shared>>)
        tpu.yield
      }) : () -> ()
      %add3A_219 = arith.constant 1 : i32
      %add3A_220 = arith.addi %mul3A_121, %add3A_219 : i32
      %jit3A_221 = arith.constant 25 : i32
      %eq3A_222 = arith.constant 0 : i32
      %eq3A_223 = arith.cmpi eq, %jit3A_221, %eq3A_222 : i32
      %jit3A_224 = arith.constant 1 : i32
      %select_n3A_225 = arith.select %eq3A_223, %jit3A_224, %jit3A_221 : i32
      %rem3A_226 = arith.remsi %add3A_220, %select_n3A_225 : i32
      %ne3A_227 = arith.constant 0 : i32
      %ne3A_228 = arith.cmpi ne, %rem3A_226, %ne3A_227 : i32
      %lt3A_229 = arith.constant 0 : i32
      %lt3A_230 = arith.cmpi slt, %rem3A_226, %lt3A_229 : i32
      %lt3A_231 = arith.constant 0 : i32
      %lt3A_232 = arith.cmpi slt, %select_n3A_225, %lt3A_231 : i32
      %ne3A_233 = arith.xori %lt3A_230, %lt3A_232 : i1
      %and3A_234 = arith.andi %ne3A_233, %ne3A_228 : i1
      %add3A_235 = arith.addi %rem3A_226, %select_n3A_225 : i32
      %select_n3A_236 = arith.select %and3A_234, %add3A_235, %rem3A_226 : i32
      %eq3A_237 = arith.constant 0 : i32
      %eq3A_238 = arith.cmpi eq, %select_n3A_236, %eq3A_237 : i32
      %convert_element_type3A_239 = arith.extui %eq3A_238 : i1 to i32
      %cond3A_240 = arith.constant 0 : i32
      %cond3A_241 = arith.cmpi ne, %convert_element_type3A_239, %cond3A_240 : i32
      scf.if %cond3A_241 {
        %jit3A_325 = arith.constant 25 : i32
        %div3A = arith.divsi %add3A_220, %jit3A_325 : i32
        %sign3A = arith.constant 0 : i32
        %sign3A_326 = arith.cmpi sgt, %add3A_220, %sign3A : i32
        %sign3A_327 = arith.extui %sign3A_326 : i1 to i32
        %sign3A_328 = arith.constant 0 : i32
        %sign3A_329 = arith.cmpi slt, %add3A_220, %sign3A_328 : i32
        %sign3A_330 = arith.extui %sign3A_329 : i1 to i32
        %sign3A_331 = arith.subi %sign3A_327, %sign3A_330 : i32
        %sign3A_332 = arith.constant 0 : i32
        %sign3A_333 = arith.cmpi sgt, %jit3A_325, %sign3A_332 : i32
        %sign3A_334 = arith.extui %sign3A_333 : i1 to i32
        %sign3A_335 = arith.constant 0 : i32
        %sign3A_336 = arith.cmpi slt, %jit3A_325, %sign3A_335 : i32
        %sign3A_337 = arith.extui %sign3A_336 : i1 to i32
        %sign3A_338 = arith.subi %sign3A_334, %sign3A_337 : i32
        %ne3A_339 = arith.cmpi ne, %sign3A_331, %sign3A_338 : i32
        %rem3A_340 = arith.remsi %add3A_220, %jit3A_325 : i32
        %ne3A_341 = arith.constant 0 : i32
        %ne3A_342 = arith.cmpi ne, %rem3A_340, %ne3A_341 : i32
        %and3A_343 = arith.andi %ne3A_339, %ne3A_342 : i1
        %sub3A = arith.constant 1 : i32
        %sub3A_344 = arith.subi %div3A, %sub3A : i32
        %select_n3A_345 = arith.select %and3A_343, %sub3A_344, %div3A : i32
        %mul3A_346 = arith.constant 2000 : i32
        %mul3A_347 = arith.muli %select_n3A_345, %mul3A_346 : i32
        %add3A_348 = arith.addi %mul3A_0, %mul3A_347 : i32
        "tpu.region"() ({
          %run_scoped3A = tpu.sem_alloc : memref<!tpu.dma_semaphore, #tpu.memory_space<semaphore_mem>>
          %dma_start3A_349 = tpu.memref_slice %arg5[%add3A_348] : memref<160000xi32, #tpu.memory_space<hbm>> -> memref<2000xi32, #tpu.memory_space<hbm>>
          %dma_start3A_350 = tpu.memref_slice %arg5[%add3A_348] : memref<160000xi32, #tpu.memory_space<hbm>> -> memref<2000xi32, #tpu.memory_space<hbm>>
          tpu.enqueue_dma source(%dma_start3A_350 : memref<2000xi32, #tpu.memory_space<hbm>>) target(%arg11 : memref<2000xi32, #tpu.memory_space<vmem>>) target_semaphore(%run_scoped3A : memref<!tpu.dma_semaphore, #tpu.memory_space<semaphore_mem>>)
          %dma_wait3A_351 = tpu.memref_slice %arg5[%add3A_348] : memref<160000xi32, #tpu.memory_space<hbm>> -> memref<2000xi32, #tpu.memory_space<hbm>>
          %dma_wait3A_352 = tpu.memref_slice %arg5[%add3A_348] : memref<160000xi32, #tpu.memory_space<hbm>> -> memref<2000xi32, #tpu.memory_space<hbm>>
          tpu.wait_dma2 semaphore(%run_scoped3A : memref<!tpu.dma_semaphore, #tpu.memory_space<semaphore_mem>>) src(%dma_wait3A_352 : memref<2000xi32, #tpu.memory_space<hbm>>) dst(%arg11 : memref<2000xi32, #tpu.memory_space<vmem>>)
          tpu.yield
        }) : () -> ()
      } else {
      }
      %add3A_242 = arith.addi %mul3A_0, %mul3A_123 : i32
      %add3A_243 = arith.constant 80 : i32
      %add3A_244 = arith.addi %add3A_242, %add3A_243 : i32
      %dma_wait3A_245 = arith.constant 0 : i32
      %dma_wait3A_246 = tpu.memref_slice %arg9[%arg0, %add3A_244, %dma_wait3A_245] : memref<2x160000x128xf32, #tpu.memory_space<hbm>> -> memref<1x80x128xf32, #tpu.memory_space<hbm>>
      %dma_wait3A_247 = tpu.memref_squeeze %dma_wait3A_246 : memref<1x80x128xf32, #tpu.memory_space<hbm>> -> memref<80x128xf32, #tpu.memory_space<hbm>>
      %dma_wait3A_248 = arith.constant 0 : i32
      %dma_wait3A_249 = tpu.memref_slice %arg9[%arg0, %add3A_244, %dma_wait3A_248] : memref<2x160000x128xf32, #tpu.memory_space<hbm>> -> memref<1x80x128xf32, #tpu.memory_space<hbm>>
      %dma_wait3A_250 = tpu.memref_squeeze %dma_wait3A_249 : memref<1x80x128xf32, #tpu.memory_space<hbm>> -> memref<80x128xf32, #tpu.memory_space<hbm>>
      tpu.wait_dma2 semaphore(%arg25 : memref<!tpu.dma_semaphore, #tpu.memory_space<semaphore_mem>>) src(%dma_wait3A_250 : memref<80x128xf32, #tpu.memory_space<hbm>>) dst(%arg17 : memref<80x128xf32, #tpu.memory_space<vmem>>)
      %add3A_251 = arith.addi %mul3A_0, %mul3A_123 : i32
      %add3A_252 = arith.constant 160 : i32
      %add3A_253 = arith.addi %add3A_251, %add3A_252 : i32
      %dma_start3A_254 = arith.constant 0 : i32
      %dma_start3A_255 = tpu.memref_slice %arg9[%arg0, %add3A_253, %dma_start3A_254] : memref<2x160000x128xf32, #tpu.memory_space<hbm>> -> memref<1x80x128xf32, #tpu.memory_space<hbm>>
      %dma_start3A_256 = tpu.memref_squeeze %dma_start3A_255 : memref<1x80x128xf32, #tpu.memory_space<hbm>> -> memref<80x128xf32, #tpu.memory_space<hbm>>
      %dma_start3A_257 = arith.constant 0 : i32
      %dma_start3A_258 = tpu.memref_slice %arg9[%arg0, %add3A_253, %dma_start3A_257] : memref<2x160000x128xf32, #tpu.memory_space<hbm>> -> memref<1x80x128xf32, #tpu.memory_space<hbm>>
      %dma_start3A_259 = tpu.memref_squeeze %dma_start3A_258 : memref<1x80x128xf32, #tpu.memory_space<hbm>> -> memref<80x128xf32, #tpu.memory_space<hbm>>
      tpu.enqueue_dma source(%dma_start3A_259 : memref<80x128xf32, #tpu.memory_space<hbm>>) target(%arg16 : memref<80x128xf32, #tpu.memory_space<vmem>>) target_semaphore(%arg24 : memref<!tpu.dma_semaphore, #tpu.memory_space<semaphore_mem>>)
      %add3A_260 = arith.constant 1 : i32
      %add3A_261 = arith.addi %mul3A_121, %add3A_260 : i32
      %jit3A_262 = arith.constant 25 : i32
      %eq3A_263 = arith.constant 0 : i32
      %eq3A_264 = arith.cmpi eq, %jit3A_262, %eq3A_263 : i32
      %jit3A_265 = arith.constant 1 : i32
      %select_n3A_266 = arith.select %eq3A_264, %jit3A_265, %jit3A_262 : i32
      %rem3A_267 = arith.remsi %add3A_261, %select_n3A_266 : i32
      %ne3A_268 = arith.constant 0 : i32
      %ne3A_269 = arith.cmpi ne, %rem3A_267, %ne3A_268 : i32
      %lt3A_270 = arith.constant 0 : i32
      %lt3A_271 = arith.cmpi slt, %rem3A_267, %lt3A_270 : i32
      %lt3A_272 = arith.constant 0 : i32
      %lt3A_273 = arith.cmpi slt, %select_n3A_266, %lt3A_272 : i32
      %ne3A_274 = arith.xori %lt3A_271, %lt3A_273 : i1
      %and3A_275 = arith.andi %ne3A_274, %ne3A_269 : i1
      %add3A_276 = arith.addi %rem3A_267, %select_n3A_266 : i32
      %select_n3A_277 = arith.select %and3A_275, %add3A_276, %rem3A_267 : i32
      %mul3A_278 = arith.constant 80 : i32
      %mul3A_279 = arith.muli %select_n3A_277, %mul3A_278 : i32
      %add3A_280 = arith.constant 0 : i32
      %add3A_281 = arith.addi %mul3A_279, %add3A_280 : i32
      %get3A_282 = arith.index_cast %add3A_281 : i32 to index
      %get3A_283 = tpu.vector_load %arg11[%get3A_282] {strides = array<i32>} : memref<2000xi32, #tpu.memory_space<vmem>>, vector<16xi32>,
      %get3A_284 = vector.shape_cast %get3A_283 : vector<16xi32> to vector<16xi32>
      %swap3A_285 = arith.constant 0 : index
      %swap3A_286 = tpu.vector_load %arg13[%swap3A_285] {strides = array<i32>} : memref<80xi32, #tpu.memory_space<vmem>>, vector<16xi32>,
      %swap3A_287 = vector.shape_cast %swap3A_286 : vector<16xi32> to vector<16xi32>
      %swap3A_288 = vector.shape_cast %get3A_284 : vector<16xi32> to vector<16xi32>
      tpu.vector_store %arg13[%swap3A_285], %swap3A_288 {strides = array<i32>} : memref<80xi32, #tpu.memory_space<vmem>>, vector<16xi32>,
      %add3A_289 = arith.constant 16 : i32
      %add3A_290 = arith.addi %mul3A_279, %add3A_289 : i32
      %get3A_291 = arith.index_cast %add3A_290 : i32 to index
      %get3A_292 = tpu.vector_load %arg11[%get3A_291] {strides = array<i32>} : memref<2000xi32, #tpu.memory_space<vmem>>, vector<16xi32>,
      %get3A_293 = vector.shape_cast %get3A_292 : vector<16xi32> to vector<16xi32>
      %swap3A_294 = arith.constant 16 : index
      %swap3A_295 = tpu.vector_load %arg13[%swap3A_294] {strides = array<i32>} : memref<80xi32, #tpu.memory_space<vmem>>, vector<16xi32>,
      %swap3A_296 = vector.shape_cast %swap3A_295 : vector<16xi32> to vector<16xi32>
      %swap3A_297 = vector.shape_cast %get3A_293 : vector<16xi32> to vector<16xi32>
      tpu.vector_store %arg13[%swap3A_294], %swap3A_297 {strides = array<i32>} : memref<80xi32, #tpu.memory_space<vmem>>, vector<16xi32>,
      %add3A_298 = arith.constant 32 : i32
      %add3A_299 = arith.addi %mul3A_279, %add3A_298 : i32
      %get3A_300 = arith.index_cast %add3A_299 : i32 to index
      %get3A_301 = tpu.vector_load %arg11[%get3A_300] {strides = array<i32>} : memref<2000xi32, #tpu.memory_space<vmem>>, vector<16xi32>,
      %get3A_302 = vector.shape_cast %get3A_301 : vector<16xi32> to vector<16xi32>
      %swap3A_303 = arith.constant 32 : index
      %swap3A_304 = tpu.vector_load %arg13[%swap3A_303] {strides = array<i32>} : memref<80xi32, #tpu.memory_space<vmem>>, vector<16xi32>,
      %swap3A_305 = vector.shape_cast %swap3A_304 : vector<16xi32> to vector<16xi32>
      %swap3A_306 = vector.shape_cast %get3A_302 : vector<16xi32> to vector<16xi32>
      tpu.vector_store %arg13[%swap3A_303], %swap3A_306 {strides = array<i32>} : memref<80xi32, #tpu.memory_space<vmem>>, vector<16xi32>,
      %add3A_307 = arith.constant 48 : i32
      %add3A_308 = arith.addi %mul3A_279, %add3A_307 : i32
      %get3A_309 = arith.index_cast %add3A_308 : i32 to index
      %get3A_310 = tpu.vector_load %arg11[%get3A_309] {strides = array<i32>} : memref<2000xi32, #tpu.memory_space<vmem>>, vector<16xi32>,
      %get3A_311 = vector.shape_cast %get3A_310 : vector<16xi32> to vector<16xi32>
      %swap3A_312 = arith.constant 48 : index
      %swap3A_313 = tpu.vector_load %arg13[%swap3A_312] {strides = array<i32>} : memref<80xi32, #tpu.memory_space<vmem>>, vector<16xi32>,
      %swap3A_314 = vector.shape_cast %swap3A_313 : vector<16xi32> to vector<16xi32>
      %swap3A_315 = vector.shape_cast %get3A_311 : vector<16xi32> to vector<16xi32>
      tpu.vector_store %arg13[%swap3A_312], %swap3A_315 {strides = array<i32>} : memref<80xi32, #tpu.memory_space<vmem>>, vector<16xi32>,
      %add3A_316 = arith.constant 64 : i32
      %add3A_317 = arith.addi %mul3A_279, %add3A_316 : i32
      %get3A_318 = arith.index_cast %add3A_317 : i32 to index
      %get3A_319 = tpu.vector_load %arg11[%get3A_318] {strides = array<i32>} : memref<2000xi32, #tpu.memory_space<vmem>>, vector<16xi32>,
      %get3A_320 = vector.shape_cast %get3A_319 : vector<16xi32> to vector<16xi32>
      %swap3A_321 = arith.constant 64 : index
      %swap3A_322 = tpu.vector_load %arg13[%swap3A_321] {strides = array<i32>} : memref<80xi32, #tpu.memory_space<vmem>>, vector<16xi32>,
      %swap3A_323 = vector.shape_cast %swap3A_322 : vector<16xi32> to vector<16xi32>
      %swap3A_324 = vector.shape_cast %get3A_320 : vector<16xi32> to vector<16xi32>
      tpu.vector_store %arg13[%swap3A_321], %swap3A_324 {strides = array<i32>} : memref<80xi32, #tpu.memory_space<vmem>>, vector<16xi32>,
      "tpu.region"() ({
        %run_scoped3A = tpu.sem_alloc : memref<!tpu.dma_semaphore, #tpu.memory_space<semaphore_mem>>
        %dma_start3A_325 = arith.constant 0 : i32
        %dma_start3A_326 = arith.constant 0 : i32
        %dma_start3A_327 = tpu.memref_slice %arg23[%dma_start3A_325, %dma_start3A_326] : memref<10000x128xf32, #tpu.memory_space<vmem_shared>> -> memref<10000x128xf32, #tpu.memory_space<vmem_shared>>
        tpu.enqueue_indirect_dma source(%arg17 : memref<80x128xf32, #tpu.memory_space<vmem>>) target(%dma_start3A_327 : memref<10000x128xf32, #tpu.memory_space<vmem_shared>>) offsets(%arg13 : memref<80xi32, #tpu.memory_space<vmem>>) semaphore(%run_scoped3A : memref<!tpu.dma_semaphore, #tpu.memory_space<semaphore_mem>>) {add = true}
        %dma_wait3A_328 = arith.constant 0 : i32
        %dma_wait3A_329 = arith.constant 0 : i32
        %dma_wait3A_330 = tpu.memref_slice %arg23[%dma_wait3A_328, %dma_wait3A_329] : memref<10000x128xf32, #tpu.memory_space<vmem_shared>> -> memref<10000x128xf32, #tpu.memory_space<vmem_shared>>
        tpu.wait_indirect_dma semaphore(%run_scoped3A : memref<!tpu.dma_semaphore, #tpu.memory_space<semaphore_mem>>) src(%arg17 : memref<80x128xf32, #tpu.memory_space<vmem>>) dst(%dma_wait3A_330 : memref<10000x128xf32, #tpu.memory_space<vmem_shared>>)
        tpu.yield
      }) : () -> ()
    }
    %scan3A_62 = arith.constant 62 : i32
    %add3A_63 = arith.constant 9920 : i32
    %add3A_64 = arith.addi %mul3A_0, %add3A_63 : i32
    %dma_wait3A = arith.constant 0 : i32
    %dma_wait3A_65 = tpu.memref_slice %arg9[%arg0, %add3A_64, %dma_wait3A] : memref<2x160000x128xf32, #tpu.memory_space<hbm>> -> memref<1x80x128xf32, #tpu.memory_space<hbm>>
    %dma_wait3A_66 = tpu.memref_squeeze %dma_wait3A_65 : memref<1x80x128xf32, #tpu.memory_space<hbm>> -> memref<80x128xf32, #tpu.memory_space<hbm>>
    %dma_wait3A_67 = arith.constant 0 : i32
    %dma_wait3A_68 = tpu.memref_slice %arg9[%arg0, %add3A_64, %dma_wait3A_67] : memref<2x160000x128xf32, #tpu.memory_space<hbm>> -> memref<1x80x128xf32, #tpu.memory_space<hbm>>
    %dma_wait3A_69 = tpu.memref_squeeze %dma_wait3A_68 : memref<1x80x128xf32, #tpu.memory_space<hbm>> -> memref<80x128xf32, #tpu.memory_space<hbm>>
    tpu.wait_dma2 semaphore(%arg24 : memref<!tpu.dma_semaphore, #tpu.memory_space<semaphore_mem>>) src(%dma_wait3A_69 : memref<80x128xf32, #tpu.memory_space<hbm>>) dst(%arg16 : memref<80x128xf32, #tpu.memory_space<vmem>>)
    %get3A = arith.constant 1920 : index
    %get3A_70 = tpu.vector_load %arg11[%get3A] {strides = array<i32>} : memref<2000xi32, #tpu.memory_space<vmem>>, vector<16xi32>,
    %get3A_71 = vector.shape_cast %get3A_70 : vector<16xi32> to vector<16xi32>
    %swap3A = arith.constant 0 : index
    %swap3A_72 = tpu.vector_load %arg12[%swap3A] {strides = array<i32>} : memref<80xi32, #tpu.memory_space<vmem>>, vector<16xi32>,
    %swap3A_73 = vector.shape_cast %swap3A_72 : vector<16xi32> to vector<16xi32>
    %swap3A_74 = vector.shape_cast %get3A_71 : vector<16xi32> to vector<16xi32>
    tpu.vector_store %arg12[%swap3A], %swap3A_74 {strides = array<i32>} : memref<80xi32, #tpu.memory_space<vmem>>, vector<16xi32>,
    %get3A_75 = arith.constant 1936 : index
    %get3A_76 = tpu.vector_load %arg11[%get3A_75] {strides = array<i32>} : memref<2000xi32, #tpu.memory_space<vmem>>, vector<16xi32>,
    %get3A_77 = vector.shape_cast %get3A_76 : vector<16xi32> to vector<16xi32>
    %swap3A_78 = arith.constant 16 : index
    %swap3A_79 = tpu.vector_load %arg12[%swap3A_78] {strides = array<i32>} : memref<80xi32, #tpu.memory_space<vmem>>, vector<16xi32>,
    %swap3A_80 = vector.shape_cast %swap3A_79 : vector<16xi32> to vector<16xi32>
    %swap3A_81 = vector.shape_cast %get3A_77 : vector<16xi32> to vector<16xi32>
    tpu.vector_store %arg12[%swap3A_78], %swap3A_81 {strides = array<i32>} : memref<80xi32, #tpu.memory_space<vmem>>, vector<16xi32>,
    %get3A_82 = arith.constant 1952 : index
    %get3A_83 = tpu.vector_load %arg11[%get3A_82] {strides = array<i32>} : memref<2000xi32, #tpu.memory_space<vmem>>, vector<16xi32>,
    %get3A_84 = vector.shape_cast %get3A_83 : vector<16xi32> to vector<16xi32>
    %swap3A_85 = arith.constant 32 : index
    %swap3A_86 = tpu.vector_load %arg12[%swap3A_85] {strides = array<i32>} : memref<80xi32, #tpu.memory_space<vmem>>, vector<16xi32>,
    %swap3A_87 = vector.shape_cast %swap3A_86 : vector<16xi32> to vector<16xi32>
    %swap3A_88 = vector.shape_cast %get3A_84 : vector<16xi32> to vector<16xi32>
    tpu.vector_store %arg12[%swap3A_85], %swap3A_88 {strides = array<i32>} : memref<80xi32, #tpu.memory_space<vmem>>, vector<16xi32>,
    %get3A_89 = arith.constant 1968 : index
    %get3A_90 = tpu.vector_load %arg11[%get3A_89] {strides = array<i32>} : memref<2000xi32, #tpu.memory_space<vmem>>, vector<16xi32>,
    %get3A_91 = vector.shape_cast %get3A_90 : vector<16xi32> to vector<16xi32>
    %swap3A_92 = arith.constant 48 : index
    %swap3A_93 = tpu.vector_load %arg12[%swap3A_92] {strides = array<i32>} : memref<80xi32, #tpu.memory_space<vmem>>, vector<16xi32>,
    %swap3A_94 = vector.shape_cast %swap3A_93 : vector<16xi32> to vector<16xi32>
    %swap3A_95 = vector.shape_cast %get3A_91 : vector<16xi32> to vector<16xi32>
    tpu.vector_store %arg12[%swap3A_92], %swap3A_95 {strides = array<i32>} : memref<80xi32, #tpu.memory_space<vmem>>, vector<16xi32>,
    %get3A_96 = arith.constant 1984 : index
    %get3A_97 = tpu.vector_load %arg11[%get3A_96] {strides = array<i32>} : memref<2000xi32, #tpu.memory_space<vmem>>, vector<16xi32>,
    %get3A_98 = vector.shape_cast %get3A_97 : vector<16xi32> to vector<16xi32>
    %swap3A_99 = arith.constant 64 : index
    %swap3A_100 = tpu.vector_load %arg12[%swap3A_99] {strides = array<i32>} : memref<80xi32, #tpu.memory_space<vmem>>, vector<16xi32>,
    %swap3A_101 = vector.shape_cast %swap3A_100 : vector<16xi32> to vector<16xi32>
    %swap3A_102 = vector.shape_cast %get3A_98 : vector<16xi32> to vector<16xi32>
    tpu.vector_store %arg12[%swap3A_99], %swap3A_102 {strides = array<i32>} : memref<80xi32, #tpu.memory_space<vmem>>, vector<16xi32>,
    "tpu.region"() ({
      %run_scoped3A = tpu.sem_alloc : memref<!tpu.dma_semaphore, #tpu.memory_space<semaphore_mem>>
      %dma_start3A_115 = arith.constant 0 : i32
      %dma_start3A_116 = arith.constant 0 : i32
      %dma_start3A_117 = tpu.memref_slice %arg23[%dma_start3A_115, %dma_start3A_116] : memref<10000x128xf32, #tpu.memory_space<vmem_shared>> -> memref<10000x128xf32, #tpu.memory_space<vmem_shared>>
      tpu.enqueue_indirect_dma source(%arg16 : memref<80x128xf32, #tpu.memory_space<vmem>>) target(%dma_start3A_117 : memref<10000x128xf32, #tpu.memory_space<vmem_shared>>) offsets(%arg12 : memref<80xi32, #tpu.memory_space<vmem>>) semaphore(%run_scoped3A : memref<!tpu.dma_semaphore, #tpu.memory_space<semaphore_mem>>) {add = true}
      %dma_wait3A_118 = arith.constant 0 : i32
      %dma_wait3A_119 = arith.constant 0 : i32
      %dma_wait3A_120 = tpu.memref_slice %arg23[%dma_wait3A_118, %dma_wait3A_119] : memref<10000x128xf32, #tpu.memory_space<vmem_shared>> -> memref<10000x128xf32, #tpu.memory_space<vmem_shared>>
      tpu.wait_indirect_dma semaphore(%run_scoped3A : memref<!tpu.dma_semaphore, #tpu.memory_space<semaphore_mem>>) src(%arg16 : memref<80x128xf32, #tpu.memory_space<vmem>>) dst(%dma_wait3A_120 : memref<10000x128xf32, #tpu.memory_space<vmem_shared>>)
      tpu.yield
    }) : () -> ()
    %barrier3A_103 = arith.constant 0 : index
    tpu.barrier barrier_id(%barrier3A_103)
    %lt3A_104 = arith.constant 15 : i32
    %lt3A_105 = arith.cmpi slt, %arg1, %lt3A_104 : i32
    %convert_element_type3A_106 = arith.extui %lt3A_105 : i1 to i32
    %cond3A_107 = arith.constant 0 : i32
    %cond3A_108 = arith.cmpi ne, %convert_element_type3A_106, %cond3A_107 : i32
    scf.if %cond3A_108 {
      %mul3A_115 = arith.constant 640 : i32
      %mul3A_116 = arith.muli %arg1, %mul3A_115 : i32
      %mul3A_117 = arith.constant 640 : i32
      %mul3A_118 = arith.muli %arg1, %mul3A_117 : i32
      "tpu.region"() ({
        %run_scoped3A = tpu.sem_alloc : memref<!tpu.dma_semaphore, #tpu.memory_space<semaphore_mem>>
        %dma_start3A_119 = arith.constant 0 : i32
        %dma_start3A_120 = tpu.memref_slice %arg8[%arg0, %mul3A_118, %dma_start3A_119] : memref<2x10000x128xf32, #tpu.memory_space<hbm>> -> memref<1x640x128xf32, #tpu.memory_space<hbm>>
        %dma_start3A_121 = tpu.memref_squeeze %dma_start3A_120 : memref<1x640x128xf32, #tpu.memory_space<hbm>> -> memref<640x128xf32, #tpu.memory_space<hbm>>
        %dma_start3A_122 = arith.constant 0 : i32
        %dma_start3A_123 = tpu.memref_slice %arg23[%mul3A_116, %dma_start3A_122] : memref<10000x128xf32, #tpu.memory_space<vmem_shared>> -> memref<640x128xf32, #tpu.memory_space<vmem_shared>>
        tpu.enqueue_dma source(%dma_start3A_123 : memref<640x128xf32, #tpu.memory_space<vmem_shared>>) target(%dma_start3A_121 : memref<640x128xf32, #tpu.memory_space<hbm>>) target_semaphore(%run_scoped3A : memref<!tpu.dma_semaphore, #tpu.memory_space<semaphore_mem>>)
        %dma_wait3A_124 = arith.constant 0 : i32
        %dma_wait3A_125 = tpu.memref_slice %arg8[%arg0, %mul3A_118, %dma_wait3A_124] : memref<2x10000x128xf32, #tpu.memory_space<hbm>> -> memref<1x640x128xf32, #tpu.memory_space<hbm>>
        %dma_wait3A_126 = tpu.memref_squeeze %dma_wait3A_125 : memref<1x640x128xf32, #tpu.memory_space<hbm>> -> memref<640x128xf32, #tpu.memory_space<hbm>>
        %dma_wait3A_127 = arith.constant 0 : i32
        %dma_wait3A_128 = tpu.memref_slice %arg23[%mul3A_116, %dma_wait3A_127] : memref<10000x128xf32, #tpu.memory_space<vmem_shared>> -> memref<640x128xf32, #tpu.memory_space<vmem_shared>>
        tpu.wait_dma2 semaphore(%run_scoped3A : memref<!tpu.dma_semaphore, #tpu.memory_space<semaphore_mem>>) src(%dma_wait3A_128 : memref<640x128xf32, #tpu.memory_space<vmem_shared>>) dst(%dma_wait3A_126 : memref<640x128xf32, #tpu.memory_space<hbm>>)
        tpu.yield
      }) : () -> ()
    } else {
    }
    %eq3A_109 = arith.constant 15 : i32
    %eq3A_110 = arith.cmpi eq, %arg1, %eq3A_109 : i32
    %convert_element_type3A_111 = arith.extui %eq3A_110 : i1 to i32
    %cond3A_112 = arith.constant 0 : i32
    %cond3A_113 = arith.cmpi ne, %convert_element_type3A_111, %cond3A_112 : i32
    scf.if %cond3A_113 {
      "tpu.region"() ({
        %run_scoped3A = tpu.sem_alloc : memref<!tpu.dma_semaphore, #tpu.memory_space<semaphore_mem>>
        %dma_start3A_115 = arith.constant 9600 : i32
        %dma_start3A_116 = arith.constant 0 : i32
        %dma_start3A_117 = tpu.memref_slice %arg8[%arg0, %dma_start3A_115, %dma_start3A_116] : memref<2x10000x128xf32, #tpu.memory_space<hbm>> -> memref<1x400x128xf32, #tpu.memory_space<hbm>>
        %dma_start3A_118 = tpu.memref_squeeze %dma_start3A_117 : memref<1x400x128xf32, #tpu.memory_space<hbm>> -> memref<400x128xf32, #tpu.memory_space<hbm>>
        %dma_start3A_119 = arith.constant 9600 : i32
        %dma_start3A_120 = arith.constant 0 : i32
        %dma_start3A_121 = tpu.memref_slice %arg23[%dma_start3A_119, %dma_start3A_120] : memref<10000x128xf32, #tpu.memory_space<vmem_shared>> -> memref<400x128xf32, #tpu.memory_space<vmem_shared>>
        tpu.enqueue_dma source(%dma_start3A_121 : memref<400x128xf32, #tpu.memory_space<vmem_shared>>) target(%dma_start3A_118 : memref<400x128xf32, #tpu.memory_space<hbm>>) target_semaphore(%run_scoped3A : memref<!tpu.dma_semaphore, #tpu.memory_space<semaphore_mem>>)
        %dma_wait3A_122 = arith.constant 9600 : i32
        %dma_wait3A_123 = arith.constant 0 : i32
        %dma_wait3A_124 = tpu.memref_slice %arg8[%arg0, %dma_wait3A_122, %dma_wait3A_123] : memref<2x10000x128xf32, #tpu.memory_space<hbm>> -> memref<1x400x128xf32, #tpu.memory_space<hbm>>
        %dma_wait3A_125 = tpu.memref_squeeze %dma_wait3A_124 : memref<1x400x128xf32, #tpu.memory_space<hbm>> -> memref<400x128xf32, #tpu.memory_space<hbm>>
        %dma_wait3A_126 = arith.constant 9600 : i32
        %dma_wait3A_127 = arith.constant 0 : i32
        %dma_wait3A_128 = tpu.memref_slice %arg23[%dma_wait3A_126, %dma_wait3A_127] : memref<10000x128xf32, #tpu.memory_space<vmem_shared>> -> memref<400x128xf32, #tpu.memory_space<vmem_shared>>
        tpu.wait_dma2 semaphore(%run_scoped3A : memref<!tpu.dma_semaphore, #tpu.memory_space<semaphore_mem>>) src(%dma_wait3A_128 : memref<400x128xf32, #tpu.memory_space<vmem_shared>>) dst(%dma_wait3A_125 : memref<400x128xf32, #tpu.memory_space<hbm>>)
        tpu.yield
      }) : () -> ()
    } else {
    }
    %barrier3A_114 = arith.constant 0 : index
    tpu.barrier barrier_id(%barrier3A_114)
    return
  }
}

module attributes {stable_mosaic.version = 14 : i64} {
  func.func @_combine_body(%arg0: i32, %arg1: memref<2000x256xf32, #tpu.memory_space<vmem>>, %arg2: memref<2x2000x128xf32, #tpu.memory_space<vmem>>, %arg3: memref<2x2000x128xf32, #tpu.memory_space<vmem>>, %arg4: memref<2000x256xf32, #tpu.memory_space<vmem>>) attributes {dimension_semantics = [#tpu.dimension_semantics<arbitrary>], iteration_bounds = array<i64: 5>, scalar_prefetch = 0 : i64, scratch_operands = 0 : i64, tpu.core_type = #tpu.core_type<tc>, window_params = [{transform_indices = @transform_0, window_bounds = array<i64: 2000, 256>}, {transform_indices = @transform_1, window_bounds = array<i64: 2, 2000, 128>}, {transform_indices = @transform_2, window_bounds = array<i64: 2, 2000, 128>}, {transform_indices = @transform_3, window_bounds = array<i64: 2000, 256>}]} {
    %get3A = arith.constant 0 : index
    %get3A_0 = arith.constant 0 : index
    %get3A_1 = vector.load %arg1[%get3A, %get3A_0] : memref<2000x256xf32, #tpu.memory_space<vmem>>, vector<2000x64xf32>
    %get3A_2 = arith.constant 0 : index
    %get3A_3 = arith.constant 0 : index
    %get3A_4 = arith.constant 0 : index
    %get3A_5 = vector.load %arg2[%get3A_2, %get3A_3, %get3A_4] : memref<2x2000x128xf32, #tpu.memory_space<vmem>>, vector<1x2000x128xf32>
    %get3A_6 = vector.shape_cast %get3A_5 : vector<1x2000x128xf32> to vector<2000x128xf32>
    %slice3A = vector.extract_strided_slice %get3A_6 {offsets = [0, 0], sizes = [2000, 64], strides = [1, 1]} : vector<2000x128xf32> to vector<2000x64xf32>
    %get3A_7 = arith.constant 0 : index
    %get3A_8 = arith.constant 0 : index
    %get3A_9 = arith.constant 0 : index
    %get3A_10 = vector.load %arg2[%get3A_7, %get3A_8, %get3A_9] : memref<2x2000x128xf32, #tpu.memory_space<vmem>>, vector<1x2000x128xf32>
    %get3A_11 = vector.shape_cast %get3A_10 : vector<1x2000x128xf32> to vector<2000x128xf32>
    %slice3A_12 = vector.extract_strided_slice %get3A_11 {offsets = [0, 64], sizes = [2000, 64], strides = [1, 1]} : vector<2000x128xf32> to vector<2000x64xf32>
    %add3A = arith.constant 9.99999997E-7 : f32
    %add3A_13 = vector.broadcast %add3A : f32 to vector<2000x64xf32>
    %add3A_14 = arith.addf %slice3A_12, %add3A_13 : vector<2000x64xf32>
    %div3A = arith.divf %slice3A, %add3A_14 : vector<2000x64xf32>
    %add3A_15 = arith.addf %get3A_1, %div3A : vector<2000x64xf32>
    %swap3A = arith.constant 0 : index
    %swap3A_16 = arith.constant 0 : index
    %swap3A_17 = vector.load %arg4[%swap3A, %swap3A_16] : memref<2000x256xf32, #tpu.memory_space<vmem>>, vector<2000x64xf32>
    tpu.vector_store %arg4[%swap3A, %swap3A_16], %add3A_15 {strides = array<i32>} : memref<2000x256xf32, #tpu.memory_space<vmem>>, vector<2000x64xf32>,
    %get3A_18 = arith.constant 0 : index
    %get3A_19 = arith.constant 64 : index
    %get3A_20 = vector.load %arg1[%get3A_18, %get3A_19] : memref<2000x256xf32, #tpu.memory_space<vmem>>, vector<2000x64xf32>
    %get3A_21 = arith.constant 0 : index
    %get3A_22 = arith.constant 0 : index
    %get3A_23 = arith.constant 0 : index
    %get3A_24 = vector.load %arg3[%get3A_21, %get3A_22, %get3A_23] : memref<2x2000x128xf32, #tpu.memory_space<vmem>>, vector<1x2000x128xf32>
    %get3A_25 = vector.shape_cast %get3A_24 : vector<1x2000x128xf32> to vector<2000x128xf32>
    %slice3A_26 = vector.extract_strided_slice %get3A_25 {offsets = [0, 0], sizes = [2000, 64], strides = [1, 1]} : vector<2000x128xf32> to vector<2000x64xf32>
    %get3A_27 = arith.constant 0 : index
    %get3A_28 = arith.constant 0 : index
    %get3A_29 = arith.constant 0 : index
    %get3A_30 = vector.load %arg3[%get3A_27, %get3A_28, %get3A_29] : memref<2x2000x128xf32, #tpu.memory_space<vmem>>, vector<1x2000x128xf32>
    %get3A_31 = vector.shape_cast %get3A_30 : vector<1x2000x128xf32> to vector<2000x128xf32>
    %slice3A_32 = vector.extract_strided_slice %get3A_31 {offsets = [0, 64], sizes = [2000, 64], strides = [1, 1]} : vector<2000x128xf32> to vector<2000x64xf32>
    %add3A_33 = arith.constant 9.99999997E-7 : f32
    %add3A_34 = vector.broadcast %add3A_33 : f32 to vector<2000x64xf32>
    %add3A_35 = arith.addf %slice3A_32, %add3A_34 : vector<2000x64xf32>
    %div3A_36 = arith.divf %slice3A_26, %add3A_35 : vector<2000x64xf32>
    %add3A_37 = arith.addf %get3A_20, %div3A_36 : vector<2000x64xf32>
    %swap3A_38 = arith.constant 0 : index
    %swap3A_39 = arith.constant 64 : index
    %swap3A_40 = vector.load %arg4[%swap3A_38, %swap3A_39] : memref<2000x256xf32, #tpu.memory_space<vmem>>, vector<2000x64xf32>
    tpu.vector_store %arg4[%swap3A_38, %swap3A_39], %add3A_37 {strides = array<i32>} : memref<2000x256xf32, #tpu.memory_space<vmem>>, vector<2000x64xf32>,
    %get3A_41 = arith.constant 0 : index
    %get3A_42 = arith.constant 128 : index
    %get3A_43 = vector.load %arg1[%get3A_41, %get3A_42] : memref<2000x256xf32, #tpu.memory_space<vmem>>, vector<2000x64xf32>
    %get3A_44 = arith.constant 1 : index
    %get3A_45 = arith.constant 0 : index
    %get3A_46 = arith.constant 0 : index
    %get3A_47 = vector.load %arg2[%get3A_44, %get3A_45, %get3A_46] : memref<2x2000x128xf32, #tpu.memory_space<vmem>>, vector<1x2000x128xf32>
    %get3A_48 = vector.shape_cast %get3A_47 : vector<1x2000x128xf32> to vector<2000x128xf32>
    %slice3A_49 = vector.extract_strided_slice %get3A_48 {offsets = [0, 0], sizes = [2000, 64], strides = [1, 1]} : vector<2000x128xf32> to vector<2000x64xf32>
    %get3A_50 = arith.constant 1 : index
    %get3A_51 = arith.constant 0 : index
    %get3A_52 = arith.constant 0 : index
    %get3A_53 = vector.load %arg2[%get3A_50, %get3A_51, %get3A_52] : memref<2x2000x128xf32, #tpu.memory_space<vmem>>, vector<1x2000x128xf32>
    %get3A_54 = vector.shape_cast %get3A_53 : vector<1x2000x128xf32> to vector<2000x128xf32>
    %slice3A_55 = vector.extract_strided_slice %get3A_54 {offsets = [0, 64], sizes = [2000, 64], strides = [1, 1]} : vector<2000x128xf32> to vector<2000x64xf32>
    %add3A_56 = arith.constant 9.99999997E-7 : f32
    %add3A_57 = vector.broadcast %add3A_56 : f32 to vector<2000x64xf32>
    %add3A_58 = arith.addf %slice3A_55, %add3A_57 : vector<2000x64xf32>
    %div3A_59 = arith.divf %slice3A_49, %add3A_58 : vector<2000x64xf32>
    %add3A_60 = arith.addf %get3A_43, %div3A_59 : vector<2000x64xf32>
    %swap3A_61 = arith.constant 0 : index
    %swap3A_62 = arith.constant 128 : index
    %swap3A_63 = vector.load %arg4[%swap3A_61, %swap3A_62] : memref<2000x256xf32, #tpu.memory_space<vmem>>, vector<2000x64xf32>
    tpu.vector_store %arg4[%swap3A_61, %swap3A_62], %add3A_60 {strides = array<i32>} : memref<2000x256xf32, #tpu.memory_space<vmem>>, vector<2000x64xf32>,
    %get3A_64 = arith.constant 0 : index
    %get3A_65 = arith.constant 192 : index
    %get3A_66 = vector.load %arg1[%get3A_64, %get3A_65] : memref<2000x256xf32, #tpu.memory_space<vmem>>, vector<2000x64xf32>
    %get3A_67 = arith.constant 1 : index
    %get3A_68 = arith.constant 0 : index
    %get3A_69 = arith.constant 0 : index
    %get3A_70 = vector.load %arg3[%get3A_67, %get3A_68, %get3A_69] : memref<2x2000x128xf32, #tpu.memory_space<vmem>>, vector<1x2000x128xf32>
    %get3A_71 = vector.shape_cast %get3A_70 : vector<1x2000x128xf32> to vector<2000x128xf32>
    %slice3A_72 = vector.extract_strided_slice %get3A_71 {offsets = [0, 0], sizes = [2000, 64], strides = [1, 1]} : vector<2000x128xf32> to vector<2000x64xf32>
    %get3A_73 = arith.constant 1 : index
    %get3A_74 = arith.constant 0 : index
    %get3A_75 = arith.constant 0 : index
    %get3A_76 = vector.load %arg3[%get3A_73, %get3A_74, %get3A_75] : memref<2x2000x128xf32, #tpu.memory_space<vmem>>, vector<1x2000x128xf32>
    %get3A_77 = vector.shape_cast %get3A_76 : vector<1x2000x128xf32> to vector<2000x128xf32>
    %slice3A_78 = vector.extract_strided_slice %get3A_77 {offsets = [0, 64], sizes = [2000, 64], strides = [1, 1]} : vector<2000x128xf32> to vector<2000x64xf32>
    %add3A_79 = arith.constant 9.99999997E-7 : f32
    %add3A_80 = vector.broadcast %add3A_79 : f32 to vector<2000x64xf32>
    %add3A_81 = arith.addf %slice3A_78, %add3A_80 : vector<2000x64xf32>
    %div3A_82 = arith.divf %slice3A_72, %add3A_81 : vector<2000x64xf32>
    %add3A_83 = arith.addf %get3A_66, %div3A_82 : vector<2000x64xf32>
    %swap3A_84 = arith.constant 0 : index
    %swap3A_85 = arith.constant 192 : index
    %swap3A_86 = vector.load %arg4[%swap3A_84, %swap3A_85] : memref<2000x256xf32, #tpu.memory_space<vmem>>, vector<2000x64xf32>
    tpu.vector_store %arg4[%swap3A_84, %swap3A_85], %add3A_83 {strides = array<i32>} : memref<2000x256xf32, #tpu.memory_space<vmem>>, vector<2000x64xf32>,
    return
  }
  func.func @transform_0(%arg0: i32) -> (i32, i32) {
    %c0_i32 = arith.constant 0 : i32
    %c0_i32_0 = arith.constant 0 : i32
    return %arg0, %c0_i32 : i32, i32
  }
  func.func @transform_1(%arg0: i32) -> (i32, i32, i32) {
    %c0_i32 = arith.constant 0 : i32
    %c0_i32_0 = arith.constant 0 : i32
    %c0_i32_1 = arith.constant 0 : i32
    return %c0_i32, %arg0, %c0_i32_0 : i32, i32, i32
  }
  func.func @transform_2(%arg0: i32) -> (i32, i32, i32) {
    %c0_i32 = arith.constant 0 : i32
    %c0_i32_0 = arith.constant 0 : i32
    %c0_i32_1 = arith.constant 0 : i32
    return %c0_i32, %arg0, %c0_i32_0 : i32, i32, i32
  }
  func.func @transform_3(%arg0: i32) -> (i32, i32) {
    %c0_i32 = arith.constant 0 : i32
    %c0_i32_0 = arith.constant 0 : i32
    return %arg0, %c0_i32 : i32, i32
  }
}

module attributes {stable_mosaic.version = 14 : i64} {
  func.func @_node_proj_body(%arg0: i32, %arg1: memref<2000x256xf32, #tpu.memory_space<vmem>>, %arg2: memref<256x256xf32, #tpu.memory_space<vmem>>, %arg3: memref<1x256xf32, #tpu.memory_space<vmem>>, %arg4: memref<256x256xf32, #tpu.memory_space<vmem>>, %arg5: memref<1x256xf32, #tpu.memory_space<vmem>>, %arg6: memref<256x256xf32, #tpu.memory_space<vmem>>, %arg7: memref<1x256xf32, #tpu.memory_space<vmem>>, %arg8: memref<256x256xf32, #tpu.memory_space<vmem>>, %arg9: memref<1x256xf32, #tpu.memory_space<vmem>>, %arg10: memref<6x2000x128xf32, #tpu.memory_space<vmem>>, %arg11: memref<2000x256xf32, #tpu.memory_space<vmem>>) attributes {dimension_semantics = [#tpu.dimension_semantics<arbitrary>], iteration_bounds = array<i64: 5>, scalar_prefetch = 0 : i64, scratch_operands = 0 : i64, tpu.core_type = #tpu.core_type<tc>, window_params = [{transform_indices = @transform_0, window_bounds = array<i64: 2000, 256>}, {pipeline_mode = #tpu.pipeline_mode<synchronous>, transform_indices = @transform_1, window_bounds = array<i64: 256, 256>}, {pipeline_mode = #tpu.pipeline_mode<synchronous>, transform_indices = @transform_2, window_bounds = array<i64: 1, 256>}, {pipeline_mode = #tpu.pipeline_mode<synchronous>, transform_indices = @transform_3, window_bounds = array<i64: 256, 256>}, {pipeline_mode = #tpu.pipeline_mode<synchronous>, transform_indices = @transform_4, window_bounds = array<i64: 1, 256>}, {pipeline_mode = #tpu.pipeline_mode<synchronous>, transform_indices = @transform_5, window_bounds = array<i64: 256, 256>}, {pipeline_mode = #tpu.pipeline_mode<synchronous>, transform_indices = @transform_6, window_bounds = array<i64: 1, 256>}, {pipeline_mode = #tpu.pipeline_mode<synchronous>, transform_indices = @transform_7, window_bounds = array<i64: 256, 256>}, {pipeline_mode = #tpu.pipeline_mode<synchronous>, transform_indices = @transform_8, window_bounds = array<i64: 1, 256>}, {transform_indices = @transform_9, window_bounds = array<i64: 6, 2000, 128>}, {transform_indices = @transform_10, window_bounds = array<i64: 2000, 256>}]} {
    %get3A = arith.constant 0 : index
    %get3A_0 = arith.constant 0 : index
    %get3A_1 = vector.load %arg1[%get3A, %get3A_0] : memref<2000x256xf32, #tpu.memory_space<vmem>>, vector<2000x256xf32>
    %get3A_2 = arith.constant 0 : index
    %get3A_3 = arith.constant 0 : index
    %get3A_4 = vector.load %arg2[%get3A_2, %get3A_3] : memref<256x256xf32, #tpu.memory_space<vmem>>, vector<256x256xf32>
    %dot_general3A = arith.constant dense<0.000000e+00> : vector<2000x256xf32>
    %dot_general3A_5 = tpu.matmul %get3A_1, %get3A_4, %dot_general3A {dimension_numbers = #tpu.dot_dimension_numbers<[1], [0], [0], [1], [0, 0, 1, 1], [], []>, transpose_lhs_hint = false} : vector<2000x256xf32>, vector<256x256xf32>, vector<2000x256xf32> -> vector<2000x256xf32>
    %get3A_6 = arith.constant 0 : index
    %get3A_7 = arith.constant 0 : index
    %get3A_8 = vector.load %arg3[%get3A_6, %get3A_7] : memref<1x256xf32, #tpu.memory_space<vmem>>, vector<1x256xf32>
    %add3A = vector.broadcast %get3A_8 : vector<1x256xf32> to vector<2000x256xf32>
    %add3A_9 = arith.addf %dot_general3A_5, %add3A : vector<2000x256xf32>
    %slice3A = vector.extract_strided_slice %add3A_9 {offsets = [0, 0], sizes = [2000, 128], strides = [1, 1]} : vector<2000x256xf32> to vector<2000x128xf32>
    %swap3A = arith.constant 0 : index
    %swap3A_10 = arith.constant 0 : index
    %swap3A_11 = arith.constant 0 : index
    %swap3A_12 = vector.load %arg10[%swap3A, %swap3A_10, %swap3A_11] : memref<6x2000x128xf32, #tpu.memory_space<vmem>>, vector<1x2000x128xf32>
    %swap3A_13 = vector.shape_cast %swap3A_12 : vector<1x2000x128xf32> to vector<2000x128xf32>
    %swap3A_14 = vector.shape_cast %slice3A : vector<2000x128xf32> to vector<1x2000x128xf32>
    tpu.vector_store %arg10[%swap3A, %swap3A_10, %swap3A_11], %swap3A_14 {strides = array<i32>} : memref<6x2000x128xf32, #tpu.memory_space<vmem>>, vector<1x2000x128xf32>,
    %slice3A_15 = vector.extract_strided_slice %add3A_9 {offsets = [0, 128], sizes = [2000, 128], strides = [1, 1]} : vector<2000x256xf32> to vector<2000x128xf32>
    %swap3A_16 = arith.constant 1 : index
    %swap3A_17 = arith.constant 0 : index
    %swap3A_18 = arith.constant 0 : index
    %swap3A_19 = vector.load %arg10[%swap3A_16, %swap3A_17, %swap3A_18] : memref<6x2000x128xf32, #tpu.memory_space<vmem>>, vector<1x2000x128xf32>
    %swap3A_20 = vector.shape_cast %swap3A_19 : vector<1x2000x128xf32> to vector<2000x128xf32>
    %swap3A_21 = vector.shape_cast %slice3A_15 : vector<2000x128xf32> to vector<1x2000x128xf32>
    tpu.vector_store %arg10[%swap3A_16, %swap3A_17, %swap3A_18], %swap3A_21 {strides = array<i32>} : memref<6x2000x128xf32, #tpu.memory_space<vmem>>, vector<1x2000x128xf32>,
    %get3A_22 = arith.constant 0 : index
    %get3A_23 = arith.constant 0 : index
    %get3A_24 = vector.load %arg4[%get3A_22, %get3A_23] : memref<256x256xf32, #tpu.memory_space<vmem>>, vector<256x256xf32>
    %dot_general3A_25 = arith.constant dense<0.000000e+00> : vector<2000x256xf32>
    %dot_general3A_26 = tpu.matmul %get3A_1, %get3A_24, %dot_general3A_25 {dimension_numbers = #tpu.dot_dimension_numbers<[1], [0], [0], [1], [0, 0, 1, 1], [], []>, transpose_lhs_hint = false} : vector<2000x256xf32>, vector<256x256xf32>, vector<2000x256xf32> -> vector<2000x256xf32>
    %get3A_27 = arith.constant 0 : index
    %get3A_28 = arith.constant 0 : index
    %get3A_29 = vector.load %arg5[%get3A_27, %get3A_28] : memref<1x256xf32, #tpu.memory_space<vmem>>, vector<1x256xf32>
    %add3A_30 = vector.broadcast %get3A_29 : vector<1x256xf32> to vector<2000x256xf32>
    %add3A_31 = arith.addf %dot_general3A_26, %add3A_30 : vector<2000x256xf32>
    %slice3A_32 = vector.extract_strided_slice %add3A_31 {offsets = [0, 0], sizes = [2000, 128], strides = [1, 1]} : vector<2000x256xf32> to vector<2000x128xf32>
    %swap3A_33 = arith.constant 2 : index
    %swap3A_34 = arith.constant 0 : index
    %swap3A_35 = arith.constant 0 : index
    %swap3A_36 = vector.load %arg10[%swap3A_33, %swap3A_34, %swap3A_35] : memref<6x2000x128xf32, #tpu.memory_space<vmem>>, vector<1x2000x128xf32>
    %swap3A_37 = vector.shape_cast %swap3A_36 : vector<1x2000x128xf32> to vector<2000x128xf32>
    %swap3A_38 = vector.shape_cast %slice3A_32 : vector<2000x128xf32> to vector<1x2000x128xf32>
    tpu.vector_store %arg10[%swap3A_33, %swap3A_34, %swap3A_35], %swap3A_38 {strides = array<i32>} : memref<6x2000x128xf32, #tpu.memory_space<vmem>>, vector<1x2000x128xf32>,
    %slice3A_39 = vector.extract_strided_slice %add3A_31 {offsets = [0, 128], sizes = [2000, 128], strides = [1, 1]} : vector<2000x256xf32> to vector<2000x128xf32>
    %swap3A_40 = arith.constant 3 : index
    %swap3A_41 = arith.constant 0 : index
    %swap3A_42 = arith.constant 0 : index
    %swap3A_43 = vector.load %arg10[%swap3A_40, %swap3A_41, %swap3A_42] : memref<6x2000x128xf32, #tpu.memory_space<vmem>>, vector<1x2000x128xf32>
    %swap3A_44 = vector.shape_cast %swap3A_43 : vector<1x2000x128xf32> to vector<2000x128xf32>
    %swap3A_45 = vector.shape_cast %slice3A_39 : vector<2000x128xf32> to vector<1x2000x128xf32>
    tpu.vector_store %arg10[%swap3A_40, %swap3A_41, %swap3A_42], %swap3A_45 {strides = array<i32>} : memref<6x2000x128xf32, #tpu.memory_space<vmem>>, vector<1x2000x128xf32>,
    %get3A_46 = arith.constant 0 : index
    %get3A_47 = arith.constant 0 : index
    %get3A_48 = vector.load %arg6[%get3A_46, %get3A_47] : memref<256x256xf32, #tpu.memory_space<vmem>>, vector<256x256xf32>
    %dot_general3A_49 = arith.constant dense<0.000000e+00> : vector<2000x256xf32>
    %dot_general3A_50 = tpu.matmul %get3A_1, %get3A_48, %dot_general3A_49 {dimension_numbers = #tpu.dot_dimension_numbers<[1], [0], [0], [1], [0, 0, 1, 1], [], []>, transpose_lhs_hint = false} : vector<2000x256xf32>, vector<256x256xf32>, vector<2000x256xf32> -> vector<2000x256xf32>
    %get3A_51 = arith.constant 0 : index
    %get3A_52 = arith.constant 0 : index
    %get3A_53 = vector.load %arg7[%get3A_51, %get3A_52] : memref<1x256xf32, #tpu.memory_space<vmem>>, vector<1x256xf32>
    %add3A_54 = vector.broadcast %get3A_53 : vector<1x256xf32> to vector<2000x256xf32>
    %add3A_55 = arith.addf %dot_general3A_50, %add3A_54 : vector<2000x256xf32>
    %slice3A_56 = vector.extract_strided_slice %add3A_55 {offsets = [0, 0], sizes = [2000, 128], strides = [1, 1]} : vector<2000x256xf32> to vector<2000x128xf32>
    %swap3A_57 = arith.constant 4 : index
    %swap3A_58 = arith.constant 0 : index
    %swap3A_59 = arith.constant 0 : index
    %swap3A_60 = vector.load %arg10[%swap3A_57, %swap3A_58, %swap3A_59] : memref<6x2000x128xf32, #tpu.memory_space<vmem>>, vector<1x2000x128xf32>
    %swap3A_61 = vector.shape_cast %swap3A_60 : vector<1x2000x128xf32> to vector<2000x128xf32>
    %swap3A_62 = vector.shape_cast %slice3A_56 : vector<2000x128xf32> to vector<1x2000x128xf32>
    tpu.vector_store %arg10[%swap3A_57, %swap3A_58, %swap3A_59], %swap3A_62 {strides = array<i32>} : memref<6x2000x128xf32, #tpu.memory_space<vmem>>, vector<1x2000x128xf32>,
    %slice3A_63 = vector.extract_strided_slice %add3A_55 {offsets = [0, 128], sizes = [2000, 128], strides = [1, 1]} : vector<2000x256xf32> to vector<2000x128xf32>
    %swap3A_64 = arith.constant 5 : index
    %swap3A_65 = arith.constant 0 : index
    %swap3A_66 = arith.constant 0 : index
    %swap3A_67 = vector.load %arg10[%swap3A_64, %swap3A_65, %swap3A_66] : memref<6x2000x128xf32, #tpu.memory_space<vmem>>, vector<1x2000x128xf32>
    %swap3A_68 = vector.shape_cast %swap3A_67 : vector<1x2000x128xf32> to vector<2000x128xf32>
    %swap3A_69 = vector.shape_cast %slice3A_63 : vector<2000x128xf32> to vector<1x2000x128xf32>
    tpu.vector_store %arg10[%swap3A_64, %swap3A_65, %swap3A_66], %swap3A_69 {strides = array<i32>} : memref<6x2000x128xf32, #tpu.memory_space<vmem>>, vector<1x2000x128xf32>,
    %get3A_70 = arith.constant 0 : index
    %get3A_71 = arith.constant 0 : index
    %get3A_72 = vector.load %arg8[%get3A_70, %get3A_71] : memref<256x256xf32, #tpu.memory_space<vmem>>, vector<256x256xf32>
    %dot_general3A_73 = arith.constant dense<0.000000e+00> : vector<2000x256xf32>
    %dot_general3A_74 = tpu.matmul %get3A_1, %get3A_72, %dot_general3A_73 {dimension_numbers = #tpu.dot_dimension_numbers<[1], [0], [0], [1], [0, 0, 1, 1], [], []>, transpose_lhs_hint = false} : vector<2000x256xf32>, vector<256x256xf32>, vector<2000x256xf32> -> vector<2000x256xf32>
    %get3A_75 = arith.constant 0 : index
    %get3A_76 = arith.constant 0 : index
    %get3A_77 = vector.load %arg9[%get3A_75, %get3A_76] : memref<1x256xf32, #tpu.memory_space<vmem>>, vector<1x256xf32>
    %add3A_78 = vector.broadcast %get3A_77 : vector<1x256xf32> to vector<2000x256xf32>
    %add3A_79 = arith.addf %dot_general3A_74, %add3A_78 : vector<2000x256xf32>
    %swap3A_80 = arith.constant 0 : index
    %swap3A_81 = arith.constant 0 : index
    %swap3A_82 = vector.load %arg11[%swap3A_80, %swap3A_81] : memref<2000x256xf32, #tpu.memory_space<vmem>>, vector<2000x256xf32>
    tpu.vector_store %arg11[%swap3A_80, %swap3A_81], %add3A_79 {strides = array<i32>} : memref<2000x256xf32, #tpu.memory_space<vmem>>, vector<2000x256xf32>,
    return
  }
  func.func @transform_0(%arg0: i32) -> (i32, i32) {
    %c0_i32 = arith.constant 0 : i32
    %c0_i32_0 = arith.constant 0 : i32
    return %arg0, %c0_i32 : i32, i32
  }
  func.func @transform_1(%arg0: i32) -> (i32, i32) {
    %c0_i32 = arith.constant 0 : i32
    %c0_i32_0 = arith.constant 0 : i32
    %c0_i32_1 = arith.constant 0 : i32
    return %c0_i32, %c0_i32_0 : i32, i32
  }
  func.func @transform_2(%arg0: i32) -> (i32, i32) {
    %c0_i32 = arith.constant 0 : i32
    %c0_i32_0 = arith.constant 0 : i32
    %c0_i32_1 = arith.constant 0 : i32
    return %c0_i32, %c0_i32_0 : i32, i32
  }
  func.func @transform_3(%arg0: i32) -> (i32, i32) {
    %c0_i32 = arith.constant 0 : i32
    %c0_i32_0 = arith.constant 0 : i32
    %c0_i32_1 = arith.constant 0 : i32
    return %c0_i32, %c0_i32_0 : i32, i32
  }
  func.func @transform_4(%arg0: i32) -> (i32, i32) {
    %c0_i32 = arith.constant 0 : i32
    %c0_i32_0 = arith.constant 0 : i32
    %c0_i32_1 = arith.constant 0 : i32
    return %c0_i32, %c0_i32_0 : i32, i32
  }
  func.func @transform_5(%arg0: i32) -> (i32, i32) {
    %c0_i32 = arith.constant 0 : i32
    %c0_i32_0 = arith.constant 0 : i32
    %c0_i32_1 = arith.constant 0 : i32
    return %c0_i32, %c0_i32_0 : i32, i32
  }
  func.func @transform_6(%arg0: i32) -> (i32, i32) {
    %c0_i32 = arith.constant 0 : i32
    %c0_i32_0 = arith.constant 0 : i32
    %c0_i32_1 = arith.constant 0 : i32
    return %c0_i32, %c0_i32_0 : i32, i32
  }
  func.func @transform_7(%arg0: i32) -> (i32, i32) {
    %c0_i32 = arith.constant 0 : i32
    %c0_i32_0 = arith.constant 0 : i32
    %c0_i32_1 = arith.constant 0 : i32
    return %c0_i32, %c0_i32_0 : i32, i32
  }
  func.func @transform_8(%arg0: i32) -> (i32, i32) {
    %c0_i32 = arith.constant 0 : i32
    %c0_i32_0 = arith.constant 0 : i32
    %c0_i32_1 = arith.constant 0 : i32
    return %c0_i32, %c0_i32_0 : i32, i32
  }
  func.func @transform_9(%arg0: i32) -> (i32, i32, i32) {
    %c0_i32 = arith.constant 0 : i32
    %c0_i32_0 = arith.constant 0 : i32
    %c0_i32_1 = arith.constant 0 : i32
    return %c0_i32, %arg0, %c0_i32_0 : i32, i32, i32
  }
  func.func @transform_10(%arg0: i32) -> (i32, i32) {
    %c0_i32 = arith.constant 0 : i32
    %c0_i32_0 = arith.constant 0 : i32
    return %arg0, %c0_i32 : i32, i32
  }
}

module attributes {stable_mosaic.version = 14 : i64} {
  func.func @_edge_proj_body(%arg0: i32, %arg1: memref<8000x256xf32, #tpu.memory_space<vmem>>, %arg2: memref<256x256xf32, #tpu.memory_space<vmem>>, %arg3: memref<1x256xf32, #tpu.memory_space<vmem>>, %arg4: memref<2x8000x128xf32, #tpu.memory_space<vmem>>) attributes {dimension_semantics = [#tpu.dimension_semantics<arbitrary>], iteration_bounds = array<i64: 20>, scalar_prefetch = 0 : i64, scratch_operands = 0 : i64, tpu.core_type = #tpu.core_type<tc>, window_params = [{transform_indices = @transform_0, window_bounds = array<i64: 8000, 256>}, {pipeline_mode = #tpu.pipeline_mode<synchronous>, transform_indices = @transform_1, window_bounds = array<i64: 256, 256>}, {pipeline_mode = #tpu.pipeline_mode<synchronous>, transform_indices = @transform_2, window_bounds = array<i64: 1, 256>}, {transform_indices = @transform_3, window_bounds = array<i64: 2, 8000, 128>}]} {
    %get3A = arith.constant 0 : index
    %get3A_0 = arith.constant 0 : index
    %get3A_1 = vector.load %arg1[%get3A, %get3A_0] : memref<8000x256xf32, #tpu.memory_space<vmem>>, vector<8000x256xf32>
    %get3A_2 = arith.constant 0 : index
    %get3A_3 = arith.constant 0 : index
    %get3A_4 = vector.load %arg2[%get3A_2, %get3A_3] : memref<256x256xf32, #tpu.memory_space<vmem>>, vector<256x256xf32>
    %dot_general3A = arith.constant dense<0.000000e+00> : vector<8000x256xf32>
    %dot_general3A_5 = tpu.matmul %get3A_1, %get3A_4, %dot_general3A {dimension_numbers = #tpu.dot_dimension_numbers<[1], [0], [0], [1], [0, 0, 1, 1], [], []>, transpose_lhs_hint = false} : vector<8000x256xf32>, vector<256x256xf32>, vector<8000x256xf32> -> vector<8000x256xf32>
    %get3A_6 = arith.constant 0 : index
    %get3A_7 = arith.constant 0 : index
    %get3A_8 = vector.load %arg3[%get3A_6, %get3A_7] : memref<1x256xf32, #tpu.memory_space<vmem>>, vector<1x256xf32>
    %add3A = vector.broadcast %get3A_8 : vector<1x256xf32> to vector<8000x256xf32>
    %add3A_9 = arith.addf %dot_general3A_5, %add3A : vector<8000x256xf32>
    %slice3A = vector.extract_strided_slice %add3A_9 {offsets = [0, 0], sizes = [8000, 128], strides = [1, 1]} : vector<8000x256xf32> to vector<8000x128xf32>
    %swap3A = arith.constant 0 : index
    %swap3A_10 = arith.constant 0 : index
    %swap3A_11 = arith.constant 0 : index
    %swap3A_12 = vector.load %arg4[%swap3A, %swap3A_10, %swap3A_11] : memref<2x8000x128xf32, #tpu.memory_space<vmem>>, vector<1x8000x128xf32>
    %swap3A_13 = vector.shape_cast %swap3A_12 : vector<1x8000x128xf32> to vector<8000x128xf32>
    %swap3A_14 = vector.shape_cast %slice3A : vector<8000x128xf32> to vector<1x8000x128xf32>
    tpu.vector_store %arg4[%swap3A, %swap3A_10, %swap3A_11], %swap3A_14 {strides = array<i32>} : memref<2x8000x128xf32, #tpu.memory_space<vmem>>, vector<1x8000x128xf32>,
    %slice3A_15 = vector.extract_strided_slice %add3A_9 {offsets = [0, 128], sizes = [8000, 128], strides = [1, 1]} : vector<8000x256xf32> to vector<8000x128xf32>
    %swap3A_16 = arith.constant 1 : index
    %swap3A_17 = arith.constant 0 : index
    %swap3A_18 = arith.constant 0 : index
    %swap3A_19 = vector.load %arg4[%swap3A_16, %swap3A_17, %swap3A_18] : memref<2x8000x128xf32, #tpu.memory_space<vmem>>, vector<1x8000x128xf32>
    %swap3A_20 = vector.shape_cast %swap3A_19 : vector<1x8000x128xf32> to vector<8000x128xf32>
    %swap3A_21 = vector.shape_cast %slice3A_15 : vector<8000x128xf32> to vector<1x8000x128xf32>
    tpu.vector_store %arg4[%swap3A_16, %swap3A_17, %swap3A_18], %swap3A_21 {strides = array<i32>} : memref<2x8000x128xf32, #tpu.memory_space<vmem>>, vector<1x8000x128xf32>,
    return
  }
  func.func @transform_0(%arg0: i32) -> (i32, i32) {
    %c0_i32 = arith.constant 0 : i32
    %c0_i32_0 = arith.constant 0 : i32
    return %arg0, %c0_i32 : i32, i32
  }
  func.func @transform_1(%arg0: i32) -> (i32, i32) {
    %c0_i32 = arith.constant 0 : i32
    %c0_i32_0 = arith.constant 0 : i32
    %c0_i32_1 = arith.constant 0 : i32
    return %c0_i32, %c0_i32_0 : i32, i32
  }
  func.func @transform_2(%arg0: i32) -> (i32, i32) {
    %c0_i32 = arith.constant 0 : i32
    %c0_i32_0 = arith.constant 0 : i32
    %c0_i32_1 = arith.constant 0 : i32
    return %c0_i32, %c0_i32_0 : i32, i32
  }
  func.func @transform_3(%arg0: i32) -> (i32, i32, i32) {
    %c0_i32 = arith.constant 0 : i32
    %c0_i32_0 = arith.constant 0 : i32
    %c0_i32_1 = arith.constant 0 : i32
    return %c0_i32, %arg0, %c0_i32_0 : i32, i32, i32
  }
}

</mosaic_0001>

<sc_bundles>
// kernel: kernel.6.cloned.1.call-start
scs
__scs_entry_jumppad:
0x0: {  	(pc) =	sbr.rel $0x88, $3  }
0x1: {  	(tag) =	ssettag $0x0;
	lr =	simm.s32 $0x1  }
0x2: {  	[smem:$0x3F94] =	sst lr;
	_ =	strace $0xD0000000  }
0x3: {  	_ = 	snop  }
0x4: {  	_ = 	snop  }
0x5: {  	_ = 	snop  }
0x6: {  	_ = 	snop  }
0x7: {  	_ = 	snop  }
__scs_overlays_trampoline_lowered:
0x8: {  	[smem:$0x3FA3] =	sst s0  }
0x9: {  	[smem:$0x3FA4] =	sst s1  }
0xa: {  	[smem:$0x3FA5] =	sst s2  }
0xb: {  	[smem:$0x3FA6] =	sst s3  }
0xc: {  	[smem:$0x3FA7] =	sst s4  }
0xd: {  	[smem:$0x3FA8] =	sst s5  }
0xe: {  	[smem:$0x3FA9] =	sst s6  }
0xf: {  	[smem:$0x3FAA] =	sst s7  }
0x10: {  	[smem:$0x3FAB] =	sst s8  }
0x11: {  	[smem:$0x3FAC] =	sst s9;
	s0 =	simm.s32 @!p0 $0x0  }
0x12: {  	s1 =	sld [smem:$0x3F92];
	s0 =	simm.s32 @p0 $0x1  }
0x13: {  	[smem:$0x3FAD] =	sst s0;
	s0 =	simm.s32 @!p1 $0x0  }
0x14: {  	s2 =	sld [smem:$0x3F91];
	s0 =	simm.s32 @p1 $0x1  }
0x15: {  	[smem:$0x3FAE] =	sst s0;
	s0 =	simm.s32 @!p2 $0x0  }
0x16: {  	s3 =	sld [smem:$0x3FDB];
	s0 =	simm.s32 @p2 $0x1  }
0x17: {  	s4 =	simm.s32 $0x1BF5;
	[smem:$0x3FB0] =	sst s0  }
0x18: {  	s0 =	sld [smem:$0x3F93];
	_ =	swait.ge [sflag:s4], $0x0  }
0x19: {  	s7 =	sld [smem:$0x3F94]  }
0x1a: {  	s8 =	sadd.s32 $0xFFFFE003, lr  }
0x1b: {  	s9 =	sadd.s32 $0xFFFFFEF7, lr;
	s5 =	simm.s32 $0xFFFFFFFF;
	p2 =	slt.u32 s8, $0xFFFFF086  }
0x1c: {  	p1 =	slt.u32 s9, $0xF7A;
	s5 =	simm.s32 @!p2 $0x0  }
0x1d: {  	s5 =	simm.s32 @p1 $0x1;
	p0 =	seq.s32 s7, s2  }
0x1e: {  	s7 =	smul.u32 @!p0 $0xF7A, s2;
	p2 =	seq.s32 @!p0 s5, $0x0  }
0x1f: {  	s9 =	smul.u32 $0xF7A, s1;
	s8 =	simm.s32 @!p0 $0x1BF5;
	p2 =	por !p2, p0  }
0x20: {  	[sflag:s8] =	ssyncset.s32 @!p0 $0xFFFFF086;
	s6 =	sadd.s32 @!p0 s3, s7;
	s7 =	simm.s32 @!p0 $0x108  }
0x21: {  	s3 =	sadd.s32 s3, s9;
	s6 =	sadd.s32 @!p0 $0x88, s6;
	s7 =	simm.s32 @p2 $0x1082  }
0x22: {  	[simem:s7], [sflag:s8] =	dma.local @!p0 [hbm:s6], $0xF7A  }
0x23: {  	s9 =	sor.u32 $0xD0000000, s2;
	s6 =	simm.s32 $0x108;
	_ =	swait.ge @!p0 [sflag:s8], $0x0  }
0x24: {  	s3 =	sadd.s32 $0x88, s3;
	s6 =	simm.s32 @!p1 $0x1082;
	[sflag:s4] =	ssyncset.s32 $0xFFFFF086  }
0x25: {  	[simem:s6], [sflag:s4] =	dma.local [hbm:s3], $0xF7A  }
0x26: {  	[smem:$0x3F94] =	sst s1;
	(tag) =	ssettag s2;
	_ =	strace s9  }
0x27: {  	s1 =	sld [smem:$0x3FA4]  }
0x28: {  	s2 =	sld [smem:$0x3FA5]  }
0x29: {  	s4 =	sld [smem:$0x3FA7]  }
0x2a: {  	p0 =	seq.s32 s5, $0x0;
	s5 =	sld [smem:$0x3FA8]  }
0x2b: {  	s6 =	sld [smem:$0x3FA9]  }
0x2c: {  	s7 =	sld [smem:$0x3FAA]  }
0x2d: {  	s3 =	simm.s32 $0x108;
	s8 =	sld [smem:$0x3FAB]  }
0x2e: {  	s3 =	simm.s32 @!p0 $0x1082;
	s9 =	sld [smem:$0x3FAC]  }
0x2f: {  	lr =	sadd.s32 s0, s3;
	s0 =	sld [smem:$0x3FA3]  }
0x30: {  	s3 =	sld [smem:$0x3FA6]  }
0x31: {  	[smem:$0x3FAF] =	sst s10  }
0x32: {  	s10 =	sld [smem:$0x3FAD];
	_ =	sdelay $0x3  }
0x33: {  	p0 =	seq.s32 s10, $0x1;
	s10 =	sld [smem:$0x3FAF];
	_ =	sdelay $0x3  }
0x34: {  	[smem:$0x3FAF] =	sst s10  }
0x35: {  	s10 =	sld [smem:$0x3FAE];
	_ =	sdelay $0x3  }
0x36: {  	p1 =	seq.s32 s10, $0x1;
	s10 =	sld [smem:$0x3FAF];
	_ =	sdelay $0x3  }
0x37: {  	[smem:$0x3FAF] =	sst s10  }
0x38: {  	s10 =	sld [smem:$0x3FB0]  }
0x39: {  	_ = 	snop;
	(pc) =	sbr.ind lr, $3  }
0x3a: {  	_ = 	snop  }
0x3b: {  	_ = 	snop  }
0x3c: {  	p2 =	seq.s32 s10, $0x1;
	s10 =	sld [smem:$0x3FAF]  }
0x3d: {  	_ =	shalt  }
0x3e: {  	_ =	shalt  }
0x3f: {  	_ =	shalt  }
0x40: {  	_ =	shalt  }
0x41: {  	_ =	shalt  }
0x42: {  	_ =	shalt  }
0x43: {  	_ =	shalt  }
0x44: {  	_ =	shalt  }
0x45: {  	_ =	shalt  }
0x46: {  	_ =	shalt  }
0x47: {  	_ =	shalt  }
0x48: {  	_ =	shalt  }
0x49: {  	_ =	shalt  }
0x4a: {  	_ =	shalt  }
0x4b: {  	_ =	shalt  }
0x4c: {  	_ =	shalt  }
0x4d: {  	_ =	shalt  }
0x4e: {  	_ =	shalt  }
0x4f: {  	_ =	shalt  }
0x50: {  	_ =	shalt  }
0x51: {  	_ =	shalt  }
0x52: {  	_ =	shalt  }
0x53: {  	_ =	shalt  }
0x54: {  	_ =	shalt  }
0x55: {  	_ =	shalt  }
0x56: {  	_ =	shalt  }
0x57: {  	_ =	shalt  }
0x58: {  	_ =	shalt  }
0x59: {  	_ =	shalt  }
0x5a: {  	_ =	shalt  }
0x5b: {  	_ =	shalt  }
0x5c: {  	_ =	shalt  }
0x5d: {  	_ =	shalt  }
0x5e: {  	_ =	shalt  }
0x5f: {  	_ =	shalt  }
0x60: {  	_ =	shalt  }
0x61: {  	_ =	shalt  }
0x62: {  	_ =	shalt  }
0x63: {  	_ =	shalt  }
0x64: {  	_ =	shalt  }
0x65: {  	_ =	shalt  }
0x66: {  	_ =	shalt  }
0x67: {  	_ =	shalt  }
0x68: {  	_ =	shalt  }
0x69: {  	_ =	shalt  }
0x6a: {  	_ =	shalt  }
0x6b: {  	_ =	shalt  }
0x6c: {  	_ =	shalt  }
0x6d: {  	_ =	shalt  }
0x6e: {  	_ =	shalt  }
0x6f: {  	_ =	shalt  }
0x70: {  	_ =	shalt  }
0x71: {  	_ =	shalt  }
0x72: {  	_ =	shalt  }
0x73: {  	_ =	shalt  }
0x74: {  	_ =	shalt  }
0x75: {  	_ =	shalt  }
0x76: {  	_ =	shalt  }
0x77: {  	_ =	shalt  }
0x78: {  	_ =	shalt  }
0x79: {  	_ =	shalt  }
0x7a: {  	_ =	shalt  }
0x7b: {  	_ =	shalt  }
0x7c: {  	_ =	shalt  }
0x7d: {  	_ =	shalt  }
0x7e: {  	_ =	shalt  }
0x7f: {  	_ =	shalt  }
0x80: {  	_ =	shalt  }
0x81: {  	_ =	shalt  }
0x82: {  	_ =	shalt  }
0x83: {  	_ =	shalt  }
0x84: {  	_ =	shalt  }
0x85: {  	_ =	shalt  }
0x86: {  	_ =	shalt  }
0x87: {  	_ =	shalt  }
.Lfunc_end0:
.L_simem_size_0:
called_computation_lowered:
.L_overlay_start_0:
0x88: {  	s2 =	sld [smem:$0x3FD9]  }
0x89: {  	s3 =	sld [smem:$0x3FFE];
	_ =	sdelay $0x1  }
0x8a: {  	s1 =	srdreg.scid  }
0x8b: {  	s0 =	sand.u32 $0x1, s1  }
0x8c: {  	s14 =	sshll.u32 s0, $0xA;
	s2 =	sadd.s32 s3, s2  }
0x8d: {  	s2 =	sadd.s32 s2, s14  }
0x8e: {  	[smem:$0x3FBB] =	sst s2  }
0x8f: {  	_ = 	snop  }
0x90: {  	s2 =	sld [smem:$0x3FD0];
	_ =	sdelay $0x2  }
0x91: {  	s15 =	simm.s32 $0xA;
	s4 =	simm.s32 $0x10  }
0x92: {  	[smem:s4], [sflag:s15] =	dma.local [hbm:s2], $0x1  }
0x93: {  	_ =	swait.eq [sflag:s15], $0x1  }
0x94: {  	[sflag:s15] =	ssyncset.done $0x0  }
0x95: {  	[sflag:s15] =	ssyncadd.s32 $0xFFFFFFFF  }
0x96: {  	s16 =	sld [smem:$0x11];
	(tm) =	ssettm $0x1  }
0x97: {  	s17 =	sld [smem:$0x3FFB];
	_ =	sdelay $0x3  }
0x98: {  	_ =	strace s17  }
0x99: {  	s3 =	sld [smem:$0x3FFC];
	_ =	sdelay $0x3  }
0x9a: {  	_ =	strace s3  }
0x9b: {  	s3 =	sld [smem:$0x3FFD];
	_ =	sdelay $0x3  }
0x9c: {  	_ =	strace s3  }
0x9d: {  	_ =	strace $0x8FFFFFFF  }
0x9e: {  	s18 =	sld [smem:$0x3FDB];
	_ =	sdelay $0x1  }
0x9f: {  	s19 =	simm.s32 $_scs_section_size  }
0xa0: {  	s5 =	simm.s32 $_size__tile_overlayer_lowered;
	s6 =	simm.s32 $_tile_overlayer_lowered  }
0xa1: {  	s22 =	simm.s32 $0x1BFF;
	s21 =	sshll.u32 s6, $0x1;
	s3 =	sadd.s32 s19, s18  }
0xa2: {  	s7 =	simm.s32 $0x0;
	s20 =	sshll.u32 s5, $0x1;
	s5 =	sadd.s32 s21, s3  }
0xa3: {  	[timem:s7], [sflag:s22] =	dma.local [hbm:s5], s20  }
0xa4: {  	_ =	swait.ge [sflag:s22], s20  }
0xa5: {  	s4 =	ssub.s32 $0x0, s20;
	[sflag:s22] =	ssyncset.done $0x0  }
0xa6: {  	[sflag:s22] =	ssyncadd.s32 s4;
	_ =	sdelay $0x1  }
0xa7: {  	s23 =	simm.s32 $0x1B8B  }
0xa8: {  	_ =	swait.ge [sflag:s23], $0x1  }
0xa9: {  	[sflag:s23] =	ssyncset.done $0x0  }
0xaa: {  	s25 =	simm.s32 $0x1B8E;
	s24 =	sld [smem:$0x3FFE];
	[sflag:s23] =	ssyncadd.s32 $0xFFFFFFFF  }
0xab: {  	s26 =	simm.s32 $execute0_lowered;
	[smem:$0x3FD2] =	sst s25  }
0xac: {  	s5 =	sshll.u32 s26, $0x1;
	_ =	strace $0x80000046;
	[dreg:$0x1] =	wrdreg $0xFFFFFFFF  }
0xad: {  	s28 =	simm.s32 $_size_execute0_lowered;
	s3 =	sadd.s32 s3, s5;
	[dreg:$0x0] =	wrdreg $0x0  }
0xae: {  	s5 =	sshll.u32 s28, $0x1;
	[dreg:$0x2] =	wrdreg s3  }
0xaf: {  	[dreg:$0x3] =	wrdreg s5  }
0xb0: {  	[dreg:$0x4] =	wrdreg $0xC0  }
0xb1: {  	_ =	task [dreg:s7], $0x5FFFF  }
0xb2: {  	[dreg:$0x1] =	wrdreg $0xFFFFFFFF  }
0xb3: {  	[dreg:$0x0] =	wrdreg $0x60  }
0xb4: {  	[dreg:$0x2] =	wrdreg s24  }
0xb5: {  	[dreg:$0x3] =	wrdreg s16  }
0xb6: {  	[dreg:$0x4] =	wrdreg $0xC6000  }
0xb7: {  	[dreg:$0x5] =	wrdreg $0x9  }
0xb8: {  	_ =	task.clear_ibuf [dreg:s7], $0x6FFFF;
	_ =	strace $0x90000046  }
0xb9: {  	s29 =	simm.s32 $0x9;
	_ =	strace $0x80000048  }
0xba: {  	_ =	swait.ge [sflag:s29], $0x1  }
0xbb: {  	[sflag:s29] =	ssyncadd.s32 $0xFFFFFFFF  }
0xbc: {  	_ =	strace $0x90000048  }
0xbd: {  	_ =	sfence  }
0xbe: {  	s30 =	sld [smem:$0x0];
	_ =	sdelay $0x2  }
0xbf: {  	s31 =	sshll.u32 s1, $0xD;
	s1 =	sshrl.u32 s1, $0x2  }
0xc0: {  	s3 =	sand.u32 $0x4000, s31;
	s1 =	sadd.s32 s1, s30  }
0xc1: {  	s0 =	sor.u32 s3, s0;
	s1 =	sshll.u32 s1, $0x11  }
0xc2: {  	s0 =	sor.u32 s1, s0  }
0xc3: {  	s0 =	sadd.s32 $0x8F2B, s0  }
0xc4: {  	[sflag:s0] =	ssyncadd.remote.s32 $0x1  }
0xc5: {  	_ =	sfence.sel $0xFFFF  }
0xc6: {  	[dreg:$0x0] =	wrdreg $0xFFFFFFFF;
	(pc) =	sbr.abs _section_cstart, $3  }
0xc7: {  	[dreg:$0x1] =	wrdreg $0xFFFFFFFF  }
0xc8: {  	_ =	task.clear_ibuf [dreg:s7], $0x2FFFF;
	_ =	strace $0x9FFFFFFF  }
0xc9: {  	(tm) =	ssettm $0x7FFFFFFF  }
tec
execute0_lowered:
.L_overlay_start_1:
0x0: {  	(tag) =	ssettag $0x1  }
0x1: {  	s0 =	rddreg [dreg:$0x0]  }
0x2: {  	s2 =	rddreg [dreg:$0x2]  }
0x3: {  	s3 =	simm.s32 $0x0;
	s1 =	srdreg.scid;
	s19 =	stileid.u32  }
0x4: {  	[smem:$0x7FF] =	sst s3;
	s5 =	sadd.s32 $0x4EDE00, s0;
	s8 =	smul.u32 $0x2710, s19  }
0x5: {  	s6 =	sadd.s32 $0xBE00, s0;
	s13 =	sadd.s32 $0xABA400, s0;
	s11 =	smul.u32 $0x4E200, s19  }
0x6: {  	s4 =	sadd.s32 $0x6E00, s0;
	s14 =	sadd.s32 $0xB08600, s0;
	s16 =	smul.u32 $0x14000, s19  }
0x7: {  	s12 =	sand.u32 $0x1, s1;
	s10 =	sadd.s32 $0x5D8400, s0;
	s24 =	smul.u32 $0x138800, s19  }
0x8: {  	s9 =	sadd.s32 $0x1E00, s0;
	s26 =	smul.u32 $0x50000, s19;
	_ =	strace $0x80000047  }
0x9: {  	[dreg:$0x4] =	wrdreg s4;
	s1 =	smul.u32 $0x2710, s12;
	s22 =	ssub.s32 $0x2, s12  }
0xa: {  	s15 =	smul.u32 $0x138800, s12;
	s23 =	sshrl.u32 s22, $0x1;
	s17 =	sshrl.u32 s11, $0x2  }
0xb: {  	s11 =	smul.u32 $0x1388000, s12;
	s12 =	sshll.u32 s12, $0xA;
	s0 =	ssub.s32 s22, s23  }
0xc: {  	s20 =	sadd.s32 s17, s2;
	s16 =	sadd.s32 s16, s15;
	[dreg:$0x6] =	wrdreg s12  }
0xd: {  	s25 =	sshrl.u32 s16, $0x3;
	s0 =	smax.u32 s0, $0x1;
	[dreg:$0x5] =	wrdreg s20  }
0xe: {  	s16 =	sshrl.u32 s26, $0x2;
	s26 =	sadd.s32 $0x28, s8;
	[dreg:$0xd] =	wrdreg s0  }
0xf: {  	p0 =	seq.s32 s19, $0xF;
	s19 =	sadd.s32 $0x8C00, s20;
	[dreg:$0x11] =	wrdreg s26  }
0x10: {  	s15 =	sshrl.u32 s15, $0x3;
	s18 =	sadd.s32 s13, s25;
	[dreg:$0x1a] =	wrdreg s19  }
0x11: {  	s15 =	sadd.s32 $0x25800, s15;
	s16 =	sadd.s32 s16, s2;
	[dreg:$0x7] =	wrdreg s18  }
0x12: {  	s13 =	sadd.s32 s13, s15;
	[dreg:$0x8] =	wrdreg s16  }
0x13: {  	s12 =	sadd.s32 s14, s25;
	[dreg:$0x9] =	wrdreg s13  }
0x14: {  	s17 =	sadd.s32 s24, s11;
	s21 =	sadd.s32 s14, s15;
	[dreg:$0xb] =	wrdreg s12  }
0x15: {  	s23 =	sadd.s32 $0x5000, s17;
	[dreg:$0xc] =	wrdreg s21  }
0x16: {  	s25 =	sadd.s32 $0x12C00, s20;
	[dreg:$0xe] =	wrdreg s23  }
0x17: {  	s14 =	sadd.s32 $0x2800, s20;
	[dreg:$0x10] =	wrdreg s25  }
0x18: {  	s31 =	sshrl.u32 s17, $0x3;
	s15 =	sadd.s32 $0x3C00, s20;
	[dreg:$0x15] =	wrdreg s14  }
0x19: {  	s22 =	sadd.s32 $0x2800, s17;
	s17 =	sadd.s32 $0x6400, s20;
	[dreg:$0x16] =	wrdreg s15  }
0x1a: {  	s26 =	sadd.s32 $0x10400, s20;
	[dreg:$0x18] =	wrdreg s17  }
0x1b: {  	s18 =	sadd.s32 s10, s31;
	[smem:$0x7FC] =	sst s26  }
0x1c: {  	s28 =	simm.s32 $0x1080;
	s31 =	sadd.s32 $0x50, s8;
	[dreg:$0xa] =	wrdreg s18  }
0x1d: {  	s29 =	simm.s32 $0x3A00;
	s12 =	sadd.s32 $0x12C000, s2;
	[dreg:$0x12] =	wrdreg s31  }
0x1e: {  	s30 =	simm.s32 $0x1;
	s13 =	sadd.s32 $0x1400, s20;
	[dreg:$0x13] =	wrdreg s12  }
0x1f: {  	s4 =	sadd.s32 $0x4E20, s1;
	s16 =	sadd.s32 $0x5000, s20;
	[dreg:$0x14] =	wrdreg s13  }
0x20: {  	s7 =	sadd.s32 $0x9C40, s1;
	s21 =	sadd.s32 $0xA000, s20;
	[dreg:$0x17] =	wrdreg s16  }
0x21: {  	s24 =	sshrl.u32 s22, $0x3;
	s22 =	sadd.s32 $0xB400, s20;
	[dreg:$0x1b] =	wrdreg s21  }
0x22: {  	v1 =	vmov s4;
	s4 =	simm.s32 $0x0;
	s23 =	sadd.s32 $0xC800, s20;
	[dreg:$0x1c] =	wrdreg s22  }
0x23: {  	s19 =	simm.s32 $0x1200;
	s25 =	sadd.s32 $0xF000, s20;
	[dreg:$0x1d] =	wrdreg s23  }
0x24: {  	s0 =	sadd.s32 s24, s10;
	s18 =	sadd.s32 $0x7800, s20;
	[dreg:$0x1f] =	wrdreg s25  }
0x25: {  	s24 =	sadd.s32 $0xDC00, s20;
	s31 =	sadd.s32 $0x11800, s20;
	[dreg:$0xf] =	wrdreg s0  }
0x26: {  	s22 =	simm.s32 $0x6;
	s23 =	simm.s32 $0x50;
	[dreg:$0x19] =	wrdreg s18  }
0x27: {  	s12 =	simm.s32 $0x5;
	s20 =	simm.s32 $0x1000;
	[dreg:$0x1e] =	wrdreg s24  }
0x28: {  	v3 =	vimm.f32 $0.0e+00;
	v0 =	vmov s1;
	v2 =	vmov s7;
	[smem:$0x7FD] =	sst s31;
	s0 =	simm.s32 $0x4;
	s18 =	simm.s32 $0x2  }
.LBB2_1:
0x29: {  	[smem:$0x7FB] =	sst s4;
	s1 =	simm.s32 $0x0;
	s4 =	simm.s32 $0x200  }
.LBB2_2:
0x2a: {  	p1 =	sne.s32 s4, $0x4E00;
	[tilespmem:s1+$0x9E70] =	vst v3  }
0x2b: {  	[tilespmem:s1+$0x9E00] =	vst v3  }
0x2c: {  	[tilespmem:s1+$0x9E10] =	vst v3  }
.Ltmp0:
0x2d: {  	[tilespmem:s1+$0x9E20] =	vst v3;
	(pc) =	sbr.rel @p1 .LBB2_2-.Ltmp0, $4  }
0x2e: {  	[tilespmem:s1+$0x9E30] =	vst v3  }
0x2f: {  	[tilespmem:s1+$0x9E40] =	vst v3  }
0x30: {  	[tilespmem:s1+$0x9E50] =	vst v3  }
0x31: {  	[tilespmem:s1+$0x9E60] =	vst v3;
	s1 =	sshra.s32 s4, $0x2;
	s4 =	sadd.s32 $0x200, s4  }
0x32: {  	[tilespmem:s1+$0x9E70] =	vst v3  }
0x33: {  	[tilespmem:s1+$0x9E00] =	vst v3  }
0x34: {  	[tilespmem:s1+$0x9E10] =	vst v3  }
0x35: {  	[tilespmem:s1+$0x9E20] =	vst v3  }
0x36: {  	[tilespmem:s1+$0x9E30] =	vst v3  }
0x37: {  	[tilespmem:s1+$0x9E40] =	vst v3  }
0x38: {  	[tilespmem:s1+$0x9E50] =	vst v3  }
0x39: {  	[tilespmem:s1+$0x9E60] =	vst v3;
	s21 =	rddreg [dreg:$0x5];
	s4 =	simm.s32 $0x9E00  }
0x3a: {  	[spmem:s21] =	stream.linear.scatter [tilespmem:s4], [sflag:$0x6], $0x1400, $0x38;
	[tilespmem:$0x1FE80] =	vst v63  }
0x3b: {  	_ =	swait.ge [sflag:s22], $0x1400  }
0x3c: {  	[sflag:s22] =	ssyncset.done $0x0  }
0x3d: {  	s24 =	rddreg [dreg:$0x14];
	[sflag:s22] =	ssyncadd.s32 $0xFFFFEC00  }
0x3e: {  	[spmem:s24] =	stream.linear.scatter [tilespmem:s4], [sflag:$0x6], $0x1400, $0x38;
	[tilespmem:$0x1FE80] =	vst v63  }
0x3f: {  	_ =	swait.ge [sflag:s22], $0x1400  }
0x40: {  	[sflag:s22] =	ssyncset.done $0x0  }
0x41: {  	s25 =	rddreg [dreg:$0x15];
	[sflag:s22] =	ssyncadd.s32 $0xFFFFEC00  }
0x42: {  	[spmem:s25] =	stream.linear.scatter [tilespmem:s4], [sflag:$0x6], $0x1400, $0x38;
	[tilespmem:$0x1FE80] =	vst v63  }
0x43: {  	_ =	swait.ge [sflag:s22], $0x1400  }
0x44: {  	[sflag:s22] =	ssyncset.done $0x0  }
0x45: {  	s26 =	rddreg [dreg:$0x16];
	[sflag:s22] =	ssyncadd.s32 $0xFFFFEC00  }
0x46: {  	[spmem:s26] =	stream.linear.scatter [tilespmem:s4], [sflag:$0x6], $0x1400, $0x38;
	[tilespmem:$0x1FE80] =	vst v63  }
0x47: {  	_ =	swait.ge [sflag:s22], $0x1400  }
0x48: {  	[sflag:s22] =	ssyncset.done $0x0  }
0x49: {  	s31 =	rddreg [dreg:$0x17];
	[sflag:s22] =	ssyncadd.s32 $0xFFFFEC00  }
0x4a: {  	[spmem:s31] =	stream.linear.scatter [tilespmem:s4], [sflag:$0x6], $0x1400, $0x38;
	[tilespmem:$0x1FE80] =	vst v63  }
0x4b: {  	_ =	swait.ge [sflag:s22], $0x1400  }
0x4c: {  	[sflag:s22] =	ssyncset.done $0x0  }
0x4d: {  	s7 =	rddreg [dreg:$0x18];
	[sflag:s22] =	ssyncadd.s32 $0xFFFFEC00  }
0x4e: {  	[spmem:s7] =	stream.linear.scatter [tilespmem:s4], [sflag:$0x6], $0x1400, $0x38;
	[tilespmem:$0x1FE80] =	vst v63  }
0x4f: {  	_ =	swait.ge [sflag:s22], $0x1400  }
0x50: {  	[sflag:s22] =	ssyncset.done $0x0  }
0x51: {  	s13 =	rddreg [dreg:$0x19];
	[sflag:s22] =	ssyncadd.s32 $0xFFFFEC00  }
0x52: {  	[spmem:s13] =	stream.linear.scatter [tilespmem:s4], [sflag:$0x6], $0x1400, $0x38;
	[tilespmem:$0x1FE80] =	vst v63  }
0x53: {  	_ =	swait.ge [sflag:s22], $0x1400  }
0x54: {  	[sflag:s22] =	ssyncset.done $0x0  }
0x55: {  	s14 =	rddreg [dreg:$0x1a];
	[sflag:s22] =	ssyncadd.s32 $0xFFFFEC00  }
0x56: {  	[spmem:s14] =	stream.linear.scatter [tilespmem:s4], [sflag:$0x6], $0x1400, $0x38;
	[tilespmem:$0x1FE80] =	vst v63  }
0x57: {  	_ =	swait.ge [sflag:s22], $0x1400  }
0x58: {  	[sflag:s22] =	ssyncset.done $0x0  }
0x59: {  	s15 =	rddreg [dreg:$0x1b];
	[sflag:s22] =	ssyncadd.s32 $0xFFFFEC00  }
0x5a: {  	[spmem:s15] =	stream.linear.scatter [tilespmem:s4], [sflag:$0x6], $0x1400, $0x38;
	[tilespmem:$0x1FE80] =	vst v63  }
0x5b: {  	_ =	swait.ge [sflag:s22], $0x1400  }
0x5c: {  	[sflag:s22] =	ssyncset.done $0x0  }
0x5d: {  	s16 =	rddreg [dreg:$0x1c];
	[sflag:s22] =	ssyncadd.s32 $0xFFFFEC00  }
0x5e: {  	[spmem:s16] =	stream.linear.scatter [tilespmem:s4], [sflag:$0x6], $0x1400, $0x38;
	[tilespmem:$0x1FE80] =	vst v63  }
0x5f: {  	_ =	swait.ge [sflag:s22], $0x1400  }
0x60: {  	[sflag:s22] =	ssyncset.done $0x0  }
0x61: {  	s17 =	rddreg [dreg:$0x1d];
	[sflag:s22] =	ssyncadd.s32 $0xFFFFEC00  }
0x62: {  	[spmem:s17] =	stream.linear.scatter [tilespmem:s4], [sflag:$0x6], $0x1400, $0x38;
	[tilespmem:$0x1FE80] =	vst v63  }
0x63: {  	_ =	swait.ge [sflag:s22], $0x1400  }
0x64: {  	[sflag:s22] =	ssyncset.done $0x0  }
0x65: {  	s21 =	rddreg [dreg:$0x1e];
	[sflag:s22] =	ssyncadd.s32 $0xFFFFEC00  }
0x66: {  	[spmem:s21] =	stream.linear.scatter [tilespmem:s4], [sflag:$0x6], $0x1400, $0x38;
	[tilespmem:$0x1FE80] =	vst v63  }
0x67: {  	_ =	swait.ge [sflag:s22], $0x1400  }
0x68: {  	[sflag:s22] =	ssyncset.done $0x0  }
0x69: {  	s24 =	rddreg [dreg:$0x1f];
	[sflag:s22] =	ssyncadd.s32 $0xFFFFEC00  }
0x6a: {  	[spmem:s24] =	stream.linear.scatter [tilespmem:s4], [sflag:$0x6], $0x1400, $0x38;
	[tilespmem:$0x1FE80] =	vst v63  }
0x6b: {  	_ =	swait.ge [sflag:s22], $0x1400  }
0x6c: {  	s25 =	sld [smem:$0x7FC]  }
0x6d: {  	[sflag:s22] =	ssyncset.done $0x0  }
0x6e: {  	[sflag:s22] =	ssyncadd.s32 $0xFFFFEC00  }
0x6f: {  	[spmem:s25] =	stream.linear.scatter [tilespmem:s4], [sflag:$0x6], $0x1400, $0x38;
	[tilespmem:$0x1FE80] =	vst v63  }
0x70: {  	_ =	swait.ge [sflag:s22], $0x1400  }
0x71: {  	s26 =	sld [smem:$0x7FD]  }
0x72: {  	[sflag:s22] =	ssyncset.done $0x0  }
0x73: {  	[sflag:s22] =	ssyncadd.s32 $0xFFFFEC00  }
0x74: {  	[spmem:s26] =	stream.linear.scatter [tilespmem:s4], [sflag:$0x6], $0x1400, $0x38;
	[tilespmem:$0x1FE80] =	vst v63  }
0x75: {  	_ =	swait.ge [sflag:s22], $0x1400  }
0x76: {  	[sflag:s22] =	ssyncset.done $0x0  }
0x77: {  	s31 =	rddreg [dreg:$0x10];
	[sflag:s22] =	ssyncadd.s32 $0xFFFFEC00  }
0x78: {  	[spmem:s31] =	stream.linear.scatter [tilespmem:s4], [sflag:$0x6], $0xC80, $0x38;
	[tilespmem:$0x1FE80] =	vst v63  }
0x79: {  	_ =	swait.ge [sflag:s22], $0xC80  }
0x7a: {  	[sflag:s22] =	ssyncset.done $0x0  }
0x7b: {  	[sflag:s22] =	ssyncadd.s32 $0xFFFFF380  }
0x7c: {  	s1 =	simm.s32 $0x0;
	[bflag:$0x0] =	sbarrier.arrive $0xFFFF  }
.LBB2_4:
0x7d: {  	s4 =	smul.u32 $0x29, s1;
	_ =	sdelay $0x1  }
0x7e: {  	s4 =	sshrl.u32 s4, $0xA  }
0x7f: {  	s4 =	sand.u32 $0x3F, s4  }
0x80: {  	s7 =	smul.u32 $0x19, s4;
	_ =	sdelay $0x1  }
0x81: {  	s7 =	ssub.s32 s1, s7  }
0x82: {  	s4 =	smul.u32 $0x7D0, s4;
	s15 =	sand.u32 $0xFF, s7  }
0x83: {  	p1 =	sne.s32 s15, $0x0  }
0x84: {  	s7 =	sadd.s32 @!p1 s8, s4  }
0x85: {  	s14 =	rddreg [dreg:$0x4];
	s13 =	sshrl.u32 @!p1 s7, $0x3  }
0x86: {  	s16 =	simm.s32 @!p1 $0x0;
	s14 =	sadd.s32 @!p1 s14, s13  }
0x87: {  	[tilespmem:s16], [sflag:$0x6] =	stream.linear.gather @!p1 [hbm4b:s14+s16], $0x7D0, $0x38;
	[tilespmem:$0x1FE80] =	vst v63  }
0x88: {  	s14 =	simm.s32 @!p1 $0x6  }
0x89: {  	_ =	swait.ge @!p1 [sflag:s14], $0x7D0  }
0x8a: {  	[sflag:s14] =	ssyncset.done @!p1 $0x0  }
0x8b: {  	s17 =	simm.s32 @!p1 $0x800;
	s13 =	sadd.s32 @!p1 s9, s13;
	[sflag:s14] =	ssyncadd.s32 @!p1 $0xFFFFF830  }
0x8c: {  	[tilespmem:s17], [sflag:$0x6] =	stream.linear.gather @!p1 [hbm4b:s13+s16], $0x7D0, $0x38;
	[tilespmem:$0x1FE80] =	vst v63  }
0x8d: {  	_ =	swait.ge @!p1 [sflag:s14], $0x7D0  }
0x8e: {  	[sflag:s14] =	ssyncset.done @!p1 $0x0  }
0x8f: {  	[sflag:s14] =	ssyncadd.s32 @!p1 $0xFFFFF830  }
0x90: {  	v4 =	vld @!p1 [tilespmem:$0x0]  }
0x91: {  	v5 =	vld @!p1 [tilespmem:$0x800]  }
0x92: {  	v6 =	vld @!p1 [tilespmem:$0x10]  }
0x93: {  	v7 =	vld @!p1 [tilespmem:$0x810]  }
0x94: {  	v8 =	vld @!p1 [tilespmem:$0x18]  }
0x95: {  	v9 =	vld @!p1 [tilespmem:$0x818];
	v4 =	vadd.s32 @!p1 v0, v4  }
0x96: {  	[tilespmem:$0x1000] =	vst @!p1 v4;
	v4 =	vadd.s32 @!p1 v1, v5  }
0x97: {  	[tilespmem:$0x1028] =	vst @!p1 v4;
	v4 =	vadd.s32 @!p1 v0, v6  }
0x98: {  	[tilespmem:$0x1010] =	vst @!p1 v4;
	v4 =	vadd.s32 @!p1 v1, v7  }
0x99: {  	[tilespmem:$0x1038] =	vst @!p1 v4;
	v4 =	vadd.s32 @!p1 v0, v8  }
0x9a: {  	[tilespmem:$0x1018] =	vst @!p1 v4;
	v4 =	vadd.s32 @!p1 v1, v9  }
0x9b: {  	s13 =	simm.s32 @!p1 $0x50;
	s17 =	simm.s32 @!p1 $0x1200;
	s14 =	simm.s32 @!p1 $0x1000;
	[tilespmem:$0x1040] =	vst @!p1 v4  }
0x9c: {  	[tilespmem:s17], [sflag:$0x1] =	stream.indirect.gather @!p1 [hbm4b:s5+s13], $0x80, s14, s13, $0xb8;
	[tilespmem:$0x1FE80] =	vst v63  }
0x9d: {  	v4 =	vld @!p1 [tilespmem:$0x0]  }
0x9e: {  	v5 =	vld @!p1 [tilespmem:$0x10]  }
0x9f: {  	v6 =	vld @!p1 [tilespmem:$0x18];
	_ =	sdelay $0x2  }
0xa0: {  	v4 =	vadd.s32 @!p1 v2, v4  }
0xa1: {  	s7 =	sshll.u32 @!p1 s7, $0x7;
	[tilespmem:$0x1100] =	vst @!p1 v4;
	v4 =	vadd.s32 @!p1 v2, v5  }
0xa2: {  	s7 =	sadd.s32 @!p1 s11, s7;
	[tilespmem:$0x1110] =	vst @!p1 v4;
	v4 =	vadd.s32 @!p1 v2, v6  }
0xa3: {  	s13 =	simm.s32 @!p1 $0x28;
	s14 =	simm.s32 @!p1 $0x1100;
	s17 =	simm.s32 @!p1 $0x6200;
	[tilespmem:$0x1118] =	vst @!p1 v4  }
0xa4: {  	[tilespmem:s17], [sflag:$0x3] =	stream.indirect.gather @!p1 [hbm4b:s5+s13], $0x80, s14, s13, $0xb8;
	[tilespmem:$0x1FE80] =	vst v63  }
0xa5: {  	s13 =	sshrl.u32 @!p1 s7, $0x3  }
0xa6: {  	s7 =	smul.u32 $0x50, s15;
	s14 =	simm.s32 @!p1 $0x7600;
	s13 =	sadd.s32 @!p1 s6, s13  }
0xa7: {  	[tilespmem:s14], [sflag:$0x4] =	stream.linear.gather @!p1 [hbm4b:s13+s16], $0x1400, $0x38;
	[tilespmem:$0x1FE80] =	vst v63  }
0xa8: {  	v4 =	vld [tilespmem:s7+$0x28];
	_ =	sdelay $0x4  }
0xa9: {  	v4 =	vadd.s32 v0, v4  }
0xaa: {  	[tilespmem:$0x1080] =	vst v4  }
0xab: {  	v4 =	vld [tilespmem:s7+$0x828];
	_ =	sdelay $0x4  }
0xac: {  	v4 =	vadd.s32 v1, v4  }
0xad: {  	[tilespmem:$0x10A8] =	vst v4  }
0xae: {  	v4 =	vld [tilespmem:s7+$0x38];
	_ =	sdelay $0x4  }
0xaf: {  	v4 =	vadd.s32 v0, v4  }
0xb0: {  	[tilespmem:$0x1090] =	vst v4  }
0xb1: {  	v4 =	vld [tilespmem:s7+$0x838];
	_ =	sdelay $0x4  }
0xb2: {  	v4 =	vadd.s32 v1, v4  }
0xb3: {  	[tilespmem:$0x10B8] =	vst v4  }
0xb4: {  	v4 =	vld [tilespmem:s7+$0x40];
	_ =	sdelay $0x4  }
0xb5: {  	v4 =	vadd.s32 v0, v4  }
0xb6: {  	[tilespmem:$0x1098] =	vst v4  }
0xb7: {  	v4 =	vld [tilespmem:s7+$0x840];
	_ =	sdelay $0x4  }
0xb8: {  	v4 =	vadd.s32 v1, v4  }
0xb9: {  	[tilespmem:$0x10C0] =	vst v4  }
0xba: {  	[tilespmem:s29], [sflag:$0x2] =	stream.indirect.gather [hbm4b:s5+s23], $0x80, s28, s23, $0xb8;
	[tilespmem:$0x1FE80] =	vst v63  }
0xbb: {  	_ =	swait.ge [sflag:s30], $0x2800  }
0xbc: {  	[sflag:s30] =	ssyncset.done $0x0  }
0xbd: {  	s31 =	simm.s32 $0x3;
	[sflag:s30] =	ssyncadd.s32 $0xFFFFD800  }
0xbe: {  	_ =	swait.ge [sflag:s31], $0x1400  }
0xbf: {  	[sflag:s31] =	ssyncset.done $0x0  }
0xc0: {  	[sflag:s31] =	ssyncadd.s32 $0xFFFFEC00  }
0xc1: {  	_ =	swait.ge [sflag:s0], $0x1400  }
0xc2: {  	[sflag:s0] =	ssyncset.done $0x0  }
0xc3: {  	s26 =	simm.s32 $0x0;
	[sflag:s0] =	ssyncadd.s32 $0xFFFFEC00  }
0xc4: {  	v4 =	vld [tilespmem:s26+$0x7670]  }
0xc5: {  	v5 =	vld [tilespmem:s26+$0x1270];
	_ =	sdelay $0x1  }
0xc6: {  	v6 =	vld [tilespmem:s26+$0x2670];
	_ =	sdelay $0x2  }
0xc7: {  	v4 =	vadd.f32 v5, v4;
	_ =	sdelay $0x1  }
0xc8: {  	v4 =	vadd.f32 v6, v4;
	_ =	sdelay $0x1  }
0xc9: {  	v7 =	vld [tilespmem:s26+$0x7600];
	[tilespmem:s26+$0x8A70] =	vst v4;
	v4 =	vsub.f32 $0.0e+00, v4  }
0xca: {  	v8 =	vld [tilespmem:s26+$0x1200]  }
0xcb: {  	v9 =	vld [tilespmem:s26+$0x7610];
	v4 =	vmul.f32 $1.442695020e+00, v4  }
0xcc: {  	v10 =	vld [tilespmem:s26+$0x1210]  }
0xcd: {  	v11 =	vld [tilespmem:s26+$0x7620];
	(erf) = vpow2.f32 v4  }
0xce: {  	v12 =	vld [tilespmem:s26+$0x1220]  }
0xcf: {  	v13 =	vld [tilespmem:s26+$0x7630]  }
0xd0: {  	v14 =	vld [tilespmem:s26+$0x1230]  }
0xd1: {  	v15 =	vld [tilespmem:s26+$0x7640]  }
0xd2: {  	v16 =	vld [tilespmem:s26+$0x1240]  }
0xd3: {  	v17 =	vld [tilespmem:s26+$0x7650]  }
0xd4: {  	v18 =	vld [tilespmem:s26+$0x1250]  }
0xd5: {  	v19 =	vld [tilespmem:s26+$0x7660]  }
0xd6: {  	v20 =	vld [tilespmem:s26+$0x1260];
	v4 =	vpop (erf)  }
0xd7: {  	v21 =	vld [tilespmem:s26+$0x2600];
	v4 =	vadd.f32 $1.000000000e+00, v4  }
0xd8: {  	v22 =	vld [tilespmem:s26+$0x2610]  }
0xd9: {  	v23 =	vld [tilespmem:s26+$0x2620];
	(erf) = vrcp.f32 v4  }
0xda: {  	v24 =	vld [tilespmem:s26+$0x2630]  }
0xdb: {  	v25 =	vld [tilespmem:s26+$0x2640];
	v7 =	vadd.f32 v8, v7  }
0xdc: {  	v26 =	vld [tilespmem:s26+$0x2650];
	v8 =	vadd.f32 v10, v9  }
0xdd: {  	v27 =	vld [tilespmem:s26+$0x2660];
	v11 =	vadd.f32 v12, v11;
	v7 =	vadd.f32 v21, v7  }
0xde: {  	s16 =	simm.s32 $0x80;
	v9 =	vld [tilespmem:s26+$0x6270];
	v8 =	vadd.f32 v22, v8  }
0xdf: {  	v11 =	vadd.f32 v23, v11;
	v10 =	vld [tilespmem:s16+$0x7670];
	[tilespmem:s26+$0x8A00] =	vst v7;
	v7 =	vsub.f32 $0.0e+00, v7  }
0xe0: {  	v12 =	vld [tilespmem:s16+$0x1270];
	[tilespmem:s26+$0x8A10] =	vst v8  }
0xe1: {  	v21 =	vld [tilespmem:s16+$0x7600];
	[tilespmem:s26+$0x8A20] =	vst v11;
	v7 =	vmul.f32 $1.442695020e+00, v7  }
0xe2: {  	v13 =	vadd.f32 v14, v13;
	v22 =	vld [tilespmem:s16+$0x2670];
	v23 =	vpop (erf)  }
0xe3: {  	v15 =	vadd.f32 v16, v15;
	v32 =	vld [tilespmem:s16+$0x1200];
	(erf) = vpow2.f32 v7;
	v9 =	vmul.f32 v23, v9  }
0xe4: {  	v16 =	vadd.f32 v18, v17;
	v8 =	vsub.f32 $0.0e+00, v8;
	v14 =	vld [tilespmem:s16+$0x7610]  }
0xe5: {  	v11 =	vsub.f32 $0.0e+00, v11;
	v7 =	vld [tilespmem:s16+$0x1210];
	[tilespmem:s26+$0xB230] =	vst v9;
	v9 =	vadd.f32 v24, v13  }
0xe6: {  	v17 =	vadd.f32 v20, v19;
	v8 =	vmul.f32 $1.442695020e+00, v8;
	v13 =	vadd.f32 v25, v15  }
0xe7: {  	v28 =	vld [tilespmem:s26+$0x6200];
	v16 =	vadd.f32 v26, v16;
	v11 =	vmul.f32 $1.442695020e+00, v11;
	v18 =	vsub.f32 $0.0e+00, v9  }
0xe8: {  	v17 =	vadd.f32 v27, v17;
	(erf) = vpow2.f32 v8;
	v15 =	vld [tilespmem:s16+$0x7620];
	[tilespmem:s26+$0xB270] =	vst v23;
	v20 =	vsub.f32 $0.0e+00, v13  }
0xe9: {  	v8 =	vsub.f32 $0.0e+00, v16;
	(erf) = vpow2.f32 v11;
	v19 =	vld [tilespmem:s16+$0x1220];
	[tilespmem:s26+$0x8A30] =	vst v9;
	v9 =	vmul.f32 $1.442695020e+00, v18  }
0xea: {  	v29 =	vld [tilespmem:s26+$0x6210];
	v23 =	vsub.f32 $0.0e+00, v17;
	v20 =	vmul.f32 $1.442695020e+00, v20  }
0xeb: {  	v30 =	vld [tilespmem:s26+$0x6220];
	v8 =	vmul.f32 $1.442695020e+00, v8;
	(erf) = vpow2.f32 v9  }
0xec: {  	v31 =	vld [tilespmem:s26+$0x6230];
	v10 =	vadd.f32 v12, v10;
	v12 =	vpop (erf);
	v9 =	vmul.f32 $1.442695020e+00, v23;
	(erf) = vpow2.f32 v20  }
0xed: {  	v5 =	vld [tilespmem:s26+$0x6250];
	(erf) = vpow2.f32 v8;
	v8 =	vadd.f32 $1.000000000e+00, v12  }
0xee: {  	v6 =	vld [tilespmem:s26+$0x6240];
	(erf) = vpow2.f32 v9  }
0xef: {  	v4 =	vld [tilespmem:s26+$0x6260];
	(erf) = vrcp.f32 v8  }
0xf0: {  	v18 =	vld [tilespmem:s16+$0x7630];
	[tilespmem:s26+$0x8A40] =	vst v13  }
0xf1: {  	v11 =	vld [tilespmem:s16+$0x1230];
	[tilespmem:s26+$0x8A50] =	vst v16;
	v9 =	vadd.f32 v22, v10;
	v8 =	vpop (erf)  }
0xf2: {  	v12 =	vld [tilespmem:s16+$0x7640];
	[tilespmem:s26+$0x8A60] =	vst v17;
	v8 =	vadd.f32 $1.000000000e+00, v8;
	v10 =	vpop (erf)  }
0xf3: {  	v13 =	vld [tilespmem:s16+$0x1240];
	v10 =	vadd.f32 $1.000000000e+00, v10  }
0xf4: {  	v16 =	vld [tilespmem:s16+$0x7650];
	v22 =	vpop (erf);
	(erf) = vrcp.f32 v8  }
0xf5: {  	v17 =	vld [tilespmem:s16+$0x1250];
	[tilespmem:s16+$0x8A70] =	vst v9;
	v8 =	vsub.f32 $0.0e+00, v9;
	v9 =	vpop (erf);
	(erf) = vrcp.f32 v10  }
0xf6: {  	v20 =	vld [tilespmem:s16+$0x7660];
	v25 =	vpop (erf)  }
0xf7: {  	v23 =	vld [tilespmem:s16+$0x1260];
	v8 =	vmul.f32 $1.442695020e+00, v8;
	v27 =	vpop (erf)  }
0xf8: {  	v24 =	vld [tilespmem:s16+$0x2600];
	v10 =	vadd.f32 $1.000000000e+00, v22;
	v22 =	vpop (erf)  }
0xf9: {  	v26 =	vld [tilespmem:s16+$0x2610];
	(erf) = vpow2.f32 v8;
	v8 =	vmul.f32 v22, v28  }
0xfa: {  	v33 =	vld [tilespmem:s16+$0x2620]  }
0xfb: {  	v34 =	vld [tilespmem:s16+$0x2630];
	[tilespmem:s26+$0x9E40] =	vst v22;
	(erf) = vrcp.f32 v10  }
0xfc: {  	v22 =	vld [tilespmem:s16+$0x2640]  }
0xfd: {  	v28 =	vld [tilespmem:s16+$0x2650];
	[tilespmem:s26+$0x9E00] =	vst v8;
	v8 =	vpop (erf)  }
0xfe: {  	v36 =	vpop (erf)  }
0xff: {  	v35 =	vld [tilespmem:s16+$0x2660];
	v29 =	vmul.f32 v8, v29;
	[tilespmem:s26+$0x9E50] =	vst v8;
	v8 =	vadd.f32 $1.000000000e+00, v25;
	v25 =	vmul.f32 v36, v30  }
0x100: {  	v9 =	vadd.f32 $1.000000000e+00, v9  }
0x101: {  	v21 =	vadd.f32 v32, v21  }
0x102: {  	v27 =	vadd.f32 $1.000000000e+00, v27;
	(erf) = vrcp.f32 v9;
	v10 =	vld [tilespmem:s16+$0x6200];
	[tilespmem:s26+$0x9E10] =	vst v29  }
0x103: {  	v14 =	vadd.f32 v7, v14;
	v30 =	vadd.f32 v24, v21;
	(erf) = vrcp.f32 v8;
	v9 =	vld [tilespmem:s16+$0x6210];
	[tilespmem:s26+$0x9E20] =	vst v25;
	v25 =	vpop (erf)  }
0x104: {  	v15 =	vadd.f32 v19, v15;
	v13 =	vadd.f32 v13, v12;
	v29 =	vpop (erf);
	(erf) = vrcp.f32 v27  }
0x105: {  	v16 =	vadd.f32 v17, v16;
	v24 =	vsub.f32 $0.0e+00, v30  }
0x106: {  	v27 =	vadd.f32 v11, v18;
	v18 =	vadd.f32 v26, v14  }
0x107: {  	v23 =	vadd.f32 v23, v20;
	v17 =	vadd.f32 $1.000000000e+00, v25;
	v19 =	vmul.f32 v29, v31  }
0x108: {  	v8 =	vld [tilespmem:s16+$0x6220];
	[tilespmem:s26+$0x9E60] =	vst v36;
	v24 =	vmul.f32 $1.442695020e+00, v24;
	v14 =	vadd.f32 v34, v27;
	v25 =	vsub.f32 $0.0e+00, v18  }
0x109: {  	v7 =	vld [tilespmem:s16+$0x6230];
	(erf) = vrcp.f32 v17;
	v17 =	vadd.f32 v28, v16;
	[tilespmem:s26+$0x9E30] =	vst v19;
	v19 =	vadd.f32 v33, v15  }
0x10a: {  	v16 =	vadd.f32 v35, v23;
	v15 =	vadd.f32 v22, v13  }
0x10b: {  	v20 =	vpop (erf);
	(erf) = vpow2.f32 v24;
	v11 =	vld [tilespmem:s16+$0x6240];
	[tilespmem:s26+$0x9E70] =	vst v29;
	v27 =	vsub.f32 $0.0e+00, v14;
	v26 =	vsub.f32 $0.0e+00, v19  }
0x10c: {  	v31 =	vmul.f32 $1.442695020e+00, v25;
	v63 =	vsub.f32 $0.0e+00, v17;
	v12 =	vld [tilespmem:s16+$0x6250];
	[tilespmem:s26+$0xB240] =	vst v20;
	v21 =	vpop (erf);
	v23 =	vsub.f32 $0.0e+00, v15  }
0x10d: {  	v13 =	vld [tilespmem:s16+$0x6260];
	[tilespmem:s26+$0xB250] =	vst v21;
	v25 =	vmul.f32 $1.442695020e+00, v26;
	v26 =	vmul.f32 $1.442695020e+00, v27;
	v27 =	vsub.f32 $0.0e+00, v16;
	v22 =	vpop (erf)  }
0x10e: {  	s21 =	simm.s32 $0x100;
	s17 =	simm.s32 $0x600;
	s14 =	sadd.s32 s7, s4;
	v24 =	vmul.f32 $1.442695020e+00, v63;
	(erf) = vpow2.f32 v31;
	v29 =	vld [tilespmem:s16+$0x6270];
	[tilespmem:s26+$0xB260] =	vst v22  }
0x10f: {  	s24 =	sadd.s32 $0x28, s7;
	s4 =	sadd.s32 $0x38, s7;
	s25 =	sadd.s32 $0x40, s7;
	v28 =	vmul.f32 $1.442695020e+00, v23;
	v27 =	vmul.f32 $1.442695020e+00, v27;
	v23 =	vld [tilespmem:s21+$0x7670];
	[tilespmem:s16+$0x8A00] =	vst v30  }
.LBB2_5:
0x110: {  	p1 =	sne.s32 s17, $0x4E00;
	v30 =	vld [tilespmem:s21+$0x1270];
	[tilespmem:s16+$0x8A10] =	vst v18;
	(erf) = vpow2.f32 v25;
	v18 =	vmul.f32 v20, v6;
	v6 =	vmov v11  }
0x111: {  	v11 =	vld [tilespmem:s21+$0x7600];
	[tilespmem:s16+$0x8A20] =	vst v19;
	(erf) = vpow2.f32 v26;
	v19 =	vmul.f32 v21, v5;
	v5 =	vmov v12  }
0x112: {  	v12 =	vld [tilespmem:s21+$0x2670];
	(erf) = vpow2.f32 v28;
	v20 =	vpop (erf);
	[tilespmem:s26+$0xB200] =	vst v18;
	v18 =	vmul.f32 v22, v4;
	v4 =	vmov v13  }
0x113: {  	v13 =	vld [tilespmem:s21+$0x1200];
	v21 =	vmul.f32 v20, v29;
	(erf) = vpow2.f32 v24;
	[tilespmem:s26+$0xB210] =	vst v19  }
0x114: {  	v19 =	vld [tilespmem:s21+$0x7610];
	(erf) = vpow2.f32 v27;
	[tilespmem:s26+$0xB220] =	vst v18;
	s26 =	smov.u32 s16;
	s16 =	smov.u32 s21  }
0x115: {  	v18 =	vld [tilespmem:s16+$0x1210];
	v22 =	vadd.f32 v30, v23;
	[tilespmem:s26+$0xB230] =	vst v21  }
0x116: {  	v21 =	vld [tilespmem:s16+$0x7620];
	[tilespmem:s26+$0xB270] =	vst v20;
	v20 =	vpop (erf)  }
0x117: {  	v23 =	vld [tilespmem:s16+$0x1220];
	v12 =	vadd.f32 v12, v22;
	v20 =	vadd.f32 $1.000000000e+00, v20;
	[tilespmem:s26+$0x8A30] =	vst v14  }
0x118: {  	v11 =	vadd.f32 v13, v11;
	v13 =	vld [tilespmem:s16+$0x7630];
	[tilespmem:s26+$0x8A40] =	vst v15;
	v14 =	vpop (erf)  }
0x119: {  	v15 =	vld [tilespmem:s16+$0x1230];
	v22 =	vsub.f32 $0.0e+00, v12;
	v24 =	vadd.f32 $1.000000000e+00, v14;
	[tilespmem:s26+$0x8A50] =	vst v17;
	(erf) = vrcp.f32 v20;
	v17 =	vpop (erf)  }
0x11a: {  	v18 =	vadd.f32 v18, v19;
	v19 =	vld [tilespmem:s16+$0x7640];
	v25 =	vadd.f32 $1.000000000e+00, v17;
	[tilespmem:s26+$0x8A60] =	vst v16;
	v16 =	vpop (erf)  }
0x11b: {  	v20 =	vld [tilespmem:s16+$0x1240];
	[tilespmem:s16+$0x8A70] =	vst v12;
	v12 =	vmul.f32 $1.442695020e+00, v22;
	v16 =	vadd.f32 $1.000000000e+00, v16;
	(erf) = vrcp.f32 v24;
	v14 =	vpop (erf)  }
0x11c: {  	v21 =	vadd.f32 v23, v21;
	v22 =	vld [tilespmem:s16+$0x7650];
	v14 =	vadd.f32 $1.000000000e+00, v14;
	(erf) = vrcp.f32 v25;
	v17 =	vpop (erf)  }
0x11d: {  	v23 =	vld [tilespmem:s16+$0x1250];
	(erf) = vpow2.f32 v12;
	v12 =	vadd.f32 $1.000000000e+00, v17;
	v17 =	vpop (erf)  }
0x11e: {  	v13 =	vadd.f32 v15, v13;
	v15 =	vld [tilespmem:s16+$0x7660];
	v17 =	vadd.f32 $1.000000000e+00, v17;
	(erf) = vrcp.f32 v16  }
0x11f: {  	v16 =	vld [tilespmem:s16+$0x1260];
	(erf) = vrcp.f32 v14  }
0x120: {  	v14 =	vld [tilespmem:s16+$0x2600];
	v24 =	vadd.f32 v20, v19;
	(erf) = vrcp.f32 v12  }
0x121: {  	v12 =	vld [tilespmem:s16+$0x2610];
	(erf) = vrcp.f32 v17  }
0x122: {  	v17 =	vld [tilespmem:s16+$0x2620];
	v22 =	vadd.f32 v23, v22;
	v19 =	vpop (erf)  }
0x123: {  	v20 =	vld [tilespmem:s16+$0x2630];
	v10 =	vmul.f32 v19, v10;
	[tilespmem:s26+$0x9E40] =	vst v19  }
0x124: {  	v23 =	vld [tilespmem:s16+$0x2640];
	v16 =	vadd.f32 v16, v15;
	v15 =	vpop (erf)  }
0x125: {  	v27 =	vadd.f32 v14, v11;
	v11 =	vld [tilespmem:s16+$0x2650];
	[tilespmem:s26+$0x9E00] =	vst v10;
	v9 =	vmul.f32 v15, v9;
	v25 =	vpop (erf)  }
0x126: {  	v18 =	vadd.f32 v12, v18;
	v12 =	vld [tilespmem:s16+$0x2660];
	v14 =	vpop (erf);
	[tilespmem:s26+$0x9E50] =	vst v15;
	v8 =	vmul.f32 v25, v8  }
0x127: {  	v10 =	vld [tilespmem:s16+$0x6200];
	v19 =	vadd.f32 v17, v21;
	v17 =	vadd.f32 $1.000000000e+00, v14;
	[tilespmem:s26+$0x9E10] =	vst v9;
	v26 =	vpop (erf)  }
0x128: {  	v28 =	vsub.f32 $0.0e+00, v27;
	v9 =	vld [tilespmem:s16+$0x6210];
	v14 =	vadd.f32 v20, v13;
	[tilespmem:s26+$0x9E20] =	vst v8;
	v13 =	vmul.f32 v26, v7;
	v20 =	vpop (erf)  }
0x129: {  	v29 =	vsub.f32 $0.0e+00, v18;
	v8 =	vld [tilespmem:s16+$0x6220];
	v15 =	vadd.f32 v23, v24;
	(erf) = vrcp.f32 v17;
	[tilespmem:s26+$0x9E60] =	vst v25;
	v21 =	vpop (erf)  }
0x12a: {  	v23 =	vmul.f32 $1.442695020e+00, v28;
	v24 =	vsub.f32 $0.0e+00, v19;
	v7 =	vld [tilespmem:s16+$0x6230];
	v17 =	vadd.f32 v11, v22;
	[tilespmem:s26+$0x9E30] =	vst v13;
	v22 =	vpop (erf)  }
.Ltmp1:
0x12b: {  	v30 =	vmul.f32 $1.442695020e+00, v29;
	v13 =	vsub.f32 $0.0e+00, v14;
	v11 =	vld [tilespmem:s16+$0x6240];
	v16 =	vadd.f32 v12, v16;
	[tilespmem:s26+$0x9E70] =	vst v26;
	(pc) =	sbr.rel @p1 .LBB2_5-.Ltmp1, $4  }
0x12c: {  	v25 =	vmul.f32 $1.442695020e+00, v24;
	v24 =	vsub.f32 $0.0e+00, v15;
	v29 =	vsub.f32 $0.0e+00, v17;
	v12 =	vld [tilespmem:s16+$0x6250];
	[tilespmem:s26+$0xB240] =	vst v20  }
0x12d: {  	v26 =	vmul.f32 $1.442695020e+00, v13;
	v31 =	vsub.f32 $0.0e+00, v16;
	v13 =	vld [tilespmem:s16+$0x6260];
	(erf) = vpow2.f32 v23;
	[tilespmem:s26+$0xB250] =	vst v21  }
0x12e: {  	s21 =	sshra.s32 s17, $0x2;
	v28 =	vmul.f32 $1.442695020e+00, v24;
	v24 =	vmul.f32 $1.442695020e+00, v29;
	v29 =	vld [tilespmem:s16+$0x6270];
	[tilespmem:s26+$0xB260] =	vst v22  }
0x12f: {  	s17 =	sadd.s32 $0x200, s17;
	v23 =	vld [tilespmem:s21+$0x7670];
	[tilespmem:s16+$0x8A00] =	vst v27;
	v27 =	vmul.f32 $1.442695020e+00, v31;
	(erf) = vpow2.f32 v30  }
0x130: {  	v5 =	vmul.f32 v21, v5  }
0x131: {  	v30 =	vld [tilespmem:s21+$0x1270];
	[tilespmem:s16+$0x8A10] =	vst v18;
	v6 =	vmul.f32 v20, v6  }
0x132: {  	v18 =	vld [tilespmem:s21+$0x7600];
	[tilespmem:s16+$0x8A20] =	vst v19  }
0x133: {  	v19 =	vld [tilespmem:s21+$0x2670];
	[tilespmem:s26+$0xB200] =	vst v6  }
0x134: {  	v4 =	vmul.f32 v22, v4;
	v6 =	vld [tilespmem:s21+$0x1200];
	[tilespmem:s26+$0xB210] =	vst v5;
	v5 =	vpop (erf)  }
0x135: {  	v21 =	vmul.f32 v5, v29  }
0x136: {  	v20 =	vld [tilespmem:s21+$0x7610];
	[tilespmem:s26+$0xB220] =	vst v4  }
0x137: {  	(erf) = vpow2.f32 v25;
	v4 =	vld [tilespmem:s21+$0x1210];
	[tilespmem:s16+$0xB230] =	vst v21  }
0x138: {  	v21 =	vld [tilespmem:s21+$0x7620];
	[tilespmem:s16+$0xB270] =	vst v5  }
0x139: {  	v5 =	vld [tilespmem:s21+$0x1220];
	[tilespmem:s16+$0x8A30] =	vst v14  }
0x13a: {  	(erf) = vpow2.f32 v26;
	v22 =	vadd.f32 v30, v23;
	v23 =	vpop (erf);
	v14 =	vld [tilespmem:s21+$0x7630];
	[tilespmem:s16+$0x8A40] =	vst v15  }
0x13b: {  	(erf) = vpow2.f32 v28;
	v15 =	vld [tilespmem:s21+$0x1230];
	[tilespmem:s16+$0x8A50] =	vst v17;
	v17 =	vadd.f32 $1.000000000e+00, v23  }
0x13c: {  	(erf) = vpow2.f32 v24  }
0x13d: {  	(erf) = vpow2.f32 v27  }
0x13e: {  	v19 =	vadd.f32 v19, v22;
	(erf) = vrcp.f32 v17  }
0x13f: {  	v23 =	vld [tilespmem:s21+$0x7640];
	[tilespmem:s16+$0x8A60] =	vst v16;
	v17 =	vpop (erf)  }
0x140: {  	v16 =	vld [tilespmem:s21+$0x1240];
	[tilespmem:s21+$0x8A70] =	vst v19;
	v19 =	vsub.f32 $0.0e+00, v19;
	v25 =	vpop (erf)  }
0x141: {  	v22 =	vld [tilespmem:s21+$0x7650];
	v17 =	vadd.f32 $1.000000000e+00, v17;
	v25 =	vadd.f32 $1.000000000e+00, v25  }
0x142: {  	v24 =	vld [tilespmem:s21+$0x1250];
	v19 =	vmul.f32 $1.442695020e+00, v19  }
0x143: {  	v26 =	vld [tilespmem:s21+$0x7660];
	v27 =	vpop (erf);
	(erf) = vrcp.f32 v17  }
0x144: {  	v29 =	vld [tilespmem:s21+$0x2600];
	v28 =	vpop (erf)  }
0x145: {  	v30 =	vld [tilespmem:s21+$0x2610];
	(erf) = vrcp.f32 v25;
	v25 =	vpop (erf)  }
0x146: {  	v31 =	vld [tilespmem:s21+$0x2620];
	v27 =	vadd.f32 $1.000000000e+00, v27;
	(erf) = vpow2.f32 v19;
	v19 =	vpop (erf)  }
0x147: {  	v33 =	vld [tilespmem:s21+$0x2630];
	v32 =	vpop (erf)  }
0x148: {  	v17 =	vld [tilespmem:s21+$0x1260];
	(erf) = vrcp.f32 v27;
	[tilespmem:s16+$0x9E40] =	vst v32;
	v10 =	vmul.f32 v32, v10  }
0x149: {  	v27 =	vld [tilespmem:s21+$0x2640]  }
0x14a: {  	v6 =	vadd.f32 v6, v18;
	v18 =	vld [tilespmem:s21+$0x2650];
	[tilespmem:s16+$0x9E00] =	vst v10;
	v10 =	vadd.f32 $1.000000000e+00, v25  }
0x14b: {  	v4 =	vadd.f32 v4, v20;
	v20 =	vadd.f32 $1.000000000e+00, v28  }
0x14c: {  	v5 =	vadd.f32 v5, v21;
	v21 =	vpop (erf)  }
0x14d: {  	v6 =	vadd.f32 v29, v6;
	(erf) = vrcp.f32 v20;
	v9 =	vmul.f32 v21, v9  }
0x14e: {  	v14 =	vadd.f32 v15, v14;
	v15 =	vadd.f32 $1.000000000e+00, v19;
	v25 =	vld [tilespmem:s21+$0x2660];
	[tilespmem:s16+$0x9E50] =	vst v21;
	(erf) = vrcp.f32 v10;
	v10 =	vpop (erf)  }
0x14f: {  	v4 =	vadd.f32 v30, v4;
	v19 =	vld [tilespmem:s21+$0x6200];
	[tilespmem:s16+$0x9E10] =	vst v9;
	v9 =	vsub.f32 $0.0e+00, v6;
	v20 =	vpop (erf)  }
0x150: {  	(erf) = vrcp.f32 v15;
	v8 =	vmul.f32 v10, v8;
	v15 =	vadd.f32 $1.000000000e+00, v20  }
0x151: {  	v5 =	vadd.f32 v31, v5;
	v14 =	vadd.f32 v33, v14;
	v21 =	vpop (erf);
	v9 =	vmul.f32 $1.442695020e+00, v9  }
0x152: {  	v20 =	vld [tilespmem:s21+$0x6210];
	[tilespmem:s16+$0x9E20] =	vst v8;
	v8 =	vsub.f32 $0.0e+00, v4;
	v7 =	vmul.f32 v21, v7;
	(erf) = vrcp.f32 v15  }
0x153: {  	v15 =	vsub.f32 $0.0e+00, v5;
	(erf) = vpow2.f32 v9;
	v9 =	vadd.f32 v16, v23  }
0x154: {  	v28 =	vld [tilespmem:s21+$0x6220];
	[tilespmem:s16+$0x9E60] =	vst v10;
	v8 =	vmul.f32 $1.442695020e+00, v8;
	v16 =	vsub.f32 $0.0e+00, v14  }
0x155: {  	v22 =	vadd.f32 v24, v22;
	v10 =	vld [tilespmem:s21+$0x6230];
	[tilespmem:s16+$0x9E30] =	vst v7;
	v15 =	vmul.f32 $1.442695020e+00, v15;
	v7 =	vadd.f32 v27, v9  }
0x156: {  	v17 =	vadd.f32 v17, v26;
	(erf) = vpow2.f32 v8;
	v9 =	vmul.f32 $1.442695020e+00, v16  }
0x157: {  	(erf) = vpow2.f32 v15;
	v15 =	vadd.f32 v18, v22;
	v18 =	vsub.f32 $0.0e+00, v7;
	_ =	sdelay $0x1  }
0x158: {  	v17 =	vadd.f32 v25, v17;
	v8 =	vld [tilespmem:s21+$0x6240];
	[tilespmem:s16+$0x9E70] =	vst v21;
	v16 =	vpop (erf);
	(erf) = vpow2.f32 v9;
	v18 =	vmul.f32 $1.442695020e+00, v18  }
0x159: {  	v21 =	vld [tilespmem:s21+$0x6250];
	v22 =	vsub.f32 $0.0e+00, v15;
	[tilespmem:s16+$0xB240] =	vst v16;
	v9 =	vpop (erf)  }
0x15a: {  	v24 =	vsub.f32 $0.0e+00, v17;
	v25 =	vld [tilespmem:s21+$0x6260];
	v23 =	vpop (erf);
	[tilespmem:s16+$0xB250] =	vst v9;
	(erf) = vpow2.f32 v18  }
0x15b: {  	v22 =	vmul.f32 $1.442695020e+00, v22;
	v26 =	vpop (erf);
	v27 =	vld [tilespmem:s21+$0x6270];
	[tilespmem:s16+$0xB260] =	vst v23  }
0x15c: {  	v24 =	vmul.f32 $1.442695020e+00, v24;
	[tilespmem:s21+$0x8A00] =	vst v6;
	v18 =	vpop (erf)  }
0x15d: {  	(erf) = vpow2.f32 v22;
	[tilespmem:s21+$0x8A10] =	vst v4;
	v4 =	vmul.f32 v16, v11;
	v18 =	vadd.f32 $1.000000000e+00, v18  }
0x15e: {  	[tilespmem:s21+$0x8A20] =	vst v5;
	(erf) = vpow2.f32 v24;
	v6 =	vpop (erf)  }
0x15f: {  	[tilespmem:s16+$0xB200] =	vst v4;
	v4 =	vmul.f32 v23, v13;
	v6 =	vadd.f32 $1.000000000e+00, v6;
	(erf) = vrcp.f32 v18  }
0x160: {  	v5 =	vmul.f32 v9, v12;
	v11 =	vpop (erf)  }
0x161: {  	v9 =	vadd.f32 $1.000000000e+00, v11;
	v11 =	vpop (erf);
	(erf) = vrcp.f32 v6  }
0x162: {  	[tilespmem:s16+$0xB210] =	vst v5;
	v5 =	vadd.f32 $1.000000000e+00, v11  }
0x163: {  	[tilespmem:s16+$0xB220] =	vst v4;
	v6 =	vmul.f32 v26, v27;
	v4 =	vpop (erf)  }
0x164: {  	(erf) = vrcp.f32 v9;
	v4 =	vadd.f32 $1.000000000e+00, v4;
	_ =	sdelay $0x1  }
0x165: {  	(erf) = vrcp.f32 v5;
	v5 =	vpop (erf)  }
0x166: {  	[tilespmem:s21+$0xB230] =	vst v6;
	v5 =	vadd.f32 $1.000000000e+00, v5;
	v6 =	vpop (erf)  }
0x167: {  	[tilespmem:s21+$0xB270] =	vst v26;
	(erf) = vrcp.f32 v4;
	v4 =	vpop (erf)  }
0x168: {  	[tilespmem:s21+$0x8A30] =	vst v14;
	v6 =	vadd.f32 $1.000000000e+00, v6;
	(erf) = vrcp.f32 v5;
	v5 =	vmul.f32 v4, v19  }
0x169: {  	[tilespmem:s21+$0x9E40] =	vst v4;
	v4 =	vpop (erf)  }
0x16a: {  	[tilespmem:s21+$0x9E00] =	vst v5;
	v5 =	vmul.f32 v4, v20  }
0x16b: {  	[tilespmem:s21+$0x8A40] =	vst v7  }
0x16c: {  	[tilespmem:s21+$0x8A50] =	vst v15;
	(erf) = vrcp.f32 v6;
	v6 =	vpop (erf)  }
0x16d: {  	[tilespmem:s21+$0x9E50] =	vst v4;
	v4 =	vmul.f32 v6, v28  }
0x16e: {  	[tilespmem:s21+$0x9E10] =	vst v5;
	v5 =	vpop (erf)  }
0x16f: {  	[tilespmem:s21+$0x9E20] =	vst v4;
	v4 =	vmul.f32 v5, v10  }
0x170: {  	[tilespmem:s21+$0x8A60] =	vst v17  }
0x171: {  	[tilespmem:s21+$0x9E60] =	vst v6  }
0x172: {  	[tilespmem:s21+$0x9E70] =	vst v5  }
0x173: {  	[tilespmem:s21+$0x9E30] =	vst v4;
	v4 =	vpop (erf)  }
0x174: {  	s13 =	sadd.s32 s8, s14;
	v5 =	vpop (erf);
	[tilespmem:s21+$0xB240] =	vst v4  }
0x175: {  	s26 =	sshll.u32 s13, $0x8;
	s13 =	sshll.u32 s13, $0x7;
	v4 =	vmul.f32 v4, v8;
	v6 =	vpop (erf);
	[tilespmem:s21+$0xB250] =	vst v5  }
0x176: {  	s17 =	rddreg [dreg:$0x6];
	s13 =	sadd.s32 s11, s13;
	v5 =	vmul.f32 v5, v21;
	[tilespmem:s21+$0xB260] =	vst v6  }
0x177: {  	s13 =	sshrl.u32 s13, $0x3;
	s16 =	sor.u32 s17, s26;
	[tilespmem:s21+$0xB200] =	vst v4;
	v4 =	vmul.f32 v6, v25  }
0x178: {  	s26 =	rddreg [dreg:$0x1];
	s17 =	simm.s32 $0x400;
	s16 =	sshrl.u32 s16, $0x3;
	[tilespmem:s21+$0xB210] =	vst v5  }
0x179: {  	s16 =	sadd.s32 s26, s16;
	s26 =	simm.s32 $0x8A00;
	[tilespmem:s21+$0xB220] =	vst v4;
	s21 =	simm.s32 $0x800  }
0x17a: {  	[hbm4b:s16+s17] =	stream.strided.scatter [tilespmem:s26], [sflag:$0x5], $0x1400, s21, s17, $0x38;
	[tilespmem:$0x1FE80] =	vst v63  }
0x17b: {  	s13 =	sadd.s32 s10, s13;
	s17 =	simm.s32 $0xB200  }
0x17c: {  	[hbm4b:s13+s3] =	stream.linear.scatter [tilespmem:s17], [sflag:$0x5], $0x1400, $0x38;
	[tilespmem:$0x1FE80] =	vst v63  }
0x17d: {  	v4 =	vld [tilespmem:s7+$0x28];
	_ =	sdelay $0x4  }
0x17e: {  	v4 =	vadd.s32 v2, v4  }
0x17f: {  	[tilespmem:$0x1100] =	vst v4  }
0x180: {  	v4 =	vld [tilespmem:s7+$0x38];
	_ =	sdelay $0x4  }
0x181: {  	v4 =	vadd.s32 v2, v4  }
0x182: {  	[tilespmem:$0x1110] =	vst v4  }
0x183: {  	v4 =	vld [tilespmem:s7+$0x40];
	_ =	sdelay $0x4  }
0x184: {  	s21 =	simm.s32 $0x1100;
	v4 =	vadd.s32 v2, v4  }
0x185: {  	s26 =	simm.s32 $0x6200;
	s16 =	rddreg [dreg:$0x11];
	s17 =	simm.s32 $0x28;
	[tilespmem:$0x1118] =	vst v4  }
0x186: {  	[tilespmem:s26], [sflag:$0x3] =	stream.indirect.gather [hbm4b:s5+s17], $0x80, s21, s17, $0xb8;
	[tilespmem:$0x1FE80] =	vst v63  }
0x187: {  	s26 =	sadd.s32 s14, s16  }
0x188: {  	s13 =	sshll.u32 s26, $0x7  }
0x189: {  	s13 =	sadd.s32 s11, s13  }
0x18a: {  	s16 =	sshrl.u32 s13, $0x3  }
0x18b: {  	s21 =	simm.s32 $0x7600;
	s13 =	sadd.s32 s6, s16  }
0x18c: {  	[tilespmem:s21], [sflag:$0x4] =	stream.linear.gather [hbm4b:s13+s3], $0x1400, $0x38;
	[tilespmem:$0x1FE80] =	vst v63  }
0x18d: {  	v4 =	vld [tilespmem:s7+$0x800];
	_ =	sdelay $0x4  }
0x18e: {  	[tilespmem:$0x1180] =	vst v4  }
0x18f: {  	v4 =	vld [tilespmem:s7+$0x810];
	_ =	sdelay $0x4  }
0x190: {  	[tilespmem:$0x1190] =	vst v4  }
0x191: {  	v4 =	vld [tilespmem:s7+$0x818];
	_ =	sdelay $0x4  }
0x192: {  	s13 =	simm.s32 $0x9E00;
	s21 =	simm.s32 $0x1180;
	[tilespmem:$0x1198] =	vst v4  }
0x193: {  	[spmem:s2] =	stream.indirect.scatter.add.f32 [tilespmem:s13], [sflag:$0x6], $0x80, s21, s17, $0xb8;
	[tilespmem:$0x1FE80] =	vst v63  }
0x194: {  	_ =	swait.ge [sflag:s22], $0x1400  }
0x195: {  	[sflag:s22] =	ssyncset.done $0x0  }
0x196: {  	[sflag:s22] =	ssyncadd.s32 $0xFFFFEC00  }
0x197: {  	_ =	swait.ge [sflag:s12], $0x1400  }
0x198: {  	[sflag:s12] =	ssyncset.done $0x0  }
0x199: {  	[sflag:s12] =	ssyncadd.s32 $0xFFFFEC00  }
0x19a: {  	_ =	swait.ge [sflag:s12], $0x1400  }
0x19b: {  	[sflag:s12] =	ssyncset.done $0x0  }
0x19c: {  	p1 =	sgt.u32 s15, $0x17;
	[sflag:s12] =	ssyncadd.s32 $0xFFFFEC00  }
0x19d: {  	v4 =	vld @!p1 [tilespmem:s7+$0x50];
	_ =	sdelay $0x4  }
0x19e: {  	v4 =	vadd.s32 @!p1 v0, v4  }
0x19f: {  	[tilespmem:$0x1000] =	vst @!p1 v4  }
0x1a0: {  	v4 =	vld @!p1 [tilespmem:s7+$0x850];
	_ =	sdelay $0x4  }
0x1a1: {  	v4 =	vadd.s32 @!p1 v1, v4  }
0x1a2: {  	[tilespmem:$0x1028] =	vst @!p1 v4  }
0x1a3: {  	v4 =	vld @!p1 [tilespmem:s7+$0x60];
	_ =	sdelay $0x4  }
0x1a4: {  	v4 =	vadd.s32 @!p1 v0, v4  }
0x1a5: {  	[tilespmem:$0x1010] =	vst @!p1 v4  }
0x1a6: {  	v4 =	vld @!p1 [tilespmem:s7+$0x860];
	_ =	sdelay $0x4  }
0x1a7: {  	v4 =	vadd.s32 @!p1 v1, v4  }
0x1a8: {  	[tilespmem:$0x1038] =	vst @!p1 v4  }
0x1a9: {  	v4 =	vld @!p1 [tilespmem:s7+$0x68];
	_ =	sdelay $0x4  }
0x1aa: {  	v4 =	vadd.s32 @!p1 v0, v4  }
0x1ab: {  	[tilespmem:$0x1018] =	vst @!p1 v4  }
0x1ac: {  	v4 =	vld @!p1 [tilespmem:s7+$0x868];
	_ =	sdelay $0x4  }
0x1ad: {  	v4 =	vadd.s32 @!p1 v1, v4  }
0x1ae: {  	s15 =	simm.s32 @!p1 $0x1000;
	s13 =	simm.s32 @!p1 $0x50;
	s17 =	simm.s32 @!p1 $0x1200;
	[tilespmem:$0x1040] =	vst @!p1 v4  }
0x1af: {  	[tilespmem:s17], [sflag:$0x1] =	stream.indirect.gather @!p1 [hbm4b:s5+s13], $0x80, s15, s13, $0xb8;
	[tilespmem:$0x1FE80] =	vst v63  }
0x1b0: {  	_ =	swait.ge [sflag:s18], $0x2800  }
0x1b1: {  	[sflag:s18] =	ssyncset.done $0x0  }
0x1b2: {  	s21 =	simm.s32 $0x3;
	[sflag:s18] =	ssyncadd.s32 $0xFFFFD800  }
0x1b3: {  	_ =	swait.ge [sflag:s21], $0x1400  }
0x1b4: {  	[sflag:s21] =	ssyncset.done $0x0  }
0x1b5: {  	[sflag:s21] =	ssyncadd.s32 $0xFFFFEC00  }
0x1b6: {  	_ =	swait.ge [sflag:s0], $0x1400  }
0x1b7: {  	[sflag:s0] =	ssyncset.done $0x0  }
0x1b8: {  	s21 =	simm.s32 $0x0;
	[sflag:s0] =	ssyncadd.s32 $0xFFFFEC00  }
0x1b9: {  	v4 =	vld [tilespmem:s21+$0x7670]  }
0x1ba: {  	v5 =	vld [tilespmem:s21+$0x3A70];
	_ =	sdelay $0x1  }
0x1bb: {  	v6 =	vld [tilespmem:s21+$0x4E70];
	_ =	sdelay $0x2  }
0x1bc: {  	v4 =	vadd.f32 v5, v4;
	_ =	sdelay $0x1  }
0x1bd: {  	v4 =	vadd.f32 v6, v4;
	_ =	sdelay $0x1  }
0x1be: {  	v7 =	vld [tilespmem:s21+$0x7600];
	[tilespmem:s21+$0x8A70] =	vst v4;
	v4 =	vsub.f32 $0.0e+00, v4  }
0x1bf: {  	v8 =	vld [tilespmem:s21+$0x3A00]  }
0x1c0: {  	v9 =	vld [tilespmem:s21+$0x7610];
	v4 =	vmul.f32 $1.442695020e+00, v4  }
0x1c1: {  	v10 =	vld [tilespmem:s21+$0x3A10]  }
0x1c2: {  	v11 =	vld [tilespmem:s21+$0x7620];
	(erf) = vpow2.f32 v4  }
0x1c3: {  	v12 =	vld [tilespmem:s21+$0x3A20]  }
0x1c4: {  	v13 =	vld [tilespmem:s21+$0x7630]  }
0x1c5: {  	v14 =	vld [tilespmem:s21+$0x3A30]  }
0x1c6: {  	v15 =	vld [tilespmem:s21+$0x7640]  }
0x1c7: {  	v16 =	vld [tilespmem:s21+$0x3A40]  }
0x1c8: {  	v17 =	vld [tilespmem:s21+$0x7650]  }
0x1c9: {  	v18 =	vld [tilespmem:s21+$0x3A50]  }
0x1ca: {  	v19 =	vld [tilespmem:s21+$0x7660]  }
0x1cb: {  	v20 =	vld [tilespmem:s21+$0x3A60];
	v4 =	vpop (erf)  }
0x1cc: {  	v21 =	vld [tilespmem:s21+$0x4E00];
	v4 =	vadd.f32 $1.000000000e+00, v4  }
0x1cd: {  	v22 =	vld [tilespmem:s21+$0x4E10]  }
0x1ce: {  	v23 =	vld [tilespmem:s21+$0x4E20];
	(erf) = vrcp.f32 v4  }
0x1cf: {  	v24 =	vld [tilespmem:s21+$0x4E30]  }
0x1d0: {  	v25 =	vld [tilespmem:s21+$0x4E40];
	v7 =	vadd.f32 v8, v7  }
0x1d1: {  	v26 =	vld [tilespmem:s21+$0x4E50];
	v8 =	vadd.f32 v10, v9  }
0x1d2: {  	v27 =	vld [tilespmem:s21+$0x4E60];
	v11 =	vadd.f32 v12, v11;
	v7 =	vadd.f32 v21, v7  }
0x1d3: {  	s15 =	simm.s32 $0x80;
	v9 =	vld [tilespmem:s21+$0x6270];
	v8 =	vadd.f32 v22, v8  }
0x1d4: {  	v11 =	vadd.f32 v23, v11;
	v10 =	vld [tilespmem:s15+$0x7670];
	[tilespmem:s21+$0x8A00] =	vst v7;
	v7 =	vsub.f32 $0.0e+00, v7  }
0x1d5: {  	v12 =	vld [tilespmem:s15+$0x3A70];
	[tilespmem:s21+$0x8A10] =	vst v8  }
0x1d6: {  	v21 =	vld [tilespmem:s15+$0x7600];
	[tilespmem:s21+$0x8A20] =	vst v11;
	v7 =	vmul.f32 $1.442695020e+00, v7  }
0x1d7: {  	v13 =	vadd.f32 v14, v13;
	v22 =	vld [tilespmem:s15+$0x4E70];
	v23 =	vpop (erf)  }
0x1d8: {  	v15 =	vadd.f32 v16, v15;
	v61 =	vld [tilespmem:s15+$0x3A00];
	(erf) = vpow2.f32 v7;
	v9 =	vmul.f32 v23, v9  }
0x1d9: {  	v16 =	vadd.f32 v18, v17;
	v8 =	vsub.f32 $0.0e+00, v8;
	v14 =	vld [tilespmem:s15+$0x7610]  }
0x1da: {  	v11 =	vsub.f32 $0.0e+00, v11;
	v7 =	vld [tilespmem:s15+$0x3A10];
	[tilespmem:s21+$0xB230] =	vst v9;
	v9 =	vadd.f32 v24, v13  }
0x1db: {  	v17 =	vadd.f32 v20, v19;
	v8 =	vmul.f32 $1.442695020e+00, v8;
	v13 =	vadd.f32 v25, v15  }
0x1dc: {  	v28 =	vld [tilespmem:s21+$0x6200];
	v16 =	vadd.f32 v26, v16;
	v11 =	vmul.f32 $1.442695020e+00, v11;
	v18 =	vsub.f32 $0.0e+00, v9  }
0x1dd: {  	v17 =	vadd.f32 v27, v17;
	(erf) = vpow2.f32 v8;
	v15 =	vld [tilespmem:s15+$0x7620];
	[tilespmem:s21+$0xB270] =	vst v23;
	v20 =	vsub.f32 $0.0e+00, v13  }
0x1de: {  	v8 =	vsub.f32 $0.0e+00, v16;
	(erf) = vpow2.f32 v11;
	v19 =	vld [tilespmem:s15+$0x3A20];
	[tilespmem:s21+$0x8A30] =	vst v9;
	v9 =	vmul.f32 $1.442695020e+00, v18  }
0x1df: {  	v29 =	vld [tilespmem:s21+$0x6210];
	v23 =	vsub.f32 $0.0e+00, v17;
	v20 =	vmul.f32 $1.442695020e+00, v20  }
0x1e0: {  	v30 =	vld [tilespmem:s21+$0x6220];
	v8 =	vmul.f32 $1.442695020e+00, v8;
	(erf) = vpow2.f32 v9  }
0x1e1: {  	v31 =	vld [tilespmem:s21+$0x6230];
	v10 =	vadd.f32 v12, v10;
	v12 =	vpop (erf);
	v9 =	vmul.f32 $1.442695020e+00, v23;
	(erf) = vpow2.f32 v20  }
0x1e2: {  	v5 =	vld [tilespmem:s21+$0x6250];
	(erf) = vpow2.f32 v8;
	v8 =	vadd.f32 $1.000000000e+00, v12  }
0x1e3: {  	v6 =	vld [tilespmem:s21+$0x6240];
	(erf) = vpow2.f32 v9  }
0x1e4: {  	v4 =	vld [tilespmem:s21+$0x6260];
	(erf) = vrcp.f32 v8  }
0x1e5: {  	v18 =	vld [tilespmem:s15+$0x7630];
	[tilespmem:s21+$0x8A40] =	vst v13  }
0x1e6: {  	v11 =	vld [tilespmem:s15+$0x3A30];
	[tilespmem:s21+$0x8A50] =	vst v16;
	v9 =	vadd.f32 v22, v10;
	v8 =	vpop (erf)  }
0x1e7: {  	v12 =	vld [tilespmem:s15+$0x7640];
	[tilespmem:s21+$0x8A60] =	vst v17;
	v8 =	vadd.f32 $1.000000000e+00, v8;
	v10 =	vpop (erf)  }
0x1e8: {  	v13 =	vld [tilespmem:s15+$0x3A40];
	v10 =	vadd.f32 $1.000000000e+00, v10  }
0x1e9: {  	v16 =	vld [tilespmem:s15+$0x7650];
	v22 =	vpop (erf);
	(erf) = vrcp.f32 v8  }
0x1ea: {  	v17 =	vld [tilespmem:s15+$0x3A50];
	[tilespmem:s15+$0x8A70] =	vst v9;
	v8 =	vsub.f32 $0.0e+00, v9;
	v9 =	vpop (erf);
	(erf) = vrcp.f32 v10  }
0x1eb: {  	v20 =	vld [tilespmem:s15+$0x7660];
	v25 =	vpop (erf)  }
0x1ec: {  	v23 =	vld [tilespmem:s15+$0x3A60];
	v8 =	vmul.f32 $1.442695020e+00, v8;
	v27 =	vpop (erf)  }
0x1ed: {  	v24 =	vld [tilespmem:s15+$0x4E00];
	v10 =	vadd.f32 $1.000000000e+00, v22;
	v22 =	vpop (erf)  }
0x1ee: {  	v26 =	vld [tilespmem:s15+$0x4E10];
	(erf) = vpow2.f32 v8;
	v8 =	vmul.f32 v22, v28  }
0x1ef: {  	v62 =	vld [tilespmem:s15+$0x4E20]  }
0x1f0: {  	v34 =	vld [tilespmem:s15+$0x4E30];
	[tilespmem:s21+$0x9E40] =	vst v22;
	(erf) = vrcp.f32 v10  }
0x1f1: {  	v22 =	vld [tilespmem:s15+$0x4E40]  }
0x1f2: {  	v28 =	vld [tilespmem:s15+$0x4E50];
	[tilespmem:s21+$0x9E00] =	vst v8;
	v8 =	vpop (erf)  }
0x1f3: {  	v36 =	vpop (erf)  }
0x1f4: {  	v35 =	vld [tilespmem:s15+$0x4E60];
	v29 =	vmul.f32 v8, v29;
	[tilespmem:s21+$0x9E50] =	vst v8;
	v8 =	vadd.f32 $1.000000000e+00, v25;
	v25 =	vmul.f32 v36, v30  }
0x1f5: {  	v9 =	vadd.f32 $1.000000000e+00, v9  }
0x1f6: {  	v21 =	vadd.f32 v61, v21  }
0x1f7: {  	v27 =	vadd.f32 $1.000000000e+00, v27;
	(erf) = vrcp.f32 v9;
	v10 =	vld [tilespmem:s15+$0x6200];
	[tilespmem:s21+$0x9E10] =	vst v29  }
0x1f8: {  	v14 =	vadd.f32 v7, v14;
	v30 =	vadd.f32 v24, v21;
	(erf) = vrcp.f32 v8;
	v9 =	vld [tilespmem:s15+$0x6210];
	[tilespmem:s21+$0x9E20] =	vst v25;
	v25 =	vpop (erf)  }
0x1f9: {  	v15 =	vadd.f32 v19, v15;
	v13 =	vadd.f32 v13, v12;
	v29 =	vpop (erf);
	(erf) = vrcp.f32 v27  }
0x1fa: {  	v16 =	vadd.f32 v17, v16;
	v24 =	vsub.f32 $0.0e+00, v30  }
0x1fb: {  	v27 =	vadd.f32 v11, v18;
	v18 =	vadd.f32 v26, v14  }
0x1fc: {  	v23 =	vadd.f32 v23, v20;
	v17 =	vadd.f32 $1.000000000e+00, v25;
	v19 =	vmul.f32 v29, v31  }
0x1fd: {  	v8 =	vld [tilespmem:s15+$0x6220];
	[tilespmem:s21+$0x9E60] =	vst v36;
	v24 =	vmul.f32 $1.442695020e+00, v24;
	v14 =	vadd.f32 v34, v27;
	v25 =	vsub.f32 $0.0e+00, v18  }
0x1fe: {  	v7 =	vld [tilespmem:s15+$0x6230];
	(erf) = vrcp.f32 v17;
	v17 =	vadd.f32 v28, v16;
	[tilespmem:s21+$0x9E30] =	vst v19;
	v19 =	vadd.f32 v62, v15  }
0x1ff: {  	v16 =	vadd.f32 v35, v23;
	v15 =	vadd.f32 v22, v13  }
0x200: {  	v20 =	vpop (erf);
	(erf) = vpow2.f32 v24;
	v11 =	vld [tilespmem:s15+$0x6240];
	[tilespmem:s21+$0x9E70] =	vst v29;
	v27 =	vsub.f32 $0.0e+00, v14;
	v26 =	vsub.f32 $0.0e+00, v19  }
0x201: {  	v31 =	vmul.f32 $1.442695020e+00, v25;
	v63 =	vsub.f32 $0.0e+00, v16;
	v12 =	vld [tilespmem:s15+$0x6250];
	[tilespmem:s21+$0xB240] =	vst v20;
	v21 =	vpop (erf);
	v23 =	vsub.f32 $0.0e+00, v15  }
0x202: {  	v13 =	vld [tilespmem:s15+$0x6260];
	[tilespmem:s21+$0xB250] =	vst v21;
	v27 =	vmul.f32 $1.442695020e+00, v27;
	v25 =	vmul.f32 $1.442695020e+00, v26;
	v26 =	vsub.f32 $0.0e+00, v17;
	v22 =	vpop (erf)  }
0x203: {  	s17 =	simm.s32 $0x100;
	(erf) = vpow2.f32 v31;
	v29 =	vld [tilespmem:s15+$0x6270];
	v28 =	vmul.f32 $1.442695020e+00, v23;
	[tilespmem:s21+$0xB260] =	vst v22  }
0x204: {  	s31 =	smov.u32 s6;
	s6 =	simm.s32 $0x28;
	s13 =	simm.s32 $0x600;
	v24 =	vmul.f32 $1.442695020e+00, v26;
	v26 =	vmul.f32 $1.442695020e+00, v63;
	v23 =	vld [tilespmem:s17+$0x7670];
	[tilespmem:s15+$0x8A00] =	vst v30  }
.LBB2_7:
0x205: {  	p2 =	sne.s32 s13, $0x4E00;
	v30 =	vld [tilespmem:s17+$0x3A70];
	[tilespmem:s15+$0x8A10] =	vst v18;
	(erf) = vpow2.f32 v25;
	v18 =	vmul.f32 v20, v6;
	v6 =	vmov v11  }
0x206: {  	v11 =	vld [tilespmem:s17+$0x7600];
	[tilespmem:s15+$0x8A20] =	vst v19;
	(erf) = vpow2.f32 v27;
	v19 =	vmul.f32 v21, v5;
	v5 =	vmov v12  }
0x207: {  	v12 =	vld [tilespmem:s17+$0x4E70];
	(erf) = vpow2.f32 v28;
	v20 =	vpop (erf);
	[tilespmem:s21+$0xB200] =	vst v18;
	v18 =	vmul.f32 v22, v4;
	v4 =	vmov v13  }
0x208: {  	v13 =	vld [tilespmem:s17+$0x3A00];
	v21 =	vmul.f32 v20, v29;
	(erf) = vpow2.f32 v24;
	[tilespmem:s21+$0xB210] =	vst v19  }
0x209: {  	v19 =	vld [tilespmem:s17+$0x7610];
	(erf) = vpow2.f32 v26;
	[tilespmem:s21+$0xB220] =	vst v18;
	s21 =	smov.u32 s15;
	s15 =	smov.u32 s17  }
0x20a: {  	v18 =	vld [tilespmem:s15+$0x3A10];
	v22 =	vadd.f32 v30, v23;
	[tilespmem:s21+$0xB230] =	vst v21  }
0x20b: {  	v21 =	vld [tilespmem:s15+$0x7620];
	[tilespmem:s21+$0xB270] =	vst v20;
	v20 =	vpop (erf)  }
0x20c: {  	v23 =	vld [tilespmem:s15+$0x3A20];
	v12 =	vadd.f32 v12, v22;
	v20 =	vadd.f32 $1.000000000e+00, v20;
	[tilespmem:s21+$0x8A30] =	vst v14  }
0x20d: {  	v11 =	vadd.f32 v13, v11;
	v13 =	vld [tilespmem:s15+$0x7630];
	[tilespmem:s21+$0x8A40] =	vst v15;
	v14 =	vpop (erf)  }
0x20e: {  	v15 =	vld [tilespmem:s15+$0x3A30];
	v22 =	vsub.f32 $0.0e+00, v12;
	v24 =	vadd.f32 $1.000000000e+00, v14;
	[tilespmem:s21+$0x8A50] =	vst v17;
	(erf) = vrcp.f32 v20;
	v17 =	vpop (erf)  }
0x20f: {  	v18 =	vadd.f32 v18, v19;
	v19 =	vld [tilespmem:s15+$0x7640];
	v25 =	vadd.f32 $1.000000000e+00, v17;
	[tilespmem:s21+$0x8A60] =	vst v16;
	v16 =	vpop (erf)  }
0x210: {  	v20 =	vld [tilespmem:s15+$0x3A40];
	[tilespmem:s15+$0x8A70] =	vst v12;
	v12 =	vmul.f32 $1.442695020e+00, v22;
	v16 =	vadd.f32 $1.000000000e+00, v16;
	(erf) = vrcp.f32 v24;
	v14 =	vpop (erf)  }
0x211: {  	v21 =	vadd.f32 v23, v21;
	v22 =	vld [tilespmem:s15+$0x7650];
	v14 =	vadd.f32 $1.000000000e+00, v14;
	(erf) = vrcp.f32 v25;
	v17 =	vpop (erf)  }
0x212: {  	v23 =	vld [tilespmem:s15+$0x3A50];
	(erf) = vpow2.f32 v12;
	v12 =	vadd.f32 $1.000000000e+00, v17;
	v17 =	vpop (erf)  }
0x213: {  	v13 =	vadd.f32 v15, v13;
	v15 =	vld [tilespmem:s15+$0x7660];
	v17 =	vadd.f32 $1.000000000e+00, v17;
	(erf) = vrcp.f32 v16  }
0x214: {  	v16 =	vld [tilespmem:s15+$0x3A60];
	(erf) = vrcp.f32 v14  }
0x215: {  	v14 =	vld [tilespmem:s15+$0x4E00];
	v24 =	vadd.f32 v20, v19;
	(erf) = vrcp.f32 v12  }
0x216: {  	v12 =	vld [tilespmem:s15+$0x4E10];
	(erf) = vrcp.f32 v17  }
0x217: {  	v17 =	vld [tilespmem:s15+$0x4E20];
	v22 =	vadd.f32 v23, v22;
	v19 =	vpop (erf)  }
0x218: {  	v20 =	vld [tilespmem:s15+$0x4E30];
	v10 =	vmul.f32 v19, v10;
	[tilespmem:s21+$0x9E40] =	vst v19  }
0x219: {  	v23 =	vld [tilespmem:s15+$0x4E40];
	v16 =	vadd.f32 v16, v15;
	v15 =	vpop (erf)  }
0x21a: {  	v26 =	vadd.f32 v14, v11;
	v11 =	vld [tilespmem:s15+$0x4E50];
	[tilespmem:s21+$0x9E00] =	vst v10;
	v9 =	vmul.f32 v15, v9;
	v25 =	vpop (erf)  }
0x21b: {  	v18 =	vadd.f32 v12, v18;
	v12 =	vld [tilespmem:s15+$0x4E60];
	v14 =	vpop (erf);
	[tilespmem:s21+$0x9E50] =	vst v15;
	v8 =	vmul.f32 v25, v8  }
0x21c: {  	v10 =	vld [tilespmem:s15+$0x6200];
	v19 =	vadd.f32 v17, v21;
	v17 =	vadd.f32 $1.000000000e+00, v14;
	[tilespmem:s21+$0x9E10] =	vst v9;
	v27 =	vpop (erf)  }
0x21d: {  	v28 =	vsub.f32 $0.0e+00, v26;
	v9 =	vld [tilespmem:s15+$0x6210];
	v14 =	vadd.f32 v20, v13;
	[tilespmem:s21+$0x9E20] =	vst v8;
	v13 =	vmul.f32 v27, v7;
	v20 =	vpop (erf)  }
0x21e: {  	v29 =	vsub.f32 $0.0e+00, v18;
	v8 =	vld [tilespmem:s15+$0x6220];
	v15 =	vadd.f32 v23, v24;
	(erf) = vrcp.f32 v17;
	[tilespmem:s21+$0x9E60] =	vst v25;
	v21 =	vpop (erf)  }
0x21f: {  	v23 =	vmul.f32 $1.442695020e+00, v28;
	v24 =	vsub.f32 $0.0e+00, v19;
	v7 =	vld [tilespmem:s15+$0x6230];
	v17 =	vadd.f32 v11, v22;
	[tilespmem:s21+$0x9E30] =	vst v13;
	v22 =	vpop (erf)  }
.Ltmp2:
0x220: {  	v30 =	vmul.f32 $1.442695020e+00, v29;
	v13 =	vsub.f32 $0.0e+00, v14;
	v11 =	vld [tilespmem:s15+$0x6240];
	v16 =	vadd.f32 v12, v16;
	[tilespmem:s21+$0x9E70] =	vst v27;
	(pc) =	sbr.rel @p2 .LBB2_7-.Ltmp2, $4  }
0x221: {  	v25 =	vmul.f32 $1.442695020e+00, v24;
	v24 =	vsub.f32 $0.0e+00, v15;
	v29 =	vsub.f32 $0.0e+00, v17;
	v12 =	vld [tilespmem:s15+$0x6250];
	[tilespmem:s21+$0xB240] =	vst v20  }
0x222: {  	v27 =	vmul.f32 $1.442695020e+00, v13;
	v31 =	vsub.f32 $0.0e+00, v16;
	v13 =	vld [tilespmem:s15+$0x6260];
	(erf) = vpow2.f32 v23;
	[tilespmem:s21+$0xB250] =	vst v21  }
0x223: {  	s17 =	sshra.s32 s13, $0x2;
	v28 =	vmul.f32 $1.442695020e+00, v24;
	v24 =	vmul.f32 $1.442695020e+00, v29;
	v29 =	vld [tilespmem:s15+$0x6270];
	[tilespmem:s21+$0xB260] =	vst v22  }
0x224: {  	s13 =	sadd.s32 $0x200, s13;
	v23 =	vld [tilespmem:s17+$0x7670];
	[tilespmem:s15+$0x8A00] =	vst v26;
	v26 =	vmul.f32 $1.442695020e+00, v31;
	(erf) = vpow2.f32 v30  }
0x225: {  	v5 =	vmul.f32 v21, v5  }
0x226: {  	v30 =	vld [tilespmem:s17+$0x3A70];
	[tilespmem:s15+$0x8A10] =	vst v18;
	v6 =	vmul.f32 v20, v6  }
0x227: {  	v18 =	vld [tilespmem:s17+$0x7600];
	[tilespmem:s15+$0x8A20] =	vst v19  }
0x228: {  	v4 =	vmul.f32 v22, v4;
	v19 =	vld [tilespmem:s17+$0x4E70];
	[tilespmem:s21+$0xB200] =	vst v6  }
0x229: {  	v6 =	vld [tilespmem:s17+$0x3A00];
	[tilespmem:s21+$0xB210] =	vst v5;
	v5 =	vpop (erf);
	(erf) = vpow2.f32 v25  }
0x22a: {  	v40 =	vld [tilespmem:s17+$0x7610];
	[tilespmem:s21+$0xB220] =	vst v4;
	v4 =	vmul.f32 v5, v29;
	_ =	sdelay $0x1  }
0x22b: {  	v41 =	vld [tilespmem:s17+$0x3A10];
	[tilespmem:s15+$0xB230] =	vst v4  }
0x22c: {  	(erf) = vpow2.f32 v27;
	v4 =	vld [tilespmem:s17+$0x7620];
	[tilespmem:s15+$0xB270] =	vst v5  }
0x22d: {  	v42 =	vadd.f32 v30, v23;
	v5 =	vld [tilespmem:s17+$0x3A20];
	[tilespmem:s15+$0x8A30] =	vst v14  }
0x22e: {  	(erf) = vpow2.f32 v28;
	v43 =	vpop (erf);
	v14 =	vld [tilespmem:s17+$0x7630];
	[tilespmem:s15+$0x8A40] =	vst v15  }
0x22f: {  	(erf) = vpow2.f32 v24;
	v44 =	vadd.f32 $1.000000000e+00, v43;
	v19 =	vadd.f32 v19, v42;
	v15 =	vld [tilespmem:s17+$0x3A30];
	[tilespmem:s15+$0x8A50] =	vst v17  }
0x230: {  	(erf) = vpow2.f32 v26;
	v46 =	vpop (erf);
	v45 =	vld [tilespmem:s17+$0x7640];
	[tilespmem:s15+$0x8A60] =	vst v16  }
0x231: {  	(erf) = vrcp.f32 v44;
	v17 =	vadd.f32 $1.000000000e+00, v46;
	[tilespmem:s17+$0x8A70] =	vst v19;
	v19 =	vsub.f32 $0.0e+00, v19;
	v25 =	vpop (erf)  }
0x232: {  	v25 =	vadd.f32 $1.000000000e+00, v25  }
0x233: {  	v16 =	vld [tilespmem:s17+$0x3A40];
	(erf) = vrcp.f32 v17;
	v19 =	vmul.f32 $1.442695020e+00, v19  }
0x234: {  	v47 =	vld [tilespmem:s17+$0x7650];
	(erf) = vrcp.f32 v25  }
0x235: {  	v48 =	vld [tilespmem:s17+$0x3A50];
	v27 =	vpop (erf);
	(erf) = vpow2.f32 v19  }
0x236: {  	v51 =	vld [tilespmem:s17+$0x4E00]  }
0x237: {  	v6 =	vadd.f32 v6, v18;
	v53 =	vld [tilespmem:s17+$0x4E10];
	v28 =	vpop (erf)  }
0x238: {  	v20 =	vadd.f32 v41, v40;
	v31 =	vld [tilespmem:s17+$0x4E20];
	v4 =	vadd.f32 v5, v4;
	v52 =	vpop (erf)  }
0x239: {  	v49 =	vld [tilespmem:s17+$0x7660];
	v27 =	vadd.f32 $1.000000000e+00, v27;
	v54 =	vpop (erf);
	v5 =	vadd.f32 $1.000000000e+00, v52  }
0x23a: {  	v33 =	vld [tilespmem:s17+$0x4E30];
	v57 =	vadd.f32 $1.000000000e+00, v28;
	v60 =	vadd.f32 v15, v14;
	v32 =	vpop (erf)  }
0x23b: {  	v50 =	vld [tilespmem:s17+$0x3A60];
	(erf) = vrcp.f32 v27;
	v6 =	vadd.f32 v51, v6;
	[tilespmem:s15+$0x9E40] =	vst v32;
	v10 =	vmul.f32 v32, v10  }
0x23c: {  	v61 =	vadd.f32 $1.000000000e+00, v54;
	v63 =	vadd.f32 v53, v20;
	v55 =	vld [tilespmem:s17+$0x4E40];
	v58 =	vpop (erf);
	(erf) = vrcp.f32 v57  }
0x23d: {  	v4 =	vadd.f32 v31, v4;
	v56 =	vld [tilespmem:s17+$0x4E50];
	[tilespmem:s15+$0x9E00] =	vst v10;
	v9 =	vmul.f32 v58, v9;
	(erf) = vrcp.f32 v5;
	v5 =	vpop (erf)  }
0x23e: {  	v32 =	vsub.f32 $0.0e+00, v6;
	v37 =	vsub.f32 $0.0e+00, v63;
	v59 =	vld [tilespmem:s17+$0x4E60];
	[tilespmem:s15+$0x9E50] =	vst v58;
	v30 =	vpop (erf);
	v8 =	vmul.f32 v5, v8  }
0x23f: {  	v10 =	vadd.f32 v33, v60;
	v62 =	vld [tilespmem:s17+$0x6200];
	[tilespmem:s15+$0x9E10] =	vst v9;
	v34 =	vadd.f32 $1.000000000e+00, v30  }
0x240: {  	v39 =	vsub.f32 $0.0e+00, v4;
	(erf) = vrcp.f32 v61;
	v9 =	vmul.f32 $1.442695020e+00, v32;
	v35 =	vld [tilespmem:s17+$0x6210];
	[tilespmem:s15+$0x9E20] =	vst v8  }
0x241: {  	v42 =	vsub.f32 $0.0e+00, v10;
	v38 =	vld [tilespmem:s17+$0x6220];
	(erf) = vrcp.f32 v34;
	[tilespmem:s15+$0x9E60] =	vst v5;
	v5 =	vmul.f32 $1.442695020e+00, v37  }
0x242: {  	v40 =	vadd.f32 v16, v45;
	v14 =	vmul.f32 $1.442695020e+00, v39;
	(erf) = vpow2.f32 v9  }
0x243: {  	v43 =	vmul.f32 $1.442695020e+00, v42;
	(erf) = vpow2.f32 v5  }
0x244: {  	v36 =	vpop (erf);
	v5 =	vadd.f32 v55, v40;
	(erf) = vpow2.f32 v14  }
0x245: {  	v22 =	vadd.f32 v48, v47;
	v7 =	vmul.f32 v36, v7;
	v45 =	vpop (erf);
	(erf) = vpow2.f32 v43  }
0x246: {  	v17 =	vadd.f32 v50, v49;
	v46 =	vsub.f32 $0.0e+00, v5  }
0x247: {  	v44 =	vadd.f32 v56, v22;
	v41 =	vld [tilespmem:s17+$0x6230];
	[tilespmem:s15+$0x9E30] =	vst v7  }
0x248: {  	v17 =	vadd.f32 v59, v17;
	v7 =	vld [tilespmem:s17+$0x6240];
	[tilespmem:s15+$0x9E70] =	vst v36;
	v47 =	vpop (erf);
	v18 =	vmul.f32 $1.442695020e+00, v46  }
0x249: {  	v22 =	vsub.f32 $0.0e+00, v44;
	v21 =	vld [tilespmem:s17+$0x6250];
	[tilespmem:s15+$0xB240] =	vst v45;
	v48 =	vpop (erf)  }
0x24a: {  	v49 =	vsub.f32 $0.0e+00, v17;
	v50 =	vld [tilespmem:s17+$0x6260];
	[tilespmem:s15+$0xB250] =	vst v47;
	(erf) = vpow2.f32 v18;
	v51 =	vpop (erf)  }
0x24b: {  	v22 =	vmul.f32 $1.442695020e+00, v22;
	v52 =	vld [tilespmem:s17+$0x6270];
	[tilespmem:s15+$0xB260] =	vst v48;
	v53 =	vpop (erf)  }
0x24c: {  	v24 =	vmul.f32 $1.442695020e+00, v49;
	[tilespmem:s17+$0x8A00] =	vst v6;
	v54 =	vpop (erf)  }
0x24d: {  	[tilespmem:s17+$0x8A20] =	vst v4;
	v4 =	vmul.f32 v47, v12;
	(erf) = vpow2.f32 v22;
	v18 =	vadd.f32 $1.000000000e+00, v53;
	v55 =	vpop (erf)  }
0x24e: {  	[tilespmem:s17+$0x8A10] =	vst v63;
	(erf) = vpow2.f32 v24;
	v58 =	vpop (erf)  }
0x24f: {  	[tilespmem:s15+$0xB210] =	vst v4;
	v6 =	vadd.f32 $1.000000000e+00, v54;
	(erf) = vrcp.f32 v18;
	v4 =	vadd.f32 $1.000000000e+00, v58  }
0x250: {  	v56 =	vadd.f32 $1.000000000e+00, v55  }
0x251: {  	(erf) = vrcp.f32 v6  }
0x252: {  	(erf) = vrcp.f32 v56  }
0x253: {  	v11 =	vmul.f32 v45, v11;
	(erf) = vrcp.f32 v4;
	v4 =	vpop (erf)  }
0x254: {  	v57 =	vmul.f32 v48, v13;
	v4 =	vadd.f32 $1.000000000e+00, v4  }
0x255: {  	[tilespmem:s15+$0xB200] =	vst v11  }
0x256: {  	[tilespmem:s15+$0xB220] =	vst v57;
	v60 =	vpop (erf)  }
0x257: {  	[tilespmem:s17+$0x8A40] =	vst v5;
	v5 =	vadd.f32 $1.000000000e+00, v60;
	v61 =	vpop (erf)  }
0x258: {  	[tilespmem:s17+$0x8A30] =	vst v10;
	(erf) = vrcp.f32 v4;
	v4 =	vpop (erf)  }
0x259: {  	[tilespmem:s17+$0x8A50] =	vst v44;
	(erf) = vrcp.f32 v5;
	v5 =	vmul.f32 v4, v62  }
0x25a: {  	[tilespmem:s17+$0x9E40] =	vst v4;
	v4 =	vpop (erf)  }
0x25b: {  	v6 =	vadd.f32 $1.000000000e+00, v61;
	[tilespmem:s17+$0x9E00] =	vst v5;
	v5 =	vmul.f32 v4, v35  }
0x25c: {  	[tilespmem:s17+$0x8A60] =	vst v17  }
0x25d: {  	[tilespmem:s17+$0xB270] =	vst v51;
	(erf) = vrcp.f32 v6;
	v62 =	vpop (erf)  }
0x25e: {  	[tilespmem:s17+$0x9E50] =	vst v4;
	v4 =	vmul.f32 v62, v38  }
0x25f: {  	v59 =	vmul.f32 v51, v52;
	[tilespmem:s17+$0x9E10] =	vst v5;
	v5 =	vpop (erf)  }
0x260: {  	[tilespmem:s17+$0x9E20] =	vst v4;
	v4 =	vmul.f32 v5, v41  }
0x261: {  	[tilespmem:s17+$0xB230] =	vst v59  }
0x262: {  	[tilespmem:s17+$0x9E60] =	vst v62  }
0x263: {  	[tilespmem:s17+$0x9E70] =	vst v5  }
0x264: {  	[tilespmem:s17+$0x9E30] =	vst v4;
	v4 =	vpop (erf)  }
0x265: {  	v5 =	vpop (erf);
	[tilespmem:s17+$0xB240] =	vst v4  }
0x266: {  	v4 =	vmul.f32 v4, v7;
	v63 =	vpop (erf);
	[tilespmem:s17+$0xB250] =	vst v5  }
0x267: {  	s13 =	sshll.u32 s26, $0x8;
	s21 =	rddreg [dreg:$0x6];
	v5 =	vmul.f32 v5, v21;
	[tilespmem:s17+$0xB260] =	vst v63  }
0x268: {  	s13 =	sor.u32 s21, s13;
	[tilespmem:s17+$0xB200] =	vst v4;
	v4 =	vmul.f32 v63, v50  }
0x269: {  	s26 =	rddreg [dreg:$0x1];
	s21 =	simm.s32 $0x800;
	s13 =	sshrl.u32 s13, $0x3;
	[tilespmem:s17+$0xB210] =	vst v5  }
0x26a: {  	s13 =	sadd.s32 s26, s13;
	s26 =	simm.s32 $0x8A00;
	[tilespmem:s17+$0xB220] =	vst v4;
	s17 =	simm.s32 $0x400  }
0x26b: {  	[hbm4b:s13+s17] =	stream.strided.scatter [tilespmem:s26], [sflag:$0x5], $0x1400, s21, s17, $0x38;
	[tilespmem:$0x1FE80] =	vst v63  }
0x26c: {  	s17 =	sadd.s32 s10, s16;
	s21 =	simm.s32 $0xB200  }
0x26d: {  	[hbm4b:s17+s3] =	stream.linear.scatter [tilespmem:s21], [sflag:$0x5], $0x1400, $0x38;
	[tilespmem:$0x1FE80] =	vst v63  }
0x26e: {  	v4 =	vld @!p1 [tilespmem:s7+$0x50];
	_ =	sdelay $0x4  }
0x26f: {  	v4 =	vadd.s32 @!p1 v2, v4  }
0x270: {  	[tilespmem:$0x1100] =	vst @!p1 v4  }
0x271: {  	v4 =	vld @!p1 [tilespmem:s7+$0x60];
	_ =	sdelay $0x4  }
0x272: {  	v4 =	vadd.s32 @!p1 v2, v4  }
0x273: {  	[tilespmem:$0x1110] =	vst @!p1 v4  }
0x274: {  	v4 =	vld @!p1 [tilespmem:s7+$0x68];
	_ =	sdelay $0x4  }
0x275: {  	v4 =	vadd.s32 @!p1 v2, v4  }
0x276: {  	s15 =	simm.s32 @!p1 $0x6200;
	s13 =	simm.s32 @!p1 $0x1100;
	s7 =	simm.s32 @!p1 $0x28;
	[tilespmem:$0x1118] =	vst @!p1 v4  }
0x277: {  	[tilespmem:s15], [sflag:$0x3] =	stream.indirect.gather @!p1 [hbm4b:s5+s7], $0x80, s13, s7, $0xb8;
	[tilespmem:$0x1FE80] =	vst v63  }
0x278: {  	s7 =	rddreg [dreg:$0x12]  }
0x279: {  	s7 =	sadd.s32 @!p1 s14, s7  }
0x27a: {  	s7 =	sshll.u32 @!p1 s7, $0x7  }
0x27b: {  	s7 =	sadd.s32 @!p1 s11, s7  }
0x27c: {  	s7 =	sshrl.u32 @!p1 s7, $0x3  }
0x27d: {  	s13 =	simm.s32 @!p1 $0x0;
	s14 =	simm.s32 @!p1 $0x7600;
	s7 =	sadd.s32 @!p1 s31, s7  }
0x27e: {  	[tilespmem:s14], [sflag:$0x4] =	stream.linear.gather @!p1 [hbm4b:s7+s13], $0x1400, $0x38;
	[tilespmem:$0x1FE80] =	vst v63  }
0x27f: {  	v4 =	vld [tilespmem:s24+$0x800];
	_ =	sdelay $0x4  }
0x280: {  	[tilespmem:$0x1180] =	vst v4  }
0x281: {  	v4 =	vld [tilespmem:s4+$0x800];
	_ =	sdelay $0x4  }
0x282: {  	[tilespmem:$0x1190] =	vst v4  }
0x283: {  	v4 =	vld [tilespmem:s25+$0x800];
	_ =	sdelay $0x4  }
0x284: {  	s26 =	simm.s32 $0x1180;
	s25 =	simm.s32 $0x9E00;
	[tilespmem:$0x1198] =	vst v4  }
0x285: {  	[spmem:s2] =	stream.indirect.scatter.add.f32 [tilespmem:s25], [sflag:$0x6], $0x80, s26, s6, $0xb8;
	[tilespmem:$0x1FE80] =	vst v63  }
0x286: {  	_ =	swait.ge [sflag:s22], $0x1400  }
0x287: {  	[sflag:s22] =	ssyncset.done $0x0  }
0x288: {  	s1 =	sadd.s32 $0x1, s1;
	[sflag:s22] =	ssyncadd.s32 $0xFFFFEC00  }
0x289: {  	p1 =	sne.s32 s1, $0x7D;
	_ =	swait.ge [sflag:s12], $0x1400  }
.Ltmp3:
0x28a: {  	[sflag:s12] =	ssyncset.done $0x0;
	(pc) =	sbr.rel @p1 .LBB2_4-.Ltmp3, $4  }
0x28b: {  	[sflag:s12] =	ssyncadd.s32 $0xFFFFEC00  }
0x28c: {  	_ =	swait.ge [sflag:s12], $0x1400  }
0x28d: {  	[sflag:s12] =	ssyncset.done $0x0  }
0x28e: {  	s6 =	smov.u32 s31;
	[sflag:s12] =	ssyncadd.s32 $0xFFFFEC00  }
0x28f: {  	[bflag:$0x0] =	sbarrier.arrive $0xFFFF  }
0x290: {  	s1 =	rddreg [dreg:$0x13]  }
0x291: {  	s4 =	rddreg [dreg:$0x9];
	s31 =	sshrl.u32 @p0 s1, $0x3;
	s1 =	simm.s32 @p0 $0x1FC6  }
0x292: {  	[hbm:s4], [sflag:s1] =	dma.local @p0 [spmem:s31], $0x1900  }
0x293: {  	s1 =	simm.s32 @p0 $0x6  }
0x294: {  	s4 =	stileid.u32;
	_ =	swait.ge @p0 [sflag:s1], $0x1900  }
0x295: {  	s4 =	sshll.u32 @!p0 s4, $0x6;
	[sflag:s1] =	ssyncset.done @p0 $0x0  }
0x296: {  	s4 =	sor.u32 @!p0 $0x1C06, s4;
	[sflag:s1] =	ssyncadd.s32 @p0 $0xFFFFE700;
	s1 =	rddreg [dreg:$0x8]  }
0x297: {  	[smem:$0x7F9] =	sst s4  }
0x298: {  	s7 =	sshrl.u32 @!p0 s1, $0x3;
	s1 =	rddreg [dreg:$0x7]  }
0x299: {  	[smem:$0x7FA] =	sst s7  }
0x29a: {  	[hbm:s1], [sflag:s4] =	dma.local @!p0 [spmem:s7], $0x2800  }
0x29b: {  	s1 =	simm.s32 @!p0 $0x6  }
0x29c: {  	_ =	swait.ge @!p0 [sflag:s1], $0x2800  }
0x29d: {  	[sflag:s1] =	ssyncset.done @!p0 $0x0  }
0x29e: {  	[sflag:s1] =	ssyncadd.s32 @!p0 $0xFFFFD800  }
0x29f: {  	s13 =	simm.s32 $0x0;
	s14 =	simm.s32 $0x200;
	[bflag:$0x0] =	sbarrier.arrive $0xFFFF  }
.LBB2_10:
0x2a0: {  	p1 =	sne.s32 s14, $0x4E00;
	[tilespmem:s13+$0x9E70] =	vst v3  }
0x2a1: {  	[tilespmem:s13+$0x9E00] =	vst v3  }
0x2a2: {  	[tilespmem:s13+$0x9E10] =	vst v3  }
.Ltmp4:
0x2a3: {  	[tilespmem:s13+$0x9E20] =	vst v3;
	(pc) =	sbr.rel @p1 .LBB2_10-.Ltmp4, $4  }
0x2a4: {  	[tilespmem:s13+$0x9E30] =	vst v3  }
0x2a5: {  	[tilespmem:s13+$0x9E40] =	vst v3  }
0x2a6: {  	[tilespmem:s13+$0x9E50] =	vst v3  }
0x2a7: {  	[tilespmem:s13+$0x9E60] =	vst v3;
	s13 =	sshra.s32 s14, $0x2;
	s14 =	sadd.s32 $0x200, s14  }
0x2a8: {  	[tilespmem:s13+$0x9E70] =	vst v3  }
0x2a9: {  	[tilespmem:s13+$0x9E00] =	vst v3  }
0x2aa: {  	[tilespmem:s13+$0x9E10] =	vst v3  }
0x2ab: {  	[tilespmem:s13+$0x9E20] =	vst v3  }
0x2ac: {  	[tilespmem:s13+$0x9E30] =	vst v3  }
0x2ad: {  	[tilespmem:s13+$0x9E40] =	vst v3  }
0x2ae: {  	[tilespmem:s13+$0x9E50] =	vst v3  }
0x2af: {  	[tilespmem:s13+$0x9E60] =	vst v3;
	s1 =	rddreg [dreg:$0x5];
	s7 =	simm.s32 $0x9E00  }
0x2b0: {  	[spmem:s1] =	stream.linear.scatter [tilespmem:s7], [sflag:$0x6], $0x1400, $0x38;
	[tilespmem:$0x1FE80] =	vst v63  }
0x2b1: {  	_ =	swait.ge [sflag:s22], $0x1400  }
0x2b2: {  	[sflag:s22] =	ssyncset.done $0x0  }
0x2b3: {  	s21 =	rddreg [dreg:$0x14];
	[sflag:s22] =	ssyncadd.s32 $0xFFFFEC00  }
0x2b4: {  	[spmem:s21] =	stream.linear.scatter [tilespmem:s7], [sflag:$0x6], $0x1400, $0x38;
	[tilespmem:$0x1FE80] =	vst v63  }
0x2b5: {  	_ =	swait.ge [sflag:s22], $0x1400  }
0x2b6: {  	[sflag:s22] =	ssyncset.done $0x0  }
0x2b7: {  	s24 =	rddreg [dreg:$0x15];
	[sflag:s22] =	ssyncadd.s32 $0xFFFFEC00  }
0x2b8: {  	[spmem:s24] =	stream.linear.scatter [tilespmem:s7], [sflag:$0x6], $0x1400, $0x38;
	[tilespmem:$0x1FE80] =	vst v63  }
0x2b9: {  	_ =	swait.ge [sflag:s22], $0x1400  }
0x2ba: {  	[sflag:s22] =	ssyncset.done $0x0  }
0x2bb: {  	s25 =	rddreg [dreg:$0x16];
	[sflag:s22] =	ssyncadd.s32 $0xFFFFEC00  }
0x2bc: {  	[spmem:s25] =	stream.linear.scatter [tilespmem:s7], [sflag:$0x6], $0x1400, $0x38;
	[tilespmem:$0x1FE80] =	vst v63  }
0x2bd: {  	_ =	swait.ge [sflag:s22], $0x1400  }
0x2be: {  	[sflag:s22] =	ssyncset.done $0x0  }
0x2bf: {  	s26 =	rddreg [dreg:$0x17];
	[sflag:s22] =	ssyncadd.s32 $0xFFFFEC00  }
0x2c0: {  	[spmem:s26] =	stream.linear.scatter [tilespmem:s7], [sflag:$0x6], $0x1400, $0x38;
	[tilespmem:$0x1FE80] =	vst v63  }
0x2c1: {  	_ =	swait.ge [sflag:s22], $0x1400  }
0x2c2: {  	[sflag:s22] =	ssyncset.done $0x0  }
0x2c3: {  	s4 =	rddreg [dreg:$0x18];
	[sflag:s22] =	ssyncadd.s32 $0xFFFFEC00  }
0x2c4: {  	[spmem:s4] =	stream.linear.scatter [tilespmem:s7], [sflag:$0x6], $0x1400, $0x38;
	[tilespmem:$0x1FE80] =	vst v63  }
0x2c5: {  	_ =	swait.ge [sflag:s22], $0x1400  }
0x2c6: {  	[sflag:s22] =	ssyncset.done $0x0  }
0x2c7: {  	s13 =	rddreg [dreg:$0x19];
	[sflag:s22] =	ssyncadd.s32 $0xFFFFEC00  }
0x2c8: {  	[spmem:s13] =	stream.linear.scatter [tilespmem:s7], [sflag:$0x6], $0x1400, $0x38;
	[tilespmem:$0x1FE80] =	vst v63  }
0x2c9: {  	_ =	swait.ge [sflag:s22], $0x1400  }
0x2ca: {  	[sflag:s22] =	ssyncset.done $0x0  }
0x2cb: {  	s14 =	rddreg [dreg:$0x1a];
	[sflag:s22] =	ssyncadd.s32 $0xFFFFEC00  }
0x2cc: {  	[spmem:s14] =	stream.linear.scatter [tilespmem:s7], [sflag:$0x6], $0x1400, $0x38;
	[tilespmem:$0x1FE80] =	vst v63  }
0x2cd: {  	_ =	swait.ge [sflag:s22], $0x1400  }
0x2ce: {  	[sflag:s22] =	ssyncset.done $0x0  }
0x2cf: {  	s15 =	rddreg [dreg:$0x1b];
	[sflag:s22] =	ssyncadd.s32 $0xFFFFEC00  }
0x2d0: {  	[spmem:s15] =	stream.linear.scatter [tilespmem:s7], [sflag:$0x6], $0x1400, $0x38;
	[tilespmem:$0x1FE80] =	vst v63  }
0x2d1: {  	_ =	swait.ge [sflag:s22], $0x1400  }
0x2d2: {  	[sflag:s22] =	ssyncset.done $0x0  }
0x2d3: {  	s16 =	rddreg [dreg:$0x1c];
	[sflag:s22] =	ssyncadd.s32 $0xFFFFEC00  }
0x2d4: {  	[spmem:s16] =	stream.linear.scatter [tilespmem:s7], [sflag:$0x6], $0x1400, $0x38;
	[tilespmem:$0x1FE80] =	vst v63  }
0x2d5: {  	_ =	swait.ge [sflag:s22], $0x1400  }
0x2d6: {  	[sflag:s22] =	ssyncset.done $0x0  }
0x2d7: {  	s17 =	rddreg [dreg:$0x1d];
	[sflag:s22] =	ssyncadd.s32 $0xFFFFEC00  }
0x2d8: {  	[spmem:s17] =	stream.linear.scatter [tilespmem:s7], [sflag:$0x6], $0x1400, $0x38;
	[tilespmem:$0x1FE80] =	vst v63  }
0x2d9: {  	_ =	swait.ge [sflag:s22], $0x1400  }
0x2da: {  	[sflag:s22] =	ssyncset.done $0x0  }
0x2db: {  	s21 =	rddreg [dreg:$0x1e];
	[sflag:s22] =	ssyncadd.s32 $0xFFFFEC00  }
0x2dc: {  	[spmem:s21] =	stream.linear.scatter [tilespmem:s7], [sflag:$0x6], $0x1400, $0x38;
	[tilespmem:$0x1FE80] =	vst v63  }
0x2dd: {  	_ =	swait.ge [sflag:s22], $0x1400  }
0x2de: {  	[sflag:s22] =	ssyncset.done $0x0  }
0x2df: {  	s1 =	simm.s32 $0x0;
	s24 =	rddreg [dreg:$0x1f];
	[sflag:s22] =	ssyncadd.s32 $0xFFFFEC00  }
0x2e0: {  	[spmem:s24] =	stream.linear.scatter [tilespmem:s7], [sflag:$0x6], $0x1400, $0x38;
	[tilespmem:$0x1FE80] =	vst v63  }
0x2e1: {  	s4 =	sand.u32 $0xFE, s1;
	_ =	swait.ge [sflag:s22], $0x1400  }
0x2e2: {  	s13 =	smul.u32 $0x29, s4;
	s25 =	sld [smem:$0x7FC]  }
0x2e3: {  	[sflag:s22] =	ssyncset.done $0x0  }
0x2e4: {  	s13 =	sshrl.u32 s13, $0xA;
	[sflag:s22] =	ssyncadd.s32 $0xFFFFEC00  }
0x2e5: {  	[spmem:s25] =	stream.linear.scatter [tilespmem:s7], [sflag:$0x6], $0x1400, $0x38;
	[tilespmem:$0x1FE80] =	vst v63  }
0x2e6: {  	s13 =	smul.u32 $0x19, s13;
	_ =	swait.ge [sflag:s22], $0x1400  }
0x2e7: {  	s26 =	sld [smem:$0x7FD]  }
0x2e8: {  	s13 =	ssub.s32 $0x0, s13;
	[sflag:s22] =	ssyncset.done $0x0  }
0x2e9: {  	s13 =	sand.u32 $0xFF, s13;
	[sflag:s22] =	ssyncadd.s32 $0xFFFFEC00  }
0x2ea: {  	[spmem:s26] =	stream.linear.scatter [tilespmem:s7], [sflag:$0x6], $0x1400, $0x38;
	[tilespmem:$0x1FE80] =	vst v63  }
0x2eb: {  	p1 =	sne.s32 s13, $0x0;
	_ =	swait.ge [sflag:s22], $0x1400  }
0x2ec: {  	s14 =	sand.u32 @!p1 $0xFF, s1;
	[sflag:s22] =	ssyncset.done $0x0  }
0x2ed: {  	s14 =	smul.u32 @!p1 $0x29, s14;
	s4 =	rddreg [dreg:$0x10];
	[sflag:s22] =	ssyncadd.s32 $0xFFFFEC00  }
0x2ee: {  	[spmem:s4] =	stream.linear.scatter [tilespmem:s7], [sflag:$0x6], $0xC80, $0x38;
	[tilespmem:$0x1FE80] =	vst v63  }
0x2ef: {  	s14 =	sshrl.u32 @!p1 s14, $0xA;
	_ =	swait.ge [sflag:s22], $0xC80  }
0x2f0: {  	s14 =	smul.u32 @!p1 $0x7D0, s14;
	[sflag:s22] =	ssyncset.done $0x0  }
0x2f1: {  	[sflag:s22] =	ssyncadd.s32 $0xFFFFF380  }
0x2f2: {  	s15 =	simm.s32 $0x0;
	s14 =	sadd.s32 @!p1 s8, s14;
	[bflag:$0x0] =	sbarrier.arrive $0xFFFF  }
0x2f3: {  	s16 =	simm.s32 @!p1 $0x800;
	s14 =	sshrl.u32 @!p1 s14, $0x3;
	s7 =	rddreg [dreg:$0xa]  }
0x2f4: {  	[tilespmem:s19], [sflag:$0x1] =	stream.linear.gather [hbm4b:s7+s15], $0x2800, $0x38;
	[tilespmem:$0x1FE80] =	vst v63  }
0x2f5: {  	s14 =	sadd.s32 @!p1 s9, s14;
	s17 =	simm.s32 @!p1 $0x6;
	s15 =	simm.s32 @!p1 $0x0  }
0x2f6: {  	[tilespmem:s16], [sflag:$0x6] =	stream.linear.gather @!p1 [hbm4b:s14+s15], $0x7D0, $0x38;
	[tilespmem:$0x1FE80] =	vst v63  }
0x2f7: {  	_ =	swait.ge @!p1 [sflag:s17], $0x7D0  }
0x2f8: {  	[sflag:s17] =	ssyncset.done @!p1 $0x0  }
0x2f9: {  	[sflag:s17] =	ssyncadd.s32 @!p1 $0xFFFFF830  }
0x2fa: {  	s13 =	smul.u32 $0x140, s13;
	_ =	swait.ge [sflag:s30], $0x2800  }
0x2fb: {  	[sflag:s30] =	ssyncset.done $0x0  }
0x2fc: {  	s13 =	sshrl.u32 s13, $0x2;
	s7 =	rddreg [dreg:$0xf];
	[sflag:s30] =	ssyncadd.s32 $0xFFFFD800  }
0x2fd: {  	[tilespmem:s29], [sflag:$0x2] =	stream.linear.gather [hbm4b:s7+s3], $0x2800, $0x38;
	[tilespmem:$0x1FE80] =	vst v63  }
0x2fe: {  	v4 =	vld [tilespmem:s13+$0x800];
	_ =	sdelay $0x4  }
0x2ff: {  	[tilespmem:$0x1000] =	vst v4  }
0x300: {  	v4 =	vld [tilespmem:s13+$0x810];
	_ =	sdelay $0x4  }
0x301: {  	[tilespmem:$0x1010] =	vst v4  }
0x302: {  	v4 =	vld [tilespmem:s13+$0x820];
	_ =	sdelay $0x2  }
0x303: {  	s1 =	sor.u32 $0x1, s1  }
0x304: {  	s16 =	sand.u32 $0xFF, s1  }
0x305: {  	s14 =	smul.u32 $0x29, s16;
	[tilespmem:$0x1020] =	vst v4  }
0x306: {  	v4 =	vld [tilespmem:s13+$0x830]  }
0x307: {  	s14 =	sshrl.u32 s14, $0xA  }
0x308: {  	s14 =	smul.u32 $0x19, s14;
	_ =	sdelay $0x1  }
0x309: {  	s14 =	ssub.s32 s1, s14  }
0x30a: {  	s14 =	sand.u32 $0xFF, s14;
	[tilespmem:$0x1030] =	vst v4  }
0x30b: {  	p1 =	sne.s32 s14, $0x0;
	v4 =	vld [tilespmem:s13+$0x840]  }
0x30c: {  	s1 =	sand.u32 @!p1 $0xFF, s1  }
0x30d: {  	s1 =	smul.u32 @!p1 $0x29, s1;
	_ =	sdelay $0x1  }
0x30e: {  	s1 =	sshrl.u32 @!p1 s1, $0xA  }
0x30f: {  	s1 =	smul.u32 @!p1 $0x7D0, s1;
	[tilespmem:$0x1040] =	vst v4  }
0x310: {  	[spmem:s2] =	stream.indirect.scatter.add.f32 [tilespmem:s19], [sflag:$0x6], $0x80, s20, s23, $0xb8;
	[tilespmem:$0x1FE80] =	vst v63  }
0x311: {  	s15 =	simm.s32 @!p1 $0x800;
	s1 =	sadd.s32 @!p1 s8, s1;
	_ =	swait.ge [sflag:s22], $0x2800  }
0x312: {  	s16 =	simm.s32 @!p1 $0x0;
	s1 =	sshrl.u32 @!p1 s1, $0x3;
	[sflag:s22] =	ssyncset.done $0x0  }
0x313: {  	s1 =	sadd.s32 @!p1 s9, s1;
	s13 =	simm.s32 @!p1 $0x6;
	[sflag:s22] =	ssyncadd.s32 $0xFFFFD800  }
0x314: {  	[tilespmem:s15], [sflag:$0x6] =	stream.linear.gather @!p1 [hbm4b:s1+s16], $0x7D0, $0x38;
	[tilespmem:$0x1FE80] =	vst v63  }
0x315: {  	_ =	swait.ge @!p1 [sflag:s13], $0x7D0  }
0x316: {  	[sflag:s13] =	ssyncset.done @!p1 $0x0  }
0x317: {  	[sflag:s13] =	ssyncadd.s32 @!p1 $0xFFFFF830  }
0x318: {  	_ =	swait.ge [sflag:s18], $0x2800  }
0x319: {  	s17 =	smul.u32 $0x140, s14;
	s4 =	rddreg [dreg:$0xe]  }
0x31a: {  	[sflag:s18] =	ssyncset.done $0x0;
	s21 =	sshrl.u32 s4, $0x3  }
0x31b: {  	s1 =	sshrl.u32 s17, $0x2;
	[sflag:s18] =	ssyncadd.s32 $0xFFFFD800;
	s13 =	sadd.s32 s10, s21  }
0x31c: {  	[tilespmem:s19], [sflag:$0x1] =	stream.linear.gather [hbm4b:s13+s3], $0x2800, $0x38;
	[tilespmem:$0x1FE80] =	vst v63  }
0x31d: {  	v4 =	vld [tilespmem:s1+$0x800];
	_ =	sdelay $0x4  }
0x31e: {  	[tilespmem:$0x1080] =	vst v4  }
0x31f: {  	v4 =	vld [tilespmem:s1+$0x810];
	_ =	sdelay $0x4  }
0x320: {  	[tilespmem:$0x1090] =	vst v4  }
0x321: {  	v4 =	vld [tilespmem:s1+$0x820];
	_ =	sdelay $0x2  }
0x322: {  	s13 =	simm.s32 $0x2  }
0x323: {  	s24 =	sand.u32 $0xFE, s13  }
0x324: {  	s14 =	smul.u32 $0x29, s24;
	[tilespmem:$0x10A0] =	vst v4  }
0x325: {  	v4 =	vld [tilespmem:s1+$0x830]  }
0x326: {  	s14 =	sshrl.u32 s14, $0xA  }
0x327: {  	s17 =	sor.u32 $0x1, s13;
	s14 =	smul.u32 $0x19, s14  }
0x328: {  	s25 =	sand.u32 $0xFF, s17  }
0x329: {  	s15 =	smul.u32 $0x29, s25;
	s14 =	ssub.s32 $0x2, s14  }
0x32a: {  	s14 =	sand.u32 $0xFF, s14;
	[tilespmem:$0x10B0] =	vst v4  }
0x32b: {  	s15 =	sshrl.u32 s15, $0xA;
	p2 =	sne.s32 s14, $0x0;
	v4 =	vld [tilespmem:s1+$0x840]  }
0x32c: {  	s15 =	smul.u32 $0x19, s15;
	s1 =	sand.u32 @!p2 $0xFF, s13  }
0x32d: {  	s1 =	smul.u32 @!p2 $0x29, s1  }
0x32e: {  	s16 =	simm.s32 $0x2;
	s26 =	ssub.s32 s17, s15;
	s15 =	sadd.s32 $0xA00, s7  }
0x32f: {  	s25 =	smul.u32 $0x140, s14;
	s21 =	sand.u32 $0xFF, s26;
	s1 =	sshrl.u32 @!p2 s1, $0xA  }
0x330: {  	s14 =	sadd.s32 $0x5000, s4;
	s24 =	simm.s32 @!p2 $0x0;
	s1 =	smul.u32 @!p2 $0x7D0, s1;
	[tilespmem:$0x10C0] =	vst v4  }
0x331: {  	[spmem:s2] =	stream.indirect.scatter.add.f32 [tilespmem:s29], [sflag:$0x6], $0x80, s28, s23, $0xb8;
	[tilespmem:$0x1FE80] =	vst v63  }
0x332: {  	s26 =	simm.s32 @!p2 $0x800;
	s1 =	sadd.s32 @!p2 s8, s1;
	_ =	swait.ge [sflag:s22], $0x2800  }
0x333: {  	s13 =	smul.u32 $0x140, s21;
	s1 =	sshrl.u32 @!p2 s1, $0x3;
	[sflag:s22] =	ssyncset.done $0x0  }
.LBB2_12:
0x334: {  	s1 =	sadd.s32 @!p2 s9, s1;
	s4 =	simm.s32 @!p2 $0x6;
	[sflag:s22] =	ssyncadd.s32 $0xFFFFD800  }
0x335: {  	[tilespmem:s26], [sflag:$0x6] =	stream.linear.gather @!p2 [hbm4b:s1+s24], $0x7D0, $0x38;
	[tilespmem:$0x1FE80] =	vst v63  }
0x336: {  	s24 =	smov.u32 s16;
	s16 =	sadd.s32 $0x1, s16;
	_ =	swait.ge @!p2 [sflag:s4], $0x7D0  }
0x337: {  	p1 =	sne.s32 s16, $0x3E;
	[sflag:s4] =	ssyncset.done @!p2 $0x0  }
0x338: {  	[sflag:s4] =	ssyncadd.s32 @!p2 $0xFFFFF830  }
0x339: {  	_ =	swait.ge [sflag:s30], $0x2800  }
0x33a: {  	[sflag:s30] =	ssyncset.done $0x0  }
0x33b: {  	s1 =	sshrl.u32 s25, $0x2;
	[sflag:s30] =	ssyncadd.s32 $0xFFFFD800  }
0x33c: {  	[tilespmem:s29], [sflag:$0x2] =	stream.linear.gather [hbm4b:s15+s3], $0x2800, $0x38;
	[tilespmem:$0x1FE80] =	vst v63  }
0x33d: {  	v4 =	vld [tilespmem:s1+$0x800];
	_ =	sdelay $0x4  }
0x33e: {  	[tilespmem:$0x1000] =	vst v4  }
0x33f: {  	v4 =	vld [tilespmem:s1+$0x810];
	_ =	sdelay $0x4  }
0x340: {  	[tilespmem:$0x1010] =	vst v4  }
0x341: {  	v4 =	vld [tilespmem:s1+$0x820];
	_ =	sdelay $0x4  }
0x342: {  	[tilespmem:$0x1020] =	vst v4  }
0x343: {  	v4 =	vld [tilespmem:s1+$0x830];
	_ =	sdelay $0x4  }
0x344: {  	[tilespmem:$0x1030] =	vst v4  }
0x345: {  	p2 =	sne.s32 s21, $0x0;
	v4 =	vld [tilespmem:s1+$0x840]  }
0x346: {  	s1 =	sand.u32 @!p2 $0xFF, s17  }
0x347: {  	s1 =	smul.u32 @!p2 $0x29, s1;
	_ =	sdelay $0x1  }
0x348: {  	s1 =	sshrl.u32 @!p2 s1, $0xA  }
0x349: {  	s1 =	smul.u32 @!p2 $0x7D0, s1;
	[tilespmem:$0x1040] =	vst v4  }
0x34a: {  	[spmem:s2] =	stream.indirect.scatter.add.f32 [tilespmem:s19], [sflag:$0x6], $0x80, s20, s23, $0xb8;
	[tilespmem:$0x1FE80] =	vst v63  }
0x34b: {  	s4 =	simm.s32 @!p2 $0x6;
	s1 =	sadd.s32 @!p2 s8, s1;
	_ =	swait.ge [sflag:s22], $0x2800  }
0x34c: {  	s17 =	simm.s32 @!p2 $0x800;
	s1 =	sshrl.u32 @!p2 s1, $0x3;
	[sflag:s22] =	ssyncset.done $0x0  }
0x34d: {  	s21 =	simm.s32 @!p2 $0x0;
	s1 =	sadd.s32 @!p2 s9, s1;
	[sflag:s22] =	ssyncadd.s32 $0xFFFFD800  }
0x34e: {  	[tilespmem:s17], [sflag:$0x6] =	stream.linear.gather @!p2 [hbm4b:s1+s21], $0x7D0, $0x38;
	[tilespmem:$0x1FE80] =	vst v63  }
0x34f: {  	_ =	swait.ge @!p2 [sflag:s4], $0x7D0  }
0x350: {  	[sflag:s4] =	ssyncset.done @!p2 $0x0  }
0x351: {  	[sflag:s4] =	ssyncadd.s32 @!p2 $0xFFFFF830  }
0x352: {  	_ =	swait.ge [sflag:s18], $0x2800  }
0x353: {  	s1 =	sshrl.u32 s14, $0x3;
	[sflag:s18] =	ssyncset.done $0x0  }
0x354: {  	s1 =	sadd.s32 s10, s1;
	s4 =	sshrl.u32 s13, $0x2;
	[sflag:s18] =	ssyncadd.s32 $0xFFFFD800  }
0x355: {  	[tilespmem:s19], [sflag:$0x1] =	stream.linear.gather [hbm4b:s1+s3], $0x2800, $0x38;
	[tilespmem:$0x1FE80] =	vst v63  }
0x356: {  	v4 =	vld [tilespmem:s4+$0x800];
	_ =	sdelay $0x4  }
0x357: {  	[tilespmem:$0x1080] =	vst v4  }
0x358: {  	v4 =	vld [tilespmem:s4+$0x810];
	_ =	sdelay $0x4  }
0x359: {  	[tilespmem:$0x1090] =	vst v4  }
0x35a: {  	v4 =	vld [tilespmem:s4+$0x820];
	_ =	sdelay $0x2  }
0x35b: {  	s1 =	sshll.u32 s24, $0x1  }
0x35c: {  	s13 =	sand.u32 $0xFE, s1;
	s17 =	sor.u32 $0x1, s1  }
0x35d: {  	s13 =	smul.u32 $0x29, s13;
	s21 =	sand.u32 $0xFF, s17;
	[tilespmem:$0x10A0] =	vst v4  }
0x35e: {  	s21 =	smul.u32 $0x29, s21;
	v4 =	vld [tilespmem:s4+$0x830]  }
0x35f: {  	s13 =	sshrl.u32 s13, $0xA  }
0x360: {  	s13 =	smul.u32 $0x19, s13;
	s21 =	sshrl.u32 s21, $0xA  }
0x361: {  	s21 =	smul.u32 $0x19, s21  }
0x362: {  	s13 =	ssub.s32 s1, s13  }
0x363: {  	s13 =	sand.u32 $0xFF, s13;
	s21 =	ssub.s32 s17, s21;
	[tilespmem:$0x10B0] =	vst v4  }
0x364: {  	p2 =	sne.s32 s13, $0x0;
	s25 =	smul.u32 $0x140, s13;
	s21 =	sand.u32 $0xFF, s21;
	v4 =	vld [tilespmem:s4+$0x840]  }
0x365: {  	s1 =	sand.u32 @!p2 $0xFF, s1;
	s24 =	simm.s32 @!p2 $0x0;
	s26 =	simm.s32 @!p2 $0x800  }
0x366: {  	s1 =	smul.u32 @!p2 $0x29, s1  }
0x367: {  	s13 =	smul.u32 $0x140, s21  }
.Ltmp5:
0x368: {  	s1 =	sshrl.u32 @!p2 s1, $0xA;
	(pc) =	sbr.rel @p1 .LBB2_12-.Ltmp5, $4  }
0x369: {  	s1 =	smul.u32 @!p2 $0x7D0, s1;
	[tilespmem:$0x10C0] =	vst v4  }
0x36a: {  	[spmem:s2] =	stream.indirect.scatter.add.f32 [tilespmem:s29], [sflag:$0x6], $0x80, s28, s23, $0xb8;
	[tilespmem:$0x1FE80] =	vst v63  }
0x36b: {  	s15 =	sadd.s32 $0xA00, s15;
	s1 =	sadd.s32 @!p2 s8, s1;
	_ =	swait.ge [sflag:s22], $0x2800  }
0x36c: {  	s14 =	sadd.s32 $0x5000, s14;
	s1 =	sshrl.u32 @!p2 s1, $0x3;
	[sflag:s22] =	ssyncset.done $0x0  }
0x36d: {  	s1 =	sadd.s32 @!p2 s9, s1;
	[sflag:s22] =	ssyncadd.s32 $0xFFFFD800  }
0x36e: {  	[tilespmem:s26], [sflag:$0x6] =	stream.linear.gather @!p2 [hbm4b:s1+s24], $0x7D0, $0x38;
	[tilespmem:$0x1FE80] =	vst v63  }
0x36f: {  	s1 =	simm.s32 @!p2 $0x6  }
0x370: {  	_ =	swait.ge @!p2 [sflag:s1], $0x7D0  }
0x371: {  	[sflag:s1] =	ssyncset.done @!p2 $0x0  }
0x372: {  	[sflag:s1] =	ssyncadd.s32 @!p2 $0xFFFFF830  }
0x373: {  	_ =	swait.ge [sflag:s30], $0x2800  }
0x374: {  	[sflag:s30] =	ssyncset.done $0x0  }
0x375: {  	s16 =	sshrl.u32 s25, $0x2;
	[sflag:s30] =	ssyncadd.s32 $0xFFFFD800  }
0x376: {  	[tilespmem:s29], [sflag:$0x2] =	stream.linear.gather [hbm4b:s15+s3], $0x2800, $0x38;
	[tilespmem:$0x1FE80] =	vst v63  }
0x377: {  	v4 =	vld [tilespmem:s16+$0x800];
	_ =	sdelay $0x4  }
0x378: {  	[tilespmem:$0x1000] =	vst v4  }
0x379: {  	v4 =	vld [tilespmem:s16+$0x810];
	_ =	sdelay $0x4  }
0x37a: {  	[tilespmem:$0x1010] =	vst v4  }
0x37b: {  	v4 =	vld [tilespmem:s16+$0x820];
	_ =	sdelay $0x4  }
0x37c: {  	[tilespmem:$0x1020] =	vst v4  }
0x37d: {  	v4 =	vld [tilespmem:s16+$0x830];
	_ =	sdelay $0x4  }
0x37e: {  	[tilespmem:$0x1030] =	vst v4  }
0x37f: {  	p1 =	sne.s32 s21, $0x0;
	v4 =	vld [tilespmem:s16+$0x840]  }
0x380: {  	s1 =	sand.u32 @!p1 $0xFF, s17  }
0x381: {  	s1 =	smul.u32 @!p1 $0x29, s1;
	_ =	sdelay $0x1  }
0x382: {  	s1 =	sshrl.u32 @!p1 s1, $0xA  }
0x383: {  	s1 =	smul.u32 @!p1 $0x7D0, s1;
	[tilespmem:$0x1040] =	vst v4  }
0x384: {  	[spmem:s2] =	stream.indirect.scatter.add.f32 [tilespmem:s19], [sflag:$0x6], $0x80, s20, s23, $0xb8;
	[tilespmem:$0x1FE80] =	vst v63  }
0x385: {  	s1 =	sadd.s32 @!p1 s8, s1;
	_ =	swait.ge [sflag:s22], $0x2800  }
0x386: {  	s4 =	simm.s32 @!p1 $0x800;
	s1 =	sshrl.u32 @!p1 s1, $0x3;
	[sflag:s22] =	ssyncset.done $0x0  }
0x387: {  	s15 =	simm.s32 @!p1 $0x0;
	s1 =	sadd.s32 @!p1 s9, s1;
	[sflag:s22] =	ssyncadd.s32 $0xFFFFD800  }
0x388: {  	[tilespmem:s4], [sflag:$0x6] =	stream.linear.gather @!p1 [hbm4b:s1+s15], $0x7D0, $0x38;
	[tilespmem:$0x1FE80] =	vst v63  }
0x389: {  	s1 =	simm.s32 @!p1 $0x6  }
0x38a: {  	_ =	swait.ge @!p1 [sflag:s1], $0x7D0  }
0x38b: {  	[sflag:s1] =	ssyncset.done @!p1 $0x0  }
0x38c: {  	[sflag:s1] =	ssyncadd.s32 @!p1 $0xFFFFF830  }
0x38d: {  	_ =	swait.ge [sflag:s18], $0x2800  }
0x38e: {  	s24 =	sshrl.u32 s14, $0x3;
	[sflag:s18] =	ssyncset.done $0x0  }
0x38f: {  	s25 =	sshrl.u32 s13, $0x2;
	s1 =	sadd.s32 s10, s24;
	[sflag:s18] =	ssyncadd.s32 $0xFFFFD800  }
0x390: {  	[tilespmem:s19], [sflag:$0x1] =	stream.linear.gather [hbm4b:s1+s3], $0x2800, $0x38;
	[tilespmem:$0x1FE80] =	vst v63  }
0x391: {  	v4 =	vld [tilespmem:s25+$0x800];
	_ =	sdelay $0x4  }
0x392: {  	[tilespmem:$0x1080] =	vst v4  }
0x393: {  	v4 =	vld [tilespmem:s25+$0x810];
	_ =	sdelay $0x4  }
0x394: {  	[tilespmem:$0x1090] =	vst v4  }
0x395: {  	v4 =	vld [tilespmem:s25+$0x820];
	_ =	sdelay $0x4  }
0x396: {  	[tilespmem:$0x10A0] =	vst v4  }
0x397: {  	v4 =	vld [tilespmem:s25+$0x830];
	_ =	sdelay $0x4  }
0x398: {  	[tilespmem:$0x10B0] =	vst v4  }
0x399: {  	v4 =	vld [tilespmem:s25+$0x840];
	_ =	sdelay $0x4  }
0x39a: {  	[tilespmem:$0x10C0] =	vst v4  }
0x39b: {  	[spmem:s2] =	stream.indirect.scatter.add.f32 [tilespmem:s29], [sflag:$0x6], $0x80, s28, s23, $0xb8;
	[tilespmem:$0x1FE80] =	vst v63  }
0x39c: {  	_ =	swait.ge [sflag:s22], $0x2800  }
0x39d: {  	[sflag:s22] =	ssyncset.done $0x0  }
0x39e: {  	[sflag:s22] =	ssyncadd.s32 $0xFFFFD800  }
0x39f: {  	_ =	swait.ge [sflag:s30], $0x2800  }
0x3a0: {  	[sflag:s30] =	ssyncset.done $0x0  }
0x3a1: {  	[sflag:s30] =	ssyncadd.s32 $0xFFFFD800  }
0x3a2: {  	v4 =	vld [tilespmem:$0xF80]  }
0x3a3: {  	v5 =	vld [tilespmem:$0xF90]  }
0x3a4: {  	v6 =	vld [tilespmem:$0xFA0]  }
0x3a5: {  	v7 =	vld [tilespmem:$0xFB0]  }
0x3a6: {  	v8 =	vld [tilespmem:$0xFC0]  }
0x3a7: {  	[tilespmem:$0x1000] =	vst v4  }
0x3a8: {  	[tilespmem:$0x1010] =	vst v5  }
0x3a9: {  	[tilespmem:$0x1020] =	vst v6  }
0x3aa: {  	[tilespmem:$0x1030] =	vst v7  }
0x3ab: {  	[tilespmem:$0x1040] =	vst v8  }
0x3ac: {  	[spmem:s2] =	stream.indirect.scatter.add.f32 [tilespmem:s19], [sflag:$0x6], $0x80, s20, s23, $0xb8;
	[tilespmem:$0x1FE80] =	vst v63  }
0x3ad: {  	_ =	swait.ge [sflag:s22], $0x2800  }
0x3ae: {  	[sflag:s22] =	ssyncset.done $0x0  }
0x3af: {  	[sflag:s22] =	ssyncadd.s32 $0xFFFFD800  }
0x3b0: {  	[bflag:$0x0] =	sbarrier.arrive $0xFFFF  }
0x3b1: {  	s1 =	simm.s32 @p0 $0x1FC6;
	s4 =	rddreg [dreg:$0xc]  }
0x3b2: {  	[hbm:s4], [sflag:s1] =	dma.local @p0 [spmem:s31], $0x1900  }
0x3b3: {  	s1 =	simm.s32 @p0 $0x6  }
0x3b4: {  	_ =	swait.ge @p0 [sflag:s1], $0x1900  }
0x3b5: {  	s4 =	sld [smem:$0x7F9]  }
0x3b6: {  	s7 =	sld [smem:$0x7FA]  }
0x3b7: {  	[sflag:s1] =	ssyncset.done @p0 $0x0  }
0x3b8: {  	[sflag:s1] =	ssyncadd.s32 @p0 $0xFFFFE700;
	s1 =	rddreg [dreg:$0xb]  }
0x3b9: {  	[hbm:s1], [sflag:s4] =	dma.local @!p0 [spmem:s7], $0x2800  }
0x3ba: {  	s1 =	simm.s32 @!p0 $0x6  }
0x3bb: {  	_ =	swait.ge @!p0 [sflag:s1], $0x2800  }
0x3bc: {  	s26 =	sld [smem:$0x7FB];
	_ =	sdelay $0x2  }
0x3bd: {  	s31 =	rddreg [dreg:$0xd];
	s4 =	sadd.s32 $0x1, s26  }
0x3be: {  	p1 =	sne.s32 s4, s31  }
.Ltmp6:
0x3bf: {  	_ = 	snop;
	(pc) =	sbr.rel @p1 .LBB2_1-.Ltmp6, $3  }
0x3c0: {  	[sflag:s1] =	ssyncset.done @!p0 $0x0  }
0x3c1: {  	[sflag:s1] =	ssyncadd.s32 @!p0 $0xFFFFD800  }
0x3c2: {  	[bflag:$0x0] =	sbarrier.arrive $0xFFFF;
	_ =	sdelay $0x1  }
0x3c3: {  	_ =	sfence.sel $0x180000  }
0x3c4: {  	[bflag:$0x0] =	sbarrier.arrive $0xFFFF  }
0x3c5: {  	_ =	strace $0x90000047  }
0x3c6: {  	s0 =	stileid.u32;
	[bflag:$0x2] =	sbarrier.arrive $0xFFFF  }
0x3c7: {  	p0 =	sne.s32 s0, $0x0;
	s0 =	rddreg [dreg:$0x3]  }
0x3c8: {  	s0 =	sadd.s32 @!p0 $0x100000, s0  }
0x3c9: {  	[sflag:s0] =	ssyncadd.tile.s32 @!p0 $0x1;
	_ =	shalt  }
.Lfunc_end2:
_tile_overlayer_lowered:
.L_overlay_start_2:
0x3ca: {  	(tag) =	ssettag $0x2  }
0x3cb: {  	s0 =	rddreg [dreg:$0x0];
	s2 =	stileid.u32  }
0x3cc: {  	s1 =	rddreg [dreg:$0x1];
	p0 =	sne.s32 s2, $0x0  }
0x3cd: {  	s3 =	rddreg [dreg:$0x2];
	[bflag:$0x3] =	sbarrier.arrive $0xFFFF;
	s2 =	simm.s32 @!p0 $0x1C06  }
0x3ce: {  	[timem:s3], [sflag:s2] =	dma.local @!p0 [hbm:s0], s1  }
0x3cf: {  	s0 =	simm.s32 @!p0 $0x6  }
0x3d0: {  	_ =	swait.ge @!p0 [sflag:s0], s1  }
0x3d1: {  	s1 =	ssub.s32 @!p0 $0x0, s1;
	[sflag:s0] =	ssyncset.done @!p0 $0x0  }
0x3d2: {  	[sflag:s0] =	ssyncadd.s32 @!p0 s1  }
0x3d3: {  	[bflag:$0x3] =	sbarrier.arrive $0xFFFF  }
0x3d4: {  	_ =	shalt  }

</sc_bundles>
